<compile_context>
chip_gen: v7x
topology: tpu7x:2x2x1
jax: 0.10.2.dev20260603
libtpu: 0.0.44.dev20260713+nightly
codegen_flags: <defaults>
</compile_context>

<pallas_src>
import functools

import jax
import jax.numpy as jnp
from jax import lax
from jax.experimental import pallas as pl
from jax.experimental.pallas import tpu as pltpu
from jax.experimental.pallas import tpu_sc as plsc

F = 128
C = 128
NSUB = 16
NCORE = 2
NW = NSUB * NCORE
RB = 128
TCB = 512


def _tc1_body(h_ref, w1a_ref, w2a_ref, b2_ref, z_ref, p_ref):
    hb = h_ref[...]
    dn = (((1,), (1,)), ((), ()))
    z_ref[...] = lax.dot_general(hb, w1a_ref[...], dn,
                                 preferred_element_type=jnp.float32)
    p_ref[...] = lax.dot_general(hb, w2a_ref[...], dn,
                                 preferred_element_type=jnp.float32) + b2_ref[...]


def _tc2_body(p_ref, hn_ref, cnt_ref, w2b_ref, o_ref):
    c = cnt_ref[0] + cnt_ref[1]
    s = 1.0 / jnp.maximum(c, 1.0)
    row = lax.broadcasted_iota(jnp.int32, (TCB, TCB), 0)
    col = lax.broadcasted_iota(jnp.int32, (TCB, TCB), 1)
    dmat = jnp.where(row == col, s[None, :], 0.0)
    a = hn_ref[0] + hn_ref[1]
    t = lax.dot_general(a, w2b_ref[...], (((1,), (1,)), ((), ())),
                        preferred_element_type=jnp.float32)
    scaled = lax.dot_general(dmat, t, (((1,), (0,)), ((), ())),
                             preferred_element_type=jnp.float32)
    o_ref[...] = jnp.maximum(p_ref[...] + scaled, 0.0)


def _sc_body(npad, ept, z_hbm, src2d_hbm, dst2d_hbm, ew_hbm, w1b_hbm,
             out_hbm, cnt_hbm,
             sidx_ring, didx_ring, zrows_a, zrows_b, ew_a, ew_b, w1b_v,
             cntbuf, ones_v, acc_sp, cnt_sp,
             gsem_a, gsem_b, ssem_a, ssem_b,
             isem_0, isem_1, isem_2, isem_3):
    rows_per_tile = npad // NSUB
    chunks = ept // C
    cid = lax.axis_index("c")
    sid = lax.axis_index("s")
    wid = cid * NSUB + sid
    row0 = sid * rows_per_tile
    zr = (zrows_a, zrows_b)
    ewb = (ew_a, ew_b)
    gsem = (gsem_a, gsem_b)
    ssem = (ssem_a, ssem_b)
    isem = (isem_0, isem_1, isem_2, isem_3)

    pltpu.sync_copy(w1b_hbm, w1b_v)

    zeros16 = jnp.zeros((16,), jnp.float32)
    ones16 = jnp.ones((16,), jnp.float32)
    for i in range(C // 16):
        ones_v[pl.ds(16 * i, 16)] = ones16

    def zb(r, _):
        for f in range(F // 16):
            zrows_a[r, pl.ds(16 * f, 16)] = zeros16
        return 0
    lax.fori_loop(0, RB, zb, 0)

    def zc(i, _):
        cntbuf[pl.ds(16 * i, 16)] = zeros16
        return 0
    lax.fori_loop(0, RB // 16, zc, 0)

    def zs(k, _):
        pltpu.sync_copy(zrows_a, acc_sp.at[pl.ds(row0 + RB * k, RB)])
        pltpu.sync_copy(cntbuf, cnt_sp.at[pl.ds(row0 + RB * k, RB)])
        return 0
    lax.fori_loop(0, rows_per_tile // RB, zs, 0)
    plsc.subcore_barrier()

    def ew_copy(g, b):
        return pltpu.make_async_copy(
            ew_hbm.at[pl.ds((wid * ept + g * C) * 3, 3 * C)],
            ewb[b].at[pl.ds(0, 3 * C)], gsem[b])

    def sidx_copy(g, s):
        return pltpu.make_async_copy(src2d_hbm.at[wid * chunks + g],
                                     sidx_ring.at[s], isem[s])

    def didx_copy(g, s):
        return pltpu.make_async_copy(dst2d_hbm.at[wid * chunks + g],
                                     didx_ring.at[s], isem[s])

    def gather_copy(g, b, s):
        return pltpu.make_async_copy(z_hbm.at[sidx_ring.at[s]], zr[b], gsem[b])

    def scatter_copy(g, b, s):
        return pltpu.make_async_copy(zr[b], acc_sp.at[didx_ring.at[s]],
                                     ssem[b])

    def count_copy(g, b, s):
        return pltpu.make_async_copy(ones_v, cnt_sp.at[didx_ring.at[s]],
                                     ssem[b])

    sidx_copy(0, 0).start()
    didx_copy(0, 0).start()
    sidx_copy(1, 1).start()
    didx_copy(1, 1).start()
    sidx_copy(0, 0).wait()
    didx_copy(0, 0).wait()
    ew_copy(0, 0).start()
    gather_copy(0, 0, 0).start()

    bv = [[w1b_v[pl.ds(F * j + 16 * f, 16)] for f in range(F // 16)]
          for j in range(3)]

    def compute_span(b, lo, hi):
        def eb(e, _):
            wv = ewb[b][pl.ds(3 * e, 16)]
            wv0 = wv[0]
            wv1 = wv[1]
            wv2 = wv[2]
            for f in range(F // 16):
                sl = pl.ds(16 * f, 16)
                x = zr[b][e, sl] + wv0 * bv[0][f] + wv1 * bv[1][f] + wv2 * bv[2][f]
                zr[b][e, sl] = jnp.maximum(x, 0.01 * x)
            return 0
        lax.fori_loop(lo, hi, eb, 0)

    def chunk_step(g, j):
        b = j % 2
        bo = 1 - b
        s1 = (j + 1) % 4
        s2 = (j + 2) % 4
        sp = (j + 3) % 4
        ew_copy(g, b).wait()
        gather_copy(g, b, j).wait()
        compute_span(b, 0, C // 2)

        def drain_prev():
            scatter_copy(g - 1, bo, sp).wait()
            count_copy(g - 1, bo, sp).wait()
        if j == 0:
            pl.when(g >= 1)(drain_prev)
        else:
            drain_prev()

        def prime_next():
            sidx_copy(g + 1, s1).wait()
            didx_copy(g + 1, s1).wait()
            ew_copy(g + 1, bo).start()
            gather_copy(g + 1, bo, s1).start()
        if j == 3:
            pl.when(g + 1 < chunks)(prime_next)
        else:
            prime_next()

        def fetch_idx():
            sidx_copy(g + 2, s2).start()
            didx_copy(g + 2, s2).start()
        if j >= 2:
            pl.when(g + 2 < chunks)(fetch_idx)
        else:
            fetch_idx()
        compute_span(b, C // 2, C)
        scatter_copy(g, b, j).start(add=True)
        count_copy(g, b, j).start(add=True)

    def mb(p, _):
        for j in range(4):
            chunk_step(4 * p + j, j)
        return 0
    lax.fori_loop(0, chunks // 4, mb, 0)
    scatter_copy(chunks - 1, 1, 3).wait()
    count_copy(chunks - 1, 1, 3).wait()
    plsc.subcore_barrier()

    def ob(k, _):
        r0 = row0 + RB * k
        pltpu.sync_copy(acc_sp.at[pl.ds(r0, RB)], zrows_a)
        pltpu.sync_copy(zrows_a, out_hbm.at[cid, pl.ds(r0, RB)])
        pltpu.sync_copy(cnt_sp.at[pl.ds(r0, RB)], cntbuf)
        pltpu.sync_copy(cntbuf, cnt_hbm.at[cid, pl.ds(r0, RB)])
        return 0
    lax.fori_loop(0, rows_per_tile // RB, ob, 0)


def kernel(h, edge_index, edge_w, W1, W2, b2):
    n = h.shape[0]
    e = edge_index.shape[1]
    npad = ((n + TCB - 1) // TCB) * TCB
    ept = ((e + NW * 8 * C - 1) // (NW * 8 * C)) * (8 * C)
    etot = ept * NW

    src = edge_index[0].astype(jnp.int32)
    dst = edge_index[1].astype(jnp.int32)
    src_p = jnp.concatenate([src, jnp.zeros((etot - e,), jnp.int32)]
                            ).reshape(-1, C)
    dst_p = jnp.concatenate([dst, jnp.full((etot - e,), n, jnp.int32)]
                            ).reshape(-1, C)
    ew_p = jnp.concatenate([edge_w, jnp.zeros((etot - e, 3), jnp.float32)]
                           ).reshape(-1)
    h_p = jnp.pad(h, ((0, npad - n), (0, 0)))
    W1a = W1[:, :F]
    w1bT = jnp.transpose(W1[:, F:]).reshape(-1)
    W2a = W2[:, :F]
    W2b = W2[:, F:]
    b2r = b2.reshape(1, F)

    grid = (npad // TCB,)
    Z, P = pl.pallas_call(
        _tc1_body,
        grid=grid,
        in_specs=[
            pl.BlockSpec((TCB, F), lambda i: (i, 0)),
            pl.BlockSpec((F, F), lambda i: (0, 0)),
            pl.BlockSpec((F, F), lambda i: (0, 0)),
            pl.BlockSpec((1, F), lambda i: (0, 0)),
        ],
        out_specs=[pl.BlockSpec((TCB, F), lambda i: (i, 0)),
                   pl.BlockSpec((TCB, F), lambda i: (i, 0))],
        out_shape=[jax.ShapeDtypeStruct((npad, F), jnp.float32),
                   jax.ShapeDtypeStruct((npad, F), jnp.float32)],
    )(h_p, W1a, W2a, b2r)

    mesh = plsc.VectorSubcoreMesh(core_axis_name="c", subcore_axis_name="s")
    hn, cnt = pl.kernel(
        functools.partial(_sc_body, npad, ept),
        out_type=[jax.ShapeDtypeStruct((NCORE, npad, F), jnp.float32),
                  jax.ShapeDtypeStruct((NCORE, npad), jnp.float32)],
        mesh=mesh,
        scratch_types=[
            pltpu.VMEM((4, C), jnp.int32),
            pltpu.VMEM((4, C), jnp.int32),
            pltpu.VMEM((C, F), jnp.float32),
            pltpu.VMEM((C, F), jnp.float32),
            pltpu.VMEM((3 * C + 16,), jnp.float32),
            pltpu.VMEM((3 * C + 16,), jnp.float32),
            pltpu.VMEM((3 * F,), jnp.float32),
            pltpu.VMEM((RB,), jnp.float32),
            pltpu.VMEM((C,), jnp.float32),
            pltpu.VMEM_SHARED((npad, F), jnp.float32),
            pltpu.VMEM_SHARED((npad,), jnp.float32),
        ] + [pltpu.SemaphoreType.DMA] * 8,
    )(Z, src_p, dst_p, ew_p, w1bT)

    out = pl.pallas_call(
        _tc2_body,
        grid=grid,
        in_specs=[
            pl.BlockSpec((TCB, F), lambda i: (i, 0)),
            pl.BlockSpec((NCORE, TCB, F), lambda i: (0, i, 0)),
            pl.BlockSpec((NCORE, TCB), lambda i: (0, i)),
            pl.BlockSpec((F, F), lambda i: (0, 0)),
        ],
        out_specs=pl.BlockSpec((TCB, F), lambda i: (i, 0)),
        out_shape=jax.ShapeDtypeStruct((npad, F), jnp.float32),
    )(P, hn, cnt, W2b)
    return out[:n]

# --- scband reference (transcript-rebuilt; emitter-appended) ---
"""Pipeline reference for scband-qconv-17660905521297 (READ-ONLY COPY).

The authoritative reference and input builder live on the scoring server;
editing this copy changes nothing except your own understanding.
"""

import jax, jax.numpy as jnp
import numpy as np

N = 10000
E = 320000
IN_FEAT = 128
INTER_DIM = 128
OUT_FEAT = 128


def setup_inputs(seed: int = 0) -> dict:
    key = jax.random.key(seed)
    k1, k2, k3, k4, k5, k6 = jax.random.split(key, 6)
    h = jax.random.normal(k1, (N, IN_FEAT), dtype=jnp.float32)
    edge_index = jax.random.randint(k2, (2, E), 0, N, dtype=jnp.int64)
    edge_w = jax.random.normal(k3, (E, 3), dtype=jnp.float32)
    # xavier_normal with gain=calculate_gain('relu')=sqrt(2)
    gain = np.sqrt(2.0)
    std1 = gain * np.sqrt(2.0 / (INTER_DIM + IN_FEAT + 3))
    W1 = jax.random.normal(k4, (INTER_DIM, IN_FEAT + 3), dtype=jnp.float32) * std1
    std2 = gain * np.sqrt(2.0 / (OUT_FEAT + IN_FEAT + INTER_DIM))
    W2 = jax.random.normal(k5, (OUT_FEAT, IN_FEAT + INTER_DIM), dtype=jnp.float32) * std2
    # nn.Linear default bias init: uniform(-1/sqrt(fan_in), 1/sqrt(fan_in))
    bound2 = 1.0 / np.sqrt(IN_FEAT + INTER_DIM)
    b2 = jax.random.uniform(k6, (OUT_FEAT,), dtype=jnp.float32, minval=-bound2, maxval=bound2)
    return {"h": h, "edge_index": edge_index, "edge_w": edge_w, "W1": W1, "W2": W2, "b2": b2}


def reference(h, edge_index, edge_w, W1, W2, b2):
    num_nodes = h.shape[0]
    num_edges = edge_index.shape[1]
    src = edge_index[0]
    dst = edge_index[1]
    # message_func: m = cat([h[src], w], dim=1)  -> [E, in_feat+3]
    m = jnp.concatenate([jnp.take(h, src, axis=0), edge_w], axis=1)
    # reduce_func: linear1 -> leaky_relu -> mean over incoming edges
    tmp = jax.nn.leaky_relu(m @ W1.T, negative_slope=0.01)
    sums = jax.ops.segment_sum(tmp, dst, num_segments=num_nodes)
    cnt = jax.ops.segment_sum(jnp.ones((num_edges,), dtype=jnp.float32), dst, num_segments=num_nodes)
    h_N = sums / jnp.maximum(cnt, 1.0)[:, None]
    # node update: cat -> linear2 -> relu
    h_total = jnp.concatenate([h, h_N], axis=1)
    h_linear = h_total @ W2.T + b2
    return jax.nn.relu(h_linear)

if __name__ == "__main__":
    import jax
    _d = setup_inputs()
    print(jax.jit(kernel)(*tuple(_d.values())))

</pallas_src>

<mosaic_0001>
#map = affine_map<(d0, d1) -> (0, 0)>
#map1 = affine_map<(d0, d1) -> (0)>
#map2 = affine_map<(d0, d1) -> (0, 0, 0)>
module attributes {stable_mosaic.version = 14 : i64} {
  func.func @_sc_body(%arg0: i32, %arg1: i32, %arg2: memref<10240x128xf32, #tpu.memory_space<hbm>>, %arg3: memref<2560x128xi32, #tpu.memory_space<hbm>>, %arg4: memref<2560x128xi32, #tpu.memory_space<hbm>>, %arg5: memref<983040xf32, #tpu.memory_space<hbm>>, %arg6: memref<384xf32, #tpu.memory_space<hbm>>, %arg7: memref<2x10240x128xf32, #tpu.memory_space<hbm>>, %arg8: memref<2x10240xf32, #tpu.memory_space<hbm>>, %arg9: memref<4x128xi32, #tpu.memory_space<vmem>>, %arg10: memref<4x128xi32, #tpu.memory_space<vmem>>, %arg11: memref<128x128xf32, #tpu.memory_space<vmem>>, %arg12: memref<128x128xf32, #tpu.memory_space<vmem>>, %arg13: memref<400xf32, #tpu.memory_space<vmem>>, %arg14: memref<400xf32, #tpu.memory_space<vmem>>, %arg15: memref<384xf32, #tpu.memory_space<vmem>>, %arg16: memref<128xf32, #tpu.memory_space<vmem>>, %arg17: memref<128xf32, #tpu.memory_space<vmem>>, %arg18: memref<10240x128xf32, #tpu.memory_space<vmem_shared>>, %arg19: memref<10240xf32, #tpu.memory_space<vmem_shared>>, %arg20: memref<!tpu.dma_semaphore, #tpu.memory_space<semaphore_mem>>, %arg21: memref<!tpu.dma_semaphore, #tpu.memory_space<semaphore_mem>>, %arg22: memref<!tpu.dma_semaphore, #tpu.memory_space<semaphore_mem>>, %arg23: memref<!tpu.dma_semaphore, #tpu.memory_space<semaphore_mem>>, %arg24: memref<!tpu.dma_semaphore, #tpu.memory_space<semaphore_mem>>, %arg25: memref<!tpu.dma_semaphore, #tpu.memory_space<semaphore_mem>>, %arg26: memref<!tpu.dma_semaphore, #tpu.memory_space<semaphore_mem>>, %arg27: memref<!tpu.dma_semaphore, #tpu.memory_space<semaphore_mem>>) attributes {dimension_semantics = [#tpu.dimension_semantics<core_parallel>, #tpu.dimension_semantics<subcore_parallel>], iteration_bounds = array<i64: 2, 16>, scalar_prefetch = 0 : i64, scratch_operands = 19 : i64, tpu.core_type = #tpu.core_type<sc_vector_subcore>, window_params = [{transform_indices = #map}, {transform_indices = #map}, {transform_indices = #map}, {transform_indices = #map1}, {transform_indices = #map1}, {transform_indices = #map2}, {transform_indices = #map}]} {
    %mul3A = arith.constant 16 : i32
    %mul3A_0 = arith.muli %arg0, %mul3A : i32
    %add3A = arith.addi %mul3A_0, %arg1 : i32
    %mul3A_1 = arith.constant 640 : i32
    %mul3A_2 = arith.muli %arg1, %mul3A_1 : i32
    "tpu.region"() ({
      %run_scoped3A = tpu.sem_alloc : memref<!tpu.dma_semaphore, #tpu.memory_space<semaphore_mem>>
      tpu.enqueue_dma source(%arg6 : memref<384xf32, #tpu.memory_space<hbm>>) target(%arg15 : memref<384xf32, #tpu.memory_space<vmem>>) target_semaphore(%run_scoped3A : memref<!tpu.dma_semaphore, #tpu.memory_space<semaphore_mem>>)
      tpu.wait_dma2 semaphore(%run_scoped3A : memref<!tpu.dma_semaphore, #tpu.memory_space<semaphore_mem>>) src(%arg6 : memref<384xf32, #tpu.memory_space<hbm>>) dst(%arg15 : memref<384xf32, #tpu.memory_space<vmem>>)
      tpu.yield
    }) : () -> ()
    %broadcast_in_dim3A = arith.constant 0.000000e+00 : f32
    %broadcast_in_dim3A_3 = vector.broadcast %broadcast_in_dim3A : f32 to vector<16xf32>
    %broadcast_in_dim3A_4 = arith.constant 1.000000e+00 : f32
    %broadcast_in_dim3A_5 = vector.broadcast %broadcast_in_dim3A_4 : f32 to vector<16xf32>
    %swap3A = arith.constant 0 : index
    %swap3A_6 = tpu.vector_load %arg17[%swap3A] {strides = array<i32>} : memref<128xf32, #tpu.memory_space<vmem>>, vector<16xf32>,
    %swap3A_7 = vector.shape_cast %swap3A_6 : vector<16xf32> to vector<16xf32>
    %swap3A_8 = vector.shape_cast %broadcast_in_dim3A_5 : vector<16xf32> to vector<16xf32>
    tpu.vector_store %arg17[%swap3A], %swap3A_8 {strides = array<i32>} : memref<128xf32, #tpu.memory_space<vmem>>, vector<16xf32>,
    %swap3A_9 = arith.constant 16 : index
    %swap3A_10 = tpu.vector_load %arg17[%swap3A_9] {strides = array<i32>} : memref<128xf32, #tpu.memory_space<vmem>>, vector<16xf32>,
    %swap3A_11 = vector.shape_cast %swap3A_10 : vector<16xf32> to vector<16xf32>
    %swap3A_12 = vector.shape_cast %broadcast_in_dim3A_5 : vector<16xf32> to vector<16xf32>
    tpu.vector_store %arg17[%swap3A_9], %swap3A_12 {strides = array<i32>} : memref<128xf32, #tpu.memory_space<vmem>>, vector<16xf32>,
    %swap3A_13 = arith.constant 32 : index
    %swap3A_14 = tpu.vector_load %arg17[%swap3A_13] {strides = array<i32>} : memref<128xf32, #tpu.memory_space<vmem>>, vector<16xf32>,
    %swap3A_15 = vector.shape_cast %swap3A_14 : vector<16xf32> to vector<16xf32>
    %swap3A_16 = vector.shape_cast %broadcast_in_dim3A_5 : vector<16xf32> to vector<16xf32>
    tpu.vector_store %arg17[%swap3A_13], %swap3A_16 {strides = array<i32>} : memref<128xf32, #tpu.memory_space<vmem>>, vector<16xf32>,
    %swap3A_17 = arith.constant 48 : index
    %swap3A_18 = tpu.vector_load %arg17[%swap3A_17] {strides = array<i32>} : memref<128xf32, #tpu.memory_space<vmem>>, vector<16xf32>,
    %swap3A_19 = vector.shape_cast %swap3A_18 : vector<16xf32> to vector<16xf32>
    %swap3A_20 = vector.shape_cast %broadcast_in_dim3A_5 : vector<16xf32> to vector<16xf32>
    tpu.vector_store %arg17[%swap3A_17], %swap3A_20 {strides = array<i32>} : memref<128xf32, #tpu.memory_space<vmem>>, vector<16xf32>,
    %swap3A_21 = arith.constant 64 : index
    %swap3A_22 = tpu.vector_load %arg17[%swap3A_21] {strides = array<i32>} : memref<128xf32, #tpu.memory_space<vmem>>, vector<16xf32>,
    %swap3A_23 = vector.shape_cast %swap3A_22 : vector<16xf32> to vector<16xf32>
    %swap3A_24 = vector.shape_cast %broadcast_in_dim3A_5 : vector<16xf32> to vector<16xf32>
    tpu.vector_store %arg17[%swap3A_21], %swap3A_24 {strides = array<i32>} : memref<128xf32, #tpu.memory_space<vmem>>, vector<16xf32>,
    %swap3A_25 = arith.constant 80 : index
    %swap3A_26 = tpu.vector_load %arg17[%swap3A_25] {strides = array<i32>} : memref<128xf32, #tpu.memory_space<vmem>>, vector<16xf32>,
    %swap3A_27 = vector.shape_cast %swap3A_26 : vector<16xf32> to vector<16xf32>
    %swap3A_28 = vector.shape_cast %broadcast_in_dim3A_5 : vector<16xf32> to vector<16xf32>
    tpu.vector_store %arg17[%swap3A_25], %swap3A_28 {strides = array<i32>} : memref<128xf32, #tpu.memory_space<vmem>>, vector<16xf32>,
    %swap3A_29 = arith.constant 96 : index
    %swap3A_30 = tpu.vector_load %arg17[%swap3A_29] {strides = array<i32>} : memref<128xf32, #tpu.memory_space<vmem>>, vector<16xf32>,
    %swap3A_31 = vector.shape_cast %swap3A_30 : vector<16xf32> to vector<16xf32>
    %swap3A_32 = vector.shape_cast %broadcast_in_dim3A_5 : vector<16xf32> to vector<16xf32>
    tpu.vector_store %arg17[%swap3A_29], %swap3A_32 {strides = array<i32>} : memref<128xf32, #tpu.memory_space<vmem>>, vector<16xf32>,
    %swap3A_33 = arith.constant 112 : index
    %swap3A_34 = tpu.vector_load %arg17[%swap3A_33] {strides = array<i32>} : memref<128xf32, #tpu.memory_space<vmem>>, vector<16xf32>,
    %swap3A_35 = vector.shape_cast %swap3A_34 : vector<16xf32> to vector<16xf32>
    %swap3A_36 = vector.shape_cast %broadcast_in_dim3A_5 : vector<16xf32> to vector<16xf32>
    tpu.vector_store %arg17[%swap3A_33], %swap3A_36 {strides = array<i32>} : memref<128xf32, #tpu.memory_space<vmem>>, vector<16xf32>,
    %scan3A = arith.constant 0 : i32
    %scan3A_37 = arith.constant 0 : i32
    %scan3A_38 = arith.constant 128 : i32
    %scan3A_39 = arith.addi %scan3A_37, %scan3A_38 : i32
    %scan3A_40 = arith.constant 1 : i32
    %scan3A_41 = scf.for %scan3A_275 = %scan3A_37 to %scan3A_39 step %scan3A_40 iter_args(%scan3A_276 = %scan3A) -> (i32)  : i32 {
      %swap3A_277 = arith.index_cast %scan3A_275 : i32 to index
      %swap3A_278 = arith.constant 0 : index
      %swap3A_279 = tpu.vector_load %arg11[%swap3A_277, %swap3A_278] {strides = array<i32>} : memref<128x128xf32, #tpu.memory_space<vmem>>, vector<1x16xf32>,
      %swap3A_280 = vector.shape_cast %swap3A_279 : vector<1x16xf32> to vector<16xf32>
      %swap3A_281 = vector.shape_cast %broadcast_in_dim3A_3 : vector<16xf32> to vector<1x16xf32>
      tpu.vector_store %arg11[%swap3A_277, %swap3A_278], %swap3A_281 {strides = array<i32>} : memref<128x128xf32, #tpu.memory_space<vmem>>, vector<1x16xf32>,
      %swap3A_282 = arith.index_cast %scan3A_275 : i32 to index
      %swap3A_283 = arith.constant 16 : index
      %swap3A_284 = tpu.vector_load %arg11[%swap3A_282, %swap3A_283] {strides = array<i32>} : memref<128x128xf32, #tpu.memory_space<vmem>>, vector<1x16xf32>,
      %swap3A_285 = vector.shape_cast %swap3A_284 : vector<1x16xf32> to vector<16xf32>
      %swap3A_286 = vector.shape_cast %broadcast_in_dim3A_3 : vector<16xf32> to vector<1x16xf32>
      tpu.vector_store %arg11[%swap3A_282, %swap3A_283], %swap3A_286 {strides = array<i32>} : memref<128x128xf32, #tpu.memory_space<vmem>>, vector<1x16xf32>,
      %swap3A_287 = arith.index_cast %scan3A_275 : i32 to index
      %swap3A_288 = arith.constant 32 : index
      %swap3A_289 = tpu.vector_load %arg11[%swap3A_287, %swap3A_288] {strides = array<i32>} : memref<128x128xf32, #tpu.memory_space<vmem>>, vector<1x16xf32>,
      %swap3A_290 = vector.shape_cast %swap3A_289 : vector<1x16xf32> to vector<16xf32>
      %swap3A_291 = vector.shape_cast %broadcast_in_dim3A_3 : vector<16xf32> to vector<1x16xf32>
      tpu.vector_store %arg11[%swap3A_287, %swap3A_288], %swap3A_291 {strides = array<i32>} : memref<128x128xf32, #tpu.memory_space<vmem>>, vector<1x16xf32>,
      %swap3A_292 = arith.index_cast %scan3A_275 : i32 to index
      %swap3A_293 = arith.constant 48 : index
      %swap3A_294 = tpu.vector_load %arg11[%swap3A_292, %swap3A_293] {strides = array<i32>} : memref<128x128xf32, #tpu.memory_space<vmem>>, vector<1x16xf32>,
      %swap3A_295 = vector.shape_cast %swap3A_294 : vector<1x16xf32> to vector<16xf32>
      %swap3A_296 = vector.shape_cast %broadcast_in_dim3A_3 : vector<16xf32> to vector<1x16xf32>
      tpu.vector_store %arg11[%swap3A_292, %swap3A_293], %swap3A_296 {strides = array<i32>} : memref<128x128xf32, #tpu.memory_space<vmem>>, vector<1x16xf32>,
      %swap3A_297 = arith.index_cast %scan3A_275 : i32 to index
      %swap3A_298 = arith.constant 64 : index
      %swap3A_299 = tpu.vector_load %arg11[%swap3A_297, %swap3A_298] {strides = array<i32>} : memref<128x128xf32, #tpu.memory_space<vmem>>, vector<1x16xf32>,
      %swap3A_300 = vector.shape_cast %swap3A_299 : vector<1x16xf32> to vector<16xf32>
      %swap3A_301 = vector.shape_cast %broadcast_in_dim3A_3 : vector<16xf32> to vector<1x16xf32>
      tpu.vector_store %arg11[%swap3A_297, %swap3A_298], %swap3A_301 {strides = array<i32>} : memref<128x128xf32, #tpu.memory_space<vmem>>, vector<1x16xf32>,
      %swap3A_302 = arith.index_cast %scan3A_275 : i32 to index
      %swap3A_303 = arith.constant 80 : index
      %swap3A_304 = tpu.vector_load %arg11[%swap3A_302, %swap3A_303] {strides = array<i32>} : memref<128x128xf32, #tpu.memory_space<vmem>>, vector<1x16xf32>,
      %swap3A_305 = vector.shape_cast %swap3A_304 : vector<1x16xf32> to vector<16xf32>
      %swap3A_306 = vector.shape_cast %broadcast_in_dim3A_3 : vector<16xf32> to vector<1x16xf32>
      tpu.vector_store %arg11[%swap3A_302, %swap3A_303], %swap3A_306 {strides = array<i32>} : memref<128x128xf32, #tpu.memory_space<vmem>>, vector<1x16xf32>,
      %swap3A_307 = arith.index_cast %scan3A_275 : i32 to index
      %swap3A_308 = arith.constant 96 : index
      %swap3A_309 = tpu.vector_load %arg11[%swap3A_307, %swap3A_308] {strides = array<i32>} : memref<128x128xf32, #tpu.memory_space<vmem>>, vector<1x16xf32>,
      %swap3A_310 = vector.shape_cast %swap3A_309 : vector<1x16xf32> to vector<16xf32>
      %swap3A_311 = vector.shape_cast %broadcast_in_dim3A_3 : vector<16xf32> to vector<1x16xf32>
      tpu.vector_store %arg11[%swap3A_307, %swap3A_308], %swap3A_311 {strides = array<i32>} : memref<128x128xf32, #tpu.memory_space<vmem>>, vector<1x16xf32>,
      %swap3A_312 = arith.index_cast %scan3A_275 : i32 to index
      %swap3A_313 = arith.constant 112 : index
      %swap3A_314 = tpu.vector_load %arg11[%swap3A_312, %swap3A_313] {strides = array<i32>} : memref<128x128xf32, #tpu.memory_space<vmem>>, vector<1x16xf32>,
      %swap3A_315 = vector.shape_cast %swap3A_314 : vector<1x16xf32> to vector<16xf32>
      %swap3A_316 = vector.shape_cast %broadcast_in_dim3A_3 : vector<16xf32> to vector<1x16xf32>
      tpu.vector_store %arg11[%swap3A_312, %swap3A_313], %swap3A_316 {strides = array<i32>} : memref<128x128xf32, #tpu.memory_space<vmem>>, vector<1x16xf32>,
      %scan3A_317 = arith.constant 0 : i32
      scf.yield %scan3A_317 : i32
    }
    %scan3A_42 = arith.constant 128 : i32
    %scan3A_43 = arith.constant 0 : i32
    %scan3A_44 = arith.constant 0 : i32
    %scan3A_45 = arith.constant 8 : i32
    %scan3A_46 = arith.addi %scan3A_44, %scan3A_45 : i32
    %scan3A_47 = arith.constant 1 : i32
    %scan3A_48 = scf.for %scan3A_275 = %scan3A_44 to %scan3A_46 step %scan3A_47 iter_args(%scan3A_276 = %scan3A_43) -> (i32)  : i32 {
      %mul3A_277 = arith.constant 16 : i32
      %mul3A_278 = arith.muli %mul3A_277, %scan3A_275 : i32
      %swap3A_279 = arith.index_cast %mul3A_278 : i32 to index
      %swap3A_280 = tpu.vector_load %arg16[%swap3A_279] {strides = array<i32>} : memref<128xf32, #tpu.memory_space<vmem>>, vector<16xf32>,
      %swap3A_281 = vector.shape_cast %swap3A_280 : vector<16xf32> to vector<16xf32>
      %swap3A_282 = vector.shape_cast %broadcast_in_dim3A_3 : vector<16xf32> to vector<16xf32>
      tpu.vector_store %arg16[%swap3A_279], %swap3A_282 {strides = array<i32>} : memref<128xf32, #tpu.memory_space<vmem>>, vector<16xf32>,
      %scan3A_283 = arith.constant 0 : i32
      scf.yield %scan3A_283 : i32
    }
    %scan3A_49 = arith.constant 8 : i32
    %scan3A_50 = arith.constant 0 : i32
    %scan3A_51 = arith.constant 0 : i32
    %scan3A_52 = arith.constant 5 : i32
    %scan3A_53 = arith.addi %scan3A_51, %scan3A_52 : i32
    %scan3A_54 = arith.constant 1 : i32
    %scan3A_55 = scf.for %scan3A_275 = %scan3A_51 to %scan3A_53 step %scan3A_54 iter_args(%scan3A_276 = %scan3A_50) -> (i32)  : i32 {
      %mul3A_277 = arith.constant 128 : i32
      %mul3A_278 = arith.muli %mul3A_277, %scan3A_275 : i32
      %add3A_279 = arith.addi %mul3A_2, %mul3A_278 : i32
      "tpu.region"() ({
        %run_scoped3A = tpu.sem_alloc : memref<!tpu.dma_semaphore, #tpu.memory_space<semaphore_mem>>
        %dma_start3A_284 = arith.constant 0 : i32
        %dma_start3A_285 = tpu.memref_slice %arg18[%add3A_279, %dma_start3A_284] : memref<10240x128xf32, #tpu.memory_space<vmem_shared>> -> memref<128x128xf32, #tpu.memory_space<vmem_shared>>
        %dma_start3A_286 = arith.constant 0 : i32
        %dma_start3A_287 = tpu.memref_slice %arg18[%add3A_279, %dma_start3A_286] : memref<10240x128xf32, #tpu.memory_space<vmem_shared>> -> memref<128x128xf32, #tpu.memory_space<vmem_shared>>
        tpu.enqueue_dma source(%arg11 : memref<128x128xf32, #tpu.memory_space<vmem>>) target(%dma_start3A_287 : memref<128x128xf32, #tpu.memory_space<vmem_shared>>) target_semaphore(%run_scoped3A : memref<!tpu.dma_semaphore, #tpu.memory_space<semaphore_mem>>)
        %dma_wait3A_288 = arith.constant 0 : i32
        %dma_wait3A_289 = tpu.memref_slice %arg18[%add3A_279, %dma_wait3A_288] : memref<10240x128xf32, #tpu.memory_space<vmem_shared>> -> memref<128x128xf32, #tpu.memory_space<vmem_shared>>
        %dma_wait3A_290 = arith.constant 0 : i32
        %dma_wait3A_291 = tpu.memref_slice %arg18[%add3A_279, %dma_wait3A_290] : memref<10240x128xf32, #tpu.memory_space<vmem_shared>> -> memref<128x128xf32, #tpu.memory_space<vmem_shared>>
        tpu.wait_dma2 semaphore(%run_scoped3A : memref<!tpu.dma_semaphore, #tpu.memory_space<semaphore_mem>>) src(%arg11 : memref<128x128xf32, #tpu.memory_space<vmem>>) dst(%dma_wait3A_291 : memref<128x128xf32, #tpu.memory_space<vmem_shared>>)
        tpu.yield
      }) : () -> ()
      %mul3A_280 = arith.constant 128 : i32
      %mul3A_281 = arith.muli %mul3A_280, %scan3A_275 : i32
      %add3A_282 = arith.addi %mul3A_2, %mul3A_281 : i32
      "tpu.region"() ({
        %run_scoped3A = tpu.sem_alloc : memref<!tpu.dma_semaphore, #tpu.memory_space<semaphore_mem>>
        %dma_start3A_284 = tpu.memref_slice %arg19[%add3A_282] : memref<10240xf32, #tpu.memory_space<vmem_shared>> -> memref<128xf32, #tpu.memory_space<vmem_shared>>
        %dma_start3A_285 = tpu.memref_slice %arg19[%add3A_282] : memref<10240xf32, #tpu.memory_space<vmem_shared>> -> memref<128xf32, #tpu.memory_space<vmem_shared>>
        tpu.enqueue_dma source(%arg16 : memref<128xf32, #tpu.memory_space<vmem>>) target(%dma_start3A_285 : memref<128xf32, #tpu.memory_space<vmem_shared>>) target_semaphore(%run_scoped3A : memref<!tpu.dma_semaphore, #tpu.memory_space<semaphore_mem>>)
        %dma_wait3A_286 = tpu.memref_slice %arg19[%add3A_282] : memref<10240xf32, #tpu.memory_space<vmem_shared>> -> memref<128xf32, #tpu.memory_space<vmem_shared>>
        %dma_wait3A_287 = tpu.memref_slice %arg19[%add3A_282] : memref<10240xf32, #tpu.memory_space<vmem_shared>> -> memref<128xf32, #tpu.memory_space<vmem_shared>>
        tpu.wait_dma2 semaphore(%run_scoped3A : memref<!tpu.dma_semaphore, #tpu.memory_space<semaphore_mem>>) src(%arg16 : memref<128xf32, #tpu.memory_space<vmem>>) dst(%dma_wait3A_287 : memref<128xf32, #tpu.memory_space<vmem_shared>>)
        tpu.yield
      }) : () -> ()
      %scan3A_283 = arith.constant 0 : i32
      scf.yield %scan3A_283 : i32
    }
    %scan3A_56 = arith.constant 5 : i32
    %barrier3A = arith.constant 0 : index
    tpu.barrier barrier_id(%barrier3A)
    %mul3A_57 = arith.constant 80 : i32
    %mul3A_58 = arith.muli %add3A, %mul3A_57 : i32
    %add3A_59 = arith.constant 0 : i32
    %add3A_60 = arith.addi %mul3A_58, %add3A_59 : i32
    %dma_start3A = arith.constant 0 : i32
    %dma_start3A_61 = arith.constant 0 : i32
    %dma_start3A_62 = tpu.memref_slice %arg9[%dma_start3A, %dma_start3A_61] : memref<4x128xi32, #tpu.memory_space<vmem>> -> memref<1x128xi32, #tpu.memory_space<vmem>>
    %dma_start3A_63 = tpu.memref_squeeze %dma_start3A_62 : memref<1x128xi32, #tpu.memory_space<vmem>> -> memref<128xi32, #tpu.memory_space<vmem>>
    %dma_start3A_64 = arith.constant 0 : i32
    %dma_start3A_65 = tpu.memref_slice %arg3[%add3A_60, %dma_start3A_64] : memref<2560x128xi32, #tpu.memory_space<hbm>> -> memref<1x128xi32, #tpu.memory_space<hbm>>
    %dma_start3A_66 = tpu.memref_squeeze %dma_start3A_65 : memref<1x128xi32, #tpu.memory_space<hbm>> -> memref<128xi32, #tpu.memory_space<hbm>>
    %dma_start3A_67 = arith.constant 0 : i32
    %dma_start3A_68 = tpu.memref_slice %arg9[%dma_start3A, %dma_start3A_67] : memref<4x128xi32, #tpu.memory_space<vmem>> -> memref<1x128xi32, #tpu.memory_space<vmem>>
    %dma_start3A_69 = tpu.memref_squeeze %dma_start3A_68 : memref<1x128xi32, #tpu.memory_space<vmem>> -> memref<128xi32, #tpu.memory_space<vmem>>
    %dma_start3A_70 = arith.constant 0 : i32
    %dma_start3A_71 = tpu.memref_slice %arg3[%add3A_60, %dma_start3A_70] : memref<2560x128xi32, #tpu.memory_space<hbm>> -> memref<1x128xi32, #tpu.memory_space<hbm>>
    %dma_start3A_72 = tpu.memref_squeeze %dma_start3A_71 : memref<1x128xi32, #tpu.memory_space<hbm>> -> memref<128xi32, #tpu.memory_space<hbm>>
    tpu.enqueue_dma source(%dma_start3A_72 : memref<128xi32, #tpu.memory_space<hbm>>) target(%dma_start3A_69 : memref<128xi32, #tpu.memory_space<vmem>>) target_semaphore(%arg24 : memref<!tpu.dma_semaphore, #tpu.memory_space<semaphore_mem>>)
    %mul3A_73 = arith.constant 80 : i32
    %mul3A_74 = arith.muli %add3A, %mul3A_73 : i32
    %add3A_75 = arith.constant 0 : i32
    %add3A_76 = arith.addi %mul3A_74, %add3A_75 : i32
    %dma_start3A_77 = arith.constant 0 : i32
    %dma_start3A_78 = arith.constant 0 : i32
    %dma_start3A_79 = tpu.memref_slice %arg10[%dma_start3A_77, %dma_start3A_78] : memref<4x128xi32, #tpu.memory_space<vmem>> -> memref<1x128xi32, #tpu.memory_space<vmem>>
    %dma_start3A_80 = tpu.memref_squeeze %dma_start3A_79 : memref<1x128xi32, #tpu.memory_space<vmem>> -> memref<128xi32, #tpu.memory_space<vmem>>
    %dma_start3A_81 = arith.constant 0 : i32
    %dma_start3A_82 = tpu.memref_slice %arg4[%add3A_76, %dma_start3A_81] : memref<2560x128xi32, #tpu.memory_space<hbm>> -> memref<1x128xi32, #tpu.memory_space<hbm>>
    %dma_start3A_83 = tpu.memref_squeeze %dma_start3A_82 : memref<1x128xi32, #tpu.memory_space<hbm>> -> memref<128xi32, #tpu.memory_space<hbm>>
    %dma_start3A_84 = arith.constant 0 : i32
    %dma_start3A_85 = tpu.memref_slice %arg10[%dma_start3A_77, %dma_start3A_84] : memref<4x128xi32, #tpu.memory_space<vmem>> -> memref<1x128xi32, #tpu.memory_space<vmem>>
    %dma_start3A_86 = tpu.memref_squeeze %dma_start3A_85 : memref<1x128xi32, #tpu.memory_space<vmem>> -> memref<128xi32, #tpu.memory_space<vmem>>
    %dma_start3A_87 = arith.constant 0 : i32
    %dma_start3A_88 = tpu.memref_slice %arg4[%add3A_76, %dma_start3A_87] : memref<2560x128xi32, #tpu.memory_space<hbm>> -> memref<1x128xi32, #tpu.memory_space<hbm>>
    %dma_start3A_89 = tpu.memref_squeeze %dma_start3A_88 : memref<1x128xi32, #tpu.memory_space<hbm>> -> memref<128xi32, #tpu.memory_space<hbm>>
    tpu.enqueue_dma source(%dma_start3A_89 : memref<128xi32, #tpu.memory_space<hbm>>) target(%dma_start3A_86 : memref<128xi32, #tpu.memory_space<vmem>>) target_semaphore(%arg24 : memref<!tpu.dma_semaphore, #tpu.memory_space<semaphore_mem>>)
    %mul3A_90 = arith.constant 80 : i32
    %mul3A_91 = arith.muli %add3A, %mul3A_90 : i32
    %add3A_92 = arith.constant 1 : i32
    %add3A_93 = arith.addi %mul3A_91, %add3A_92 : i32
    %dma_start3A_94 = arith.constant 1 : i32
    %dma_start3A_95 = arith.constant 0 : i32
    %dma_start3A_96 = tpu.memref_slice %arg9[%dma_start3A_94, %dma_start3A_95] : memref<4x128xi32, #tpu.memory_space<vmem>> -> memref<1x128xi32, #tpu.memory_space<vmem>>
    %dma_start3A_97 = tpu.memref_squeeze %dma_start3A_96 : memref<1x128xi32, #tpu.memory_space<vmem>> -> memref<128xi32, #tpu.memory_space<vmem>>
    %dma_start3A_98 = arith.constant 0 : i32
    %dma_start3A_99 = tpu.memref_slice %arg3[%add3A_93, %dma_start3A_98] : memref<2560x128xi32, #tpu.memory_space<hbm>> -> memref<1x128xi32, #tpu.memory_space<hbm>>
    %dma_start3A_100 = tpu.memref_squeeze %dma_start3A_99 : memref<1x128xi32, #tpu.memory_space<hbm>> -> memref<128xi32, #tpu.memory_space<hbm>>
    %dma_start3A_101 = arith.constant 0 : i32
    %dma_start3A_102 = tpu.memref_slice %arg9[%dma_start3A_94, %dma_start3A_101] : memref<4x128xi32, #tpu.memory_space<vmem>> -> memref<1x128xi32, #tpu.memory_space<vmem>>
    %dma_start3A_103 = tpu.memref_squeeze %dma_start3A_102 : memref<1x128xi32, #tpu.memory_space<vmem>> -> memref<128xi32, #tpu.memory_space<vmem>>
    %dma_start3A_104 = arith.constant 0 : i32
    %dma_start3A_105 = tpu.memref_slice %arg3[%add3A_93, %dma_start3A_104] : memref<2560x128xi32, #tpu.memory_space<hbm>> -> memref<1x128xi32, #tpu.memory_space<hbm>>
    %dma_start3A_106 = tpu.memref_squeeze %dma_start3A_105 : memref<1x128xi32, #tpu.memory_space<hbm>> -> memref<128xi32, #tpu.memory_space<hbm>>
    tpu.enqueue_dma source(%dma_start3A_106 : memref<128xi32, #tpu.memory_space<hbm>>) target(%dma_start3A_103 : memref<128xi32, #tpu.memory_space<vmem>>) target_semaphore(%arg25 : memref<!tpu.dma_semaphore, #tpu.memory_space<semaphore_mem>>)
    %mul3A_107 = arith.constant 80 : i32
    %mul3A_108 = arith.muli %add3A, %mul3A_107 : i32
    %add3A_109 = arith.constant 1 : i32
    %add3A_110 = arith.addi %mul3A_108, %add3A_109 : i32
    %dma_start3A_111 = arith.constant 1 : i32
    %dma_start3A_112 = arith.constant 0 : i32
    %dma_start3A_113 = tpu.memref_slice %arg10[%dma_start3A_111, %dma_start3A_112] : memref<4x128xi32, #tpu.memory_space<vmem>> -> memref<1x128xi32, #tpu.memory_space<vmem>>
    %dma_start3A_114 = tpu.memref_squeeze %dma_start3A_113 : memref<1x128xi32, #tpu.memory_space<vmem>> -> memref<128xi32, #tpu.memory_space<vmem>>
    %dma_start3A_115 = arith.constant 0 : i32
    %dma_start3A_116 = tpu.memref_slice %arg4[%add3A_110, %dma_start3A_115] : memref<2560x128xi32, #tpu.memory_space<hbm>> -> memref<1x128xi32, #tpu.memory_space<hbm>>
    %dma_start3A_117 = tpu.memref_squeeze %dma_start3A_116 : memref<1x128xi32, #tpu.memory_space<hbm>> -> memref<128xi32, #tpu.memory_space<hbm>>
    %dma_start3A_118 = arith.constant 0 : i32
    %dma_start3A_119 = tpu.memref_slice %arg10[%dma_start3A_111, %dma_start3A_118] : memref<4x128xi32, #tpu.memory_space<vmem>> -> memref<1x128xi32, #tpu.memory_space<vmem>>
    %dma_start3A_120 = tpu.memref_squeeze %dma_start3A_119 : memref<1x128xi32, #tpu.memory_space<vmem>> -> memref<128xi32, #tpu.memory_space<vmem>>
    %dma_start3A_121 = arith.constant 0 : i32
    %dma_start3A_122 = tpu.memref_slice %arg4[%add3A_110, %dma_start3A_121] : memref<2560x128xi32, #tpu.memory_space<hbm>> -> memref<1x128xi32, #tpu.memory_space<hbm>>
    %dma_start3A_123 = tpu.memref_squeeze %dma_start3A_122 : memref<1x128xi32, #tpu.memory_space<hbm>> -> memref<128xi32, #tpu.memory_space<hbm>>
    tpu.enqueue_dma source(%dma_start3A_123 : memref<128xi32, #tpu.memory_space<hbm>>) target(%dma_start3A_120 : memref<128xi32, #tpu.memory_space<vmem>>) target_semaphore(%arg25 : memref<!tpu.dma_semaphore, #tpu.memory_space<semaphore_mem>>)
    %mul3A_124 = arith.constant 80 : i32
    %mul3A_125 = arith.muli %add3A, %mul3A_124 : i32
    %add3A_126 = arith.constant 0 : i32
    %add3A_127 = arith.addi %mul3A_125, %add3A_126 : i32
    %dma_wait3A = arith.constant 0 : i32
    %dma_wait3A_128 = arith.constant 0 : i32
    %dma_wait3A_129 = tpu.memref_slice %arg9[%dma_wait3A, %dma_wait3A_128] : memref<4x128xi32, #tpu.memory_space<vmem>> -> memref<1x128xi32, #tpu.memory_space<vmem>>
    %dma_wait3A_130 = tpu.memref_squeeze %dma_wait3A_129 : memref<1x128xi32, #tpu.memory_space<vmem>> -> memref<128xi32, #tpu.memory_space<vmem>>
    %dma_wait3A_131 = arith.constant 0 : i32
    %dma_wait3A_132 = tpu.memref_slice %arg3[%add3A_127, %dma_wait3A_131] : memref<2560x128xi32, #tpu.memory_space<hbm>> -> memref<1x128xi32, #tpu.memory_space<hbm>>
    %dma_wait3A_133 = tpu.memref_squeeze %dma_wait3A_132 : memref<1x128xi32, #tpu.memory_space<hbm>> -> memref<128xi32, #tpu.memory_space<hbm>>
    %dma_wait3A_134 = arith.constant 0 : i32
    %dma_wait3A_135 = tpu.memref_slice %arg9[%dma_wait3A, %dma_wait3A_134] : memref<4x128xi32, #tpu.memory_space<vmem>> -> memref<1x128xi32, #tpu.memory_space<vmem>>
    %dma_wait3A_136 = tpu.memref_squeeze %dma_wait3A_135 : memref<1x128xi32, #tpu.memory_space<vmem>> -> memref<128xi32, #tpu.memory_space<vmem>>
    %dma_wait3A_137 = arith.constant 0 : i32
    %dma_wait3A_138 = tpu.memref_slice %arg3[%add3A_127, %dma_wait3A_137] : memref<2560x128xi32, #tpu.memory_space<hbm>> -> memref<1x128xi32, #tpu.memory_space<hbm>>
    %dma_wait3A_139 = tpu.memref_squeeze %dma_wait3A_138 : memref<1x128xi32, #tpu.memory_space<hbm>> -> memref<128xi32, #tpu.memory_space<hbm>>
    tpu.wait_dma2 semaphore(%arg24 : memref<!tpu.dma_semaphore, #tpu.memory_space<semaphore_mem>>) src(%dma_wait3A_139 : memref<128xi32, #tpu.memory_space<hbm>>) dst(%dma_wait3A_136 : memref<128xi32, #tpu.memory_space<vmem>>)
    %mul3A_140 = arith.constant 80 : i32
    %mul3A_141 = arith.muli %add3A, %mul3A_140 : i32
    %add3A_142 = arith.constant 0 : i32
    %add3A_143 = arith.addi %mul3A_141, %add3A_142 : i32
    %dma_wait3A_144 = arith.constant 0 : i32
    %dma_wait3A_145 = arith.constant 0 : i32
    %dma_wait3A_146 = tpu.memref_slice %arg10[%dma_wait3A_144, %dma_wait3A_145] : memref<4x128xi32, #tpu.memory_space<vmem>> -> memref<1x128xi32, #tpu.memory_space<vmem>>
    %dma_wait3A_147 = tpu.memref_squeeze %dma_wait3A_146 : memref<1x128xi32, #tpu.memory_space<vmem>> -> memref<128xi32, #tpu.memory_space<vmem>>
    %dma_wait3A_148 = arith.constant 0 : i32
    %dma_wait3A_149 = tpu.memref_slice %arg4[%add3A_143, %dma_wait3A_148] : memref<2560x128xi32, #tpu.memory_space<hbm>> -> memref<1x128xi32, #tpu.memory_space<hbm>>
    %dma_wait3A_150 = tpu.memref_squeeze %dma_wait3A_149 : memref<1x128xi32, #tpu.memory_space<hbm>> -> memref<128xi32, #tpu.memory_space<hbm>>
    %dma_wait3A_151 = arith.constant 0 : i32
    %dma_wait3A_152 = tpu.memref_slice %arg10[%dma_wait3A_144, %dma_wait3A_151] : memref<4x128xi32, #tpu.memory_space<vmem>> -> memref<1x128xi32, #tpu.memory_space<vmem>>
    %dma_wait3A_153 = tpu.memref_squeeze %dma_wait3A_152 : memref<1x128xi32, #tpu.memory_space<vmem>> -> memref<128xi32, #tpu.memory_space<vmem>>
    %dma_wait3A_154 = arith.constant 0 : i32
    %dma_wait3A_155 = tpu.memref_slice %arg4[%add3A_143, %dma_wait3A_154] : memref<2560x128xi32, #tpu.memory_space<hbm>> -> memref<1x128xi32, #tpu.memory_space<hbm>>
    %dma_wait3A_156 = tpu.memref_squeeze %dma_wait3A_155 : memref<1x128xi32, #tpu.memory_space<hbm>> -> memref<128xi32, #tpu.memory_space<hbm>>
    tpu.wait_dma2 semaphore(%arg24 : memref<!tpu.dma_semaphore, #tpu.memory_space<semaphore_mem>>) src(%dma_wait3A_156 : memref<128xi32, #tpu.memory_space<hbm>>) dst(%dma_wait3A_153 : memref<128xi32, #tpu.memory_space<vmem>>)
    %mul3A_157 = arith.constant 10240 : i32
    %mul3A_158 = arith.muli %add3A, %mul3A_157 : i32
    %add3A_159 = arith.constant 0 : i32
    %add3A_160 = arith.addi %mul3A_158, %add3A_159 : i32
    %mul3A_161 = arith.constant 3 : i32
    %mul3A_162 = arith.muli %add3A_160, %mul3A_161 : i32
    %dma_start3A_163 = arith.constant 0 : i32
    %dma_start3A_164 = tpu.memref_slice %arg13[%dma_start3A_163] : memref<400xf32, #tpu.memory_space<vmem>> -> memref<384xf32, #tpu.memory_space<vmem>>
    %dma_start3A_165 = tpu.memref_slice %arg5[%mul3A_162] : memref<983040xf32, #tpu.memory_space<hbm>> -> memref<384xf32, #tpu.memory_space<hbm>>
    %dma_start3A_166 = arith.constant 0 : i32
    %dma_start3A_167 = tpu.memref_slice %arg13[%dma_start3A_166] : memref<400xf32, #tpu.memory_space<vmem>> -> memref<384xf32, #tpu.memory_space<vmem>>
    %dma_start3A_168 = tpu.memref_slice %arg5[%mul3A_162] : memref<983040xf32, #tpu.memory_space<hbm>> -> memref<384xf32, #tpu.memory_space<hbm>>
    tpu.enqueue_dma source(%dma_start3A_168 : memref<384xf32, #tpu.memory_space<hbm>>) target(%dma_start3A_167 : memref<384xf32, #tpu.memory_space<vmem>>) target_semaphore(%arg20 : memref<!tpu.dma_semaphore, #tpu.memory_space<semaphore_mem>>)
    %dma_start3A_169 = arith.constant 0 : i32
    %dma_start3A_170 = arith.constant 0 : i32
    %dma_start3A_171 = tpu.memref_slice %arg9[%dma_start3A_169, %dma_start3A_170] : memref<4x128xi32, #tpu.memory_space<vmem>> -> memref<1x128xi32, #tpu.memory_space<vmem>>
    %dma_start3A_172 = tpu.memref_squeeze %dma_start3A_171 : memref<1x128xi32, #tpu.memory_space<vmem>> -> memref<128xi32, #tpu.memory_space<vmem>>
    %dma_start3A_173 = arith.constant 0 : i32
    %dma_start3A_174 = arith.constant 0 : i32
    %dma_start3A_175 = tpu.memref_slice %arg2[%dma_start3A_173, %dma_start3A_174] : memref<10240x128xf32, #tpu.memory_space<hbm>> -> memref<10240x128xf32, #tpu.memory_space<hbm>>
    tpu.enqueue_indirect_dma source(%dma_start3A_175 : memref<10240x128xf32, #tpu.memory_space<hbm>>) target(%arg11 : memref<128x128xf32, #tpu.memory_space<vmem>>) offsets(%dma_start3A_172 : memref<128xi32, #tpu.memory_space<vmem>>) semaphore(%arg20 : memref<!tpu.dma_semaphore, #tpu.memory_space<semaphore_mem>>)
    %get3A = arith.constant 0 : index
    %get3A_176 = tpu.vector_load %arg15[%get3A] {strides = array<i32>} : memref<384xf32, #tpu.memory_space<vmem>>, vector<16xf32>,
    %get3A_177 = vector.shape_cast %get3A_176 : vector<16xf32> to vector<16xf32>
    %get3A_178 = arith.constant 16 : index
    %get3A_179 = tpu.vector_load %arg15[%get3A_178] {strides = array<i32>} : memref<384xf32, #tpu.memory_space<vmem>>, vector<16xf32>,
    %get3A_180 = vector.shape_cast %get3A_179 : vector<16xf32> to vector<16xf32>
    %get3A_181 = arith.constant 32 : index
    %get3A_182 = tpu.vector_load %arg15[%get3A_181] {strides = array<i32>} : memref<384xf32, #tpu.memory_space<vmem>>, vector<16xf32>,
    %get3A_183 = vector.shape_cast %get3A_182 : vector<16xf32> to vector<16xf32>
    %get3A_184 = arith.constant 48 : index
    %get3A_185 = tpu.vector_load %arg15[%get3A_184] {strides = array<i32>} : memref<384xf32, #tpu.memory_space<vmem>>, vector<16xf32>,
    %get3A_186 = vector.shape_cast %get3A_185 : vector<16xf32> to vector<16xf32>
    %get3A_187 = arith.constant 64 : index
    %get3A_188 = tpu.vector_load %arg15[%get3A_187] {strides = array<i32>} : memref<384xf32, #tpu.memory_space<vmem>>, vector<16xf32>,
    %get3A_189 = vector.shape_cast %get3A_188 : vector<16xf32> to vector<16xf32>
    %get3A_190 = arith.constant 80 : index
    %get3A_191 = tpu.vector_load %arg15[%get3A_190] {strides = array<i32>} : memref<384xf32, #tpu.memory_space<vmem>>, vector<16xf32>,
    %get3A_192 = vector.shape_cast %get3A_191 : vector<16xf32> to vector<16xf32>
    %get3A_193 = arith.constant 96 : index
    %get3A_194 = tpu.vector_load %arg15[%get3A_193] {strides = array<i32>} : memref<384xf32, #tpu.memory_space<vmem>>, vector<16xf32>,
    %get3A_195 = vector.shape_cast %get3A_194 : vector<16xf32> to vector<16xf32>
    %get3A_196 = arith.constant 112 : index
    %get3A_197 = tpu.vector_load %arg15[%get3A_196] {strides = array<i32>} : memref<384xf32, #tpu.memory_space<vmem>>, vector<16xf32>,
    %get3A_198 = vector.shape_cast %get3A_197 : vector<16xf32> to vector<16xf32>
    %get3A_199 = arith.constant 128 : index
    %get3A_200 = tpu.vector_load %arg15[%get3A_199] {strides = array<i32>} : memref<384xf32, #tpu.memory_space<vmem>>, vector<16xf32>,
    %get3A_201 = vector.shape_cast %get3A_200 : vector<16xf32> to vector<16xf32>
    %get3A_202 = arith.constant 144 : index
    %get3A_203 = tpu.vector_load %arg15[%get3A_202] {strides = array<i32>} : memref<384xf32, #tpu.memory_space<vmem>>, vector<16xf32>,
    %get3A_204 = vector.shape_cast %get3A_203 : vector<16xf32> to vector<16xf32>
    %get3A_205 = arith.constant 160 : index
    %get3A_206 = tpu.vector_load %arg15[%get3A_205] {strides = array<i32>} : memref<384xf32, #tpu.memory_space<vmem>>, vector<16xf32>,
    %get3A_207 = vector.shape_cast %get3A_206 : vector<16xf32> to vector<16xf32>
    %get3A_208 = arith.constant 176 : index
    %get3A_209 = tpu.vector_load %arg15[%get3A_208] {strides = array<i32>} : memref<384xf32, #tpu.memory_space<vmem>>, vector<16xf32>,
    %get3A_210 = vector.shape_cast %get3A_209 : vector<16xf32> to vector<16xf32>
    %get3A_211 = arith.constant 192 : index
    %get3A_212 = tpu.vector_load %arg15[%get3A_211] {strides = array<i32>} : memref<384xf32, #tpu.memory_space<vmem>>, vector<16xf32>,
    %get3A_213 = vector.shape_cast %get3A_212 : vector<16xf32> to vector<16xf32>
    %get3A_214 = arith.constant 208 : index
    %get3A_215 = tpu.vector_load %arg15[%get3A_214] {strides = array<i32>} : memref<384xf32, #tpu.memory_space<vmem>>, vector<16xf32>,
    %get3A_216 = vector.shape_cast %get3A_215 : vector<16xf32> to vector<16xf32>
    %get3A_217 = arith.constant 224 : index
    %get3A_218 = tpu.vector_load %arg15[%get3A_217] {strides = array<i32>} : memref<384xf32, #tpu.memory_space<vmem>>, vector<16xf32>,
    %get3A_219 = vector.shape_cast %get3A_218 : vector<16xf32> to vector<16xf32>
    %get3A_220 = arith.constant 240 : index
    %get3A_221 = tpu.vector_load %arg15[%get3A_220] {strides = array<i32>} : memref<384xf32, #tpu.memory_space<vmem>>, vector<16xf32>,
    %get3A_222 = vector.shape_cast %get3A_221 : vector<16xf32> to vector<16xf32>
    %get3A_223 = arith.constant 256 : index
    %get3A_224 = tpu.vector_load %arg15[%get3A_223] {strides = array<i32>} : memref<384xf32, #tpu.memory_space<vmem>>, vector<16xf32>,
    %get3A_225 = vector.shape_cast %get3A_224 : vector<16xf32> to vector<16xf32>
    %get3A_226 = arith.constant 272 : index
    %get3A_227 = tpu.vector_load %arg15[%get3A_226] {strides = array<i32>} : memref<384xf32, #tpu.memory_space<vmem>>, vector<16xf32>,
    %get3A_228 = vector.shape_cast %get3A_227 : vector<16xf32> to vector<16xf32>
    %get3A_229 = arith.constant 288 : index
    %get3A_230 = tpu.vector_load %arg15[%get3A_229] {strides = array<i32>} : memref<384xf32, #tpu.memory_space<vmem>>, vector<16xf32>,
    %get3A_231 = vector.shape_cast %get3A_230 : vector<16xf32> to vector<16xf32>
    %get3A_232 = arith.constant 304 : index
    %get3A_233 = tpu.vector_load %arg15[%get3A_232] {strides = array<i32>} : memref<384xf32, #tpu.memory_space<vmem>>, vector<16xf32>,
    %get3A_234 = vector.shape_cast %get3A_233 : vector<16xf32> to vector<16xf32>
    %get3A_235 = arith.constant 320 : index
    %get3A_236 = tpu.vector_load %arg15[%get3A_235] {strides = array<i32>} : memref<384xf32, #tpu.memory_space<vmem>>, vector<16xf32>,
    %get3A_237 = vector.shape_cast %get3A_236 : vector<16xf32> to vector<16xf32>
    %get3A_238 = arith.constant 336 : index
    %get3A_239 = tpu.vector_load %arg15[%get3A_238] {strides = array<i32>} : memref<384xf32, #tpu.memory_space<vmem>>, vector<16xf32>,
    %get3A_240 = vector.shape_cast %get3A_239 : vector<16xf32> to vector<16xf32>
    %get3A_241 = arith.constant 352 : index
    %get3A_242 = tpu.vector_load %arg15[%get3A_241] {strides = array<i32>} : memref<384xf32, #tpu.memory_space<vmem>>, vector<16xf32>,
    %get3A_243 = vector.shape_cast %get3A_242 : vector<16xf32> to vector<16xf32>
    %get3A_244 = arith.constant 368 : index
    %get3A_245 = tpu.vector_load %arg15[%get3A_244] {strides = array<i32>} : memref<384xf32, #tpu.memory_space<vmem>>, vector<16xf32>,
    %get3A_246 = vector.shape_cast %get3A_245 : vector<16xf32> to vector<16xf32>
    %scan3A_247 = arith.constant 0 : i32
    %scan3A_248 = arith.constant 0 : i32
    %scan3A_249 = arith.constant 20 : i32
    %scan3A_250 = arith.addi %scan3A_248, %scan3A_249 : i32
    %scan3A_251 = arith.constant 1 : i32
    %scan3A_252 = scf.for %scan3A_275 = %scan3A_248 to %scan3A_250 step %scan3A_251 iter_args(%scan3A_276 = %scan3A_247) -> (i32)  : i32 {
      %mul3A_277 = arith.constant 4 : i32
      %mul3A_278 = arith.muli %mul3A_277, %scan3A_275 : i32
      %add3A_279 = arith.constant 0 : i32
      %add3A_280 = arith.addi %mul3A_278, %add3A_279 : i32
      %mul3A_281 = arith.constant 10240 : i32
      %mul3A_282 = arith.muli %add3A, %mul3A_281 : i32
      %mul3A_283 = arith.constant 128 : i32
      %mul3A_284 = arith.muli %add3A_280, %mul3A_283 : i32
      %add3A_285 = arith.addi %mul3A_282, %mul3A_284 : i32
      %mul3A_286 = arith.constant 3 : i32
      %mul3A_287 = arith.muli %add3A_285, %mul3A_286 : i32
      %dma_wait3A_288 = arith.constant 0 : i32
      %dma_wait3A_289 = tpu.memref_slice %arg13[%dma_wait3A_288] : memref<400xf32, #tpu.memory_space<vmem>> -> memref<384xf32, #tpu.memory_space<vmem>>
      %dma_wait3A_290 = tpu.memref_slice %arg5[%mul3A_287] : memref<983040xf32, #tpu.memory_space<hbm>> -> memref<384xf32, #tpu.memory_space<hbm>>
      %dma_wait3A_291 = arith.constant 0 : i32
      %dma_wait3A_292 = tpu.memref_slice %arg13[%dma_wait3A_291] : memref<400xf32, #tpu.memory_space<vmem>> -> memref<384xf32, #tpu.memory_space<vmem>>
      %dma_wait3A_293 = tpu.memref_slice %arg5[%mul3A_287] : memref<983040xf32, #tpu.memory_space<hbm>> -> memref<384xf32, #tpu.memory_space<hbm>>
      tpu.wait_dma2 semaphore(%arg20 : memref<!tpu.dma_semaphore, #tpu.memory_space<semaphore_mem>>) src(%dma_wait3A_293 : memref<384xf32, #tpu.memory_space<hbm>>) dst(%dma_wait3A_292 : memref<384xf32, #tpu.memory_space<vmem>>)
      %dma_wait3A_294 = arith.constant 0 : i32
      %dma_wait3A_295 = arith.constant 0 : i32
      %dma_wait3A_296 = tpu.memref_slice %arg9[%dma_wait3A_294, %dma_wait3A_295] : memref<4x128xi32, #tpu.memory_space<vmem>> -> memref<1x128xi32, #tpu.memory_space<vmem>>
      %dma_wait3A_297 = tpu.memref_squeeze %dma_wait3A_296 : memref<1x128xi32, #tpu.memory_space<vmem>> -> memref<128xi32, #tpu.memory_space<vmem>>
      %dma_wait3A_298 = arith.constant 0 : i32
      %dma_wait3A_299 = arith.constant 0 : i32
      %dma_wait3A_300 = tpu.memref_slice %arg2[%dma_wait3A_298, %dma_wait3A_299] : memref<10240x128xf32, #tpu.memory_space<hbm>> -> memref<10240x128xf32, #tpu.memory_space<hbm>>
      tpu.wait_indirect_dma semaphore(%arg20 : memref<!tpu.dma_semaphore, #tpu.memory_space<semaphore_mem>>) src(%dma_wait3A_300 : memref<10240x128xf32, #tpu.memory_space<hbm>>) dst(%arg11 : memref<128x128xf32, #tpu.memory_space<vmem>>)
      %scan3A_301 = arith.constant 0 : i32
      %scan3A_302 = arith.constant 0 : i32
      %scan3A_303 = arith.constant 64 : i32
      %scan3A_304 = arith.addi %scan3A_302, %scan3A_303 : i32
      %scan3A_305 = arith.constant 1 : i32
      %scan3A_306 = scf.for %scan3A_806 = %scan3A_302 to %scan3A_304 step %scan3A_305 iter_args(%scan3A_807 = %scan3A_301) -> (i32)  : i32 {
        %mul3A_808 = arith.constant 3 : i32
        %mul3A_809 = arith.muli %mul3A_808, %scan3A_806 : i32
        %get3A_810 = arith.index_cast %mul3A_809 : i32 to index
        %get3A_811 = tpu.vector_load %arg13[%get3A_810] {strides = array<i32>} : memref<400xf32, #tpu.memory_space<vmem>>, vector<16xf32>,
        %get3A_812 = vector.shape_cast %get3A_811 : vector<16xf32> to vector<16xf32>
        %slice3A = vector.extract_strided_slice %get3A_812 {offsets = [0], sizes = [1], strides = [1]} : vector<16xf32> to vector<1xf32>
        %squeeze3A = vector.extract %slice3A[0] : f32 from vector<1xf32>
        %slice3A_813 = vector.extract_strided_slice %get3A_812 {offsets = [1], sizes = [1], strides = [1]} : vector<16xf32> to vector<1xf32>
        %squeeze3A_814 = vector.extract %slice3A_813[0] : f32 from vector<1xf32>
        %slice3A_815 = vector.extract_strided_slice %get3A_812 {offsets = [2], sizes = [1], strides = [1]} : vector<16xf32> to vector<1xf32>
        %squeeze3A_816 = vector.extract %slice3A_815[0] : f32 from vector<1xf32>
        %get3A_817 = arith.index_cast %scan3A_806 : i32 to index
        %get3A_818 = arith.constant 0 : index
        %get3A_819 = tpu.vector_load %arg11[%get3A_817, %get3A_818] {strides = array<i32>} : memref<128x128xf32, #tpu.memory_space<vmem>>, vector<1x16xf32>,
        %get3A_820 = vector.shape_cast %get3A_819 : vector<1x16xf32> to vector<16xf32>
        %mul3A_821 = vector.broadcast %squeeze3A : f32 to vector<16xf32>
        %mul3A_822 = arith.mulf %mul3A_821, %get3A_177 : vector<16xf32>
        %add3A_823 = arith.addf %get3A_820, %mul3A_822 : vector<16xf32>
        %mul3A_824 = vector.broadcast %squeeze3A_814 : f32 to vector<16xf32>
        %mul3A_825 = arith.mulf %mul3A_824, %get3A_201 : vector<16xf32>
        %add3A_826 = arith.addf %add3A_823, %mul3A_825 : vector<16xf32>
        %mul3A_827 = vector.broadcast %squeeze3A_816 : f32 to vector<16xf32>
        %mul3A_828 = arith.mulf %mul3A_827, %get3A_225 : vector<16xf32>
        %add3A_829 = arith.addf %add3A_826, %mul3A_828 : vector<16xf32>
        %mul3A_830 = arith.constant 0.00999999977 : f32
        %mul3A_831 = vector.broadcast %mul3A_830 : f32 to vector<16xf32>
        %mul3A_832 = arith.mulf %mul3A_831, %add3A_829 : vector<16xf32>
        %max3A = arith.maximumf %add3A_829, %mul3A_832 : vector<16xf32>
        %swap3A_833 = arith.index_cast %scan3A_806 : i32 to index
        %swap3A_834 = arith.constant 0 : index
        %swap3A_835 = tpu.vector_load %arg11[%swap3A_833, %swap3A_834] {strides = array<i32>} : memref<128x128xf32, #tpu.memory_space<vmem>>, vector<1x16xf32>,
        %swap3A_836 = vector.shape_cast %swap3A_835 : vector<1x16xf32> to vector<16xf32>
        %swap3A_837 = vector.shape_cast %max3A : vector<16xf32> to vector<1x16xf32>
        tpu.vector_store %arg11[%swap3A_833, %swap3A_834], %swap3A_837 {strides = array<i32>} : memref<128x128xf32, #tpu.memory_space<vmem>>, vector<1x16xf32>,
        %get3A_838 = arith.index_cast %scan3A_806 : i32 to index
        %get3A_839 = arith.constant 16 : index
        %get3A_840 = tpu.vector_load %arg11[%get3A_838, %get3A_839] {strides = array<i32>} : memref<128x128xf32, #tpu.memory_space<vmem>>, vector<1x16xf32>,
        %get3A_841 = vector.shape_cast %get3A_840 : vector<1x16xf32> to vector<16xf32>
        %mul3A_842 = vector.broadcast %squeeze3A : f32 to vector<16xf32>
        %mul3A_843 = arith.mulf %mul3A_842, %get3A_180 : vector<16xf32>
        %add3A_844 = arith.addf %get3A_841, %mul3A_843 : vector<16xf32>
        %mul3A_845 = vector.broadcast %squeeze3A_814 : f32 to vector<16xf32>
        %mul3A_846 = arith.mulf %mul3A_845, %get3A_204 : vector<16xf32>
        %add3A_847 = arith.addf %add3A_844, %mul3A_846 : vector<16xf32>
        %mul3A_848 = vector.broadcast %squeeze3A_816 : f32 to vector<16xf32>
        %mul3A_849 = arith.mulf %mul3A_848, %get3A_228 : vector<16xf32>
        %add3A_850 = arith.addf %add3A_847, %mul3A_849 : vector<16xf32>
        %mul3A_851 = arith.constant 0.00999999977 : f32
        %mul3A_852 = vector.broadcast %mul3A_851 : f32 to vector<16xf32>
        %mul3A_853 = arith.mulf %mul3A_852, %add3A_850 : vector<16xf32>
        %max3A_854 = arith.maximumf %add3A_850, %mul3A_853 : vector<16xf32>
        %swap3A_855 = arith.index_cast %scan3A_806 : i32 to index
        %swap3A_856 = arith.constant 16 : index
        %swap3A_857 = tpu.vector_load %arg11[%swap3A_855, %swap3A_856] {strides = array<i32>} : memref<128x128xf32, #tpu.memory_space<vmem>>, vector<1x16xf32>,
        %swap3A_858 = vector.shape_cast %swap3A_857 : vector<1x16xf32> to vector<16xf32>
        %swap3A_859 = vector.shape_cast %max3A_854 : vector<16xf32> to vector<1x16xf32>
        tpu.vector_store %arg11[%swap3A_855, %swap3A_856], %swap3A_859 {strides = array<i32>} : memref<128x128xf32, #tpu.memory_space<vmem>>, vector<1x16xf32>,
        %get3A_860 = arith.index_cast %scan3A_806 : i32 to index
        %get3A_861 = arith.constant 32 : index
        %get3A_862 = tpu.vector_load %arg11[%get3A_860, %get3A_861] {strides = array<i32>} : memref<128x128xf32, #tpu.memory_space<vmem>>, vector<1x16xf32>,
        %get3A_863 = vector.shape_cast %get3A_862 : vector<1x16xf32> to vector<16xf32>
        %mul3A_864 = vector.broadcast %squeeze3A : f32 to vector<16xf32>
        %mul3A_865 = arith.mulf %mul3A_864, %get3A_183 : vector<16xf32>
        %add3A_866 = arith.addf %get3A_863, %mul3A_865 : vector<16xf32>
        %mul3A_867 = vector.broadcast %squeeze3A_814 : f32 to vector<16xf32>
        %mul3A_868 = arith.mulf %mul3A_867, %get3A_207 : vector<16xf32>
        %add3A_869 = arith.addf %add3A_866, %mul3A_868 : vector<16xf32>
        %mul3A_870 = vector.broadcast %squeeze3A_816 : f32 to vector<16xf32>
        %mul3A_871 = arith.mulf %mul3A_870, %get3A_231 : vector<16xf32>
        %add3A_872 = arith.addf %add3A_869, %mul3A_871 : vector<16xf32>
        %mul3A_873 = arith.constant 0.00999999977 : f32
        %mul3A_874 = vector.broadcast %mul3A_873 : f32 to vector<16xf32>
        %mul3A_875 = arith.mulf %mul3A_874, %add3A_872 : vector<16xf32>
        %max3A_876 = arith.maximumf %add3A_872, %mul3A_875 : vector<16xf32>
        %swap3A_877 = arith.index_cast %scan3A_806 : i32 to index
        %swap3A_878 = arith.constant 32 : index
        %swap3A_879 = tpu.vector_load %arg11[%swap3A_877, %swap3A_878] {strides = array<i32>} : memref<128x128xf32, #tpu.memory_space<vmem>>, vector<1x16xf32>,
        %swap3A_880 = vector.shape_cast %swap3A_879 : vector<1x16xf32> to vector<16xf32>
        %swap3A_881 = vector.shape_cast %max3A_876 : vector<16xf32> to vector<1x16xf32>
        tpu.vector_store %arg11[%swap3A_877, %swap3A_878], %swap3A_881 {strides = array<i32>} : memref<128x128xf32, #tpu.memory_space<vmem>>, vector<1x16xf32>,
        %get3A_882 = arith.index_cast %scan3A_806 : i32 to index
        %get3A_883 = arith.constant 48 : index
        %get3A_884 = tpu.vector_load %arg11[%get3A_882, %get3A_883] {strides = array<i32>} : memref<128x128xf32, #tpu.memory_space<vmem>>, vector<1x16xf32>,
        %get3A_885 = vector.shape_cast %get3A_884 : vector<1x16xf32> to vector<16xf32>
        %mul3A_886 = vector.broadcast %squeeze3A : f32 to vector<16xf32>
        %mul3A_887 = arith.mulf %mul3A_886, %get3A_186 : vector<16xf32>
        %add3A_888 = arith.addf %get3A_885, %mul3A_887 : vector<16xf32>
        %mul3A_889 = vector.broadcast %squeeze3A_814 : f32 to vector<16xf32>
        %mul3A_890 = arith.mulf %mul3A_889, %get3A_210 : vector<16xf32>
        %add3A_891 = arith.addf %add3A_888, %mul3A_890 : vector<16xf32>
        %mul3A_892 = vector.broadcast %squeeze3A_816 : f32 to vector<16xf32>
        %mul3A_893 = arith.mulf %mul3A_892, %get3A_234 : vector<16xf32>
        %add3A_894 = arith.addf %add3A_891, %mul3A_893 : vector<16xf32>
        %mul3A_895 = arith.constant 0.00999999977 : f32
        %mul3A_896 = vector.broadcast %mul3A_895 : f32 to vector<16xf32>
        %mul3A_897 = arith.mulf %mul3A_896, %add3A_894 : vector<16xf32>
        %max3A_898 = arith.maximumf %add3A_894, %mul3A_897 : vector<16xf32>
        %swap3A_899 = arith.index_cast %scan3A_806 : i32 to index
        %swap3A_900 = arith.constant 48 : index
        %swap3A_901 = tpu.vector_load %arg11[%swap3A_899, %swap3A_900] {strides = array<i32>} : memref<128x128xf32, #tpu.memory_space<vmem>>, vector<1x16xf32>,
        %swap3A_902 = vector.shape_cast %swap3A_901 : vector<1x16xf32> to vector<16xf32>
        %swap3A_903 = vector.shape_cast %max3A_898 : vector<16xf32> to vector<1x16xf32>
        tpu.vector_store %arg11[%swap3A_899, %swap3A_900], %swap3A_903 {strides = array<i32>} : memref<128x128xf32, #tpu.memory_space<vmem>>, vector<1x16xf32>,
        %get3A_904 = arith.index_cast %scan3A_806 : i32 to index
        %get3A_905 = arith.constant 64 : index
        %get3A_906 = tpu.vector_load %arg11[%get3A_904, %get3A_905] {strides = array<i32>} : memref<128x128xf32, #tpu.memory_space<vmem>>, vector<1x16xf32>,
        %get3A_907 = vector.shape_cast %get3A_906 : vector<1x16xf32> to vector<16xf32>
        %mul3A_908 = vector.broadcast %squeeze3A : f32 to vector<16xf32>
        %mul3A_909 = arith.mulf %mul3A_908, %get3A_189 : vector<16xf32>
        %add3A_910 = arith.addf %get3A_907, %mul3A_909 : vector<16xf32>
        %mul3A_911 = vector.broadcast %squeeze3A_814 : f32 to vector<16xf32>
        %mul3A_912 = arith.mulf %mul3A_911, %get3A_213 : vector<16xf32>
        %add3A_913 = arith.addf %add3A_910, %mul3A_912 : vector<16xf32>
        %mul3A_914 = vector.broadcast %squeeze3A_816 : f32 to vector<16xf32>
        %mul3A_915 = arith.mulf %mul3A_914, %get3A_237 : vector<16xf32>
        %add3A_916 = arith.addf %add3A_913, %mul3A_915 : vector<16xf32>
        %mul3A_917 = arith.constant 0.00999999977 : f32
        %mul3A_918 = vector.broadcast %mul3A_917 : f32 to vector<16xf32>
        %mul3A_919 = arith.mulf %mul3A_918, %add3A_916 : vector<16xf32>
        %max3A_920 = arith.maximumf %add3A_916, %mul3A_919 : vector<16xf32>
        %swap3A_921 = arith.index_cast %scan3A_806 : i32 to index
        %swap3A_922 = arith.constant 64 : index
        %swap3A_923 = tpu.vector_load %arg11[%swap3A_921, %swap3A_922] {strides = array<i32>} : memref<128x128xf32, #tpu.memory_space<vmem>>, vector<1x16xf32>,
        %swap3A_924 = vector.shape_cast %swap3A_923 : vector<1x16xf32> to vector<16xf32>
        %swap3A_925 = vector.shape_cast %max3A_920 : vector<16xf32> to vector<1x16xf32>
        tpu.vector_store %arg11[%swap3A_921, %swap3A_922], %swap3A_925 {strides = array<i32>} : memref<128x128xf32, #tpu.memory_space<vmem>>, vector<1x16xf32>,
        %get3A_926 = arith.index_cast %scan3A_806 : i32 to index
        %get3A_927 = arith.constant 80 : index
        %get3A_928 = tpu.vector_load %arg11[%get3A_926, %get3A_927] {strides = array<i32>} : memref<128x128xf32, #tpu.memory_space<vmem>>, vector<1x16xf32>,
        %get3A_929 = vector.shape_cast %get3A_928 : vector<1x16xf32> to vector<16xf32>
        %mul3A_930 = vector.broadcast %squeeze3A : f32 to vector<16xf32>
        %mul3A_931 = arith.mulf %mul3A_930, %get3A_192 : vector<16xf32>
        %add3A_932 = arith.addf %get3A_929, %mul3A_931 : vector<16xf32>
        %mul3A_933 = vector.broadcast %squeeze3A_814 : f32 to vector<16xf32>
        %mul3A_934 = arith.mulf %mul3A_933, %get3A_216 : vector<16xf32>
        %add3A_935 = arith.addf %add3A_932, %mul3A_934 : vector<16xf32>
        %mul3A_936 = vector.broadcast %squeeze3A_816 : f32 to vector<16xf32>
        %mul3A_937 = arith.mulf %mul3A_936, %get3A_240 : vector<16xf32>
        %add3A_938 = arith.addf %add3A_935, %mul3A_937 : vector<16xf32>
        %mul3A_939 = arith.constant 0.00999999977 : f32
        %mul3A_940 = vector.broadcast %mul3A_939 : f32 to vector<16xf32>
        %mul3A_941 = arith.mulf %mul3A_940, %add3A_938 : vector<16xf32>
        %max3A_942 = arith.maximumf %add3A_938, %mul3A_941 : vector<16xf32>
        %swap3A_943 = arith.index_cast %scan3A_806 : i32 to index
        %swap3A_944 = arith.constant 80 : index
        %swap3A_945 = tpu.vector_load %arg11[%swap3A_943, %swap3A_944] {strides = array<i32>} : memref<128x128xf32, #tpu.memory_space<vmem>>, vector<1x16xf32>,
        %swap3A_946 = vector.shape_cast %swap3A_945 : vector<1x16xf32> to vector<16xf32>
        %swap3A_947 = vector.shape_cast %max3A_942 : vector<16xf32> to vector<1x16xf32>
        tpu.vector_store %arg11[%swap3A_943, %swap3A_944], %swap3A_947 {strides = array<i32>} : memref<128x128xf32, #tpu.memory_space<vmem>>, vector<1x16xf32>,
        %get3A_948 = arith.index_cast %scan3A_806 : i32 to index
        %get3A_949 = arith.constant 96 : index
        %get3A_950 = tpu.vector_load %arg11[%get3A_948, %get3A_949] {strides = array<i32>} : memref<128x128xf32, #tpu.memory_space<vmem>>, vector<1x16xf32>,
        %get3A_951 = vector.shape_cast %get3A_950 : vector<1x16xf32> to vector<16xf32>
        %mul3A_952 = vector.broadcast %squeeze3A : f32 to vector<16xf32>
        %mul3A_953 = arith.mulf %mul3A_952, %get3A_195 : vector<16xf32>
        %add3A_954 = arith.addf %get3A_951, %mul3A_953 : vector<16xf32>
        %mul3A_955 = vector.broadcast %squeeze3A_814 : f32 to vector<16xf32>
        %mul3A_956 = arith.mulf %mul3A_955, %get3A_219 : vector<16xf32>
        %add3A_957 = arith.addf %add3A_954, %mul3A_956 : vector<16xf32>
        %mul3A_958 = vector.broadcast %squeeze3A_816 : f32 to vector<16xf32>
        %mul3A_959 = arith.mulf %mul3A_958, %get3A_243 : vector<16xf32>
        %add3A_960 = arith.addf %add3A_957, %mul3A_959 : vector<16xf32>
        %mul3A_961 = arith.constant 0.00999999977 : f32
        %mul3A_962 = vector.broadcast %mul3A_961 : f32 to vector<16xf32>
        %mul3A_963 = arith.mulf %mul3A_962, %add3A_960 : vector<16xf32>
        %max3A_964 = arith.maximumf %add3A_960, %mul3A_963 : vector<16xf32>
        %swap3A_965 = arith.index_cast %scan3A_806 : i32 to index
        %swap3A_966 = arith.constant 96 : index
        %swap3A_967 = tpu.vector_load %arg11[%swap3A_965, %swap3A_966] {strides = array<i32>} : memref<128x128xf32, #tpu.memory_space<vmem>>, vector<1x16xf32>,
        %swap3A_968 = vector.shape_cast %swap3A_967 : vector<1x16xf32> to vector<16xf32>
        %swap3A_969 = vector.shape_cast %max3A_964 : vector<16xf32> to vector<1x16xf32>
        tpu.vector_store %arg11[%swap3A_965, %swap3A_966], %swap3A_969 {strides = array<i32>} : memref<128x128xf32, #tpu.memory_space<vmem>>, vector<1x16xf32>,
        %get3A_970 = arith.index_cast %scan3A_806 : i32 to index
        %get3A_971 = arith.constant 112 : index
        %get3A_972 = tpu.vector_load %arg11[%get3A_970, %get3A_971] {strides = array<i32>} : memref<128x128xf32, #tpu.memory_space<vmem>>, vector<1x16xf32>,
        %get3A_973 = vector.shape_cast %get3A_972 : vector<1x16xf32> to vector<16xf32>
        %mul3A_974 = vector.broadcast %squeeze3A : f32 to vector<16xf32>
        %mul3A_975 = arith.mulf %mul3A_974, %get3A_198 : vector<16xf32>
        %add3A_976 = arith.addf %get3A_973, %mul3A_975 : vector<16xf32>
        %mul3A_977 = vector.broadcast %squeeze3A_814 : f32 to vector<16xf32>
        %mul3A_978 = arith.mulf %mul3A_977, %get3A_222 : vector<16xf32>
        %add3A_979 = arith.addf %add3A_976, %mul3A_978 : vector<16xf32>
        %mul3A_980 = vector.broadcast %squeeze3A_816 : f32 to vector<16xf32>
        %mul3A_981 = arith.mulf %mul3A_980, %get3A_246 : vector<16xf32>
        %add3A_982 = arith.addf %add3A_979, %mul3A_981 : vector<16xf32>
        %mul3A_983 = arith.constant 0.00999999977 : f32
        %mul3A_984 = vector.broadcast %mul3A_983 : f32 to vector<16xf32>
        %mul3A_985 = arith.mulf %mul3A_984, %add3A_982 : vector<16xf32>
        %max3A_986 = arith.maximumf %add3A_982, %mul3A_985 : vector<16xf32>
        %swap3A_987 = arith.index_cast %scan3A_806 : i32 to index
        %swap3A_988 = arith.constant 112 : index
        %swap3A_989 = tpu.vector_load %arg11[%swap3A_987, %swap3A_988] {strides = array<i32>} : memref<128x128xf32, #tpu.memory_space<vmem>>, vector<1x16xf32>,
        %swap3A_990 = vector.shape_cast %swap3A_989 : vector<1x16xf32> to vector<16xf32>
        %swap3A_991 = vector.shape_cast %max3A_986 : vector<16xf32> to vector<1x16xf32>
        tpu.vector_store %arg11[%swap3A_987, %swap3A_988], %swap3A_991 {strides = array<i32>} : memref<128x128xf32, #tpu.memory_space<vmem>>, vector<1x16xf32>,
        %scan3A_992 = arith.constant 0 : i32
        scf.yield %scan3A_992 : i32
      }
      %scan3A_307 = arith.constant 64 : i32
      %ge3A = arith.constant 1 : i32
      %ge3A_308 = arith.cmpi sge, %add3A_280, %ge3A : i32
      %convert_element_type3A = arith.extui %ge3A_308 : i1 to i32
      %cond3A = arith.constant 0 : i32
      %cond3A_309 = arith.cmpi ne, %convert_element_type3A, %cond3A : i32
      scf.if %cond3A_309 {
        %sub3A_806 = arith.constant 1 : i32
        %sub3A_807 = arith.subi %add3A_280, %sub3A_806 : i32
        %dma_wait3A_808 = arith.constant 3 : i32
        %dma_wait3A_809 = arith.constant 0 : i32
        %dma_wait3A_810 = tpu.memref_slice %arg10[%dma_wait3A_808, %dma_wait3A_809] : memref<4x128xi32, #tpu.memory_space<vmem>> -> memref<1x128xi32, #tpu.memory_space<vmem>>
        %dma_wait3A_811 = tpu.memref_squeeze %dma_wait3A_810 : memref<1x128xi32, #tpu.memory_space<vmem>> -> memref<128xi32, #tpu.memory_space<vmem>>
        %dma_wait3A_812 = arith.constant 0 : i32
        %dma_wait3A_813 = arith.constant 0 : i32
        %dma_wait3A_814 = tpu.memref_slice %arg18[%dma_wait3A_812, %dma_wait3A_813] : memref<10240x128xf32, #tpu.memory_space<vmem_shared>> -> memref<10240x128xf32, #tpu.memory_space<vmem_shared>>
        tpu.wait_indirect_dma semaphore(%arg23 : memref<!tpu.dma_semaphore, #tpu.memory_space<semaphore_mem>>) src(%arg12 : memref<128x128xf32, #tpu.memory_space<vmem>>) dst(%dma_wait3A_814 : memref<10240x128xf32, #tpu.memory_space<vmem_shared>>)
        %sub3A_815 = arith.constant 1 : i32
        %sub3A_816 = arith.subi %add3A_280, %sub3A_815 : i32
        %dma_wait3A_817 = arith.constant 3 : i32
        %dma_wait3A_818 = arith.constant 0 : i32
        %dma_wait3A_819 = tpu.memref_slice %arg10[%dma_wait3A_817, %dma_wait3A_818] : memref<4x128xi32, #tpu.memory_space<vmem>> -> memref<1x128xi32, #tpu.memory_space<vmem>>
        %dma_wait3A_820 = tpu.memref_squeeze %dma_wait3A_819 : memref<1x128xi32, #tpu.memory_space<vmem>> -> memref<128xi32, #tpu.memory_space<vmem>>
        %dma_wait3A_821 = arith.constant 0 : i32
        %dma_wait3A_822 = tpu.memref_slice %arg19[%dma_wait3A_821] : memref<10240xf32, #tpu.memory_space<vmem_shared>> -> memref<10240xf32, #tpu.memory_space<vmem_shared>>
        tpu.wait_indirect_dma semaphore(%arg23 : memref<!tpu.dma_semaphore, #tpu.memory_space<semaphore_mem>>) src(%arg17 : memref<128xf32, #tpu.memory_space<vmem>>) dst(%dma_wait3A_822 : memref<10240xf32, #tpu.memory_space<vmem_shared>>)
      } else {
      }
      %add3A_310 = arith.constant 1 : i32
      %add3A_311 = arith.addi %add3A_280, %add3A_310 : i32
      %mul3A_312 = arith.constant 80 : i32
      %mul3A_313 = arith.muli %add3A, %mul3A_312 : i32
      %add3A_314 = arith.addi %mul3A_313, %add3A_311 : i32
      %dma_wait3A_315 = arith.constant 1 : i32
      %dma_wait3A_316 = arith.constant 0 : i32
      %dma_wait3A_317 = tpu.memref_slice %arg9[%dma_wait3A_315, %dma_wait3A_316] : memref<4x128xi32, #tpu.memory_space<vmem>> -> memref<1x128xi32, #tpu.memory_space<vmem>>
      %dma_wait3A_318 = tpu.memref_squeeze %dma_wait3A_317 : memref<1x128xi32, #tpu.memory_space<vmem>> -> memref<128xi32, #tpu.memory_space<vmem>>
      %dma_wait3A_319 = arith.constant 0 : i32
      %dma_wait3A_320 = tpu.memref_slice %arg3[%add3A_314, %dma_wait3A_319] : memref<2560x128xi32, #tpu.memory_space<hbm>> -> memref<1x128xi32, #tpu.memory_space<hbm>>
      %dma_wait3A_321 = tpu.memref_squeeze %dma_wait3A_320 : memref<1x128xi32, #tpu.memory_space<hbm>> -> memref<128xi32, #tpu.memory_space<hbm>>
      %dma_wait3A_322 = arith.constant 0 : i32
      %dma_wait3A_323 = tpu.memref_slice %arg9[%dma_wait3A_315, %dma_wait3A_322] : memref<4x128xi32, #tpu.memory_space<vmem>> -> memref<1x128xi32, #tpu.memory_space<vmem>>
      %dma_wait3A_324 = tpu.memref_squeeze %dma_wait3A_323 : memref<1x128xi32, #tpu.memory_space<vmem>> -> memref<128xi32, #tpu.memory_space<vmem>>
      %dma_wait3A_325 = arith.constant 0 : i32
      %dma_wait3A_326 = tpu.memref_slice %arg3[%add3A_314, %dma_wait3A_325] : memref<2560x128xi32, #tpu.memory_space<hbm>> -> memref<1x128xi32, #tpu.memory_space<hbm>>
      %dma_wait3A_327 = tpu.memref_squeeze %dma_wait3A_326 : memref<1x128xi32, #tpu.memory_space<hbm>> -> memref<128xi32, #tpu.memory_space<hbm>>
      tpu.wait_dma2 semaphore(%arg25 : memref<!tpu.dma_semaphore, #tpu.memory_space<semaphore_mem>>) src(%dma_wait3A_327 : memref<128xi32, #tpu.memory_space<hbm>>) dst(%dma_wait3A_324 : memref<128xi32, #tpu.memory_space<vmem>>)
      %add3A_328 = arith.constant 1 : i32
      %add3A_329 = arith.addi %add3A_280, %add3A_328 : i32
      %mul3A_330 = arith.constant 80 : i32
      %mul3A_331 = arith.muli %add3A, %mul3A_330 : i32
      %add3A_332 = arith.addi %mul3A_331, %add3A_329 : i32
      %dma_wait3A_333 = arith.constant 1 : i32
      %dma_wait3A_334 = arith.constant 0 : i32
      %dma_wait3A_335 = tpu.memref_slice %arg10[%dma_wait3A_333, %dma_wait3A_334] : memref<4x128xi32, #tpu.memory_space<vmem>> -> memref<1x128xi32, #tpu.memory_space<vmem>>
      %dma_wait3A_336 = tpu.memref_squeeze %dma_wait3A_335 : memref<1x128xi32, #tpu.memory_space<vmem>> -> memref<128xi32, #tpu.memory_space<vmem>>
      %dma_wait3A_337 = arith.constant 0 : i32
      %dma_wait3A_338 = tpu.memref_slice %arg4[%add3A_332, %dma_wait3A_337] : memref<2560x128xi32, #tpu.memory_space<hbm>> -> memref<1x128xi32, #tpu.memory_space<hbm>>
      %dma_wait3A_339 = tpu.memref_squeeze %dma_wait3A_338 : memref<1x128xi32, #tpu.memory_space<hbm>> -> memref<128xi32, #tpu.memory_space<hbm>>
      %dma_wait3A_340 = arith.constant 0 : i32
      %dma_wait3A_341 = tpu.memref_slice %arg10[%dma_wait3A_333, %dma_wait3A_340] : memref<4x128xi32, #tpu.memory_space<vmem>> -> memref<1x128xi32, #tpu.memory_space<vmem>>
      %dma_wait3A_342 = tpu.memref_squeeze %dma_wait3A_341 : memref<1x128xi32, #tpu.memory_space<vmem>> -> memref<128xi32, #tpu.memory_space<vmem>>
      %dma_wait3A_343 = arith.constant 0 : i32
      %dma_wait3A_344 = tpu.memref_slice %arg4[%add3A_332, %dma_wait3A_343] : memref<2560x128xi32, #tpu.memory_space<hbm>> -> memref<1x128xi32, #tpu.memory_space<hbm>>
      %dma_wait3A_345 = tpu.memref_squeeze %dma_wait3A_344 : memref<1x128xi32, #tpu.memory_space<hbm>> -> memref<128xi32, #tpu.memory_space<hbm>>
      tpu.wait_dma2 semaphore(%arg25 : memref<!tpu.dma_semaphore, #tpu.memory_space<semaphore_mem>>) src(%dma_wait3A_345 : memref<128xi32, #tpu.memory_space<hbm>>) dst(%dma_wait3A_342 : memref<128xi32, #tpu.memory_space<vmem>>)
      %add3A_346 = arith.constant 1 : i32
      %add3A_347 = arith.addi %add3A_280, %add3A_346 : i32
      %mul3A_348 = arith.constant 10240 : i32
      %mul3A_349 = arith.muli %add3A, %mul3A_348 : i32
      %mul3A_350 = arith.constant 128 : i32
      %mul3A_351 = arith.muli %add3A_347, %mul3A_350 : i32
      %add3A_352 = arith.addi %mul3A_349, %mul3A_351 : i32
      %mul3A_353 = arith.constant 3 : i32
      %mul3A_354 = arith.muli %add3A_352, %mul3A_353 : i32
      %dma_start3A_355 = arith.constant 0 : i32
      %dma_start3A_356 = tpu.memref_slice %arg14[%dma_start3A_355] : memref<400xf32, #tpu.memory_space<vmem>> -> memref<384xf32, #tpu.memory_space<vmem>>
      %dma_start3A_357 = tpu.memref_slice %arg5[%mul3A_354] : memref<983040xf32, #tpu.memory_space<hbm>> -> memref<384xf32, #tpu.memory_space<hbm>>
      %dma_start3A_358 = arith.constant 0 : i32
      %dma_start3A_359 = tpu.memref_slice %arg14[%dma_start3A_358] : memref<400xf32, #tpu.memory_space<vmem>> -> memref<384xf32, #tpu.memory_space<vmem>>
      %dma_start3A_360 = tpu.memref_slice %arg5[%mul3A_354] : memref<983040xf32, #tpu.memory_space<hbm>> -> memref<384xf32, #tpu.memory_space<hbm>>
      tpu.enqueue_dma source(%dma_start3A_360 : memref<384xf32, #tpu.memory_space<hbm>>) target(%dma_start3A_359 : memref<384xf32, #tpu.memory_space<vmem>>) target_semaphore(%arg21 : memref<!tpu.dma_semaphore, #tpu.memory_space<semaphore_mem>>)
      %add3A_361 = arith.constant 1 : i32
      %add3A_362 = arith.addi %add3A_280, %add3A_361 : i32
      %dma_start3A_363 = arith.constant 1 : i32
      %dma_start3A_364 = arith.constant 0 : i32
      %dma_start3A_365 = tpu.memref_slice %arg9[%dma_start3A_363, %dma_start3A_364] : memref<4x128xi32, #tpu.memory_space<vmem>> -> memref<1x128xi32, #tpu.memory_space<vmem>>
      %dma_start3A_366 = tpu.memref_squeeze %dma_start3A_365 : memref<1x128xi32, #tpu.memory_space<vmem>> -> memref<128xi32, #tpu.memory_space<vmem>>
      %dma_start3A_367 = arith.constant 0 : i32
      %dma_start3A_368 = arith.constant 0 : i32
      %dma_start3A_369 = tpu.memref_slice %arg2[%dma_start3A_367, %dma_start3A_368] : memref<10240x128xf32, #tpu.memory_space<hbm>> -> memref<10240x128xf32, #tpu.memory_space<hbm>>
      tpu.enqueue_indirect_dma source(%dma_start3A_369 : memref<10240x128xf32, #tpu.memory_space<hbm>>) target(%arg12 : memref<128x128xf32, #tpu.memory_space<vmem>>) offsets(%dma_start3A_366 : memref<128xi32, #tpu.memory_space<vmem>>) semaphore(%arg21 : memref<!tpu.dma_semaphore, #tpu.memory_space<semaphore_mem>>)
      %add3A_370 = arith.constant 2 : i32
      %add3A_371 = arith.addi %add3A_280, %add3A_370 : i32
      %mul3A_372 = arith.constant 80 : i32
      %mul3A_373 = arith.muli %add3A, %mul3A_372 : i32
      %add3A_374 = arith.addi %mul3A_373, %add3A_371 : i32
      %dma_start3A_375 = arith.constant 2 : i32
      %dma_start3A_376 = arith.constant 0 : i32
      %dma_start3A_377 = tpu.memref_slice %arg9[%dma_start3A_375, %dma_start3A_376] : memref<4x128xi32, #tpu.memory_space<vmem>> -> memref<1x128xi32, #tpu.memory_space<vmem>>
      %dma_start3A_378 = tpu.memref_squeeze %dma_start3A_377 : memref<1x128xi32, #tpu.memory_space<vmem>> -> memref<128xi32, #tpu.memory_space<vmem>>
      %dma_start3A_379 = arith.constant 0 : i32
      %dma_start3A_380 = tpu.memref_slice %arg3[%add3A_374, %dma_start3A_379] : memref<2560x128xi32, #tpu.memory_space<hbm>> -> memref<1x128xi32, #tpu.memory_space<hbm>>
      %dma_start3A_381 = tpu.memref_squeeze %dma_start3A_380 : memref<1x128xi32, #tpu.memory_space<hbm>> -> memref<128xi32, #tpu.memory_space<hbm>>
      %dma_start3A_382 = arith.constant 0 : i32
      %dma_start3A_383 = tpu.memref_slice %arg9[%dma_start3A_375, %dma_start3A_382] : memref<4x128xi32, #tpu.memory_space<vmem>> -> memref<1x128xi32, #tpu.memory_space<vmem>>
      %dma_start3A_384 = tpu.memref_squeeze %dma_start3A_383 : memref<1x128xi32, #tpu.memory_space<vmem>> -> memref<128xi32, #tpu.memory_space<vmem>>
      %dma_start3A_385 = arith.constant 0 : i32
      %dma_start3A_386 = tpu.memref_slice %arg3[%add3A_374, %dma_start3A_385] : memref<2560x128xi32, #tpu.memory_space<hbm>> -> memref<1x128xi32, #tpu.memory_space<hbm>>
      %dma_start3A_387 = tpu.memref_squeeze %dma_start3A_386 : memref<1x128xi32, #tpu.memory_space<hbm>> -> memref<128xi32, #tpu.memory_space<hbm>>
      tpu.enqueue_dma source(%dma_start3A_387 : memref<128xi32, #tpu.memory_space<hbm>>) target(%dma_start3A_384 : memref<128xi32, #tpu.memory_space<vmem>>) target_semaphore(%arg26 : memref<!tpu.dma_semaphore, #tpu.memory_space<semaphore_mem>>)
      %add3A_388 = arith.constant 2 : i32
      %add3A_389 = arith.addi %add3A_280, %add3A_388 : i32
      %mul3A_390 = arith.constant 80 : i32
      %mul3A_391 = arith.muli %add3A, %mul3A_390 : i32
      %add3A_392 = arith.addi %mul3A_391, %add3A_389 : i32
      %dma_start3A_393 = arith.constant 2 : i32
      %dma_start3A_394 = arith.constant 0 : i32
      %dma_start3A_395 = tpu.memref_slice %arg10[%dma_start3A_393, %dma_start3A_394] : memref<4x128xi32, #tpu.memory_space<vmem>> -> memref<1x128xi32, #tpu.memory_space<vmem>>
      %dma_start3A_396 = tpu.memref_squeeze %dma_start3A_395 : memref<1x128xi32, #tpu.memory_space<vmem>> -> memref<128xi32, #tpu.memory_space<vmem>>
      %dma_start3A_397 = arith.constant 0 : i32
      %dma_start3A_398 = tpu.memref_slice %arg4[%add3A_392, %dma_start3A_397] : memref<2560x128xi32, #tpu.memory_space<hbm>> -> memref<1x128xi32, #tpu.memory_space<hbm>>
      %dma_start3A_399 = tpu.memref_squeeze %dma_start3A_398 : memref<1x128xi32, #tpu.memory_space<hbm>> -> memref<128xi32, #tpu.memory_space<hbm>>
      %dma_start3A_400 = arith.constant 0 : i32
      %dma_start3A_401 = tpu.memref_slice %arg10[%dma_start3A_393, %dma_start3A_400] : memref<4x128xi32, #tpu.memory_space<vmem>> -> memref<1x128xi32, #tpu.memory_space<vmem>>
      %dma_start3A_402 = tpu.memref_squeeze %dma_start3A_401 : memref<1x128xi32, #tpu.memory_space<vmem>> -> memref<128xi32, #tpu.memory_space<vmem>>
      %dma_start3A_403 = arith.constant 0 : i32
      %dma_start3A_404 = tpu.memref_slice %arg4[%add3A_392, %dma_start3A_403] : memref<2560x128xi32, #tpu.memory_space<hbm>> -> memref<1x128xi32, #tpu.memory_space<hbm>>
      %dma_start3A_405 = tpu.memref_squeeze %dma_start3A_404 : memref<1x128xi32, #tpu.memory_space<hbm>> -> memref<128xi32, #tpu.memory_space<hbm>>
      tpu.enqueue_dma source(%dma_start3A_405 : memref<128xi32, #tpu.memory_space<hbm>>) target(%dma_start3A_402 : memref<128xi32, #tpu.memory_space<vmem>>) target_semaphore(%arg26 : memref<!tpu.dma_semaphore, #tpu.memory_space<semaphore_mem>>)
      %scan3A_406 = arith.constant 0 : i32
      %scan3A_407 = arith.constant 64 : i32
      %scan3A_408 = arith.constant 64 : i32
      %scan3A_409 = arith.addi %scan3A_407, %scan3A_408 : i32
      %scan3A_410 = arith.constant 1 : i32
      %scan3A_411 = scf.for %scan3A_806 = %scan3A_407 to %scan3A_409 step %scan3A_410 iter_args(%scan3A_807 = %scan3A_406) -> (i32)  : i32 {
        %mul3A_808 = arith.constant 3 : i32
        %mul3A_809 = arith.muli %mul3A_808, %scan3A_806 : i32
        %get3A_810 = arith.index_cast %mul3A_809 : i32 to index
        %get3A_811 = tpu.vector_load %arg13[%get3A_810] {strides = array<i32>} : memref<400xf32, #tpu.memory_space<vmem>>, vector<16xf32>,
        %get3A_812 = vector.shape_cast %get3A_811 : vector<16xf32> to vector<16xf32>
        %slice3A = vector.extract_strided_slice %get3A_812 {offsets = [0], sizes = [1], strides = [1]} : vector<16xf32> to vector<1xf32>
        %squeeze3A = vector.extract %slice3A[0] : f32 from vector<1xf32>
        %slice3A_813 = vector.extract_strided_slice %get3A_812 {offsets = [1], sizes = [1], strides = [1]} : vector<16xf32> to vector<1xf32>
        %squeeze3A_814 = vector.extract %slice3A_813[0] : f32 from vector<1xf32>
        %slice3A_815 = vector.extract_strided_slice %get3A_812 {offsets = [2], sizes = [1], strides = [1]} : vector<16xf32> to vector<1xf32>
        %squeeze3A_816 = vector.extract %slice3A_815[0] : f32 from vector<1xf32>
        %get3A_817 = arith.index_cast %scan3A_806 : i32 to index
        %get3A_818 = arith.constant 0 : index
        %get3A_819 = tpu.vector_load %arg11[%get3A_817, %get3A_818] {strides = array<i32>} : memref<128x128xf32, #tpu.memory_space<vmem>>, vector<1x16xf32>,
        %get3A_820 = vector.shape_cast %get3A_819 : vector<1x16xf32> to vector<16xf32>
        %mul3A_821 = vector.broadcast %squeeze3A : f32 to vector<16xf32>
        %mul3A_822 = arith.mulf %mul3A_821, %get3A_177 : vector<16xf32>
        %add3A_823 = arith.addf %get3A_820, %mul3A_822 : vector<16xf32>
        %mul3A_824 = vector.broadcast %squeeze3A_814 : f32 to vector<16xf32>
        %mul3A_825 = arith.mulf %mul3A_824, %get3A_201 : vector<16xf32>
        %add3A_826 = arith.addf %add3A_823, %mul3A_825 : vector<16xf32>
        %mul3A_827 = vector.broadcast %squeeze3A_816 : f32 to vector<16xf32>
        %mul3A_828 = arith.mulf %mul3A_827, %get3A_225 : vector<16xf32>
        %add3A_829 = arith.addf %add3A_826, %mul3A_828 : vector<16xf32>
        %mul3A_830 = arith.constant 0.00999999977 : f32
        %mul3A_831 = vector.broadcast %mul3A_830 : f32 to vector<16xf32>
        %mul3A_832 = arith.mulf %mul3A_831, %add3A_829 : vector<16xf32>
        %max3A = arith.maximumf %add3A_829, %mul3A_832 : vector<16xf32>
        %swap3A_833 = arith.index_cast %scan3A_806 : i32 to index
        %swap3A_834 = arith.constant 0 : index
        %swap3A_835 = tpu.vector_load %arg11[%swap3A_833, %swap3A_834] {strides = array<i32>} : memref<128x128xf32, #tpu.memory_space<vmem>>, vector<1x16xf32>,
        %swap3A_836 = vector.shape_cast %swap3A_835 : vector<1x16xf32> to vector<16xf32>
        %swap3A_837 = vector.shape_cast %max3A : vector<16xf32> to vector<1x16xf32>
        tpu.vector_store %arg11[%swap3A_833, %swap3A_834], %swap3A_837 {strides = array<i32>} : memref<128x128xf32, #tpu.memory_space<vmem>>, vector<1x16xf32>,
        %get3A_838 = arith.index_cast %scan3A_806 : i32 to index
        %get3A_839 = arith.constant 16 : index
        %get3A_840 = tpu.vector_load %arg11[%get3A_838, %get3A_839] {strides = array<i32>} : memref<128x128xf32, #tpu.memory_space<vmem>>, vector<1x16xf32>,
        %get3A_841 = vector.shape_cast %get3A_840 : vector<1x16xf32> to vector<16xf32>
        %mul3A_842 = vector.broadcast %squeeze3A : f32 to vector<16xf32>
        %mul3A_843 = arith.mulf %mul3A_842, %get3A_180 : vector<16xf32>
        %add3A_844 = arith.addf %get3A_841, %mul3A_843 : vector<16xf32>
        %mul3A_845 = vector.broadcast %squeeze3A_814 : f32 to vector<16xf32>
        %mul3A_846 = arith.mulf %mul3A_845, %get3A_204 : vector<16xf32>
        %add3A_847 = arith.addf %add3A_844, %mul3A_846 : vector<16xf32>
        %mul3A_848 = vector.broadcast %squeeze3A_816 : f32 to vector<16xf32>
        %mul3A_849 = arith.mulf %mul3A_848, %get3A_228 : vector<16xf32>
        %add3A_850 = arith.addf %add3A_847, %mul3A_849 : vector<16xf32>
        %mul3A_851 = arith.constant 0.00999999977 : f32
        %mul3A_852 = vector.broadcast %mul3A_851 : f32 to vector<16xf32>
        %mul3A_853 = arith.mulf %mul3A_852, %add3A_850 : vector<16xf32>
        %max3A_854 = arith.maximumf %add3A_850, %mul3A_853 : vector<16xf32>
        %swap3A_855 = arith.index_cast %scan3A_806 : i32 to index
        %swap3A_856 = arith.constant 16 : index
        %swap3A_857 = tpu.vector_load %arg11[%swap3A_855, %swap3A_856] {strides = array<i32>} : memref<128x128xf32, #tpu.memory_space<vmem>>, vector<1x16xf32>,
        %swap3A_858 = vector.shape_cast %swap3A_857 : vector<1x16xf32> to vector<16xf32>
        %swap3A_859 = vector.shape_cast %max3A_854 : vector<16xf32> to vector<1x16xf32>
        tpu.vector_store %arg11[%swap3A_855, %swap3A_856], %swap3A_859 {strides = array<i32>} : memref<128x128xf32, #tpu.memory_space<vmem>>, vector<1x16xf32>,
        %get3A_860 = arith.index_cast %scan3A_806 : i32 to index
        %get3A_861 = arith.constant 32 : index
        %get3A_862 = tpu.vector_load %arg11[%get3A_860, %get3A_861] {strides = array<i32>} : memref<128x128xf32, #tpu.memory_space<vmem>>, vector<1x16xf32>,
        %get3A_863 = vector.shape_cast %get3A_862 : vector<1x16xf32> to vector<16xf32>
        %mul3A_864 = vector.broadcast %squeeze3A : f32 to vector<16xf32>
        %mul3A_865 = arith.mulf %mul3A_864, %get3A_183 : vector<16xf32>
        %add3A_866 = arith.addf %get3A_863, %mul3A_865 : vector<16xf32>
        %mul3A_867 = vector.broadcast %squeeze3A_814 : f32 to vector<16xf32>
        %mul3A_868 = arith.mulf %mul3A_867, %get3A_207 : vector<16xf32>
        %add3A_869 = arith.addf %add3A_866, %mul3A_868 : vector<16xf32>
        %mul3A_870 = vector.broadcast %squeeze3A_816 : f32 to vector<16xf32>
        %mul3A_871 = arith.mulf %mul3A_870, %get3A_231 : vector<16xf32>
        %add3A_872 = arith.addf %add3A_869, %mul3A_871 : vector<16xf32>
        %mul3A_873 = arith.constant 0.00999999977 : f32
        %mul3A_874 = vector.broadcast %mul3A_873 : f32 to vector<16xf32>
        %mul3A_875 = arith.mulf %mul3A_874, %add3A_872 : vector<16xf32>
        %max3A_876 = arith.maximumf %add3A_872, %mul3A_875 : vector<16xf32>
        %swap3A_877 = arith.index_cast %scan3A_806 : i32 to index
        %swap3A_878 = arith.constant 32 : index
        %swap3A_879 = tpu.vector_load %arg11[%swap3A_877, %swap3A_878] {strides = array<i32>} : memref<128x128xf32, #tpu.memory_space<vmem>>, vector<1x16xf32>,
        %swap3A_880 = vector.shape_cast %swap3A_879 : vector<1x16xf32> to vector<16xf32>
        %swap3A_881 = vector.shape_cast %max3A_876 : vector<16xf32> to vector<1x16xf32>
        tpu.vector_store %arg11[%swap3A_877, %swap3A_878], %swap3A_881 {strides = array<i32>} : memref<128x128xf32, #tpu.memory_space<vmem>>, vector<1x16xf32>,
        %get3A_882 = arith.index_cast %scan3A_806 : i32 to index
        %get3A_883 = arith.constant 48 : index
        %get3A_884 = tpu.vector_load %arg11[%get3A_882, %get3A_883] {strides = array<i32>} : memref<128x128xf32, #tpu.memory_space<vmem>>, vector<1x16xf32>,
        %get3A_885 = vector.shape_cast %get3A_884 : vector<1x16xf32> to vector<16xf32>
        %mul3A_886 = vector.broadcast %squeeze3A : f32 to vector<16xf32>
        %mul3A_887 = arith.mulf %mul3A_886, %get3A_186 : vector<16xf32>
        %add3A_888 = arith.addf %get3A_885, %mul3A_887 : vector<16xf32>
        %mul3A_889 = vector.broadcast %squeeze3A_814 : f32 to vector<16xf32>
        %mul3A_890 = arith.mulf %mul3A_889, %get3A_210 : vector<16xf32>
        %add3A_891 = arith.addf %add3A_888, %mul3A_890 : vector<16xf32>
        %mul3A_892 = vector.broadcast %squeeze3A_816 : f32 to vector<16xf32>
        %mul3A_893 = arith.mulf %mul3A_892, %get3A_234 : vector<16xf32>
        %add3A_894 = arith.addf %add3A_891, %mul3A_893 : vector<16xf32>
        %mul3A_895 = arith.constant 0.00999999977 : f32
        %mul3A_896 = vector.broadcast %mul3A_895 : f32 to vector<16xf32>
        %mul3A_897 = arith.mulf %mul3A_896, %add3A_894 : vector<16xf32>
        %max3A_898 = arith.maximumf %add3A_894, %mul3A_897 : vector<16xf32>
        %swap3A_899 = arith.index_cast %scan3A_806 : i32 to index
        %swap3A_900 = arith.constant 48 : index
        %swap3A_901 = tpu.vector_load %arg11[%swap3A_899, %swap3A_900] {strides = array<i32>} : memref<128x128xf32, #tpu.memory_space<vmem>>, vector<1x16xf32>,
        %swap3A_902 = vector.shape_cast %swap3A_901 : vector<1x16xf32> to vector<16xf32>
        %swap3A_903 = vector.shape_cast %max3A_898 : vector<16xf32> to vector<1x16xf32>
        tpu.vector_store %arg11[%swap3A_899, %swap3A_900], %swap3A_903 {strides = array<i32>} : memref<128x128xf32, #tpu.memory_space<vmem>>, vector<1x16xf32>,
        %get3A_904 = arith.index_cast %scan3A_806 : i32 to index
        %get3A_905 = arith.constant 64 : index
        %get3A_906 = tpu.vector_load %arg11[%get3A_904, %get3A_905] {strides = array<i32>} : memref<128x128xf32, #tpu.memory_space<vmem>>, vector<1x16xf32>,
        %get3A_907 = vector.shape_cast %get3A_906 : vector<1x16xf32> to vector<16xf32>
        %mul3A_908 = vector.broadcast %squeeze3A : f32 to vector<16xf32>
        %mul3A_909 = arith.mulf %mul3A_908, %get3A_189 : vector<16xf32>
        %add3A_910 = arith.addf %get3A_907, %mul3A_909 : vector<16xf32>
        %mul3A_911 = vector.broadcast %squeeze3A_814 : f32 to vector<16xf32>
        %mul3A_912 = arith.mulf %mul3A_911, %get3A_213 : vector<16xf32>
        %add3A_913 = arith.addf %add3A_910, %mul3A_912 : vector<16xf32>
        %mul3A_914 = vector.broadcast %squeeze3A_816 : f32 to vector<16xf32>
        %mul3A_915 = arith.mulf %mul3A_914, %get3A_237 : vector<16xf32>
        %add3A_916 = arith.addf %add3A_913, %mul3A_915 : vector<16xf32>
        %mul3A_917 = arith.constant 0.00999999977 : f32
        %mul3A_918 = vector.broadcast %mul3A_917 : f32 to vector<16xf32>
        %mul3A_919 = arith.mulf %mul3A_918, %add3A_916 : vector<16xf32>
        %max3A_920 = arith.maximumf %add3A_916, %mul3A_919 : vector<16xf32>
        %swap3A_921 = arith.index_cast %scan3A_806 : i32 to index
        %swap3A_922 = arith.constant 64 : index
        %swap3A_923 = tpu.vector_load %arg11[%swap3A_921, %swap3A_922] {strides = array<i32>} : memref<128x128xf32, #tpu.memory_space<vmem>>, vector<1x16xf32>,
        %swap3A_924 = vector.shape_cast %swap3A_923 : vector<1x16xf32> to vector<16xf32>
        %swap3A_925 = vector.shape_cast %max3A_920 : vector<16xf32> to vector<1x16xf32>
        tpu.vector_store %arg11[%swap3A_921, %swap3A_922], %swap3A_925 {strides = array<i32>} : memref<128x128xf32, #tpu.memory_space<vmem>>, vector<1x16xf32>,
        %get3A_926 = arith.index_cast %scan3A_806 : i32 to index
        %get3A_927 = arith.constant 80 : index
        %get3A_928 = tpu.vector_load %arg11[%get3A_926, %get3A_927] {strides = array<i32>} : memref<128x128xf32, #tpu.memory_space<vmem>>, vector<1x16xf32>,
        %get3A_929 = vector.shape_cast %get3A_928 : vector<1x16xf32> to vector<16xf32>
        %mul3A_930 = vector.broadcast %squeeze3A : f32 to vector<16xf32>
        %mul3A_931 = arith.mulf %mul3A_930, %get3A_192 : vector<16xf32>
        %add3A_932 = arith.addf %get3A_929, %mul3A_931 : vector<16xf32>
        %mul3A_933 = vector.broadcast %squeeze3A_814 : f32 to vector<16xf32>
        %mul3A_934 = arith.mulf %mul3A_933, %get3A_216 : vector<16xf32>
        %add3A_935 = arith.addf %add3A_932, %mul3A_934 : vector<16xf32>
        %mul3A_936 = vector.broadcast %squeeze3A_816 : f32 to vector<16xf32>
        %mul3A_937 = arith.mulf %mul3A_936, %get3A_240 : vector<16xf32>
        %add3A_938 = arith.addf %add3A_935, %mul3A_937 : vector<16xf32>
        %mul3A_939 = arith.constant 0.00999999977 : f32
        %mul3A_940 = vector.broadcast %mul3A_939 : f32 to vector<16xf32>
        %mul3A_941 = arith.mulf %mul3A_940, %add3A_938 : vector<16xf32>
        %max3A_942 = arith.maximumf %add3A_938, %mul3A_941 : vector<16xf32>
        %swap3A_943 = arith.index_cast %scan3A_806 : i32 to index
        %swap3A_944 = arith.constant 80 : index
        %swap3A_945 = tpu.vector_load %arg11[%swap3A_943, %swap3A_944] {strides = array<i32>} : memref<128x128xf32, #tpu.memory_space<vmem>>, vector<1x16xf32>,
        %swap3A_946 = vector.shape_cast %swap3A_945 : vector<1x16xf32> to vector<16xf32>
        %swap3A_947 = vector.shape_cast %max3A_942 : vector<16xf32> to vector<1x16xf32>
        tpu.vector_store %arg11[%swap3A_943, %swap3A_944], %swap3A_947 {strides = array<i32>} : memref<128x128xf32, #tpu.memory_space<vmem>>, vector<1x16xf32>,
        %get3A_948 = arith.index_cast %scan3A_806 : i32 to index
        %get3A_949 = arith.constant 96 : index
        %get3A_950 = tpu.vector_load %arg11[%get3A_948, %get3A_949] {strides = array<i32>} : memref<128x128xf32, #tpu.memory_space<vmem>>, vector<1x16xf32>,
        %get3A_951 = vector.shape_cast %get3A_950 : vector<1x16xf32> to vector<16xf32>
        %mul3A_952 = vector.broadcast %squeeze3A : f32 to vector<16xf32>
        %mul3A_953 = arith.mulf %mul3A_952, %get3A_195 : vector<16xf32>
        %add3A_954 = arith.addf %get3A_951, %mul3A_953 : vector<16xf32>
        %mul3A_955 = vector.broadcast %squeeze3A_814 : f32 to vector<16xf32>
        %mul3A_956 = arith.mulf %mul3A_955, %get3A_219 : vector<16xf32>
        %add3A_957 = arith.addf %add3A_954, %mul3A_956 : vector<16xf32>
        %mul3A_958 = vector.broadcast %squeeze3A_816 : f32 to vector<16xf32>
        %mul3A_959 = arith.mulf %mul3A_958, %get3A_243 : vector<16xf32>
        %add3A_960 = arith.addf %add3A_957, %mul3A_959 : vector<16xf32>
        %mul3A_961 = arith.constant 0.00999999977 : f32
        %mul3A_962 = vector.broadcast %mul3A_961 : f32 to vector<16xf32>
        %mul3A_963 = arith.mulf %mul3A_962, %add3A_960 : vector<16xf32>
        %max3A_964 = arith.maximumf %add3A_960, %mul3A_963 : vector<16xf32>
        %swap3A_965 = arith.index_cast %scan3A_806 : i32 to index
        %swap3A_966 = arith.constant 96 : index
        %swap3A_967 = tpu.vector_load %arg11[%swap3A_965, %swap3A_966] {strides = array<i32>} : memref<128x128xf32, #tpu.memory_space<vmem>>, vector<1x16xf32>,
        %swap3A_968 = vector.shape_cast %swap3A_967 : vector<1x16xf32> to vector<16xf32>
        %swap3A_969 = vector.shape_cast %max3A_964 : vector<16xf32> to vector<1x16xf32>
        tpu.vector_store %arg11[%swap3A_965, %swap3A_966], %swap3A_969 {strides = array<i32>} : memref<128x128xf32, #tpu.memory_space<vmem>>, vector<1x16xf32>,
        %get3A_970 = arith.index_cast %scan3A_806 : i32 to index
        %get3A_971 = arith.constant 112 : index
        %get3A_972 = tpu.vector_load %arg11[%get3A_970, %get3A_971] {strides = array<i32>} : memref<128x128xf32, #tpu.memory_space<vmem>>, vector<1x16xf32>,
        %get3A_973 = vector.shape_cast %get3A_972 : vector<1x16xf32> to vector<16xf32>
        %mul3A_974 = vector.broadcast %squeeze3A : f32 to vector<16xf32>
        %mul3A_975 = arith.mulf %mul3A_974, %get3A_198 : vector<16xf32>
        %add3A_976 = arith.addf %get3A_973, %mul3A_975 : vector<16xf32>
        %mul3A_977 = vector.broadcast %squeeze3A_814 : f32 to vector<16xf32>
        %mul3A_978 = arith.mulf %mul3A_977, %get3A_222 : vector<16xf32>
        %add3A_979 = arith.addf %add3A_976, %mul3A_978 : vector<16xf32>
        %mul3A_980 = vector.broadcast %squeeze3A_816 : f32 to vector<16xf32>
        %mul3A_981 = arith.mulf %mul3A_980, %get3A_246 : vector<16xf32>
        %add3A_982 = arith.addf %add3A_979, %mul3A_981 : vector<16xf32>
        %mul3A_983 = arith.constant 0.00999999977 : f32
        %mul3A_984 = vector.broadcast %mul3A_983 : f32 to vector<16xf32>
        %mul3A_985 = arith.mulf %mul3A_984, %add3A_982 : vector<16xf32>
        %max3A_986 = arith.maximumf %add3A_982, %mul3A_985 : vector<16xf32>
        %swap3A_987 = arith.index_cast %scan3A_806 : i32 to index
        %swap3A_988 = arith.constant 112 : index
        %swap3A_989 = tpu.vector_load %arg11[%swap3A_987, %swap3A_988] {strides = array<i32>} : memref<128x128xf32, #tpu.memory_space<vmem>>, vector<1x16xf32>,
        %swap3A_990 = vector.shape_cast %swap3A_989 : vector<1x16xf32> to vector<16xf32>
        %swap3A_991 = vector.shape_cast %max3A_986 : vector<16xf32> to vector<1x16xf32>
        tpu.vector_store %arg11[%swap3A_987, %swap3A_988], %swap3A_991 {strides = array<i32>} : memref<128x128xf32, #tpu.memory_space<vmem>>, vector<1x16xf32>,
        %scan3A_992 = arith.constant 0 : i32
        scf.yield %scan3A_992 : i32
      }
      %scan3A_412 = arith.constant 64 : i32
      %dma_start3A_413 = arith.constant 0 : i32
      %dma_start3A_414 = arith.constant 0 : i32
      %dma_start3A_415 = tpu.memref_slice %arg10[%dma_start3A_413, %dma_start3A_414] : memref<4x128xi32, #tpu.memory_space<vmem>> -> memref<1x128xi32, #tpu.memory_space<vmem>>
      %dma_start3A_416 = tpu.memref_squeeze %dma_start3A_415 : memref<1x128xi32, #tpu.memory_space<vmem>> -> memref<128xi32, #tpu.memory_space<vmem>>
      %dma_start3A_417 = arith.constant 0 : i32
      %dma_start3A_418 = arith.constant 0 : i32
      %dma_start3A_419 = tpu.memref_slice %arg18[%dma_start3A_417, %dma_start3A_418] : memref<10240x128xf32, #tpu.memory_space<vmem_shared>> -> memref<10240x128xf32, #tpu.memory_space<vmem_shared>>
      tpu.enqueue_indirect_dma source(%arg11 : memref<128x128xf32, #tpu.memory_space<vmem>>) target(%dma_start3A_419 : memref<10240x128xf32, #tpu.memory_space<vmem_shared>>) offsets(%dma_start3A_416 : memref<128xi32, #tpu.memory_space<vmem>>) semaphore(%arg22 : memref<!tpu.dma_semaphore, #tpu.memory_space<semaphore_mem>>) {add = true}
      %dma_start3A_420 = arith.constant 0 : i32
      %dma_start3A_421 = arith.constant 0 : i32
      %dma_start3A_422 = tpu.memref_slice %arg10[%dma_start3A_420, %dma_start3A_421] : memref<4x128xi32, #tpu.memory_space<vmem>> -> memref<1x128xi32, #tpu.memory_space<vmem>>
      %dma_start3A_423 = tpu.memref_squeeze %dma_start3A_422 : memref<1x128xi32, #tpu.memory_space<vmem>> -> memref<128xi32, #tpu.memory_space<vmem>>
      %dma_start3A_424 = arith.constant 0 : i32
      %dma_start3A_425 = tpu.memref_slice %arg19[%dma_start3A_424] : memref<10240xf32, #tpu.memory_space<vmem_shared>> -> memref<10240xf32, #tpu.memory_space<vmem_shared>>
      tpu.enqueue_indirect_dma source(%arg17 : memref<128xf32, #tpu.memory_space<vmem>>) target(%dma_start3A_425 : memref<10240xf32, #tpu.memory_space<vmem_shared>>) offsets(%dma_start3A_423 : memref<128xi32, #tpu.memory_space<vmem>>) semaphore(%arg22 : memref<!tpu.dma_semaphore, #tpu.memory_space<semaphore_mem>>) {add = true}
      %mul3A_426 = arith.constant 4 : i32
      %mul3A_427 = arith.muli %mul3A_426, %scan3A_275 : i32
      %add3A_428 = arith.constant 1 : i32
      %add3A_429 = arith.addi %mul3A_427, %add3A_428 : i32
      %mul3A_430 = arith.constant 10240 : i32
      %mul3A_431 = arith.muli %add3A, %mul3A_430 : i32
      %mul3A_432 = arith.constant 128 : i32
      %mul3A_433 = arith.muli %add3A_429, %mul3A_432 : i32
      %add3A_434 = arith.addi %mul3A_431, %mul3A_433 : i32
      %mul3A_435 = arith.constant 3 : i32
      %mul3A_436 = arith.muli %add3A_434, %mul3A_435 : i32
      %dma_wait3A_437 = arith.constant 0 : i32
      %dma_wait3A_438 = tpu.memref_slice %arg14[%dma_wait3A_437] : memref<400xf32, #tpu.memory_space<vmem>> -> memref<384xf32, #tpu.memory_space<vmem>>
      %dma_wait3A_439 = tpu.memref_slice %arg5[%mul3A_436] : memref<983040xf32, #tpu.memory_space<hbm>> -> memref<384xf32, #tpu.memory_space<hbm>>
      %dma_wait3A_440 = arith.constant 0 : i32
      %dma_wait3A_441 = tpu.memref_slice %arg14[%dma_wait3A_440] : memref<400xf32, #tpu.memory_space<vmem>> -> memref<384xf32, #tpu.memory_space<vmem>>
      %dma_wait3A_442 = tpu.memref_slice %arg5[%mul3A_436] : memref<983040xf32, #tpu.memory_space<hbm>> -> memref<384xf32, #tpu.memory_space<hbm>>
      tpu.wait_dma2 semaphore(%arg21 : memref<!tpu.dma_semaphore, #tpu.memory_space<semaphore_mem>>) src(%dma_wait3A_442 : memref<384xf32, #tpu.memory_space<hbm>>) dst(%dma_wait3A_441 : memref<384xf32, #tpu.memory_space<vmem>>)
      %dma_wait3A_443 = arith.constant 1 : i32
      %dma_wait3A_444 = arith.constant 0 : i32
      %dma_wait3A_445 = tpu.memref_slice %arg9[%dma_wait3A_443, %dma_wait3A_444] : memref<4x128xi32, #tpu.memory_space<vmem>> -> memref<1x128xi32, #tpu.memory_space<vmem>>
      %dma_wait3A_446 = tpu.memref_squeeze %dma_wait3A_445 : memref<1x128xi32, #tpu.memory_space<vmem>> -> memref<128xi32, #tpu.memory_space<vmem>>
      %dma_wait3A_447 = arith.constant 0 : i32
      %dma_wait3A_448 = arith.constant 0 : i32
      %dma_wait3A_449 = tpu.memref_slice %arg2[%dma_wait3A_447, %dma_wait3A_448] : memref<10240x128xf32, #tpu.memory_space<hbm>> -> memref<10240x128xf32, #tpu.memory_space<hbm>>
      tpu.wait_indirect_dma semaphore(%arg21 : memref<!tpu.dma_semaphore, #tpu.memory_space<semaphore_mem>>) src(%dma_wait3A_449 : memref<10240x128xf32, #tpu.memory_space<hbm>>) dst(%arg12 : memref<128x128xf32, #tpu.memory_space<vmem>>)
      %scan3A_450 = arith.constant 0 : i32
      %scan3A_451 = arith.constant 0 : i32
      %scan3A_452 = arith.constant 64 : i32
      %scan3A_453 = arith.addi %scan3A_451, %scan3A_452 : i32
      %scan3A_454 = arith.constant 1 : i32
      %scan3A_455 = scf.for %scan3A_806 = %scan3A_451 to %scan3A_453 step %scan3A_454 iter_args(%scan3A_807 = %scan3A_450) -> (i32)  : i32 {
        %mul3A_808 = arith.constant 3 : i32
        %mul3A_809 = arith.muli %mul3A_808, %scan3A_806 : i32
        %get3A_810 = arith.index_cast %mul3A_809 : i32 to index
        %get3A_811 = tpu.vector_load %arg14[%get3A_810] {strides = array<i32>} : memref<400xf32, #tpu.memory_space<vmem>>, vector<16xf32>,
        %get3A_812 = vector.shape_cast %get3A_811 : vector<16xf32> to vector<16xf32>
        %slice3A = vector.extract_strided_slice %get3A_812 {offsets = [0], sizes = [1], strides = [1]} : vector<16xf32> to vector<1xf32>
        %squeeze3A = vector.extract %slice3A[0] : f32 from vector<1xf32>
        %slice3A_813 = vector.extract_strided_slice %get3A_812 {offsets = [1], sizes = [1], strides = [1]} : vector<16xf32> to vector<1xf32>
        %squeeze3A_814 = vector.extract %slice3A_813[0] : f32 from vector<1xf32>
        %slice3A_815 = vector.extract_strided_slice %get3A_812 {offsets = [2], sizes = [1], strides = [1]} : vector<16xf32> to vector<1xf32>
        %squeeze3A_816 = vector.extract %slice3A_815[0] : f32 from vector<1xf32>
        %get3A_817 = arith.index_cast %scan3A_806 : i32 to index
        %get3A_818 = arith.constant 0 : index
        %get3A_819 = tpu.vector_load %arg12[%get3A_817, %get3A_818] {strides = array<i32>} : memref<128x128xf32, #tpu.memory_space<vmem>>, vector<1x16xf32>,
        %get3A_820 = vector.shape_cast %get3A_819 : vector<1x16xf32> to vector<16xf32>
        %mul3A_821 = vector.broadcast %squeeze3A : f32 to vector<16xf32>
        %mul3A_822 = arith.mulf %mul3A_821, %get3A_177 : vector<16xf32>
        %add3A_823 = arith.addf %get3A_820, %mul3A_822 : vector<16xf32>
        %mul3A_824 = vector.broadcast %squeeze3A_814 : f32 to vector<16xf32>
        %mul3A_825 = arith.mulf %mul3A_824, %get3A_201 : vector<16xf32>
        %add3A_826 = arith.addf %add3A_823, %mul3A_825 : vector<16xf32>
        %mul3A_827 = vector.broadcast %squeeze3A_816 : f32 to vector<16xf32>
        %mul3A_828 = arith.mulf %mul3A_827, %get3A_225 : vector<16xf32>
        %add3A_829 = arith.addf %add3A_826, %mul3A_828 : vector<16xf32>
        %mul3A_830 = arith.constant 0.00999999977 : f32
        %mul3A_831 = vector.broadcast %mul3A_830 : f32 to vector<16xf32>
        %mul3A_832 = arith.mulf %mul3A_831, %add3A_829 : vector<16xf32>
        %max3A = arith.maximumf %add3A_829, %mul3A_832 : vector<16xf32>
        %swap3A_833 = arith.index_cast %scan3A_806 : i32 to index
        %swap3A_834 = arith.constant 0 : index
        %swap3A_835 = tpu.vector_load %arg12[%swap3A_833, %swap3A_834] {strides = array<i32>} : memref<128x128xf32, #tpu.memory_space<vmem>>, vector<1x16xf32>,
        %swap3A_836 = vector.shape_cast %swap3A_835 : vector<1x16xf32> to vector<16xf32>
        %swap3A_837 = vector.shape_cast %max3A : vector<16xf32> to vector<1x16xf32>
        tpu.vector_store %arg12[%swap3A_833, %swap3A_834], %swap3A_837 {strides = array<i32>} : memref<128x128xf32, #tpu.memory_space<vmem>>, vector<1x16xf32>,
        %get3A_838 = arith.index_cast %scan3A_806 : i32 to index
        %get3A_839 = arith.constant 16 : index
        %get3A_840 = tpu.vector_load %arg12[%get3A_838, %get3A_839] {strides = array<i32>} : memref<128x128xf32, #tpu.memory_space<vmem>>, vector<1x16xf32>,
        %get3A_841 = vector.shape_cast %get3A_840 : vector<1x16xf32> to vector<16xf32>
        %mul3A_842 = vector.broadcast %squeeze3A : f32 to vector<16xf32>
        %mul3A_843 = arith.mulf %mul3A_842, %get3A_180 : vector<16xf32>
        %add3A_844 = arith.addf %get3A_841, %mul3A_843 : vector<16xf32>
        %mul3A_845 = vector.broadcast %squeeze3A_814 : f32 to vector<16xf32>
        %mul3A_846 = arith.mulf %mul3A_845, %get3A_204 : vector<16xf32>
        %add3A_847 = arith.addf %add3A_844, %mul3A_846 : vector<16xf32>
        %mul3A_848 = vector.broadcast %squeeze3A_816 : f32 to vector<16xf32>
        %mul3A_849 = arith.mulf %mul3A_848, %get3A_228 : vector<16xf32>
        %add3A_850 = arith.addf %add3A_847, %mul3A_849 : vector<16xf32>
        %mul3A_851 = arith.constant 0.00999999977 : f32
        %mul3A_852 = vector.broadcast %mul3A_851 : f32 to vector<16xf32>
        %mul3A_853 = arith.mulf %mul3A_852, %add3A_850 : vector<16xf32>
        %max3A_854 = arith.maximumf %add3A_850, %mul3A_853 : vector<16xf32>
        %swap3A_855 = arith.index_cast %scan3A_806 : i32 to index
        %swap3A_856 = arith.constant 16 : index
        %swap3A_857 = tpu.vector_load %arg12[%swap3A_855, %swap3A_856] {strides = array<i32>} : memref<128x128xf32, #tpu.memory_space<vmem>>, vector<1x16xf32>,
        %swap3A_858 = vector.shape_cast %swap3A_857 : vector<1x16xf32> to vector<16xf32>
        %swap3A_859 = vector.shape_cast %max3A_854 : vector<16xf32> to vector<1x16xf32>
        tpu.vector_store %arg12[%swap3A_855, %swap3A_856], %swap3A_859 {strides = array<i32>} : memref<128x128xf32, #tpu.memory_space<vmem>>, vector<1x16xf32>,
        %get3A_860 = arith.index_cast %scan3A_806 : i32 to index
        %get3A_861 = arith.constant 32 : index
        %get3A_862 = tpu.vector_load %arg12[%get3A_860, %get3A_861] {strides = array<i32>} : memref<128x128xf32, #tpu.memory_space<vmem>>, vector<1x16xf32>,
        %get3A_863 = vector.shape_cast %get3A_862 : vector<1x16xf32> to vector<16xf32>
        %mul3A_864 = vector.broadcast %squeeze3A : f32 to vector<16xf32>
        %mul3A_865 = arith.mulf %mul3A_864, %get3A_183 : vector<16xf32>
        %add3A_866 = arith.addf %get3A_863, %mul3A_865 : vector<16xf32>
        %mul3A_867 = vector.broadcast %squeeze3A_814 : f32 to vector<16xf32>
        %mul3A_868 = arith.mulf %mul3A_867, %get3A_207 : vector<16xf32>
        %add3A_869 = arith.addf %add3A_866, %mul3A_868 : vector<16xf32>
        %mul3A_870 = vector.broadcast %squeeze3A_816 : f32 to vector<16xf32>
        %mul3A_871 = arith.mulf %mul3A_870, %get3A_231 : vector<16xf32>
        %add3A_872 = arith.addf %add3A_869, %mul3A_871 : vector<16xf32>
        %mul3A_873 = arith.constant 0.00999999977 : f32
        %mul3A_874 = vector.broadcast %mul3A_873 : f32 to vector<16xf32>
        %mul3A_875 = arith.mulf %mul3A_874, %add3A_872 : vector<16xf32>
        %max3A_876 = arith.maximumf %add3A_872, %mul3A_875 : vector<16xf32>
        %swap3A_877 = arith.index_cast %scan3A_806 : i32 to index
        %swap3A_878 = arith.constant 32 : index
        %swap3A_879 = tpu.vector_load %arg12[%swap3A_877, %swap3A_878] {strides = array<i32>} : memref<128x128xf32, #tpu.memory_space<vmem>>, vector<1x16xf32>,
        %swap3A_880 = vector.shape_cast %swap3A_879 : vector<1x16xf32> to vector<16xf32>
        %swap3A_881 = vector.shape_cast %max3A_876 : vector<16xf32> to vector<1x16xf32>
        tpu.vector_store %arg12[%swap3A_877, %swap3A_878], %swap3A_881 {strides = array<i32>} : memref<128x128xf32, #tpu.memory_space<vmem>>, vector<1x16xf32>,
        %get3A_882 = arith.index_cast %scan3A_806 : i32 to index
        %get3A_883 = arith.constant 48 : index
        %get3A_884 = tpu.vector_load %arg12[%get3A_882, %get3A_883] {strides = array<i32>} : memref<128x128xf32, #tpu.memory_space<vmem>>, vector<1x16xf32>,
        %get3A_885 = vector.shape_cast %get3A_884 : vector<1x16xf32> to vector<16xf32>
        %mul3A_886 = vector.broadcast %squeeze3A : f32 to vector<16xf32>
        %mul3A_887 = arith.mulf %mul3A_886, %get3A_186 : vector<16xf32>
        %add3A_888 = arith.addf %get3A_885, %mul3A_887 : vector<16xf32>
        %mul3A_889 = vector.broadcast %squeeze3A_814 : f32 to vector<16xf32>
        %mul3A_890 = arith.mulf %mul3A_889, %get3A_210 : vector<16xf32>
        %add3A_891 = arith.addf %add3A_888, %mul3A_890 : vector<16xf32>
        %mul3A_892 = vector.broadcast %squeeze3A_816 : f32 to vector<16xf32>
        %mul3A_893 = arith.mulf %mul3A_892, %get3A_234 : vector<16xf32>
        %add3A_894 = arith.addf %add3A_891, %mul3A_893 : vector<16xf32>
        %mul3A_895 = arith.constant 0.00999999977 : f32
        %mul3A_896 = vector.broadcast %mul3A_895 : f32 to vector<16xf32>
        %mul3A_897 = arith.mulf %mul3A_896, %add3A_894 : vector<16xf32>
        %max3A_898 = arith.maximumf %add3A_894, %mul3A_897 : vector<16xf32>
        %swap3A_899 = arith.index_cast %scan3A_806 : i32 to index
        %swap3A_900 = arith.constant 48 : index
        %swap3A_901 = tpu.vector_load %arg12[%swap3A_899, %swap3A_900] {strides = array<i32>} : memref<128x128xf32, #tpu.memory_space<vmem>>, vector<1x16xf32>,
        %swap3A_902 = vector.shape_cast %swap3A_901 : vector<1x16xf32> to vector<16xf32>
        %swap3A_903 = vector.shape_cast %max3A_898 : vector<16xf32> to vector<1x16xf32>
        tpu.vector_store %arg12[%swap3A_899, %swap3A_900], %swap3A_903 {strides = array<i32>} : memref<128x128xf32, #tpu.memory_space<vmem>>, vector<1x16xf32>,
        %get3A_904 = arith.index_cast %scan3A_806 : i32 to index
        %get3A_905 = arith.constant 64 : index
        %get3A_906 = tpu.vector_load %arg12[%get3A_904, %get3A_905] {strides = array<i32>} : memref<128x128xf32, #tpu.memory_space<vmem>>, vector<1x16xf32>,
        %get3A_907 = vector.shape_cast %get3A_906 : vector<1x16xf32> to vector<16xf32>
        %mul3A_908 = vector.broadcast %squeeze3A : f32 to vector<16xf32>
        %mul3A_909 = arith.mulf %mul3A_908, %get3A_189 : vector<16xf32>
        %add3A_910 = arith.addf %get3A_907, %mul3A_909 : vector<16xf32>
        %mul3A_911 = vector.broadcast %squeeze3A_814 : f32 to vector<16xf32>
        %mul3A_912 = arith.mulf %mul3A_911, %get3A_213 : vector<16xf32>
        %add3A_913 = arith.addf %add3A_910, %mul3A_912 : vector<16xf32>
        %mul3A_914 = vector.broadcast %squeeze3A_816 : f32 to vector<16xf32>
        %mul3A_915 = arith.mulf %mul3A_914, %get3A_237 : vector<16xf32>
        %add3A_916 = arith.addf %add3A_913, %mul3A_915 : vector<16xf32>
        %mul3A_917 = arith.constant 0.00999999977 : f32
        %mul3A_918 = vector.broadcast %mul3A_917 : f32 to vector<16xf32>
        %mul3A_919 = arith.mulf %mul3A_918, %add3A_916 : vector<16xf32>
        %max3A_920 = arith.maximumf %add3A_916, %mul3A_919 : vector<16xf32>
        %swap3A_921 = arith.index_cast %scan3A_806 : i32 to index
        %swap3A_922 = arith.constant 64 : index
        %swap3A_923 = tpu.vector_load %arg12[%swap3A_921, %swap3A_922] {strides = array<i32>} : memref<128x128xf32, #tpu.memory_space<vmem>>, vector<1x16xf32>,
        %swap3A_924 = vector.shape_cast %swap3A_923 : vector<1x16xf32> to vector<16xf32>
        %swap3A_925 = vector.shape_cast %max3A_920 : vector<16xf32> to vector<1x16xf32>
        tpu.vector_store %arg12[%swap3A_921, %swap3A_922], %swap3A_925 {strides = array<i32>} : memref<128x128xf32, #tpu.memory_space<vmem>>, vector<1x16xf32>,
        %get3A_926 = arith.index_cast %scan3A_806 : i32 to index
        %get3A_927 = arith.constant 80 : index
        %get3A_928 = tpu.vector_load %arg12[%get3A_926, %get3A_927] {strides = array<i32>} : memref<128x128xf32, #tpu.memory_space<vmem>>, vector<1x16xf32>,
        %get3A_929 = vector.shape_cast %get3A_928 : vector<1x16xf32> to vector<16xf32>
        %mul3A_930 = vector.broadcast %squeeze3A : f32 to vector<16xf32>
        %mul3A_931 = arith.mulf %mul3A_930, %get3A_192 : vector<16xf32>
        %add3A_932 = arith.addf %get3A_929, %mul3A_931 : vector<16xf32>
        %mul3A_933 = vector.broadcast %squeeze3A_814 : f32 to vector<16xf32>
        %mul3A_934 = arith.mulf %mul3A_933, %get3A_216 : vector<16xf32>
        %add3A_935 = arith.addf %add3A_932, %mul3A_934 : vector<16xf32>
        %mul3A_936 = vector.broadcast %squeeze3A_816 : f32 to vector<16xf32>
        %mul3A_937 = arith.mulf %mul3A_936, %get3A_240 : vector<16xf32>
        %add3A_938 = arith.addf %add3A_935, %mul3A_937 : vector<16xf32>
        %mul3A_939 = arith.constant 0.00999999977 : f32
        %mul3A_940 = vector.broadcast %mul3A_939 : f32 to vector<16xf32>
        %mul3A_941 = arith.mulf %mul3A_940, %add3A_938 : vector<16xf32>
        %max3A_942 = arith.maximumf %add3A_938, %mul3A_941 : vector<16xf32>
        %swap3A_943 = arith.index_cast %scan3A_806 : i32 to index
        %swap3A_944 = arith.constant 80 : index
        %swap3A_945 = tpu.vector_load %arg12[%swap3A_943, %swap3A_944] {strides = array<i32>} : memref<128x128xf32, #tpu.memory_space<vmem>>, vector<1x16xf32>,
        %swap3A_946 = vector.shape_cast %swap3A_945 : vector<1x16xf32> to vector<16xf32>
        %swap3A_947 = vector.shape_cast %max3A_942 : vector<16xf32> to vector<1x16xf32>
        tpu.vector_store %arg12[%swap3A_943, %swap3A_944], %swap3A_947 {strides = array<i32>} : memref<128x128xf32, #tpu.memory_space<vmem>>, vector<1x16xf32>,
        %get3A_948 = arith.index_cast %scan3A_806 : i32 to index
        %get3A_949 = arith.constant 96 : index
        %get3A_950 = tpu.vector_load %arg12[%get3A_948, %get3A_949] {strides = array<i32>} : memref<128x128xf32, #tpu.memory_space<vmem>>, vector<1x16xf32>,
        %get3A_951 = vector.shape_cast %get3A_950 : vector<1x16xf32> to vector<16xf32>
        %mul3A_952 = vector.broadcast %squeeze3A : f32 to vector<16xf32>
        %mul3A_953 = arith.mulf %mul3A_952, %get3A_195 : vector<16xf32>
        %add3A_954 = arith.addf %get3A_951, %mul3A_953 : vector<16xf32>
        %mul3A_955 = vector.broadcast %squeeze3A_814 : f32 to vector<16xf32>
        %mul3A_956 = arith.mulf %mul3A_955, %get3A_219 : vector<16xf32>
        %add3A_957 = arith.addf %add3A_954, %mul3A_956 : vector<16xf32>
        %mul3A_958 = vector.broadcast %squeeze3A_816 : f32 to vector<16xf32>
        %mul3A_959 = arith.mulf %mul3A_958, %get3A_243 : vector<16xf32>
        %add3A_960 = arith.addf %add3A_957, %mul3A_959 : vector<16xf32>
        %mul3A_961 = arith.constant 0.00999999977 : f32
        %mul3A_962 = vector.broadcast %mul3A_961 : f32 to vector<16xf32>
        %mul3A_963 = arith.mulf %mul3A_962, %add3A_960 : vector<16xf32>
        %max3A_964 = arith.maximumf %add3A_960, %mul3A_963 : vector<16xf32>
        %swap3A_965 = arith.index_cast %scan3A_806 : i32 to index
        %swap3A_966 = arith.constant 96 : index
        %swap3A_967 = tpu.vector_load %arg12[%swap3A_965, %swap3A_966] {strides = array<i32>} : memref<128x128xf32, #tpu.memory_space<vmem>>, vector<1x16xf32>,
        %swap3A_968 = vector.shape_cast %swap3A_967 : vector<1x16xf32> to vector<16xf32>
        %swap3A_969 = vector.shape_cast %max3A_964 : vector<16xf32> to vector<1x16xf32>
        tpu.vector_store %arg12[%swap3A_965, %swap3A_966], %swap3A_969 {strides = array<i32>} : memref<128x128xf32, #tpu.memory_space<vmem>>, vector<1x16xf32>,
        %get3A_970 = arith.index_cast %scan3A_806 : i32 to index
        %get3A_971 = arith.constant 112 : index
        %get3A_972 = tpu.vector_load %arg12[%get3A_970, %get3A_971] {strides = array<i32>} : memref<128x128xf32, #tpu.memory_space<vmem>>, vector<1x16xf32>,
        %get3A_973 = vector.shape_cast %get3A_972 : vector<1x16xf32> to vector<16xf32>
        %mul3A_974 = vector.broadcast %squeeze3A : f32 to vector<16xf32>
        %mul3A_975 = arith.mulf %mul3A_974, %get3A_198 : vector<16xf32>
        %add3A_976 = arith.addf %get3A_973, %mul3A_975 : vector<16xf32>
        %mul3A_977 = vector.broadcast %squeeze3A_814 : f32 to vector<16xf32>
        %mul3A_978 = arith.mulf %mul3A_977, %get3A_222 : vector<16xf32>
        %add3A_979 = arith.addf %add3A_976, %mul3A_978 : vector<16xf32>
        %mul3A_980 = vector.broadcast %squeeze3A_816 : f32 to vector<16xf32>
        %mul3A_981 = arith.mulf %mul3A_980, %get3A_246 : vector<16xf32>
        %add3A_982 = arith.addf %add3A_979, %mul3A_981 : vector<16xf32>
        %mul3A_983 = arith.constant 0.00999999977 : f32
        %mul3A_984 = vector.broadcast %mul3A_983 : f32 to vector<16xf32>
        %mul3A_985 = arith.mulf %mul3A_984, %add3A_982 : vector<16xf32>
        %max3A_986 = arith.maximumf %add3A_982, %mul3A_985 : vector<16xf32>
        %swap3A_987 = arith.index_cast %scan3A_806 : i32 to index
        %swap3A_988 = arith.constant 112 : index
        %swap3A_989 = tpu.vector_load %arg12[%swap3A_987, %swap3A_988] {strides = array<i32>} : memref<128x128xf32, #tpu.memory_space<vmem>>, vector<1x16xf32>,
        %swap3A_990 = vector.shape_cast %swap3A_989 : vector<1x16xf32> to vector<16xf32>
        %swap3A_991 = vector.shape_cast %max3A_986 : vector<16xf32> to vector<1x16xf32>
        tpu.vector_store %arg12[%swap3A_987, %swap3A_988], %swap3A_991 {strides = array<i32>} : memref<128x128xf32, #tpu.memory_space<vmem>>, vector<1x16xf32>,
        %scan3A_992 = arith.constant 0 : i32
        scf.yield %scan3A_992 : i32
      }
      %scan3A_456 = arith.constant 64 : i32
      %sub3A = arith.constant 1 : i32
      %sub3A_457 = arith.subi %add3A_429, %sub3A : i32
      %dma_wait3A_458 = arith.constant 0 : i32
      %dma_wait3A_459 = arith.constant 0 : i32
      %dma_wait3A_460 = tpu.memref_slice %arg10[%dma_wait3A_458, %dma_wait3A_459] : memref<4x128xi32, #tpu.memory_space<vmem>> -> memref<1x128xi32, #tpu.memory_space<vmem>>
      %dma_wait3A_461 = tpu.memref_squeeze %dma_wait3A_460 : memref<1x128xi32, #tpu.memory_space<vmem>> -> memref<128xi32, #tpu.memory_space<vmem>>
      %dma_wait3A_462 = arith.constant 0 : i32
      %dma_wait3A_463 = arith.constant 0 : i32
      %dma_wait3A_464 = tpu.memref_slice %arg18[%dma_wait3A_462, %dma_wait3A_463] : memref<10240x128xf32, #tpu.memory_space<vmem_shared>> -> memref<10240x128xf32, #tpu.memory_space<vmem_shared>>
      tpu.wait_indirect_dma semaphore(%arg22 : memref<!tpu.dma_semaphore, #tpu.memory_space<semaphore_mem>>) src(%arg11 : memref<128x128xf32, #tpu.memory_space<vmem>>) dst(%dma_wait3A_464 : memref<10240x128xf32, #tpu.memory_space<vmem_shared>>)
      %sub3A_465 = arith.constant 1 : i32
      %sub3A_466 = arith.subi %add3A_429, %sub3A_465 : i32
      %dma_wait3A_467 = arith.constant 0 : i32
      %dma_wait3A_468 = arith.constant 0 : i32
      %dma_wait3A_469 = tpu.memref_slice %arg10[%dma_wait3A_467, %dma_wait3A_468] : memref<4x128xi32, #tpu.memory_space<vmem>> -> memref<1x128xi32, #tpu.memory_space<vmem>>
      %dma_wait3A_470 = tpu.memref_squeeze %dma_wait3A_469 : memref<1x128xi32, #tpu.memory_space<vmem>> -> memref<128xi32, #tpu.memory_space<vmem>>
      %dma_wait3A_471 = arith.constant 0 : i32
      %dma_wait3A_472 = tpu.memref_slice %arg19[%dma_wait3A_471] : memref<10240xf32, #tpu.memory_space<vmem_shared>> -> memref<10240xf32, #tpu.memory_space<vmem_shared>>
      tpu.wait_indirect_dma semaphore(%arg22 : memref<!tpu.dma_semaphore, #tpu.memory_space<semaphore_mem>>) src(%arg17 : memref<128xf32, #tpu.memory_space<vmem>>) dst(%dma_wait3A_472 : memref<10240xf32, #tpu.memory_space<vmem_shared>>)
      %add3A_473 = arith.constant 1 : i32
      %add3A_474 = arith.addi %add3A_429, %add3A_473 : i32
      %mul3A_475 = arith.constant 80 : i32
      %mul3A_476 = arith.muli %add3A, %mul3A_475 : i32
      %add3A_477 = arith.addi %mul3A_476, %add3A_474 : i32
      %dma_wait3A_478 = arith.constant 2 : i32
      %dma_wait3A_479 = arith.constant 0 : i32
      %dma_wait3A_480 = tpu.memref_slice %arg9[%dma_wait3A_478, %dma_wait3A_479] : memref<4x128xi32, #tpu.memory_space<vmem>> -> memref<1x128xi32, #tpu.memory_space<vmem>>
      %dma_wait3A_481 = tpu.memref_squeeze %dma_wait3A_480 : memref<1x128xi32, #tpu.memory_space<vmem>> -> memref<128xi32, #tpu.memory_space<vmem>>
      %dma_wait3A_482 = arith.constant 0 : i32
      %dma_wait3A_483 = tpu.memref_slice %arg3[%add3A_477, %dma_wait3A_482] : memref<2560x128xi32, #tpu.memory_space<hbm>> -> memref<1x128xi32, #tpu.memory_space<hbm>>
      %dma_wait3A_484 = tpu.memref_squeeze %dma_wait3A_483 : memref<1x128xi32, #tpu.memory_space<hbm>> -> memref<128xi32, #tpu.memory_space<hbm>>
      %dma_wait3A_485 = arith.constant 0 : i32
      %dma_wait3A_486 = tpu.memref_slice %arg9[%dma_wait3A_478, %dma_wait3A_485] : memref<4x128xi32, #tpu.memory_space<vmem>> -> memref<1x128xi32, #tpu.memory_space<vmem>>
      %dma_wait3A_487 = tpu.memref_squeeze %dma_wait3A_486 : memref<1x128xi32, #tpu.memory_space<vmem>> -> memref<128xi32, #tpu.memory_space<vmem>>
      %dma_wait3A_488 = arith.constant 0 : i32
      %dma_wait3A_489 = tpu.memref_slice %arg3[%add3A_477, %dma_wait3A_488] : memref<2560x128xi32, #tpu.memory_space<hbm>> -> memref<1x128xi32, #tpu.memory_space<hbm>>
      %dma_wait3A_490 = tpu.memref_squeeze %dma_wait3A_489 : memref<1x128xi32, #tpu.memory_space<hbm>> -> memref<128xi32, #tpu.memory_space<hbm>>
      tpu.wait_dma2 semaphore(%arg26 : memref<!tpu.dma_semaphore, #tpu.memory_space<semaphore_mem>>) src(%dma_wait3A_490 : memref<128xi32, #tpu.memory_space<hbm>>) dst(%dma_wait3A_487 : memref<128xi32, #tpu.memory_space<vmem>>)
      %add3A_491 = arith.constant 1 : i32
      %add3A_492 = arith.addi %add3A_429, %add3A_491 : i32
      %mul3A_493 = arith.constant 80 : i32
      %mul3A_494 = arith.muli %add3A, %mul3A_493 : i32
      %add3A_495 = arith.addi %mul3A_494, %add3A_492 : i32
      %dma_wait3A_496 = arith.constant 2 : i32
      %dma_wait3A_497 = arith.constant 0 : i32
      %dma_wait3A_498 = tpu.memref_slice %arg10[%dma_wait3A_496, %dma_wait3A_497] : memref<4x128xi32, #tpu.memory_space<vmem>> -> memref<1x128xi32, #tpu.memory_space<vmem>>
      %dma_wait3A_499 = tpu.memref_squeeze %dma_wait3A_498 : memref<1x128xi32, #tpu.memory_space<vmem>> -> memref<128xi32, #tpu.memory_space<vmem>>
      %dma_wait3A_500 = arith.constant 0 : i32
      %dma_wait3A_501 = tpu.memref_slice %arg4[%add3A_495, %dma_wait3A_500] : memref<2560x128xi32, #tpu.memory_space<hbm>> -> memref<1x128xi32, #tpu.memory_space<hbm>>
      %dma_wait3A_502 = tpu.memref_squeeze %dma_wait3A_501 : memref<1x128xi32, #tpu.memory_space<hbm>> -> memref<128xi32, #tpu.memory_space<hbm>>
      %dma_wait3A_503 = arith.constant 0 : i32
      %dma_wait3A_504 = tpu.memref_slice %arg10[%dma_wait3A_496, %dma_wait3A_503] : memref<4x128xi32, #tpu.memory_space<vmem>> -> memref<1x128xi32, #tpu.memory_space<vmem>>
      %dma_wait3A_505 = tpu.memref_squeeze %dma_wait3A_504 : memref<1x128xi32, #tpu.memory_space<vmem>> -> memref<128xi32, #tpu.memory_space<vmem>>
      %dma_wait3A_506 = arith.constant 0 : i32
      %dma_wait3A_507 = tpu.memref_slice %arg4[%add3A_495, %dma_wait3A_506] : memref<2560x128xi32, #tpu.memory_space<hbm>> -> memref<1x128xi32, #tpu.memory_space<hbm>>
      %dma_wait3A_508 = tpu.memref_squeeze %dma_wait3A_507 : memref<1x128xi32, #tpu.memory_space<hbm>> -> memref<128xi32, #tpu.memory_space<hbm>>
      tpu.wait_dma2 semaphore(%arg26 : memref<!tpu.dma_semaphore, #tpu.memory_space<semaphore_mem>>) src(%dma_wait3A_508 : memref<128xi32, #tpu.memory_space<hbm>>) dst(%dma_wait3A_505 : memref<128xi32, #tpu.memory_space<vmem>>)
      %add3A_509 = arith.constant 1 : i32
      %add3A_510 = arith.addi %add3A_429, %add3A_509 : i32
      %mul3A_511 = arith.constant 10240 : i32
      %mul3A_512 = arith.muli %add3A, %mul3A_511 : i32
      %mul3A_513 = arith.constant 128 : i32
      %mul3A_514 = arith.muli %add3A_510, %mul3A_513 : i32
      %add3A_515 = arith.addi %mul3A_512, %mul3A_514 : i32
      %mul3A_516 = arith.constant 3 : i32
      %mul3A_517 = arith.muli %add3A_515, %mul3A_516 : i32
      %dma_start3A_518 = arith.constant 0 : i32
      %dma_start3A_519 = tpu.memref_slice %arg13[%dma_start3A_518] : memref<400xf32, #tpu.memory_space<vmem>> -> memref<384xf32, #tpu.memory_space<vmem>>
      %dma_start3A_520 = tpu.memref_slice %arg5[%mul3A_517] : memref<983040xf32, #tpu.memory_space<hbm>> -> memref<384xf32, #tpu.memory_space<hbm>>
      %dma_start3A_521 = arith.constant 0 : i32
      %dma_start3A_522 = tpu.memref_slice %arg13[%dma_start3A_521] : memref<400xf32, #tpu.memory_space<vmem>> -> memref<384xf32, #tpu.memory_space<vmem>>
      %dma_start3A_523 = tpu.memref_slice %arg5[%mul3A_517] : memref<983040xf32, #tpu.memory_space<hbm>> -> memref<384xf32, #tpu.memory_space<hbm>>
      tpu.enqueue_dma source(%dma_start3A_523 : memref<384xf32, #tpu.memory_space<hbm>>) target(%dma_start3A_522 : memref<384xf32, #tpu.memory_space<vmem>>) target_semaphore(%arg20 : memref<!tpu.dma_semaphore, #tpu.memory_space<semaphore_mem>>)
      %add3A_524 = arith.constant 1 : i32
      %add3A_525 = arith.addi %add3A_429, %add3A_524 : i32
      %dma_start3A_526 = arith.constant 2 : i32
      %dma_start3A_527 = arith.constant 0 : i32
      %dma_start3A_528 = tpu.memref_slice %arg9[%dma_start3A_526, %dma_start3A_527] : memref<4x128xi32, #tpu.memory_space<vmem>> -> memref<1x128xi32, #tpu.memory_space<vmem>>
      %dma_start3A_529 = tpu.memref_squeeze %dma_start3A_528 : memref<1x128xi32, #tpu.memory_space<vmem>> -> memref<128xi32, #tpu.memory_space<vmem>>
      %dma_start3A_530 = arith.constant 0 : i32
      %dma_start3A_531 = arith.constant 0 : i32
      %dma_start3A_532 = tpu.memref_slice %arg2[%dma_start3A_530, %dma_start3A_531] : memref<10240x128xf32, #tpu.memory_space<hbm>> -> memref<10240x128xf32, #tpu.memory_space<hbm>>
      tpu.enqueue_indirect_dma source(%dma_start3A_532 : memref<10240x128xf32, #tpu.memory_space<hbm>>) target(%arg11 : memref<128x128xf32, #tpu.memory_space<vmem>>) offsets(%dma_start3A_529 : memref<128xi32, #tpu.memory_space<vmem>>) semaphore(%arg20 : memref<!tpu.dma_semaphore, #tpu.memory_space<semaphore_mem>>)
      %add3A_533 = arith.constant 2 : i32
      %add3A_534 = arith.addi %add3A_429, %add3A_533 : i32
      %mul3A_535 = arith.constant 80 : i32
      %mul3A_536 = arith.muli %add3A, %mul3A_535 : i32
      %add3A_537 = arith.addi %mul3A_536, %add3A_534 : i32
      %dma_start3A_538 = arith.constant 3 : i32
      %dma_start3A_539 = arith.constant 0 : i32
      %dma_start3A_540 = tpu.memref_slice %arg9[%dma_start3A_538, %dma_start3A_539] : memref<4x128xi32, #tpu.memory_space<vmem>> -> memref<1x128xi32, #tpu.memory_space<vmem>>
      %dma_start3A_541 = tpu.memref_squeeze %dma_start3A_540 : memref<1x128xi32, #tpu.memory_space<vmem>> -> memref<128xi32, #tpu.memory_space<vmem>>
      %dma_start3A_542 = arith.constant 0 : i32
      %dma_start3A_543 = tpu.memref_slice %arg3[%add3A_537, %dma_start3A_542] : memref<2560x128xi32, #tpu.memory_space<hbm>> -> memref<1x128xi32, #tpu.memory_space<hbm>>
      %dma_start3A_544 = tpu.memref_squeeze %dma_start3A_543 : memref<1x128xi32, #tpu.memory_space<hbm>> -> memref<128xi32, #tpu.memory_space<hbm>>
      %dma_start3A_545 = arith.constant 0 : i32
      %dma_start3A_546 = tpu.memref_slice %arg9[%dma_start3A_538, %dma_start3A_545] : memref<4x128xi32, #tpu.memory_space<vmem>> -> memref<1x128xi32, #tpu.memory_space<vmem>>
      %dma_start3A_547 = tpu.memref_squeeze %dma_start3A_546 : memref<1x128xi32, #tpu.memory_space<vmem>> -> memref<128xi32, #tpu.memory_space<vmem>>
      %dma_start3A_548 = arith.constant 0 : i32
      %dma_start3A_549 = tpu.memref_slice %arg3[%add3A_537, %dma_start3A_548] : memref<2560x128xi32, #tpu.memory_space<hbm>> -> memref<1x128xi32, #tpu.memory_space<hbm>>
      %dma_start3A_550 = tpu.memref_squeeze %dma_start3A_549 : memref<1x128xi32, #tpu.memory_space<hbm>> -> memref<128xi32, #tpu.memory_space<hbm>>
      tpu.enqueue_dma source(%dma_start3A_550 : memref<128xi32, #tpu.memory_space<hbm>>) target(%dma_start3A_547 : memref<128xi32, #tpu.memory_space<vmem>>) target_semaphore(%arg27 : memref<!tpu.dma_semaphore, #tpu.memory_space<semaphore_mem>>)
      %add3A_551 = arith.constant 2 : i32
      %add3A_552 = arith.addi %add3A_429, %add3A_551 : i32
      %mul3A_553 = arith.constant 80 : i32
      %mul3A_554 = arith.muli %add3A, %mul3A_553 : i32
      %add3A_555 = arith.addi %mul3A_554, %add3A_552 : i32
      %dma_start3A_556 = arith.constant 3 : i32
      %dma_start3A_557 = arith.constant 0 : i32
      %dma_start3A_558 = tpu.memref_slice %arg10[%dma_start3A_556, %dma_start3A_557] : memref<4x128xi32, #tpu.memory_space<vmem>> -> memref<1x128xi32, #tpu.memory_space<vmem>>
      %dma_start3A_559 = tpu.memref_squeeze %dma_start3A_558 : memref<1x128xi32, #tpu.memory_space<vmem>> -> memref<128xi32, #tpu.memory_space<vmem>>
      %dma_start3A_560 = arith.constant 0 : i32
      %dma_start3A_561 = tpu.memref_slice %arg4[%add3A_555, %dma_start3A_560] : memref<2560x128xi32, #tpu.memory_space<hbm>> -> memref<1x128xi32, #tpu.memory_space<hbm>>
      %dma_start3A_562 = tpu.memref_squeeze %dma_start3A_561 : memref<1x128xi32, #tpu.memory_space<hbm>> -> memref<128xi32, #tpu.memory_space<hbm>>
      %dma_start3A_563 = arith.constant 0 : i32
      %dma_start3A_564 = tpu.memref_slice %arg10[%dma_start3A_556, %dma_start3A_563] : memref<4x128xi32, #tpu.memory_space<vmem>> -> memref<1x128xi32, #tpu.memory_space<vmem>>
      %dma_start3A_565 = tpu.memref_squeeze %dma_start3A_564 : memref<1x128xi32, #tpu.memory_space<vmem>> -> memref<128xi32, #tpu.memory_space<vmem>>
      %dma_start3A_566 = arith.constant 0 : i32
      %dma_start3A_567 = tpu.memref_slice %arg4[%add3A_555, %dma_start3A_566] : memref<2560x128xi32, #tpu.memory_space<hbm>> -> memref<1x128xi32, #tpu.memory_space<hbm>>
      %dma_start3A_568 = tpu.memref_squeeze %dma_start3A_567 : memref<1x128xi32, #tpu.memory_space<hbm>> -> memref<128xi32, #tpu.memory_space<hbm>>
      tpu.enqueue_dma source(%dma_start3A_568 : memref<128xi32, #tpu.memory_space<hbm>>) target(%dma_start3A_565 : memref<128xi32, #tpu.memory_space<vmem>>) target_semaphore(%arg27 : memref<!tpu.dma_semaphore, #tpu.memory_space<semaphore_mem>>)
      %scan3A_569 = arith.constant 0 : i32
      %scan3A_570 = arith.constant 64 : i32
      %scan3A_571 = arith.constant 64 : i32
      %scan3A_572 = arith.addi %scan3A_570, %scan3A_571 : i32
      %scan3A_573 = arith.constant 1 : i32
      %scan3A_574 = scf.for %scan3A_806 = %scan3A_570 to %scan3A_572 step %scan3A_573 iter_args(%scan3A_807 = %scan3A_569) -> (i32)  : i32 {
        %mul3A_808 = arith.constant 3 : i32
        %mul3A_809 = arith.muli %mul3A_808, %scan3A_806 : i32
        %get3A_810 = arith.index_cast %mul3A_809 : i32 to index
        %get3A_811 = tpu.vector_load %arg14[%get3A_810] {strides = array<i32>} : memref<400xf32, #tpu.memory_space<vmem>>, vector<16xf32>,
        %get3A_812 = vector.shape_cast %get3A_811 : vector<16xf32> to vector<16xf32>
        %slice3A = vector.extract_strided_slice %get3A_812 {offsets = [0], sizes = [1], strides = [1]} : vector<16xf32> to vector<1xf32>
        %squeeze3A = vector.extract %slice3A[0] : f32 from vector<1xf32>
        %slice3A_813 = vector.extract_strided_slice %get3A_812 {offsets = [1], sizes = [1], strides = [1]} : vector<16xf32> to vector<1xf32>
        %squeeze3A_814 = vector.extract %slice3A_813[0] : f32 from vector<1xf32>
        %slice3A_815 = vector.extract_strided_slice %get3A_812 {offsets = [2], sizes = [1], strides = [1]} : vector<16xf32> to vector<1xf32>
        %squeeze3A_816 = vector.extract %slice3A_815[0] : f32 from vector<1xf32>
        %get3A_817 = arith.index_cast %scan3A_806 : i32 to index
        %get3A_818 = arith.constant 0 : index
        %get3A_819 = tpu.vector_load %arg12[%get3A_817, %get3A_818] {strides = array<i32>} : memref<128x128xf32, #tpu.memory_space<vmem>>, vector<1x16xf32>,
        %get3A_820 = vector.shape_cast %get3A_819 : vector<1x16xf32> to vector<16xf32>
        %mul3A_821 = vector.broadcast %squeeze3A : f32 to vector<16xf32>
        %mul3A_822 = arith.mulf %mul3A_821, %get3A_177 : vector<16xf32>
        %add3A_823 = arith.addf %get3A_820, %mul3A_822 : vector<16xf32>
        %mul3A_824 = vector.broadcast %squeeze3A_814 : f32 to vector<16xf32>
        %mul3A_825 = arith.mulf %mul3A_824, %get3A_201 : vector<16xf32>
        %add3A_826 = arith.addf %add3A_823, %mul3A_825 : vector<16xf32>
        %mul3A_827 = vector.broadcast %squeeze3A_816 : f32 to vector<16xf32>
        %mul3A_828 = arith.mulf %mul3A_827, %get3A_225 : vector<16xf32>
        %add3A_829 = arith.addf %add3A_826, %mul3A_828 : vector<16xf32>
        %mul3A_830 = arith.constant 0.00999999977 : f32
        %mul3A_831 = vector.broadcast %mul3A_830 : f32 to vector<16xf32>
        %mul3A_832 = arith.mulf %mul3A_831, %add3A_829 : vector<16xf32>
        %max3A = arith.maximumf %add3A_829, %mul3A_832 : vector<16xf32>
        %swap3A_833 = arith.index_cast %scan3A_806 : i32 to index
        %swap3A_834 = arith.constant 0 : index
        %swap3A_835 = tpu.vector_load %arg12[%swap3A_833, %swap3A_834] {strides = array<i32>} : memref<128x128xf32, #tpu.memory_space<vmem>>, vector<1x16xf32>,
        %swap3A_836 = vector.shape_cast %swap3A_835 : vector<1x16xf32> to vector<16xf32>
        %swap3A_837 = vector.shape_cast %max3A : vector<16xf32> to vector<1x16xf32>
        tpu.vector_store %arg12[%swap3A_833, %swap3A_834], %swap3A_837 {strides = array<i32>} : memref<128x128xf32, #tpu.memory_space<vmem>>, vector<1x16xf32>,
        %get3A_838 = arith.index_cast %scan3A_806 : i32 to index
        %get3A_839 = arith.constant 16 : index
        %get3A_840 = tpu.vector_load %arg12[%get3A_838, %get3A_839] {strides = array<i32>} : memref<128x128xf32, #tpu.memory_space<vmem>>, vector<1x16xf32>,
        %get3A_841 = vector.shape_cast %get3A_840 : vector<1x16xf32> to vector<16xf32>
        %mul3A_842 = vector.broadcast %squeeze3A : f32 to vector<16xf32>
        %mul3A_843 = arith.mulf %mul3A_842, %get3A_180 : vector<16xf32>
        %add3A_844 = arith.addf %get3A_841, %mul3A_843 : vector<16xf32>
        %mul3A_845 = vector.broadcast %squeeze3A_814 : f32 to vector<16xf32>
        %mul3A_846 = arith.mulf %mul3A_845, %get3A_204 : vector<16xf32>
        %add3A_847 = arith.addf %add3A_844, %mul3A_846 : vector<16xf32>
        %mul3A_848 = vector.broadcast %squeeze3A_816 : f32 to vector<16xf32>
        %mul3A_849 = arith.mulf %mul3A_848, %get3A_228 : vector<16xf32>
        %add3A_850 = arith.addf %add3A_847, %mul3A_849 : vector<16xf32>
        %mul3A_851 = arith.constant 0.00999999977 : f32
        %mul3A_852 = vector.broadcast %mul3A_851 : f32 to vector<16xf32>
        %mul3A_853 = arith.mulf %mul3A_852, %add3A_850 : vector<16xf32>
        %max3A_854 = arith.maximumf %add3A_850, %mul3A_853 : vector<16xf32>
        %swap3A_855 = arith.index_cast %scan3A_806 : i32 to index
        %swap3A_856 = arith.constant 16 : index
        %swap3A_857 = tpu.vector_load %arg12[%swap3A_855, %swap3A_856] {strides = array<i32>} : memref<128x128xf32, #tpu.memory_space<vmem>>, vector<1x16xf32>,
        %swap3A_858 = vector.shape_cast %swap3A_857 : vector<1x16xf32> to vector<16xf32>
        %swap3A_859 = vector.shape_cast %max3A_854 : vector<16xf32> to vector<1x16xf32>
        tpu.vector_store %arg12[%swap3A_855, %swap3A_856], %swap3A_859 {strides = array<i32>} : memref<128x128xf32, #tpu.memory_space<vmem>>, vector<1x16xf32>,
        %get3A_860 = arith.index_cast %scan3A_806 : i32 to index
        %get3A_861 = arith.constant 32 : index
        %get3A_862 = tpu.vector_load %arg12[%get3A_860, %get3A_861] {strides = array<i32>} : memref<128x128xf32, #tpu.memory_space<vmem>>, vector<1x16xf32>,
        %get3A_863 = vector.shape_cast %get3A_862 : vector<1x16xf32> to vector<16xf32>
        %mul3A_864 = vector.broadcast %squeeze3A : f32 to vector<16xf32>
        %mul3A_865 = arith.mulf %mul3A_864, %get3A_183 : vector<16xf32>
        %add3A_866 = arith.addf %get3A_863, %mul3A_865 : vector<16xf32>
        %mul3A_867 = vector.broadcast %squeeze3A_814 : f32 to vector<16xf32>
        %mul3A_868 = arith.mulf %mul3A_867, %get3A_207 : vector<16xf32>
        %add3A_869 = arith.addf %add3A_866, %mul3A_868 : vector<16xf32>
        %mul3A_870 = vector.broadcast %squeeze3A_816 : f32 to vector<16xf32>
        %mul3A_871 = arith.mulf %mul3A_870, %get3A_231 : vector<16xf32>
        %add3A_872 = arith.addf %add3A_869, %mul3A_871 : vector<16xf32>
        %mul3A_873 = arith.constant 0.00999999977 : f32
        %mul3A_874 = vector.broadcast %mul3A_873 : f32 to vector<16xf32>
        %mul3A_875 = arith.mulf %mul3A_874, %add3A_872 : vector<16xf32>
        %max3A_876 = arith.maximumf %add3A_872, %mul3A_875 : vector<16xf32>
        %swap3A_877 = arith.index_cast %scan3A_806 : i32 to index
        %swap3A_878 = arith.constant 32 : index
        %swap3A_879 = tpu.vector_load %arg12[%swap3A_877, %swap3A_878] {strides = array<i32>} : memref<128x128xf32, #tpu.memory_space<vmem>>, vector<1x16xf32>,
        %swap3A_880 = vector.shape_cast %swap3A_879 : vector<1x16xf32> to vector<16xf32>
        %swap3A_881 = vector.shape_cast %max3A_876 : vector<16xf32> to vector<1x16xf32>
        tpu.vector_store %arg12[%swap3A_877, %swap3A_878], %swap3A_881 {strides = array<i32>} : memref<128x128xf32, #tpu.memory_space<vmem>>, vector<1x16xf32>,
        %get3A_882 = arith.index_cast %scan3A_806 : i32 to index
        %get3A_883 = arith.constant 48 : index
        %get3A_884 = tpu.vector_load %arg12[%get3A_882, %get3A_883] {strides = array<i32>} : memref<128x128xf32, #tpu.memory_space<vmem>>, vector<1x16xf32>,
        %get3A_885 = vector.shape_cast %get3A_884 : vector<1x16xf32> to vector<16xf32>
        %mul3A_886 = vector.broadcast %squeeze3A : f32 to vector<16xf32>
        %mul3A_887 = arith.mulf %mul3A_886, %get3A_186 : vector<16xf32>
        %add3A_888 = arith.addf %get3A_885, %mul3A_887 : vector<16xf32>
        %mul3A_889 = vector.broadcast %squeeze3A_814 : f32 to vector<16xf32>
        %mul3A_890 = arith.mulf %mul3A_889, %get3A_210 : vector<16xf32>
        %add3A_891 = arith.addf %add3A_888, %mul3A_890 : vector<16xf32>
        %mul3A_892 = vector.broadcast %squeeze3A_816 : f32 to vector<16xf32>
        %mul3A_893 = arith.mulf %mul3A_892, %get3A_234 : vector<16xf32>
        %add3A_894 = arith.addf %add3A_891, %mul3A_893 : vector<16xf32>
        %mul3A_895 = arith.constant 0.00999999977 : f32
        %mul3A_896 = vector.broadcast %mul3A_895 : f32 to vector<16xf32>
        %mul3A_897 = arith.mulf %mul3A_896, %add3A_894 : vector<16xf32>
        %max3A_898 = arith.maximumf %add3A_894, %mul3A_897 : vector<16xf32>
        %swap3A_899 = arith.index_cast %scan3A_806 : i32 to index
        %swap3A_900 = arith.constant 48 : index
        %swap3A_901 = tpu.vector_load %arg12[%swap3A_899, %swap3A_900] {strides = array<i32>} : memref<128x128xf32, #tpu.memory_space<vmem>>, vector<1x16xf32>,
        %swap3A_902 = vector.shape_cast %swap3A_901 : vector<1x16xf32> to vector<16xf32>
        %swap3A_903 = vector.shape_cast %max3A_898 : vector<16xf32> to vector<1x16xf32>
        tpu.vector_store %arg12[%swap3A_899, %swap3A_900], %swap3A_903 {strides = array<i32>} : memref<128x128xf32, #tpu.memory_space<vmem>>, vector<1x16xf32>,
        %get3A_904 = arith.index_cast %scan3A_806 : i32 to index
        %get3A_905 = arith.constant 64 : index
        %get3A_906 = tpu.vector_load %arg12[%get3A_904, %get3A_905] {strides = array<i32>} : memref<128x128xf32, #tpu.memory_space<vmem>>, vector<1x16xf32>,
        %get3A_907 = vector.shape_cast %get3A_906 : vector<1x16xf32> to vector<16xf32>
        %mul3A_908 = vector.broadcast %squeeze3A : f32 to vector<16xf32>
        %mul3A_909 = arith.mulf %mul3A_908, %get3A_189 : vector<16xf32>
        %add3A_910 = arith.addf %get3A_907, %mul3A_909 : vector<16xf32>
        %mul3A_911 = vector.broadcast %squeeze3A_814 : f32 to vector<16xf32>
        %mul3A_912 = arith.mulf %mul3A_911, %get3A_213 : vector<16xf32>
        %add3A_913 = arith.addf %add3A_910, %mul3A_912 : vector<16xf32>
        %mul3A_914 = vector.broadcast %squeeze3A_816 : f32 to vector<16xf32>
        %mul3A_915 = arith.mulf %mul3A_914, %get3A_237 : vector<16xf32>
        %add3A_916 = arith.addf %add3A_913, %mul3A_915 : vector<16xf32>
        %mul3A_917 = arith.constant 0.00999999977 : f32
        %mul3A_918 = vector.broadcast %mul3A_917 : f32 to vector<16xf32>
        %mul3A_919 = arith.mulf %mul3A_918, %add3A_916 : vector<16xf32>
        %max3A_920 = arith.maximumf %add3A_916, %mul3A_919 : vector<16xf32>
        %swap3A_921 = arith.index_cast %scan3A_806 : i32 to index
        %swap3A_922 = arith.constant 64 : index
        %swap3A_923 = tpu.vector_load %arg12[%swap3A_921, %swap3A_922] {strides = array<i32>} : memref<128x128xf32, #tpu.memory_space<vmem>>, vector<1x16xf32>,
        %swap3A_924 = vector.shape_cast %swap3A_923 : vector<1x16xf32> to vector<16xf32>
        %swap3A_925 = vector.shape_cast %max3A_920 : vector<16xf32> to vector<1x16xf32>
        tpu.vector_store %arg12[%swap3A_921, %swap3A_922], %swap3A_925 {strides = array<i32>} : memref<128x128xf32, #tpu.memory_space<vmem>>, vector<1x16xf32>,
        %get3A_926 = arith.index_cast %scan3A_806 : i32 to index
        %get3A_927 = arith.constant 80 : index
        %get3A_928 = tpu.vector_load %arg12[%get3A_926, %get3A_927] {strides = array<i32>} : memref<128x128xf32, #tpu.memory_space<vmem>>, vector<1x16xf32>,
        %get3A_929 = vector.shape_cast %get3A_928 : vector<1x16xf32> to vector<16xf32>
        %mul3A_930 = vector.broadcast %squeeze3A : f32 to vector<16xf32>
        %mul3A_931 = arith.mulf %mul3A_930, %get3A_192 : vector<16xf32>
        %add3A_932 = arith.addf %get3A_929, %mul3A_931 : vector<16xf32>
        %mul3A_933 = vector.broadcast %squeeze3A_814 : f32 to vector<16xf32>
        %mul3A_934 = arith.mulf %mul3A_933, %get3A_216 : vector<16xf32>
        %add3A_935 = arith.addf %add3A_932, %mul3A_934 : vector<16xf32>
        %mul3A_936 = vector.broadcast %squeeze3A_816 : f32 to vector<16xf32>
        %mul3A_937 = arith.mulf %mul3A_936, %get3A_240 : vector<16xf32>
        %add3A_938 = arith.addf %add3A_935, %mul3A_937 : vector<16xf32>
        %mul3A_939 = arith.constant 0.00999999977 : f32
        %mul3A_940 = vector.broadcast %mul3A_939 : f32 to vector<16xf32>
        %mul3A_941 = arith.mulf %mul3A_940, %add3A_938 : vector<16xf32>
        %max3A_942 = arith.maximumf %add3A_938, %mul3A_941 : vector<16xf32>
        %swap3A_943 = arith.index_cast %scan3A_806 : i32 to index
        %swap3A_944 = arith.constant 80 : index
        %swap3A_945 = tpu.vector_load %arg12[%swap3A_943, %swap3A_944] {strides = array<i32>} : memref<128x128xf32, #tpu.memory_space<vmem>>, vector<1x16xf32>,
        %swap3A_946 = vector.shape_cast %swap3A_945 : vector<1x16xf32> to vector<16xf32>
        %swap3A_947 = vector.shape_cast %max3A_942 : vector<16xf32> to vector<1x16xf32>
        tpu.vector_store %arg12[%swap3A_943, %swap3A_944], %swap3A_947 {strides = array<i32>} : memref<128x128xf32, #tpu.memory_space<vmem>>, vector<1x16xf32>,
        %get3A_948 = arith.index_cast %scan3A_806 : i32 to index
        %get3A_949 = arith.constant 96 : index
        %get3A_950 = tpu.vector_load %arg12[%get3A_948, %get3A_949] {strides = array<i32>} : memref<128x128xf32, #tpu.memory_space<vmem>>, vector<1x16xf32>,
        %get3A_951 = vector.shape_cast %get3A_950 : vector<1x16xf32> to vector<16xf32>
        %mul3A_952 = vector.broadcast %squeeze3A : f32 to vector<16xf32>
        %mul3A_953 = arith.mulf %mul3A_952, %get3A_195 : vector<16xf32>
        %add3A_954 = arith.addf %get3A_951, %mul3A_953 : vector<16xf32>
        %mul3A_955 = vector.broadcast %squeeze3A_814 : f32 to vector<16xf32>
        %mul3A_956 = arith.mulf %mul3A_955, %get3A_219 : vector<16xf32>
        %add3A_957 = arith.addf %add3A_954, %mul3A_956 : vector<16xf32>
        %mul3A_958 = vector.broadcast %squeeze3A_816 : f32 to vector<16xf32>
        %mul3A_959 = arith.mulf %mul3A_958, %get3A_243 : vector<16xf32>
        %add3A_960 = arith.addf %add3A_957, %mul3A_959 : vector<16xf32>
        %mul3A_961 = arith.constant 0.00999999977 : f32
        %mul3A_962 = vector.broadcast %mul3A_961 : f32 to vector<16xf32>
        %mul3A_963 = arith.mulf %mul3A_962, %add3A_960 : vector<16xf32>
        %max3A_964 = arith.maximumf %add3A_960, %mul3A_963 : vector<16xf32>
        %swap3A_965 = arith.index_cast %scan3A_806 : i32 to index
        %swap3A_966 = arith.constant 96 : index
        %swap3A_967 = tpu.vector_load %arg12[%swap3A_965, %swap3A_966] {strides = array<i32>} : memref<128x128xf32, #tpu.memory_space<vmem>>, vector<1x16xf32>,
        %swap3A_968 = vector.shape_cast %swap3A_967 : vector<1x16xf32> to vector<16xf32>
        %swap3A_969 = vector.shape_cast %max3A_964 : vector<16xf32> to vector<1x16xf32>
        tpu.vector_store %arg12[%swap3A_965, %swap3A_966], %swap3A_969 {strides = array<i32>} : memref<128x128xf32, #tpu.memory_space<vmem>>, vector<1x16xf32>,
        %get3A_970 = arith.index_cast %scan3A_806 : i32 to index
        %get3A_971 = arith.constant 112 : index
        %get3A_972 = tpu.vector_load %arg12[%get3A_970, %get3A_971] {strides = array<i32>} : memref<128x128xf32, #tpu.memory_space<vmem>>, vector<1x16xf32>,
        %get3A_973 = vector.shape_cast %get3A_972 : vector<1x16xf32> to vector<16xf32>
        %mul3A_974 = vector.broadcast %squeeze3A : f32 to vector<16xf32>
        %mul3A_975 = arith.mulf %mul3A_974, %get3A_198 : vector<16xf32>
        %add3A_976 = arith.addf %get3A_973, %mul3A_975 : vector<16xf32>
        %mul3A_977 = vector.broadcast %squeeze3A_814 : f32 to vector<16xf32>
        %mul3A_978 = arith.mulf %mul3A_977, %get3A_222 : vector<16xf32>
        %add3A_979 = arith.addf %add3A_976, %mul3A_978 : vector<16xf32>
        %mul3A_980 = vector.broadcast %squeeze3A_816 : f32 to vector<16xf32>
        %mul3A_981 = arith.mulf %mul3A_980, %get3A_246 : vector<16xf32>
        %add3A_982 = arith.addf %add3A_979, %mul3A_981 : vector<16xf32>
        %mul3A_983 = arith.constant 0.00999999977 : f32
        %mul3A_984 = vector.broadcast %mul3A_983 : f32 to vector<16xf32>
        %mul3A_985 = arith.mulf %mul3A_984, %add3A_982 : vector<16xf32>
        %max3A_986 = arith.maximumf %add3A_982, %mul3A_985 : vector<16xf32>
        %swap3A_987 = arith.index_cast %scan3A_806 : i32 to index
        %swap3A_988 = arith.constant 112 : index
        %swap3A_989 = tpu.vector_load %arg12[%swap3A_987, %swap3A_988] {strides = array<i32>} : memref<128x128xf32, #tpu.memory_space<vmem>>, vector<1x16xf32>,
        %swap3A_990 = vector.shape_cast %swap3A_989 : vector<1x16xf32> to vector<16xf32>
        %swap3A_991 = vector.shape_cast %max3A_986 : vector<16xf32> to vector<1x16xf32>
        tpu.vector_store %arg12[%swap3A_987, %swap3A_988], %swap3A_991 {strides = array<i32>} : memref<128x128xf32, #tpu.memory_space<vmem>>, vector<1x16xf32>,
        %scan3A_992 = arith.constant 0 : i32
        scf.yield %scan3A_992 : i32
      }
      %scan3A_575 = arith.constant 64 : i32
      %dma_start3A_576 = arith.constant 1 : i32
      %dma_start3A_577 = arith.constant 0 : i32
      %dma_start3A_578 = tpu.memref_slice %arg10[%dma_start3A_576, %dma_start3A_577] : memref<4x128xi32, #tpu.memory_space<vmem>> -> memref<1x128xi32, #tpu.memory_space<vmem>>
      %dma_start3A_579 = tpu.memref_squeeze %dma_start3A_578 : memref<1x128xi32, #tpu.memory_space<vmem>> -> memref<128xi32, #tpu.memory_space<vmem>>
      %dma_start3A_580 = arith.constant 0 : i32
      %dma_start3A_581 = arith.constant 0 : i32
      %dma_start3A_582 = tpu.memref_slice %arg18[%dma_start3A_580, %dma_start3A_581] : memref<10240x128xf32, #tpu.memory_space<vmem_shared>> -> memref<10240x128xf32, #tpu.memory_space<vmem_shared>>
      tpu.enqueue_indirect_dma source(%arg12 : memref<128x128xf32, #tpu.memory_space<vmem>>) target(%dma_start3A_582 : memref<10240x128xf32, #tpu.memory_space<vmem_shared>>) offsets(%dma_start3A_579 : memref<128xi32, #tpu.memory_space<vmem>>) semaphore(%arg23 : memref<!tpu.dma_semaphore, #tpu.memory_space<semaphore_mem>>) {add = true}
      %dma_start3A_583 = arith.constant 1 : i32
      %dma_start3A_584 = arith.constant 0 : i32
      %dma_start3A_585 = tpu.memref_slice %arg10[%dma_start3A_583, %dma_start3A_584] : memref<4x128xi32, #tpu.memory_space<vmem>> -> memref<1x128xi32, #tpu.memory_space<vmem>>
      %dma_start3A_586 = tpu.memref_squeeze %dma_start3A_585 : memref<1x128xi32, #tpu.memory_space<vmem>> -> memref<128xi32, #tpu.memory_space<vmem>>
      %dma_start3A_587 = arith.constant 0 : i32
      %dma_start3A_588 = tpu.memref_slice %arg19[%dma_start3A_587] : memref<10240xf32, #tpu.memory_space<vmem_shared>> -> memref<10240xf32, #tpu.memory_space<vmem_shared>>
      tpu.enqueue_indirect_dma source(%arg17 : memref<128xf32, #tpu.memory_space<vmem>>) target(%dma_start3A_588 : memref<10240xf32, #tpu.memory_space<vmem_shared>>) offsets(%dma_start3A_586 : memref<128xi32, #tpu.memory_space<vmem>>) semaphore(%arg23 : memref<!tpu.dma_semaphore, #tpu.memory_space<semaphore_mem>>) {add = true}
      %mul3A_589 = arith.constant 4 : i32
      %mul3A_590 = arith.muli %mul3A_589, %scan3A_275 : i32
      %add3A_591 = arith.constant 2 : i32
      %add3A_592 = arith.addi %mul3A_590, %add3A_591 : i32
      %mul3A_593 = arith.constant 10240 : i32
      %mul3A_594 = arith.muli %add3A, %mul3A_593 : i32
      %mul3A_595 = arith.constant 128 : i32
      %mul3A_596 = arith.muli %add3A_592, %mul3A_595 : i32
      %add3A_597 = arith.addi %mul3A_594, %mul3A_596 : i32
      %mul3A_598 = arith.constant 3 : i32
      %mul3A_599 = arith.muli %add3A_597, %mul3A_598 : i32
      %dma_wait3A_600 = arith.constant 0 : i32
      %dma_wait3A_601 = tpu.memref_slice %arg13[%dma_wait3A_600] : memref<400xf32, #tpu.memory_space<vmem>> -> memref<384xf32, #tpu.memory_space<vmem>>
      %dma_wait3A_602 = tpu.memref_slice %arg5[%mul3A_599] : memref<983040xf32, #tpu.memory_space<hbm>> -> memref<384xf32, #tpu.memory_space<hbm>>
      %dma_wait3A_603 = arith.constant 0 : i32
      %dma_wait3A_604 = tpu.memref_slice %arg13[%dma_wait3A_603] : memref<400xf32, #tpu.memory_space<vmem>> -> memref<384xf32, #tpu.memory_space<vmem>>
      %dma_wait3A_605 = tpu.memref_slice %arg5[%mul3A_599] : memref<983040xf32, #tpu.memory_space<hbm>> -> memref<384xf32, #tpu.memory_space<hbm>>
      tpu.wait_dma2 semaphore(%arg20 : memref<!tpu.dma_semaphore, #tpu.memory_space<semaphore_mem>>) src(%dma_wait3A_605 : memref<384xf32, #tpu.memory_space<hbm>>) dst(%dma_wait3A_604 : memref<384xf32, #tpu.memory_space<vmem>>)
      %dma_wait3A_606 = arith.constant 2 : i32
      %dma_wait3A_607 = arith.constant 0 : i32
      %dma_wait3A_608 = tpu.memref_slice %arg9[%dma_wait3A_606, %dma_wait3A_607] : memref<4x128xi32, #tpu.memory_space<vmem>> -> memref<1x128xi32, #tpu.memory_space<vmem>>
      %dma_wait3A_609 = tpu.memref_squeeze %dma_wait3A_608 : memref<1x128xi32, #tpu.memory_space<vmem>> -> memref<128xi32, #tpu.memory_space<vmem>>
      %dma_wait3A_610 = arith.constant 0 : i32
      %dma_wait3A_611 = arith.constant 0 : i32
      %dma_wait3A_612 = tpu.memref_slice %arg2[%dma_wait3A_610, %dma_wait3A_611] : memref<10240x128xf32, #tpu.memory_space<hbm>> -> memref<10240x128xf32, #tpu.memory_space<hbm>>
      tpu.wait_indirect_dma semaphore(%arg20 : memref<!tpu.dma_semaphore, #tpu.memory_space<semaphore_mem>>) src(%dma_wait3A_612 : memref<10240x128xf32, #tpu.memory_space<hbm>>) dst(%arg11 : memref<128x128xf32, #tpu.memory_space<vmem>>)
      %scan3A_613 = arith.constant 0 : i32
      %scan3A_614 = arith.constant 0 : i32
      %scan3A_615 = arith.constant 64 : i32
      %scan3A_616 = arith.addi %scan3A_614, %scan3A_615 : i32
      %scan3A_617 = arith.constant 1 : i32
      %scan3A_618 = scf.for %scan3A_806 = %scan3A_614 to %scan3A_616 step %scan3A_617 iter_args(%scan3A_807 = %scan3A_613) -> (i32)  : i32 {
        %mul3A_808 = arith.constant 3 : i32
        %mul3A_809 = arith.muli %mul3A_808, %scan3A_806 : i32
        %get3A_810 = arith.index_cast %mul3A_809 : i32 to index
        %get3A_811 = tpu.vector_load %arg13[%get3A_810] {strides = array<i32>} : memref<400xf32, #tpu.memory_space<vmem>>, vector<16xf32>,
        %get3A_812 = vector.shape_cast %get3A_811 : vector<16xf32> to vector<16xf32>
        %slice3A = vector.extract_strided_slice %get3A_812 {offsets = [0], sizes = [1], strides = [1]} : vector<16xf32> to vector<1xf32>
        %squeeze3A = vector.extract %slice3A[0] : f32 from vector<1xf32>
        %slice3A_813 = vector.extract_strided_slice %get3A_812 {offsets = [1], sizes = [1], strides = [1]} : vector<16xf32> to vector<1xf32>
        %squeeze3A_814 = vector.extract %slice3A_813[0] : f32 from vector<1xf32>
        %slice3A_815 = vector.extract_strided_slice %get3A_812 {offsets = [2], sizes = [1], strides = [1]} : vector<16xf32> to vector<1xf32>
        %squeeze3A_816 = vector.extract %slice3A_815[0] : f32 from vector<1xf32>
        %get3A_817 = arith.index_cast %scan3A_806 : i32 to index
        %get3A_818 = arith.constant 0 : index
        %get3A_819 = tpu.vector_load %arg11[%get3A_817, %get3A_818] {strides = array<i32>} : memref<128x128xf32, #tpu.memory_space<vmem>>, vector<1x16xf32>,
        %get3A_820 = vector.shape_cast %get3A_819 : vector<1x16xf32> to vector<16xf32>
        %mul3A_821 = vector.broadcast %squeeze3A : f32 to vector<16xf32>
        %mul3A_822 = arith.mulf %mul3A_821, %get3A_177 : vector<16xf32>
        %add3A_823 = arith.addf %get3A_820, %mul3A_822 : vector<16xf32>
        %mul3A_824 = vector.broadcast %squeeze3A_814 : f32 to vector<16xf32>
        %mul3A_825 = arith.mulf %mul3A_824, %get3A_201 : vector<16xf32>
        %add3A_826 = arith.addf %add3A_823, %mul3A_825 : vector<16xf32>
        %mul3A_827 = vector.broadcast %squeeze3A_816 : f32 to vector<16xf32>
        %mul3A_828 = arith.mulf %mul3A_827, %get3A_225 : vector<16xf32>
        %add3A_829 = arith.addf %add3A_826, %mul3A_828 : vector<16xf32>
        %mul3A_830 = arith.constant 0.00999999977 : f32
        %mul3A_831 = vector.broadcast %mul3A_830 : f32 to vector<16xf32>
        %mul3A_832 = arith.mulf %mul3A_831, %add3A_829 : vector<16xf32>
        %max3A = arith.maximumf %add3A_829, %mul3A_832 : vector<16xf32>
        %swap3A_833 = arith.index_cast %scan3A_806 : i32 to index
        %swap3A_834 = arith.constant 0 : index
        %swap3A_835 = tpu.vector_load %arg11[%swap3A_833, %swap3A_834] {strides = array<i32>} : memref<128x128xf32, #tpu.memory_space<vmem>>, vector<1x16xf32>,
        %swap3A_836 = vector.shape_cast %swap3A_835 : vector<1x16xf32> to vector<16xf32>
        %swap3A_837 = vector.shape_cast %max3A : vector<16xf32> to vector<1x16xf32>
        tpu.vector_store %arg11[%swap3A_833, %swap3A_834], %swap3A_837 {strides = array<i32>} : memref<128x128xf32, #tpu.memory_space<vmem>>, vector<1x16xf32>,
        %get3A_838 = arith.index_cast %scan3A_806 : i32 to index
        %get3A_839 = arith.constant 16 : index
        %get3A_840 = tpu.vector_load %arg11[%get3A_838, %get3A_839] {strides = array<i32>} : memref<128x128xf32, #tpu.memory_space<vmem>>, vector<1x16xf32>,
        %get3A_841 = vector.shape_cast %get3A_840 : vector<1x16xf32> to vector<16xf32>
        %mul3A_842 = vector.broadcast %squeeze3A : f32 to vector<16xf32>
        %mul3A_843 = arith.mulf %mul3A_842, %get3A_180 : vector<16xf32>
        %add3A_844 = arith.addf %get3A_841, %mul3A_843 : vector<16xf32>
        %mul3A_845 = vector.broadcast %squeeze3A_814 : f32 to vector<16xf32>
        %mul3A_846 = arith.mulf %mul3A_845, %get3A_204 : vector<16xf32>
        %add3A_847 = arith.addf %add3A_844, %mul3A_846 : vector<16xf32>
        %mul3A_848 = vector.broadcast %squeeze3A_816 : f32 to vector<16xf32>
        %mul3A_849 = arith.mulf %mul3A_848, %get3A_228 : vector<16xf32>
        %add3A_850 = arith.addf %add3A_847, %mul3A_849 : vector<16xf32>
        %mul3A_851 = arith.constant 0.00999999977 : f32
        %mul3A_852 = vector.broadcast %mul3A_851 : f32 to vector<16xf32>
        %mul3A_853 = arith.mulf %mul3A_852, %add3A_850 : vector<16xf32>
        %max3A_854 = arith.maximumf %add3A_850, %mul3A_853 : vector<16xf32>
        %swap3A_855 = arith.index_cast %scan3A_806 : i32 to index
        %swap3A_856 = arith.constant 16 : index
        %swap3A_857 = tpu.vector_load %arg11[%swap3A_855, %swap3A_856] {strides = array<i32>} : memref<128x128xf32, #tpu.memory_space<vmem>>, vector<1x16xf32>,
        %swap3A_858 = vector.shape_cast %swap3A_857 : vector<1x16xf32> to vector<16xf32>
        %swap3A_859 = vector.shape_cast %max3A_854 : vector<16xf32> to vector<1x16xf32>
        tpu.vector_store %arg11[%swap3A_855, %swap3A_856], %swap3A_859 {strides = array<i32>} : memref<128x128xf32, #tpu.memory_space<vmem>>, vector<1x16xf32>,
        %get3A_860 = arith.index_cast %scan3A_806 : i32 to index
        %get3A_861 = arith.constant 32 : index
        %get3A_862 = tpu.vector_load %arg11[%get3A_860, %get3A_861] {strides = array<i32>} : memref<128x128xf32, #tpu.memory_space<vmem>>, vector<1x16xf32>,
        %get3A_863 = vector.shape_cast %get3A_862 : vector<1x16xf32> to vector<16xf32>
        %mul3A_864 = vector.broadcast %squeeze3A : f32 to vector<16xf32>
        %mul3A_865 = arith.mulf %mul3A_864, %get3A_183 : vector<16xf32>
        %add3A_866 = arith.addf %get3A_863, %mul3A_865 : vector<16xf32>
        %mul3A_867 = vector.broadcast %squeeze3A_814 : f32 to vector<16xf32>
        %mul3A_868 = arith.mulf %mul3A_867, %get3A_207 : vector<16xf32>
        %add3A_869 = arith.addf %add3A_866, %mul3A_868 : vector<16xf32>
        %mul3A_870 = vector.broadcast %squeeze3A_816 : f32 to vector<16xf32>
        %mul3A_871 = arith.mulf %mul3A_870, %get3A_231 : vector<16xf32>
        %add3A_872 = arith.addf %add3A_869, %mul3A_871 : vector<16xf32>
        %mul3A_873 = arith.constant 0.00999999977 : f32
        %mul3A_874 = vector.broadcast %mul3A_873 : f32 to vector<16xf32>
        %mul3A_875 = arith.mulf %mul3A_874, %add3A_872 : vector<16xf32>
        %max3A_876 = arith.maximumf %add3A_872, %mul3A_875 : vector<16xf32>
        %swap3A_877 = arith.index_cast %scan3A_806 : i32 to index
        %swap3A_878 = arith.constant 32 : index
        %swap3A_879 = tpu.vector_load %arg11[%swap3A_877, %swap3A_878] {strides = array<i32>} : memref<128x128xf32, #tpu.memory_space<vmem>>, vector<1x16xf32>,
        %swap3A_880 = vector.shape_cast %swap3A_879 : vector<1x16xf32> to vector<16xf32>
        %swap3A_881 = vector.shape_cast %max3A_876 : vector<16xf32> to vector<1x16xf32>
        tpu.vector_store %arg11[%swap3A_877, %swap3A_878], %swap3A_881 {strides = array<i32>} : memref<128x128xf32, #tpu.memory_space<vmem>>, vector<1x16xf32>,
        %get3A_882 = arith.index_cast %scan3A_806 : i32 to index
        %get3A_883 = arith.constant 48 : index
        %get3A_884 = tpu.vector_load %arg11[%get3A_882, %get3A_883] {strides = array<i32>} : memref<128x128xf32, #tpu.memory_space<vmem>>, vector<1x16xf32>,
        %get3A_885 = vector.shape_cast %get3A_884 : vector<1x16xf32> to vector<16xf32>
        %mul3A_886 = vector.broadcast %squeeze3A : f32 to vector<16xf32>
        %mul3A_887 = arith.mulf %mul3A_886, %get3A_186 : vector<16xf32>
        %add3A_888 = arith.addf %get3A_885, %mul3A_887 : vector<16xf32>
        %mul3A_889 = vector.broadcast %squeeze3A_814 : f32 to vector<16xf32>
        %mul3A_890 = arith.mulf %mul3A_889, %get3A_210 : vector<16xf32>
        %add3A_891 = arith.addf %add3A_888, %mul3A_890 : vector<16xf32>
        %mul3A_892 = vector.broadcast %squeeze3A_816 : f32 to vector<16xf32>
        %mul3A_893 = arith.mulf %mul3A_892, %get3A_234 : vector<16xf32>
        %add3A_894 = arith.addf %add3A_891, %mul3A_893 : vector<16xf32>
        %mul3A_895 = arith.constant 0.00999999977 : f32
        %mul3A_896 = vector.broadcast %mul3A_895 : f32 to vector<16xf32>
        %mul3A_897 = arith.mulf %mul3A_896, %add3A_894 : vector<16xf32>
        %max3A_898 = arith.maximumf %add3A_894, %mul3A_897 : vector<16xf32>
        %swap3A_899 = arith.index_cast %scan3A_806 : i32 to index
        %swap3A_900 = arith.constant 48 : index
        %swap3A_901 = tpu.vector_load %arg11[%swap3A_899, %swap3A_900] {strides = array<i32>} : memref<128x128xf32, #tpu.memory_space<vmem>>, vector<1x16xf32>,
        %swap3A_902 = vector.shape_cast %swap3A_901 : vector<1x16xf32> to vector<16xf32>
        %swap3A_903 = vector.shape_cast %max3A_898 : vector<16xf32> to vector<1x16xf32>
        tpu.vector_store %arg11[%swap3A_899, %swap3A_900], %swap3A_903 {strides = array<i32>} : memref<128x128xf32, #tpu.memory_space<vmem>>, vector<1x16xf32>,
        %get3A_904 = arith.index_cast %scan3A_806 : i32 to index
        %get3A_905 = arith.constant 64 : index
        %get3A_906 = tpu.vector_load %arg11[%get3A_904, %get3A_905] {strides = array<i32>} : memref<128x128xf32, #tpu.memory_space<vmem>>, vector<1x16xf32>,
        %get3A_907 = vector.shape_cast %get3A_906 : vector<1x16xf32> to vector<16xf32>
        %mul3A_908 = vector.broadcast %squeeze3A : f32 to vector<16xf32>
        %mul3A_909 = arith.mulf %mul3A_908, %get3A_189 : vector<16xf32>
        %add3A_910 = arith.addf %get3A_907, %mul3A_909 : vector<16xf32>
        %mul3A_911 = vector.broadcast %squeeze3A_814 : f32 to vector<16xf32>
        %mul3A_912 = arith.mulf %mul3A_911, %get3A_213 : vector<16xf32>
        %add3A_913 = arith.addf %add3A_910, %mul3A_912 : vector<16xf32>
        %mul3A_914 = vector.broadcast %squeeze3A_816 : f32 to vector<16xf32>
        %mul3A_915 = arith.mulf %mul3A_914, %get3A_237 : vector<16xf32>
        %add3A_916 = arith.addf %add3A_913, %mul3A_915 : vector<16xf32>
        %mul3A_917 = arith.constant 0.00999999977 : f32
        %mul3A_918 = vector.broadcast %mul3A_917 : f32 to vector<16xf32>
        %mul3A_919 = arith.mulf %mul3A_918, %add3A_916 : vector<16xf32>
        %max3A_920 = arith.maximumf %add3A_916, %mul3A_919 : vector<16xf32>
        %swap3A_921 = arith.index_cast %scan3A_806 : i32 to index
        %swap3A_922 = arith.constant 64 : index
        %swap3A_923 = tpu.vector_load %arg11[%swap3A_921, %swap3A_922] {strides = array<i32>} : memref<128x128xf32, #tpu.memory_space<vmem>>, vector<1x16xf32>,
        %swap3A_924 = vector.shape_cast %swap3A_923 : vector<1x16xf32> to vector<16xf32>
        %swap3A_925 = vector.shape_cast %max3A_920 : vector<16xf32> to vector<1x16xf32>
        tpu.vector_store %arg11[%swap3A_921, %swap3A_922], %swap3A_925 {strides = array<i32>} : memref<128x128xf32, #tpu.memory_space<vmem>>, vector<1x16xf32>,
        %get3A_926 = arith.index_cast %scan3A_806 : i32 to index
        %get3A_927 = arith.constant 80 : index
        %get3A_928 = tpu.vector_load %arg11[%get3A_926, %get3A_927] {strides = array<i32>} : memref<128x128xf32, #tpu.memory_space<vmem>>, vector<1x16xf32>,
        %get3A_929 = vector.shape_cast %get3A_928 : vector<1x16xf32> to vector<16xf32>
        %mul3A_930 = vector.broadcast %squeeze3A : f32 to vector<16xf32>
        %mul3A_931 = arith.mulf %mul3A_930, %get3A_192 : vector<16xf32>
        %add3A_932 = arith.addf %get3A_929, %mul3A_931 : vector<16xf32>
        %mul3A_933 = vector.broadcast %squeeze3A_814 : f32 to vector<16xf32>
        %mul3A_934 = arith.mulf %mul3A_933, %get3A_216 : vector<16xf32>
        %add3A_935 = arith.addf %add3A_932, %mul3A_934 : vector<16xf32>
        %mul3A_936 = vector.broadcast %squeeze3A_816 : f32 to vector<16xf32>
        %mul3A_937 = arith.mulf %mul3A_936, %get3A_240 : vector<16xf32>
        %add3A_938 = arith.addf %add3A_935, %mul3A_937 : vector<16xf32>
        %mul3A_939 = arith.constant 0.00999999977 : f32
        %mul3A_940 = vector.broadcast %mul3A_939 : f32 to vector<16xf32>
        %mul3A_941 = arith.mulf %mul3A_940, %add3A_938 : vector<16xf32>
        %max3A_942 = arith.maximumf %add3A_938, %mul3A_941 : vector<16xf32>
        %swap3A_943 = arith.index_cast %scan3A_806 : i32 to index
        %swap3A_944 = arith.constant 80 : index
        %swap3A_945 = tpu.vector_load %arg11[%swap3A_943, %swap3A_944] {strides = array<i32>} : memref<128x128xf32, #tpu.memory_space<vmem>>, vector<1x16xf32>,
        %swap3A_946 = vector.shape_cast %swap3A_945 : vector<1x16xf32> to vector<16xf32>
        %swap3A_947 = vector.shape_cast %max3A_942 : vector<16xf32> to vector<1x16xf32>
        tpu.vector_store %arg11[%swap3A_943, %swap3A_944], %swap3A_947 {strides = array<i32>} : memref<128x128xf32, #tpu.memory_space<vmem>>, vector<1x16xf32>,
        %get3A_948 = arith.index_cast %scan3A_806 : i32 to index
        %get3A_949 = arith.constant 96 : index
        %get3A_950 = tpu.vector_load %arg11[%get3A_948, %get3A_949] {strides = array<i32>} : memref<128x128xf32, #tpu.memory_space<vmem>>, vector<1x16xf32>,
        %get3A_951 = vector.shape_cast %get3A_950 : vector<1x16xf32> to vector<16xf32>
        %mul3A_952 = vector.broadcast %squeeze3A : f32 to vector<16xf32>
        %mul3A_953 = arith.mulf %mul3A_952, %get3A_195 : vector<16xf32>
        %add3A_954 = arith.addf %get3A_951, %mul3A_953 : vector<16xf32>
        %mul3A_955 = vector.broadcast %squeeze3A_814 : f32 to vector<16xf32>
        %mul3A_956 = arith.mulf %mul3A_955, %get3A_219 : vector<16xf32>
        %add3A_957 = arith.addf %add3A_954, %mul3A_956 : vector<16xf32>
        %mul3A_958 = vector.broadcast %squeeze3A_816 : f32 to vector<16xf32>
        %mul3A_959 = arith.mulf %mul3A_958, %get3A_243 : vector<16xf32>
        %add3A_960 = arith.addf %add3A_957, %mul3A_959 : vector<16xf32>
        %mul3A_961 = arith.constant 0.00999999977 : f32
        %mul3A_962 = vector.broadcast %mul3A_961 : f32 to vector<16xf32>
        %mul3A_963 = arith.mulf %mul3A_962, %add3A_960 : vector<16xf32>
        %max3A_964 = arith.maximumf %add3A_960, %mul3A_963 : vector<16xf32>
        %swap3A_965 = arith.index_cast %scan3A_806 : i32 to index
        %swap3A_966 = arith.constant 96 : index
        %swap3A_967 = tpu.vector_load %arg11[%swap3A_965, %swap3A_966] {strides = array<i32>} : memref<128x128xf32, #tpu.memory_space<vmem>>, vector<1x16xf32>,
        %swap3A_968 = vector.shape_cast %swap3A_967 : vector<1x16xf32> to vector<16xf32>
        %swap3A_969 = vector.shape_cast %max3A_964 : vector<16xf32> to vector<1x16xf32>
        tpu.vector_store %arg11[%swap3A_965, %swap3A_966], %swap3A_969 {strides = array<i32>} : memref<128x128xf32, #tpu.memory_space<vmem>>, vector<1x16xf32>,
        %get3A_970 = arith.index_cast %scan3A_806 : i32 to index
        %get3A_971 = arith.constant 112 : index
        %get3A_972 = tpu.vector_load %arg11[%get3A_970, %get3A_971] {strides = array<i32>} : memref<128x128xf32, #tpu.memory_space<vmem>>, vector<1x16xf32>,
        %get3A_973 = vector.shape_cast %get3A_972 : vector<1x16xf32> to vector<16xf32>
        %mul3A_974 = vector.broadcast %squeeze3A : f32 to vector<16xf32>
        %mul3A_975 = arith.mulf %mul3A_974, %get3A_198 : vector<16xf32>
        %add3A_976 = arith.addf %get3A_973, %mul3A_975 : vector<16xf32>
        %mul3A_977 = vector.broadcast %squeeze3A_814 : f32 to vector<16xf32>
        %mul3A_978 = arith.mulf %mul3A_977, %get3A_222 : vector<16xf32>
        %add3A_979 = arith.addf %add3A_976, %mul3A_978 : vector<16xf32>
        %mul3A_980 = vector.broadcast %squeeze3A_816 : f32 to vector<16xf32>
        %mul3A_981 = arith.mulf %mul3A_980, %get3A_246 : vector<16xf32>
        %add3A_982 = arith.addf %add3A_979, %mul3A_981 : vector<16xf32>
        %mul3A_983 = arith.constant 0.00999999977 : f32
        %mul3A_984 = vector.broadcast %mul3A_983 : f32 to vector<16xf32>
        %mul3A_985 = arith.mulf %mul3A_984, %add3A_982 : vector<16xf32>
        %max3A_986 = arith.maximumf %add3A_982, %mul3A_985 : vector<16xf32>
        %swap3A_987 = arith.index_cast %scan3A_806 : i32 to index
        %swap3A_988 = arith.constant 112 : index
        %swap3A_989 = tpu.vector_load %arg11[%swap3A_987, %swap3A_988] {strides = array<i32>} : memref<128x128xf32, #tpu.memory_space<vmem>>, vector<1x16xf32>,
        %swap3A_990 = vector.shape_cast %swap3A_989 : vector<1x16xf32> to vector<16xf32>
        %swap3A_991 = vector.shape_cast %max3A_986 : vector<16xf32> to vector<1x16xf32>
        tpu.vector_store %arg11[%swap3A_987, %swap3A_988], %swap3A_991 {strides = array<i32>} : memref<128x128xf32, #tpu.memory_space<vmem>>, vector<1x16xf32>,
        %scan3A_992 = arith.constant 0 : i32
        scf.yield %scan3A_992 : i32
      }
      %scan3A_619 = arith.constant 64 : i32
      %sub3A_620 = arith.constant 1 : i32
      %sub3A_621 = arith.subi %add3A_592, %sub3A_620 : i32
      %dma_wait3A_622 = arith.constant 1 : i32
      %dma_wait3A_623 = arith.constant 0 : i32
      %dma_wait3A_624 = tpu.memref_slice %arg10[%dma_wait3A_622, %dma_wait3A_623] : memref<4x128xi32, #tpu.memory_space<vmem>> -> memref<1x128xi32, #tpu.memory_space<vmem>>
      %dma_wait3A_625 = tpu.memref_squeeze %dma_wait3A_624 : memref<1x128xi32, #tpu.memory_space<vmem>> -> memref<128xi32, #tpu.memory_space<vmem>>
      %dma_wait3A_626 = arith.constant 0 : i32
      %dma_wait3A_627 = arith.constant 0 : i32
      %dma_wait3A_628 = tpu.memref_slice %arg18[%dma_wait3A_626, %dma_wait3A_627] : memref<10240x128xf32, #tpu.memory_space<vmem_shared>> -> memref<10240x128xf32, #tpu.memory_space<vmem_shared>>
      tpu.wait_indirect_dma semaphore(%arg23 : memref<!tpu.dma_semaphore, #tpu.memory_space<semaphore_mem>>) src(%arg12 : memref<128x128xf32, #tpu.memory_space<vmem>>) dst(%dma_wait3A_628 : memref<10240x128xf32, #tpu.memory_space<vmem_shared>>)
      %sub3A_629 = arith.constant 1 : i32
      %sub3A_630 = arith.subi %add3A_592, %sub3A_629 : i32
      %dma_wait3A_631 = arith.constant 1 : i32
      %dma_wait3A_632 = arith.constant 0 : i32
      %dma_wait3A_633 = tpu.memref_slice %arg10[%dma_wait3A_631, %dma_wait3A_632] : memref<4x128xi32, #tpu.memory_space<vmem>> -> memref<1x128xi32, #tpu.memory_space<vmem>>
      %dma_wait3A_634 = tpu.memref_squeeze %dma_wait3A_633 : memref<1x128xi32, #tpu.memory_space<vmem>> -> memref<128xi32, #tpu.memory_space<vmem>>
      %dma_wait3A_635 = arith.constant 0 : i32
      %dma_wait3A_636 = tpu.memref_slice %arg19[%dma_wait3A_635] : memref<10240xf32, #tpu.memory_space<vmem_shared>> -> memref<10240xf32, #tpu.memory_space<vmem_shared>>
      tpu.wait_indirect_dma semaphore(%arg23 : memref<!tpu.dma_semaphore, #tpu.memory_space<semaphore_mem>>) src(%arg17 : memref<128xf32, #tpu.memory_space<vmem>>) dst(%dma_wait3A_636 : memref<10240xf32, #tpu.memory_space<vmem_shared>>)
      %add3A_637 = arith.constant 1 : i32
      %add3A_638 = arith.addi %add3A_592, %add3A_637 : i32
      %mul3A_639 = arith.constant 80 : i32
      %mul3A_640 = arith.muli %add3A, %mul3A_639 : i32
      %add3A_641 = arith.addi %mul3A_640, %add3A_638 : i32
      %dma_wait3A_642 = arith.constant 3 : i32
      %dma_wait3A_643 = arith.constant 0 : i32
      %dma_wait3A_644 = tpu.memref_slice %arg9[%dma_wait3A_642, %dma_wait3A_643] : memref<4x128xi32, #tpu.memory_space<vmem>> -> memref<1x128xi32, #tpu.memory_space<vmem>>
      %dma_wait3A_645 = tpu.memref_squeeze %dma_wait3A_644 : memref<1x128xi32, #tpu.memory_space<vmem>> -> memref<128xi32, #tpu.memory_space<vmem>>
      %dma_wait3A_646 = arith.constant 0 : i32
      %dma_wait3A_647 = tpu.memref_slice %arg3[%add3A_641, %dma_wait3A_646] : memref<2560x128xi32, #tpu.memory_space<hbm>> -> memref<1x128xi32, #tpu.memory_space<hbm>>
      %dma_wait3A_648 = tpu.memref_squeeze %dma_wait3A_647 : memref<1x128xi32, #tpu.memory_space<hbm>> -> memref<128xi32, #tpu.memory_space<hbm>>
      %dma_wait3A_649 = arith.constant 0 : i32
      %dma_wait3A_650 = tpu.memref_slice %arg9[%dma_wait3A_642, %dma_wait3A_649] : memref<4x128xi32, #tpu.memory_space<vmem>> -> memref<1x128xi32, #tpu.memory_space<vmem>>
      %dma_wait3A_651 = tpu.memref_squeeze %dma_wait3A_650 : memref<1x128xi32, #tpu.memory_space<vmem>> -> memref<128xi32, #tpu.memory_space<vmem>>
      %dma_wait3A_652 = arith.constant 0 : i32
      %dma_wait3A_653 = tpu.memref_slice %arg3[%add3A_641, %dma_wait3A_652] : memref<2560x128xi32, #tpu.memory_space<hbm>> -> memref<1x128xi32, #tpu.memory_space<hbm>>
      %dma_wait3A_654 = tpu.memref_squeeze %dma_wait3A_653 : memref<1x128xi32, #tpu.memory_space<hbm>> -> memref<128xi32, #tpu.memory_space<hbm>>
      tpu.wait_dma2 semaphore(%arg27 : memref<!tpu.dma_semaphore, #tpu.memory_space<semaphore_mem>>) src(%dma_wait3A_654 : memref<128xi32, #tpu.memory_space<hbm>>) dst(%dma_wait3A_651 : memref<128xi32, #tpu.memory_space<vmem>>)
      %add3A_655 = arith.constant 1 : i32
      %add3A_656 = arith.addi %add3A_592, %add3A_655 : i32
      %mul3A_657 = arith.constant 80 : i32
      %mul3A_658 = arith.muli %add3A, %mul3A_657 : i32
      %add3A_659 = arith.addi %mul3A_658, %add3A_656 : i32
      %dma_wait3A_660 = arith.constant 3 : i32
      %dma_wait3A_661 = arith.constant 0 : i32
      %dma_wait3A_662 = tpu.memref_slice %arg10[%dma_wait3A_660, %dma_wait3A_661] : memref<4x128xi32, #tpu.memory_space<vmem>> -> memref<1x128xi32, #tpu.memory_space<vmem>>
      %dma_wait3A_663 = tpu.memref_squeeze %dma_wait3A_662 : memref<1x128xi32, #tpu.memory_space<vmem>> -> memref<128xi32, #tpu.memory_space<vmem>>
      %dma_wait3A_664 = arith.constant 0 : i32
      %dma_wait3A_665 = tpu.memref_slice %arg4[%add3A_659, %dma_wait3A_664] : memref<2560x128xi32, #tpu.memory_space<hbm>> -> memref<1x128xi32, #tpu.memory_space<hbm>>
      %dma_wait3A_666 = tpu.memref_squeeze %dma_wait3A_665 : memref<1x128xi32, #tpu.memory_space<hbm>> -> memref<128xi32, #tpu.memory_space<hbm>>
      %dma_wait3A_667 = arith.constant 0 : i32
      %dma_wait3A_668 = tpu.memref_slice %arg10[%dma_wait3A_660, %dma_wait3A_667] : memref<4x128xi32, #tpu.memory_space<vmem>> -> memref<1x128xi32, #tpu.memory_space<vmem>>
      %dma_wait3A_669 = tpu.memref_squeeze %dma_wait3A_668 : memref<1x128xi32, #tpu.memory_space<vmem>> -> memref<128xi32, #tpu.memory_space<vmem>>
      %dma_wait3A_670 = arith.constant 0 : i32
      %dma_wait3A_671 = tpu.memref_slice %arg4[%add3A_659, %dma_wait3A_670] : memref<2560x128xi32, #tpu.memory_space<hbm>> -> memref<1x128xi32, #tpu.memory_space<hbm>>
      %dma_wait3A_672 = tpu.memref_squeeze %dma_wait3A_671 : memref<1x128xi32, #tpu.memory_space<hbm>> -> memref<128xi32, #tpu.memory_space<hbm>>
      tpu.wait_dma2 semaphore(%arg27 : memref<!tpu.dma_semaphore, #tpu.memory_space<semaphore_mem>>) src(%dma_wait3A_672 : memref<128xi32, #tpu.memory_space<hbm>>) dst(%dma_wait3A_669 : memref<128xi32, #tpu.memory_space<vmem>>)
      %add3A_673 = arith.constant 1 : i32
      %add3A_674 = arith.addi %add3A_592, %add3A_673 : i32
      %mul3A_675 = arith.constant 10240 : i32
      %mul3A_676 = arith.muli %add3A, %mul3A_675 : i32
      %mul3A_677 = arith.constant 128 : i32
      %mul3A_678 = arith.muli %add3A_674, %mul3A_677 : i32
      %add3A_679 = arith.addi %mul3A_676, %mul3A_678 : i32
      %mul3A_680 = arith.constant 3 : i32
      %mul3A_681 = arith.muli %add3A_679, %mul3A_680 : i32
      %dma_start3A_682 = arith.constant 0 : i32
      %dma_start3A_683 = tpu.memref_slice %arg14[%dma_start3A_682] : memref<400xf32, #tpu.memory_space<vmem>> -> memref<384xf32, #tpu.memory_space<vmem>>
      %dma_start3A_684 = tpu.memref_slice %arg5[%mul3A_681] : memref<983040xf32, #tpu.memory_space<hbm>> -> memref<384xf32, #tpu.memory_space<hbm>>
      %dma_start3A_685 = arith.constant 0 : i32
      %dma_start3A_686 = tpu.memref_slice %arg14[%dma_start3A_685] : memref<400xf32, #tpu.memory_space<vmem>> -> memref<384xf32, #tpu.memory_space<vmem>>
      %dma_start3A_687 = tpu.memref_slice %arg5[%mul3A_681] : memref<983040xf32, #tpu.memory_space<hbm>> -> memref<384xf32, #tpu.memory_space<hbm>>
      tpu.enqueue_dma source(%dma_start3A_687 : memref<384xf32, #tpu.memory_space<hbm>>) target(%dma_start3A_686 : memref<384xf32, #tpu.memory_space<vmem>>) target_semaphore(%arg21 : memref<!tpu.dma_semaphore, #tpu.memory_space<semaphore_mem>>)
      %add3A_688 = arith.constant 1 : i32
      %add3A_689 = arith.addi %add3A_592, %add3A_688 : i32
      %dma_start3A_690 = arith.constant 3 : i32
      %dma_start3A_691 = arith.constant 0 : i32
      %dma_start3A_692 = tpu.memref_slice %arg9[%dma_start3A_690, %dma_start3A_691] : memref<4x128xi32, #tpu.memory_space<vmem>> -> memref<1x128xi32, #tpu.memory_space<vmem>>
      %dma_start3A_693 = tpu.memref_squeeze %dma_start3A_692 : memref<1x128xi32, #tpu.memory_space<vmem>> -> memref<128xi32, #tpu.memory_space<vmem>>
      %dma_start3A_694 = arith.constant 0 : i32
      %dma_start3A_695 = arith.constant 0 : i32
      %dma_start3A_696 = tpu.memref_slice %arg2[%dma_start3A_694, %dma_start3A_695] : memref<10240x128xf32, #tpu.memory_space<hbm>> -> memref<10240x128xf32, #tpu.memory_space<hbm>>
      tpu.enqueue_indirect_dma source(%dma_start3A_696 : memref<10240x128xf32, #tpu.memory_space<hbm>>) target(%arg12 : memref<128x128xf32, #tpu.memory_space<vmem>>) offsets(%dma_start3A_693 : memref<128xi32, #tpu.memory_space<vmem>>) semaphore(%arg21 : memref<!tpu.dma_semaphore, #tpu.memory_space<semaphore_mem>>)
      %add3A_697 = arith.constant 2 : i32
      %add3A_698 = arith.addi %add3A_592, %add3A_697 : i32
      %lt3A = arith.constant 80 : i32
      %lt3A_699 = arith.cmpi slt, %add3A_698, %lt3A : i32
      %convert_element_type3A_700 = arith.extui %lt3A_699 : i1 to i32
      %cond3A_701 = arith.constant 0 : i32
      %cond3A_702 = arith.cmpi ne, %convert_element_type3A_700, %cond3A_701 : i32
      scf.if %cond3A_702 {
        %add3A_806 = arith.constant 2 : i32
        %add3A_807 = arith.addi %add3A_592, %add3A_806 : i32
        %mul3A_808 = arith.constant 80 : i32
        %mul3A_809 = arith.muli %add3A, %mul3A_808 : i32
        %add3A_810 = arith.addi %mul3A_809, %add3A_807 : i32
        %dma_start3A_811 = arith.constant 0 : i32
        %dma_start3A_812 = arith.constant 0 : i32
        %dma_start3A_813 = tpu.memref_slice %arg9[%dma_start3A_811, %dma_start3A_812] : memref<4x128xi32, #tpu.memory_space<vmem>> -> memref<1x128xi32, #tpu.memory_space<vmem>>
        %dma_start3A_814 = tpu.memref_squeeze %dma_start3A_813 : memref<1x128xi32, #tpu.memory_space<vmem>> -> memref<128xi32, #tpu.memory_space<vmem>>
        %dma_start3A_815 = arith.constant 0 : i32
        %dma_start3A_816 = tpu.memref_slice %arg3[%add3A_810, %dma_start3A_815] : memref<2560x128xi32, #tpu.memory_space<hbm>> -> memref<1x128xi32, #tpu.memory_space<hbm>>
        %dma_start3A_817 = tpu.memref_squeeze %dma_start3A_816 : memref<1x128xi32, #tpu.memory_space<hbm>> -> memref<128xi32, #tpu.memory_space<hbm>>
        %dma_start3A_818 = arith.constant 0 : i32
        %dma_start3A_819 = tpu.memref_slice %arg9[%dma_start3A_811, %dma_start3A_818] : memref<4x128xi32, #tpu.memory_space<vmem>> -> memref<1x128xi32, #tpu.memory_space<vmem>>
        %dma_start3A_820 = tpu.memref_squeeze %dma_start3A_819 : memref<1x128xi32, #tpu.memory_space<vmem>> -> memref<128xi32, #tpu.memory_space<vmem>>
        %dma_start3A_821 = arith.constant 0 : i32
        %dma_start3A_822 = tpu.memref_slice %arg3[%add3A_810, %dma_start3A_821] : memref<2560x128xi32, #tpu.memory_space<hbm>> -> memref<1x128xi32, #tpu.memory_space<hbm>>
        %dma_start3A_823 = tpu.memref_squeeze %dma_start3A_822 : memref<1x128xi32, #tpu.memory_space<hbm>> -> memref<128xi32, #tpu.memory_space<hbm>>
        tpu.enqueue_dma source(%dma_start3A_823 : memref<128xi32, #tpu.memory_space<hbm>>) target(%dma_start3A_820 : memref<128xi32, #tpu.memory_space<vmem>>) target_semaphore(%arg24 : memref<!tpu.dma_semaphore, #tpu.memory_space<semaphore_mem>>)
        %add3A_824 = arith.constant 2 : i32
        %add3A_825 = arith.addi %add3A_592, %add3A_824 : i32
        %mul3A_826 = arith.constant 80 : i32
        %mul3A_827 = arith.muli %add3A, %mul3A_826 : i32
        %add3A_828 = arith.addi %mul3A_827, %add3A_825 : i32
        %dma_start3A_829 = arith.constant 0 : i32
        %dma_start3A_830 = arith.constant 0 : i32
        %dma_start3A_831 = tpu.memref_slice %arg10[%dma_start3A_829, %dma_start3A_830] : memref<4x128xi32, #tpu.memory_space<vmem>> -> memref<1x128xi32, #tpu.memory_space<vmem>>
        %dma_start3A_832 = tpu.memref_squeeze %dma_start3A_831 : memref<1x128xi32, #tpu.memory_space<vmem>> -> memref<128xi32, #tpu.memory_space<vmem>>
        %dma_start3A_833 = arith.constant 0 : i32
        %dma_start3A_834 = tpu.memref_slice %arg4[%add3A_828, %dma_start3A_833] : memref<2560x128xi32, #tpu.memory_space<hbm>> -> memref<1x128xi32, #tpu.memory_space<hbm>>
        %dma_start3A_835 = tpu.memref_squeeze %dma_start3A_834 : memref<1x128xi32, #tpu.memory_space<hbm>> -> memref<128xi32, #tpu.memory_space<hbm>>
        %dma_start3A_836 = arith.constant 0 : i32
        %dma_start3A_837 = tpu.memref_slice %arg10[%dma_start3A_829, %dma_start3A_836] : memref<4x128xi32, #tpu.memory_space<vmem>> -> memref<1x128xi32, #tpu.memory_space<vmem>>
        %dma_start3A_838 = tpu.memref_squeeze %dma_start3A_837 : memref<1x128xi32, #tpu.memory_space<vmem>> -> memref<128xi32, #tpu.memory_space<vmem>>
        %dma_start3A_839 = arith.constant 0 : i32
        %dma_start3A_840 = tpu.memref_slice %arg4[%add3A_828, %dma_start3A_839] : memref<2560x128xi32, #tpu.memory_space<hbm>> -> memref<1x128xi32, #tpu.memory_space<hbm>>
        %dma_start3A_841 = tpu.memref_squeeze %dma_start3A_840 : memref<1x128xi32, #tpu.memory_space<hbm>> -> memref<128xi32, #tpu.memory_space<hbm>>
        tpu.enqueue_dma source(%dma_start3A_841 : memref<128xi32, #tpu.memory_space<hbm>>) target(%dma_start3A_838 : memref<128xi32, #tpu.memory_space<vmem>>) target_semaphore(%arg24 : memref<!tpu.dma_semaphore, #tpu.memory_space<semaphore_mem>>)
      } else {
      }
      %scan3A_703 = arith.constant 0 : i32
      %scan3A_704 = arith.constant 64 : i32
      %scan3A_705 = arith.constant 64 : i32
      %scan3A_706 = arith.addi %scan3A_704, %scan3A_705 : i32
      %scan3A_707 = arith.constant 1 : i32
      %scan3A_708 = scf.for %scan3A_806 = %scan3A_704 to %scan3A_706 step %scan3A_707 iter_args(%scan3A_807 = %scan3A_703) -> (i32)  : i32 {
        %mul3A_808 = arith.constant 3 : i32
        %mul3A_809 = arith.muli %mul3A_808, %scan3A_806 : i32
        %get3A_810 = arith.index_cast %mul3A_809 : i32 to index
        %get3A_811 = tpu.vector_load %arg13[%get3A_810] {strides = array<i32>} : memref<400xf32, #tpu.memory_space<vmem>>, vector<16xf32>,
        %get3A_812 = vector.shape_cast %get3A_811 : vector<16xf32> to vector<16xf32>
        %slice3A = vector.extract_strided_slice %get3A_812 {offsets = [0], sizes = [1], strides = [1]} : vector<16xf32> to vector<1xf32>
        %squeeze3A = vector.extract %slice3A[0] : f32 from vector<1xf32>
        %slice3A_813 = vector.extract_strided_slice %get3A_812 {offsets = [1], sizes = [1], strides = [1]} : vector<16xf32> to vector<1xf32>
        %squeeze3A_814 = vector.extract %slice3A_813[0] : f32 from vector<1xf32>
        %slice3A_815 = vector.extract_strided_slice %get3A_812 {offsets = [2], sizes = [1], strides = [1]} : vector<16xf32> to vector<1xf32>
        %squeeze3A_816 = vector.extract %slice3A_815[0] : f32 from vector<1xf32>
        %get3A_817 = arith.index_cast %scan3A_806 : i32 to index
        %get3A_818 = arith.constant 0 : index
        %get3A_819 = tpu.vector_load %arg11[%get3A_817, %get3A_818] {strides = array<i32>} : memref<128x128xf32, #tpu.memory_space<vmem>>, vector<1x16xf32>,
        %get3A_820 = vector.shape_cast %get3A_819 : vector<1x16xf32> to vector<16xf32>
        %mul3A_821 = vector.broadcast %squeeze3A : f32 to vector<16xf32>
        %mul3A_822 = arith.mulf %mul3A_821, %get3A_177 : vector<16xf32>
        %add3A_823 = arith.addf %get3A_820, %mul3A_822 : vector<16xf32>
        %mul3A_824 = vector.broadcast %squeeze3A_814 : f32 to vector<16xf32>
        %mul3A_825 = arith.mulf %mul3A_824, %get3A_201 : vector<16xf32>
        %add3A_826 = arith.addf %add3A_823, %mul3A_825 : vector<16xf32>
        %mul3A_827 = vector.broadcast %squeeze3A_816 : f32 to vector<16xf32>
        %mul3A_828 = arith.mulf %mul3A_827, %get3A_225 : vector<16xf32>
        %add3A_829 = arith.addf %add3A_826, %mul3A_828 : vector<16xf32>
        %mul3A_830 = arith.constant 0.00999999977 : f32
        %mul3A_831 = vector.broadcast %mul3A_830 : f32 to vector<16xf32>
        %mul3A_832 = arith.mulf %mul3A_831, %add3A_829 : vector<16xf32>
        %max3A = arith.maximumf %add3A_829, %mul3A_832 : vector<16xf32>
        %swap3A_833 = arith.index_cast %scan3A_806 : i32 to index
        %swap3A_834 = arith.constant 0 : index
        %swap3A_835 = tpu.vector_load %arg11[%swap3A_833, %swap3A_834] {strides = array<i32>} : memref<128x128xf32, #tpu.memory_space<vmem>>, vector<1x16xf32>,
        %swap3A_836 = vector.shape_cast %swap3A_835 : vector<1x16xf32> to vector<16xf32>
        %swap3A_837 = vector.shape_cast %max3A : vector<16xf32> to vector<1x16xf32>
        tpu.vector_store %arg11[%swap3A_833, %swap3A_834], %swap3A_837 {strides = array<i32>} : memref<128x128xf32, #tpu.memory_space<vmem>>, vector<1x16xf32>,
        %get3A_838 = arith.index_cast %scan3A_806 : i32 to index
        %get3A_839 = arith.constant 16 : index
        %get3A_840 = tpu.vector_load %arg11[%get3A_838, %get3A_839] {strides = array<i32>} : memref<128x128xf32, #tpu.memory_space<vmem>>, vector<1x16xf32>,
        %get3A_841 = vector.shape_cast %get3A_840 : vector<1x16xf32> to vector<16xf32>
        %mul3A_842 = vector.broadcast %squeeze3A : f32 to vector<16xf32>
        %mul3A_843 = arith.mulf %mul3A_842, %get3A_180 : vector<16xf32>
        %add3A_844 = arith.addf %get3A_841, %mul3A_843 : vector<16xf32>
        %mul3A_845 = vector.broadcast %squeeze3A_814 : f32 to vector<16xf32>
        %mul3A_846 = arith.mulf %mul3A_845, %get3A_204 : vector<16xf32>
        %add3A_847 = arith.addf %add3A_844, %mul3A_846 : vector<16xf32>
        %mul3A_848 = vector.broadcast %squeeze3A_816 : f32 to vector<16xf32>
        %mul3A_849 = arith.mulf %mul3A_848, %get3A_228 : vector<16xf32>
        %add3A_850 = arith.addf %add3A_847, %mul3A_849 : vector<16xf32>
        %mul3A_851 = arith.constant 0.00999999977 : f32
        %mul3A_852 = vector.broadcast %mul3A_851 : f32 to vector<16xf32>
        %mul3A_853 = arith.mulf %mul3A_852, %add3A_850 : vector<16xf32>
        %max3A_854 = arith.maximumf %add3A_850, %mul3A_853 : vector<16xf32>
        %swap3A_855 = arith.index_cast %scan3A_806 : i32 to index
        %swap3A_856 = arith.constant 16 : index
        %swap3A_857 = tpu.vector_load %arg11[%swap3A_855, %swap3A_856] {strides = array<i32>} : memref<128x128xf32, #tpu.memory_space<vmem>>, vector<1x16xf32>,
        %swap3A_858 = vector.shape_cast %swap3A_857 : vector<1x16xf32> to vector<16xf32>
        %swap3A_859 = vector.shape_cast %max3A_854 : vector<16xf32> to vector<1x16xf32>
        tpu.vector_store %arg11[%swap3A_855, %swap3A_856], %swap3A_859 {strides = array<i32>} : memref<128x128xf32, #tpu.memory_space<vmem>>, vector<1x16xf32>,
        %get3A_860 = arith.index_cast %scan3A_806 : i32 to index
        %get3A_861 = arith.constant 32 : index
        %get3A_862 = tpu.vector_load %arg11[%get3A_860, %get3A_861] {strides = array<i32>} : memref<128x128xf32, #tpu.memory_space<vmem>>, vector<1x16xf32>,
        %get3A_863 = vector.shape_cast %get3A_862 : vector<1x16xf32> to vector<16xf32>
        %mul3A_864 = vector.broadcast %squeeze3A : f32 to vector<16xf32>
        %mul3A_865 = arith.mulf %mul3A_864, %get3A_183 : vector<16xf32>
        %add3A_866 = arith.addf %get3A_863, %mul3A_865 : vector<16xf32>
        %mul3A_867 = vector.broadcast %squeeze3A_814 : f32 to vector<16xf32>
        %mul3A_868 = arith.mulf %mul3A_867, %get3A_207 : vector<16xf32>
        %add3A_869 = arith.addf %add3A_866, %mul3A_868 : vector<16xf32>
        %mul3A_870 = vector.broadcast %squeeze3A_816 : f32 to vector<16xf32>
        %mul3A_871 = arith.mulf %mul3A_870, %get3A_231 : vector<16xf32>
        %add3A_872 = arith.addf %add3A_869, %mul3A_871 : vector<16xf32>
        %mul3A_873 = arith.constant 0.00999999977 : f32
        %mul3A_874 = vector.broadcast %mul3A_873 : f32 to vector<16xf32>
        %mul3A_875 = arith.mulf %mul3A_874, %add3A_872 : vector<16xf32>
        %max3A_876 = arith.maximumf %add3A_872, %mul3A_875 : vector<16xf32>
        %swap3A_877 = arith.index_cast %scan3A_806 : i32 to index
        %swap3A_878 = arith.constant 32 : index
        %swap3A_879 = tpu.vector_load %arg11[%swap3A_877, %swap3A_878] {strides = array<i32>} : memref<128x128xf32, #tpu.memory_space<vmem>>, vector<1x16xf32>,
        %swap3A_880 = vector.shape_cast %swap3A_879 : vector<1x16xf32> to vector<16xf32>
        %swap3A_881 = vector.shape_cast %max3A_876 : vector<16xf32> to vector<1x16xf32>
        tpu.vector_store %arg11[%swap3A_877, %swap3A_878], %swap3A_881 {strides = array<i32>} : memref<128x128xf32, #tpu.memory_space<vmem>>, vector<1x16xf32>,
        %get3A_882 = arith.index_cast %scan3A_806 : i32 to index
        %get3A_883 = arith.constant 48 : index
        %get3A_884 = tpu.vector_load %arg11[%get3A_882, %get3A_883] {strides = array<i32>} : memref<128x128xf32, #tpu.memory_space<vmem>>, vector<1x16xf32>,
        %get3A_885 = vector.shape_cast %get3A_884 : vector<1x16xf32> to vector<16xf32>
        %mul3A_886 = vector.broadcast %squeeze3A : f32 to vector<16xf32>
        %mul3A_887 = arith.mulf %mul3A_886, %get3A_186 : vector<16xf32>
        %add3A_888 = arith.addf %get3A_885, %mul3A_887 : vector<16xf32>
        %mul3A_889 = vector.broadcast %squeeze3A_814 : f32 to vector<16xf32>
        %mul3A_890 = arith.mulf %mul3A_889, %get3A_210 : vector<16xf32>
        %add3A_891 = arith.addf %add3A_888, %mul3A_890 : vector<16xf32>
        %mul3A_892 = vector.broadcast %squeeze3A_816 : f32 to vector<16xf32>
        %mul3A_893 = arith.mulf %mul3A_892, %get3A_234 : vector<16xf32>
        %add3A_894 = arith.addf %add3A_891, %mul3A_893 : vector<16xf32>
        %mul3A_895 = arith.constant 0.00999999977 : f32
        %mul3A_896 = vector.broadcast %mul3A_895 : f32 to vector<16xf32>
        %mul3A_897 = arith.mulf %mul3A_896, %add3A_894 : vector<16xf32>
        %max3A_898 = arith.maximumf %add3A_894, %mul3A_897 : vector<16xf32>
        %swap3A_899 = arith.index_cast %scan3A_806 : i32 to index
        %swap3A_900 = arith.constant 48 : index
        %swap3A_901 = tpu.vector_load %arg11[%swap3A_899, %swap3A_900] {strides = array<i32>} : memref<128x128xf32, #tpu.memory_space<vmem>>, vector<1x16xf32>,
        %swap3A_902 = vector.shape_cast %swap3A_901 : vector<1x16xf32> to vector<16xf32>
        %swap3A_903 = vector.shape_cast %max3A_898 : vector<16xf32> to vector<1x16xf32>
        tpu.vector_store %arg11[%swap3A_899, %swap3A_900], %swap3A_903 {strides = array<i32>} : memref<128x128xf32, #tpu.memory_space<vmem>>, vector<1x16xf32>,
        %get3A_904 = arith.index_cast %scan3A_806 : i32 to index
        %get3A_905 = arith.constant 64 : index
        %get3A_906 = tpu.vector_load %arg11[%get3A_904, %get3A_905] {strides = array<i32>} : memref<128x128xf32, #tpu.memory_space<vmem>>, vector<1x16xf32>,
        %get3A_907 = vector.shape_cast %get3A_906 : vector<1x16xf32> to vector<16xf32>
        %mul3A_908 = vector.broadcast %squeeze3A : f32 to vector<16xf32>
        %mul3A_909 = arith.mulf %mul3A_908, %get3A_189 : vector<16xf32>
        %add3A_910 = arith.addf %get3A_907, %mul3A_909 : vector<16xf32>
        %mul3A_911 = vector.broadcast %squeeze3A_814 : f32 to vector<16xf32>
        %mul3A_912 = arith.mulf %mul3A_911, %get3A_213 : vector<16xf32>
        %add3A_913 = arith.addf %add3A_910, %mul3A_912 : vector<16xf32>
        %mul3A_914 = vector.broadcast %squeeze3A_816 : f32 to vector<16xf32>
        %mul3A_915 = arith.mulf %mul3A_914, %get3A_237 : vector<16xf32>
        %add3A_916 = arith.addf %add3A_913, %mul3A_915 : vector<16xf32>
        %mul3A_917 = arith.constant 0.00999999977 : f32
        %mul3A_918 = vector.broadcast %mul3A_917 : f32 to vector<16xf32>
        %mul3A_919 = arith.mulf %mul3A_918, %add3A_916 : vector<16xf32>
        %max3A_920 = arith.maximumf %add3A_916, %mul3A_919 : vector<16xf32>
        %swap3A_921 = arith.index_cast %scan3A_806 : i32 to index
        %swap3A_922 = arith.constant 64 : index
        %swap3A_923 = tpu.vector_load %arg11[%swap3A_921, %swap3A_922] {strides = array<i32>} : memref<128x128xf32, #tpu.memory_space<vmem>>, vector<1x16xf32>,
        %swap3A_924 = vector.shape_cast %swap3A_923 : vector<1x16xf32> to vector<16xf32>
        %swap3A_925 = vector.shape_cast %max3A_920 : vector<16xf32> to vector<1x16xf32>
        tpu.vector_store %arg11[%swap3A_921, %swap3A_922], %swap3A_925 {strides = array<i32>} : memref<128x128xf32, #tpu.memory_space<vmem>>, vector<1x16xf32>,
        %get3A_926 = arith.index_cast %scan3A_806 : i32 to index
        %get3A_927 = arith.constant 80 : index
        %get3A_928 = tpu.vector_load %arg11[%get3A_926, %get3A_927] {strides = array<i32>} : memref<128x128xf32, #tpu.memory_space<vmem>>, vector<1x16xf32>,
        %get3A_929 = vector.shape_cast %get3A_928 : vector<1x16xf32> to vector<16xf32>
        %mul3A_930 = vector.broadcast %squeeze3A : f32 to vector<16xf32>
        %mul3A_931 = arith.mulf %mul3A_930, %get3A_192 : vector<16xf32>
        %add3A_932 = arith.addf %get3A_929, %mul3A_931 : vector<16xf32>
        %mul3A_933 = vector.broadcast %squeeze3A_814 : f32 to vector<16xf32>
        %mul3A_934 = arith.mulf %mul3A_933, %get3A_216 : vector<16xf32>
        %add3A_935 = arith.addf %add3A_932, %mul3A_934 : vector<16xf32>
        %mul3A_936 = vector.broadcast %squeeze3A_816 : f32 to vector<16xf32>
        %mul3A_937 = arith.mulf %mul3A_936, %get3A_240 : vector<16xf32>
        %add3A_938 = arith.addf %add3A_935, %mul3A_937 : vector<16xf32>
        %mul3A_939 = arith.constant 0.00999999977 : f32
        %mul3A_940 = vector.broadcast %mul3A_939 : f32 to vector<16xf32>
        %mul3A_941 = arith.mulf %mul3A_940, %add3A_938 : vector<16xf32>
        %max3A_942 = arith.maximumf %add3A_938, %mul3A_941 : vector<16xf32>
        %swap3A_943 = arith.index_cast %scan3A_806 : i32 to index
        %swap3A_944 = arith.constant 80 : index
        %swap3A_945 = tpu.vector_load %arg11[%swap3A_943, %swap3A_944] {strides = array<i32>} : memref<128x128xf32, #tpu.memory_space<vmem>>, vector<1x16xf32>,
        %swap3A_946 = vector.shape_cast %swap3A_945 : vector<1x16xf32> to vector<16xf32>
        %swap3A_947 = vector.shape_cast %max3A_942 : vector<16xf32> to vector<1x16xf32>
        tpu.vector_store %arg11[%swap3A_943, %swap3A_944], %swap3A_947 {strides = array<i32>} : memref<128x128xf32, #tpu.memory_space<vmem>>, vector<1x16xf32>,
        %get3A_948 = arith.index_cast %scan3A_806 : i32 to index
        %get3A_949 = arith.constant 96 : index
        %get3A_950 = tpu.vector_load %arg11[%get3A_948, %get3A_949] {strides = array<i32>} : memref<128x128xf32, #tpu.memory_space<vmem>>, vector<1x16xf32>,
        %get3A_951 = vector.shape_cast %get3A_950 : vector<1x16xf32> to vector<16xf32>
        %mul3A_952 = vector.broadcast %squeeze3A : f32 to vector<16xf32>
        %mul3A_953 = arith.mulf %mul3A_952, %get3A_195 : vector<16xf32>
        %add3A_954 = arith.addf %get3A_951, %mul3A_953 : vector<16xf32>
        %mul3A_955 = vector.broadcast %squeeze3A_814 : f32 to vector<16xf32>
        %mul3A_956 = arith.mulf %mul3A_955, %get3A_219 : vector<16xf32>
        %add3A_957 = arith.addf %add3A_954, %mul3A_956 : vector<16xf32>
        %mul3A_958 = vector.broadcast %squeeze3A_816 : f32 to vector<16xf32>
        %mul3A_959 = arith.mulf %mul3A_958, %get3A_243 : vector<16xf32>
        %add3A_960 = arith.addf %add3A_957, %mul3A_959 : vector<16xf32>
        %mul3A_961 = arith.constant 0.00999999977 : f32
        %mul3A_962 = vector.broadcast %mul3A_961 : f32 to vector<16xf32>
        %mul3A_963 = arith.mulf %mul3A_962, %add3A_960 : vector<16xf32>
        %max3A_964 = arith.maximumf %add3A_960, %mul3A_963 : vector<16xf32>
        %swap3A_965 = arith.index_cast %scan3A_806 : i32 to index
        %swap3A_966 = arith.constant 96 : index
        %swap3A_967 = tpu.vector_load %arg11[%swap3A_965, %swap3A_966] {strides = array<i32>} : memref<128x128xf32, #tpu.memory_space<vmem>>, vector<1x16xf32>,
        %swap3A_968 = vector.shape_cast %swap3A_967 : vector<1x16xf32> to vector<16xf32>
        %swap3A_969 = vector.shape_cast %max3A_964 : vector<16xf32> to vector<1x16xf32>
        tpu.vector_store %arg11[%swap3A_965, %swap3A_966], %swap3A_969 {strides = array<i32>} : memref<128x128xf32, #tpu.memory_space<vmem>>, vector<1x16xf32>,
        %get3A_970 = arith.index_cast %scan3A_806 : i32 to index
        %get3A_971 = arith.constant 112 : index
        %get3A_972 = tpu.vector_load %arg11[%get3A_970, %get3A_971] {strides = array<i32>} : memref<128x128xf32, #tpu.memory_space<vmem>>, vector<1x16xf32>,
        %get3A_973 = vector.shape_cast %get3A_972 : vector<1x16xf32> to vector<16xf32>
        %mul3A_974 = vector.broadcast %squeeze3A : f32 to vector<16xf32>
        %mul3A_975 = arith.mulf %mul3A_974, %get3A_198 : vector<16xf32>
        %add3A_976 = arith.addf %get3A_973, %mul3A_975 : vector<16xf32>
        %mul3A_977 = vector.broadcast %squeeze3A_814 : f32 to vector<16xf32>
        %mul3A_978 = arith.mulf %mul3A_977, %get3A_222 : vector<16xf32>
        %add3A_979 = arith.addf %add3A_976, %mul3A_978 : vector<16xf32>
        %mul3A_980 = vector.broadcast %squeeze3A_816 : f32 to vector<16xf32>
        %mul3A_981 = arith.mulf %mul3A_980, %get3A_246 : vector<16xf32>
        %add3A_982 = arith.addf %add3A_979, %mul3A_981 : vector<16xf32>
        %mul3A_983 = arith.constant 0.00999999977 : f32
        %mul3A_984 = vector.broadcast %mul3A_983 : f32 to vector<16xf32>
        %mul3A_985 = arith.mulf %mul3A_984, %add3A_982 : vector<16xf32>
        %max3A_986 = arith.maximumf %add3A_982, %mul3A_985 : vector<16xf32>
        %swap3A_987 = arith.index_cast %scan3A_806 : i32 to index
        %swap3A_988 = arith.constant 112 : index
        %swap3A_989 = tpu.vector_load %arg11[%swap3A_987, %swap3A_988] {strides = array<i32>} : memref<128x128xf32, #tpu.memory_space<vmem>>, vector<1x16xf32>,
        %swap3A_990 = vector.shape_cast %swap3A_989 : vector<1x16xf32> to vector<16xf32>
        %swap3A_991 = vector.shape_cast %max3A_986 : vector<16xf32> to vector<1x16xf32>
        tpu.vector_store %arg11[%swap3A_987, %swap3A_988], %swap3A_991 {strides = array<i32>} : memref<128x128xf32, #tpu.memory_space<vmem>>, vector<1x16xf32>,
        %scan3A_992 = arith.constant 0 : i32
        scf.yield %scan3A_992 : i32
      }
      %scan3A_709 = arith.constant 64 : i32
      %dma_start3A_710 = arith.constant 2 : i32
      %dma_start3A_711 = arith.constant 0 : i32
      %dma_start3A_712 = tpu.memref_slice %arg10[%dma_start3A_710, %dma_start3A_711] : memref<4x128xi32, #tpu.memory_space<vmem>> -> memref<1x128xi32, #tpu.memory_space<vmem>>
      %dma_start3A_713 = tpu.memref_squeeze %dma_start3A_712 : memref<1x128xi32, #tpu.memory_space<vmem>> -> memref<128xi32, #tpu.memory_space<vmem>>
      %dma_start3A_714 = arith.constant 0 : i32
      %dma_start3A_715 = arith.constant 0 : i32
      %dma_start3A_716 = tpu.memref_slice %arg18[%dma_start3A_714, %dma_start3A_715] : memref<10240x128xf32, #tpu.memory_space<vmem_shared>> -> memref<10240x128xf32, #tpu.memory_space<vmem_shared>>
      tpu.enqueue_indirect_dma source(%arg11 : memref<128x128xf32, #tpu.memory_space<vmem>>) target(%dma_start3A_716 : memref<10240x128xf32, #tpu.memory_space<vmem_shared>>) offsets(%dma_start3A_713 : memref<128xi32, #tpu.memory_space<vmem>>) semaphore(%arg22 : memref<!tpu.dma_semaphore, #tpu.memory_space<semaphore_mem>>) {add = true}
      %dma_start3A_717 = arith.constant 2 : i32
      %dma_start3A_718 = arith.constant 0 : i32
      %dma_start3A_719 = tpu.memref_slice %arg10[%dma_start3A_717, %dma_start3A_718] : memref<4x128xi32, #tpu.memory_space<vmem>> -> memref<1x128xi32, #tpu.memory_space<vmem>>
      %dma_start3A_720 = tpu.memref_squeeze %dma_start3A_719 : memref<1x128xi32, #tpu.memory_space<vmem>> -> memref<128xi32, #tpu.memory_space<vmem>>
      %dma_start3A_721 = arith.constant 0 : i32
      %dma_start3A_722 = tpu.memref_slice %arg19[%dma_start3A_721] : memref<10240xf32, #tpu.memory_space<vmem_shared>> -> memref<10240xf32, #tpu.memory_space<vmem_shared>>
      tpu.enqueue_indirect_dma source(%arg17 : memref<128xf32, #tpu.memory_space<vmem>>) target(%dma_start3A_722 : memref<10240xf32, #tpu.memory_space<vmem_shared>>) offsets(%dma_start3A_720 : memref<128xi32, #tpu.memory_space<vmem>>) semaphore(%arg22 : memref<!tpu.dma_semaphore, #tpu.memory_space<semaphore_mem>>) {add = true}
      %mul3A_723 = arith.constant 4 : i32
      %mul3A_724 = arith.muli %mul3A_723, %scan3A_275 : i32
      %add3A_725 = arith.constant 3 : i32
      %add3A_726 = arith.addi %mul3A_724, %add3A_725 : i32
      %mul3A_727 = arith.constant 10240 : i32
      %mul3A_728 = arith.muli %add3A, %mul3A_727 : i32
      %mul3A_729 = arith.constant 128 : i32
      %mul3A_730 = arith.muli %add3A_726, %mul3A_729 : i32
      %add3A_731 = arith.addi %mul3A_728, %mul3A_730 : i32
      %mul3A_732 = arith.constant 3 : i32
      %mul3A_733 = arith.muli %add3A_731, %mul3A_732 : i32
      %dma_wait3A_734 = arith.constant 0 : i32
      %dma_wait3A_735 = tpu.memref_slice %arg14[%dma_wait3A_734] : memref<400xf32, #tpu.memory_space<vmem>> -> memref<384xf32, #tpu.memory_space<vmem>>
      %dma_wait3A_736 = tpu.memref_slice %arg5[%mul3A_733] : memref<983040xf32, #tpu.memory_space<hbm>> -> memref<384xf32, #tpu.memory_space<hbm>>
      %dma_wait3A_737 = arith.constant 0 : i32
      %dma_wait3A_738 = tpu.memref_slice %arg14[%dma_wait3A_737] : memref<400xf32, #tpu.memory_space<vmem>> -> memref<384xf32, #tpu.memory_space<vmem>>
      %dma_wait3A_739 = tpu.memref_slice %arg5[%mul3A_733] : memref<983040xf32, #tpu.memory_space<hbm>> -> memref<384xf32, #tpu.memory_space<hbm>>
      tpu.wait_dma2 semaphore(%arg21 : memref<!tpu.dma_semaphore, #tpu.memory_space<semaphore_mem>>) src(%dma_wait3A_739 : memref<384xf32, #tpu.memory_space<hbm>>) dst(%dma_wait3A_738 : memref<384xf32, #tpu.memory_space<vmem>>)
      %dma_wait3A_740 = arith.constant 3 : i32
      %dma_wait3A_741 = arith.constant 0 : i32
      %dma_wait3A_742 = tpu.memref_slice %arg9[%dma_wait3A_740, %dma_wait3A_741] : memref<4x128xi32, #tpu.memory_space<vmem>> -> memref<1x128xi32, #tpu.memory_space<vmem>>
      %dma_wait3A_743 = tpu.memref_squeeze %dma_wait3A_742 : memref<1x128xi32, #tpu.memory_space<vmem>> -> memref<128xi32, #tpu.memory_space<vmem>>
      %dma_wait3A_744 = arith.constant 0 : i32
      %dma_wait3A_745 = arith.constant 0 : i32
      %dma_wait3A_746 = tpu.memref_slice %arg2[%dma_wait3A_744, %dma_wait3A_745] : memref<10240x128xf32, #tpu.memory_space<hbm>> -> memref<10240x128xf32, #tpu.memory_space<hbm>>
      tpu.wait_indirect_dma semaphore(%arg21 : memref<!tpu.dma_semaphore, #tpu.memory_space<semaphore_mem>>) src(%dma_wait3A_746 : memref<10240x128xf32, #tpu.memory_space<hbm>>) dst(%arg12 : memref<128x128xf32, #tpu.memory_space<vmem>>)
      %scan3A_747 = arith.constant 0 : i32
      %scan3A_748 = arith.constant 0 : i32
      %scan3A_749 = arith.constant 64 : i32
      %scan3A_750 = arith.addi %scan3A_748, %scan3A_749 : i32
      %scan3A_751 = arith.constant 1 : i32
      %scan3A_752 = scf.for %scan3A_806 = %scan3A_748 to %scan3A_750 step %scan3A_751 iter_args(%scan3A_807 = %scan3A_747) -> (i32)  : i32 {
        %mul3A_808 = arith.constant 3 : i32
        %mul3A_809 = arith.muli %mul3A_808, %scan3A_806 : i32
        %get3A_810 = arith.index_cast %mul3A_809 : i32 to index
        %get3A_811 = tpu.vector_load %arg14[%get3A_810] {strides = array<i32>} : memref<400xf32, #tpu.memory_space<vmem>>, vector<16xf32>,
        %get3A_812 = vector.shape_cast %get3A_811 : vector<16xf32> to vector<16xf32>
        %slice3A = vector.extract_strided_slice %get3A_812 {offsets = [0], sizes = [1], strides = [1]} : vector<16xf32> to vector<1xf32>
        %squeeze3A = vector.extract %slice3A[0] : f32 from vector<1xf32>
        %slice3A_813 = vector.extract_strided_slice %get3A_812 {offsets = [1], sizes = [1], strides = [1]} : vector<16xf32> to vector<1xf32>
        %squeeze3A_814 = vector.extract %slice3A_813[0] : f32 from vector<1xf32>
        %slice3A_815 = vector.extract_strided_slice %get3A_812 {offsets = [2], sizes = [1], strides = [1]} : vector<16xf32> to vector<1xf32>
        %squeeze3A_816 = vector.extract %slice3A_815[0] : f32 from vector<1xf32>
        %get3A_817 = arith.index_cast %scan3A_806 : i32 to index
        %get3A_818 = arith.constant 0 : index
        %get3A_819 = tpu.vector_load %arg12[%get3A_817, %get3A_818] {strides = array<i32>} : memref<128x128xf32, #tpu.memory_space<vmem>>, vector<1x16xf32>,
        %get3A_820 = vector.shape_cast %get3A_819 : vector<1x16xf32> to vector<16xf32>
        %mul3A_821 = vector.broadcast %squeeze3A : f32 to vector<16xf32>
        %mul3A_822 = arith.mulf %mul3A_821, %get3A_177 : vector<16xf32>
        %add3A_823 = arith.addf %get3A_820, %mul3A_822 : vector<16xf32>
        %mul3A_824 = vector.broadcast %squeeze3A_814 : f32 to vector<16xf32>
        %mul3A_825 = arith.mulf %mul3A_824, %get3A_201 : vector<16xf32>
        %add3A_826 = arith.addf %add3A_823, %mul3A_825 : vector<16xf32>
        %mul3A_827 = vector.broadcast %squeeze3A_816 : f32 to vector<16xf32>
        %mul3A_828 = arith.mulf %mul3A_827, %get3A_225 : vector<16xf32>
        %add3A_829 = arith.addf %add3A_826, %mul3A_828 : vector<16xf32>
        %mul3A_830 = arith.constant 0.00999999977 : f32
        %mul3A_831 = vector.broadcast %mul3A_830 : f32 to vector<16xf32>
        %mul3A_832 = arith.mulf %mul3A_831, %add3A_829 : vector<16xf32>
        %max3A = arith.maximumf %add3A_829, %mul3A_832 : vector<16xf32>
        %swap3A_833 = arith.index_cast %scan3A_806 : i32 to index
        %swap3A_834 = arith.constant 0 : index
        %swap3A_835 = tpu.vector_load %arg12[%swap3A_833, %swap3A_834] {strides = array<i32>} : memref<128x128xf32, #tpu.memory_space<vmem>>, vector<1x16xf32>,
        %swap3A_836 = vector.shape_cast %swap3A_835 : vector<1x16xf32> to vector<16xf32>
        %swap3A_837 = vector.shape_cast %max3A : vector<16xf32> to vector<1x16xf32>
        tpu.vector_store %arg12[%swap3A_833, %swap3A_834], %swap3A_837 {strides = array<i32>} : memref<128x128xf32, #tpu.memory_space<vmem>>, vector<1x16xf32>,
        %get3A_838 = arith.index_cast %scan3A_806 : i32 to index
        %get3A_839 = arith.constant 16 : index
        %get3A_840 = tpu.vector_load %arg12[%get3A_838, %get3A_839] {strides = array<i32>} : memref<128x128xf32, #tpu.memory_space<vmem>>, vector<1x16xf32>,
        %get3A_841 = vector.shape_cast %get3A_840 : vector<1x16xf32> to vector<16xf32>
        %mul3A_842 = vector.broadcast %squeeze3A : f32 to vector<16xf32>
        %mul3A_843 = arith.mulf %mul3A_842, %get3A_180 : vector<16xf32>
        %add3A_844 = arith.addf %get3A_841, %mul3A_843 : vector<16xf32>
        %mul3A_845 = vector.broadcast %squeeze3A_814 : f32 to vector<16xf32>
        %mul3A_846 = arith.mulf %mul3A_845, %get3A_204 : vector<16xf32>
        %add3A_847 = arith.addf %add3A_844, %mul3A_846 : vector<16xf32>
        %mul3A_848 = vector.broadcast %squeeze3A_816 : f32 to vector<16xf32>
        %mul3A_849 = arith.mulf %mul3A_848, %get3A_228 : vector<16xf32>
        %add3A_850 = arith.addf %add3A_847, %mul3A_849 : vector<16xf32>
        %mul3A_851 = arith.constant 0.00999999977 : f32
        %mul3A_852 = vector.broadcast %mul3A_851 : f32 to vector<16xf32>
        %mul3A_853 = arith.mulf %mul3A_852, %add3A_850 : vector<16xf32>
        %max3A_854 = arith.maximumf %add3A_850, %mul3A_853 : vector<16xf32>
        %swap3A_855 = arith.index_cast %scan3A_806 : i32 to index
        %swap3A_856 = arith.constant 16 : index
        %swap3A_857 = tpu.vector_load %arg12[%swap3A_855, %swap3A_856] {strides = array<i32>} : memref<128x128xf32, #tpu.memory_space<vmem>>, vector<1x16xf32>,
        %swap3A_858 = vector.shape_cast %swap3A_857 : vector<1x16xf32> to vector<16xf32>
        %swap3A_859 = vector.shape_cast %max3A_854 : vector<16xf32> to vector<1x16xf32>
        tpu.vector_store %arg12[%swap3A_855, %swap3A_856], %swap3A_859 {strides = array<i32>} : memref<128x128xf32, #tpu.memory_space<vmem>>, vector<1x16xf32>,
        %get3A_860 = arith.index_cast %scan3A_806 : i32 to index
        %get3A_861 = arith.constant 32 : index
        %get3A_862 = tpu.vector_load %arg12[%get3A_860, %get3A_861] {strides = array<i32>} : memref<128x128xf32, #tpu.memory_space<vmem>>, vector<1x16xf32>,
        %get3A_863 = vector.shape_cast %get3A_862 : vector<1x16xf32> to vector<16xf32>
        %mul3A_864 = vector.broadcast %squeeze3A : f32 to vector<16xf32>
        %mul3A_865 = arith.mulf %mul3A_864, %get3A_183 : vector<16xf32>
        %add3A_866 = arith.addf %get3A_863, %mul3A_865 : vector<16xf32>
        %mul3A_867 = vector.broadcast %squeeze3A_814 : f32 to vector<16xf32>
        %mul3A_868 = arith.mulf %mul3A_867, %get3A_207 : vector<16xf32>
        %add3A_869 = arith.addf %add3A_866, %mul3A_868 : vector<16xf32>
        %mul3A_870 = vector.broadcast %squeeze3A_816 : f32 to vector<16xf32>
        %mul3A_871 = arith.mulf %mul3A_870, %get3A_231 : vector<16xf32>
        %add3A_872 = arith.addf %add3A_869, %mul3A_871 : vector<16xf32>
        %mul3A_873 = arith.constant 0.00999999977 : f32
        %mul3A_874 = vector.broadcast %mul3A_873 : f32 to vector<16xf32>
        %mul3A_875 = arith.mulf %mul3A_874, %add3A_872 : vector<16xf32>
        %max3A_876 = arith.maximumf %add3A_872, %mul3A_875 : vector<16xf32>
        %swap3A_877 = arith.index_cast %scan3A_806 : i32 to index
        %swap3A_878 = arith.constant 32 : index
        %swap3A_879 = tpu.vector_load %arg12[%swap3A_877, %swap3A_878] {strides = array<i32>} : memref<128x128xf32, #tpu.memory_space<vmem>>, vector<1x16xf32>,
        %swap3A_880 = vector.shape_cast %swap3A_879 : vector<1x16xf32> to vector<16xf32>
        %swap3A_881 = vector.shape_cast %max3A_876 : vector<16xf32> to vector<1x16xf32>
        tpu.vector_store %arg12[%swap3A_877, %swap3A_878], %swap3A_881 {strides = array<i32>} : memref<128x128xf32, #tpu.memory_space<vmem>>, vector<1x16xf32>,
        %get3A_882 = arith.index_cast %scan3A_806 : i32 to index
        %get3A_883 = arith.constant 48 : index
        %get3A_884 = tpu.vector_load %arg12[%get3A_882, %get3A_883] {strides = array<i32>} : memref<128x128xf32, #tpu.memory_space<vmem>>, vector<1x16xf32>,
        %get3A_885 = vector.shape_cast %get3A_884 : vector<1x16xf32> to vector<16xf32>
        %mul3A_886 = vector.broadcast %squeeze3A : f32 to vector<16xf32>
        %mul3A_887 = arith.mulf %mul3A_886, %get3A_186 : vector<16xf32>
        %add3A_888 = arith.addf %get3A_885, %mul3A_887 : vector<16xf32>
        %mul3A_889 = vector.broadcast %squeeze3A_814 : f32 to vector<16xf32>
        %mul3A_890 = arith.mulf %mul3A_889, %get3A_210 : vector<16xf32>
        %add3A_891 = arith.addf %add3A_888, %mul3A_890 : vector<16xf32>
        %mul3A_892 = vector.broadcast %squeeze3A_816 : f32 to vector<16xf32>
        %mul3A_893 = arith.mulf %mul3A_892, %get3A_234 : vector<16xf32>
        %add3A_894 = arith.addf %add3A_891, %mul3A_893 : vector<16xf32>
        %mul3A_895 = arith.constant 0.00999999977 : f32
        %mul3A_896 = vector.broadcast %mul3A_895 : f32 to vector<16xf32>
        %mul3A_897 = arith.mulf %mul3A_896, %add3A_894 : vector<16xf32>
        %max3A_898 = arith.maximumf %add3A_894, %mul3A_897 : vector<16xf32>
        %swap3A_899 = arith.index_cast %scan3A_806 : i32 to index
        %swap3A_900 = arith.constant 48 : index
        %swap3A_901 = tpu.vector_load %arg12[%swap3A_899, %swap3A_900] {strides = array<i32>} : memref<128x128xf32, #tpu.memory_space<vmem>>, vector<1x16xf32>,
        %swap3A_902 = vector.shape_cast %swap3A_901 : vector<1x16xf32> to vector<16xf32>
        %swap3A_903 = vector.shape_cast %max3A_898 : vector<16xf32> to vector<1x16xf32>
        tpu.vector_store %arg12[%swap3A_899, %swap3A_900], %swap3A_903 {strides = array<i32>} : memref<128x128xf32, #tpu.memory_space<vmem>>, vector<1x16xf32>,
        %get3A_904 = arith.index_cast %scan3A_806 : i32 to index
        %get3A_905 = arith.constant 64 : index
        %get3A_906 = tpu.vector_load %arg12[%get3A_904, %get3A_905] {strides = array<i32>} : memref<128x128xf32, #tpu.memory_space<vmem>>, vector<1x16xf32>,
        %get3A_907 = vector.shape_cast %get3A_906 : vector<1x16xf32> to vector<16xf32>
        %mul3A_908 = vector.broadcast %squeeze3A : f32 to vector<16xf32>
        %mul3A_909 = arith.mulf %mul3A_908, %get3A_189 : vector<16xf32>
        %add3A_910 = arith.addf %get3A_907, %mul3A_909 : vector<16xf32>
        %mul3A_911 = vector.broadcast %squeeze3A_814 : f32 to vector<16xf32>
        %mul3A_912 = arith.mulf %mul3A_911, %get3A_213 : vector<16xf32>
        %add3A_913 = arith.addf %add3A_910, %mul3A_912 : vector<16xf32>
        %mul3A_914 = vector.broadcast %squeeze3A_816 : f32 to vector<16xf32>
        %mul3A_915 = arith.mulf %mul3A_914, %get3A_237 : vector<16xf32>
        %add3A_916 = arith.addf %add3A_913, %mul3A_915 : vector<16xf32>
        %mul3A_917 = arith.constant 0.00999999977 : f32
        %mul3A_918 = vector.broadcast %mul3A_917 : f32 to vector<16xf32>
        %mul3A_919 = arith.mulf %mul3A_918, %add3A_916 : vector<16xf32>
        %max3A_920 = arith.maximumf %add3A_916, %mul3A_919 : vector<16xf32>
        %swap3A_921 = arith.index_cast %scan3A_806 : i32 to index
        %swap3A_922 = arith.constant 64 : index
        %swap3A_923 = tpu.vector_load %arg12[%swap3A_921, %swap3A_922] {strides = array<i32>} : memref<128x128xf32, #tpu.memory_space<vmem>>, vector<1x16xf32>,
        %swap3A_924 = vector.shape_cast %swap3A_923 : vector<1x16xf32> to vector<16xf32>
        %swap3A_925 = vector.shape_cast %max3A_920 : vector<16xf32> to vector<1x16xf32>
        tpu.vector_store %arg12[%swap3A_921, %swap3A_922], %swap3A_925 {strides = array<i32>} : memref<128x128xf32, #tpu.memory_space<vmem>>, vector<1x16xf32>,
        %get3A_926 = arith.index_cast %scan3A_806 : i32 to index
        %get3A_927 = arith.constant 80 : index
        %get3A_928 = tpu.vector_load %arg12[%get3A_926, %get3A_927] {strides = array<i32>} : memref<128x128xf32, #tpu.memory_space<vmem>>, vector<1x16xf32>,
        %get3A_929 = vector.shape_cast %get3A_928 : vector<1x16xf32> to vector<16xf32>
        %mul3A_930 = vector.broadcast %squeeze3A : f32 to vector<16xf32>
        %mul3A_931 = arith.mulf %mul3A_930, %get3A_192 : vector<16xf32>
        %add3A_932 = arith.addf %get3A_929, %mul3A_931 : vector<16xf32>
        %mul3A_933 = vector.broadcast %squeeze3A_814 : f32 to vector<16xf32>
        %mul3A_934 = arith.mulf %mul3A_933, %get3A_216 : vector<16xf32>
        %add3A_935 = arith.addf %add3A_932, %mul3A_934 : vector<16xf32>
        %mul3A_936 = vector.broadcast %squeeze3A_816 : f32 to vector<16xf32>
        %mul3A_937 = arith.mulf %mul3A_936, %get3A_240 : vector<16xf32>
        %add3A_938 = arith.addf %add3A_935, %mul3A_937 : vector<16xf32>
        %mul3A_939 = arith.constant 0.00999999977 : f32
        %mul3A_940 = vector.broadcast %mul3A_939 : f32 to vector<16xf32>
        %mul3A_941 = arith.mulf %mul3A_940, %add3A_938 : vector<16xf32>
        %max3A_942 = arith.maximumf %add3A_938, %mul3A_941 : vector<16xf32>
        %swap3A_943 = arith.index_cast %scan3A_806 : i32 to index
        %swap3A_944 = arith.constant 80 : index
        %swap3A_945 = tpu.vector_load %arg12[%swap3A_943, %swap3A_944] {strides = array<i32>} : memref<128x128xf32, #tpu.memory_space<vmem>>, vector<1x16xf32>,
        %swap3A_946 = vector.shape_cast %swap3A_945 : vector<1x16xf32> to vector<16xf32>
        %swap3A_947 = vector.shape_cast %max3A_942 : vector<16xf32> to vector<1x16xf32>
        tpu.vector_store %arg12[%swap3A_943, %swap3A_944], %swap3A_947 {strides = array<i32>} : memref<128x128xf32, #tpu.memory_space<vmem>>, vector<1x16xf32>,
        %get3A_948 = arith.index_cast %scan3A_806 : i32 to index
        %get3A_949 = arith.constant 96 : index
        %get3A_950 = tpu.vector_load %arg12[%get3A_948, %get3A_949] {strides = array<i32>} : memref<128x128xf32, #tpu.memory_space<vmem>>, vector<1x16xf32>,
        %get3A_951 = vector.shape_cast %get3A_950 : vector<1x16xf32> to vector<16xf32>
        %mul3A_952 = vector.broadcast %squeeze3A : f32 to vector<16xf32>
        %mul3A_953 = arith.mulf %mul3A_952, %get3A_195 : vector<16xf32>
        %add3A_954 = arith.addf %get3A_951, %mul3A_953 : vector<16xf32>
        %mul3A_955 = vector.broadcast %squeeze3A_814 : f32 to vector<16xf32>
        %mul3A_956 = arith.mulf %mul3A_955, %get3A_219 : vector<16xf32>
        %add3A_957 = arith.addf %add3A_954, %mul3A_956 : vector<16xf32>
        %mul3A_958 = vector.broadcast %squeeze3A_816 : f32 to vector<16xf32>
        %mul3A_959 = arith.mulf %mul3A_958, %get3A_243 : vector<16xf32>
        %add3A_960 = arith.addf %add3A_957, %mul3A_959 : vector<16xf32>
        %mul3A_961 = arith.constant 0.00999999977 : f32
        %mul3A_962 = vector.broadcast %mul3A_961 : f32 to vector<16xf32>
        %mul3A_963 = arith.mulf %mul3A_962, %add3A_960 : vector<16xf32>
        %max3A_964 = arith.maximumf %add3A_960, %mul3A_963 : vector<16xf32>
        %swap3A_965 = arith.index_cast %scan3A_806 : i32 to index
        %swap3A_966 = arith.constant 96 : index
        %swap3A_967 = tpu.vector_load %arg12[%swap3A_965, %swap3A_966] {strides = array<i32>} : memref<128x128xf32, #tpu.memory_space<vmem>>, vector<1x16xf32>,
        %swap3A_968 = vector.shape_cast %swap3A_967 : vector<1x16xf32> to vector<16xf32>
        %swap3A_969 = vector.shape_cast %max3A_964 : vector<16xf32> to vector<1x16xf32>
        tpu.vector_store %arg12[%swap3A_965, %swap3A_966], %swap3A_969 {strides = array<i32>} : memref<128x128xf32, #tpu.memory_space<vmem>>, vector<1x16xf32>,
        %get3A_970 = arith.index_cast %scan3A_806 : i32 to index
        %get3A_971 = arith.constant 112 : index
        %get3A_972 = tpu.vector_load %arg12[%get3A_970, %get3A_971] {strides = array<i32>} : memref<128x128xf32, #tpu.memory_space<vmem>>, vector<1x16xf32>,
        %get3A_973 = vector.shape_cast %get3A_972 : vector<1x16xf32> to vector<16xf32>
        %mul3A_974 = vector.broadcast %squeeze3A : f32 to vector<16xf32>
        %mul3A_975 = arith.mulf %mul3A_974, %get3A_198 : vector<16xf32>
        %add3A_976 = arith.addf %get3A_973, %mul3A_975 : vector<16xf32>
        %mul3A_977 = vector.broadcast %squeeze3A_814 : f32 to vector<16xf32>
        %mul3A_978 = arith.mulf %mul3A_977, %get3A_222 : vector<16xf32>
        %add3A_979 = arith.addf %add3A_976, %mul3A_978 : vector<16xf32>
        %mul3A_980 = vector.broadcast %squeeze3A_816 : f32 to vector<16xf32>
        %mul3A_981 = arith.mulf %mul3A_980, %get3A_246 : vector<16xf32>
        %add3A_982 = arith.addf %add3A_979, %mul3A_981 : vector<16xf32>
        %mul3A_983 = arith.constant 0.00999999977 : f32
        %mul3A_984 = vector.broadcast %mul3A_983 : f32 to vector<16xf32>
        %mul3A_985 = arith.mulf %mul3A_984, %add3A_982 : vector<16xf32>
        %max3A_986 = arith.maximumf %add3A_982, %mul3A_985 : vector<16xf32>
        %swap3A_987 = arith.index_cast %scan3A_806 : i32 to index
        %swap3A_988 = arith.constant 112 : index
        %swap3A_989 = tpu.vector_load %arg12[%swap3A_987, %swap3A_988] {strides = array<i32>} : memref<128x128xf32, #tpu.memory_space<vmem>>, vector<1x16xf32>,
        %swap3A_990 = vector.shape_cast %swap3A_989 : vector<1x16xf32> to vector<16xf32>
        %swap3A_991 = vector.shape_cast %max3A_986 : vector<16xf32> to vector<1x16xf32>
        tpu.vector_store %arg12[%swap3A_987, %swap3A_988], %swap3A_991 {strides = array<i32>} : memref<128x128xf32, #tpu.memory_space<vmem>>, vector<1x16xf32>,
        %scan3A_992 = arith.constant 0 : i32
        scf.yield %scan3A_992 : i32
      }
      %scan3A_753 = arith.constant 64 : i32
      %sub3A_754 = arith.constant 1 : i32
      %sub3A_755 = arith.subi %add3A_726, %sub3A_754 : i32
      %dma_wait3A_756 = arith.constant 2 : i32
      %dma_wait3A_757 = arith.constant 0 : i32
      %dma_wait3A_758 = tpu.memref_slice %arg10[%dma_wait3A_756, %dma_wait3A_757] : memref<4x128xi32, #tpu.memory_space<vmem>> -> memref<1x128xi32, #tpu.memory_space<vmem>>
      %dma_wait3A_759 = tpu.memref_squeeze %dma_wait3A_758 : memref<1x128xi32, #tpu.memory_space<vmem>> -> memref<128xi32, #tpu.memory_space<vmem>>
      %dma_wait3A_760 = arith.constant 0 : i32
      %dma_wait3A_761 = arith.constant 0 : i32
      %dma_wait3A_762 = tpu.memref_slice %arg18[%dma_wait3A_760, %dma_wait3A_761] : memref<10240x128xf32, #tpu.memory_space<vmem_shared>> -> memref<10240x128xf32, #tpu.memory_space<vmem_shared>>
      tpu.wait_indirect_dma semaphore(%arg22 : memref<!tpu.dma_semaphore, #tpu.memory_space<semaphore_mem>>) src(%arg11 : memref<128x128xf32, #tpu.memory_space<vmem>>) dst(%dma_wait3A_762 : memref<10240x128xf32, #tpu.memory_space<vmem_shared>>)
      %sub3A_763 = arith.constant 1 : i32
      %sub3A_764 = arith.subi %add3A_726, %sub3A_763 : i32
      %dma_wait3A_765 = arith.constant 2 : i32
      %dma_wait3A_766 = arith.constant 0 : i32
      %dma_wait3A_767 = tpu.memref_slice %arg10[%dma_wait3A_765, %dma_wait3A_766] : memref<4x128xi32, #tpu.memory_space<vmem>> -> memref<1x128xi32, #tpu.memory_space<vmem>>
      %dma_wait3A_768 = tpu.memref_squeeze %dma_wait3A_767 : memref<1x128xi32, #tpu.memory_space<vmem>> -> memref<128xi32, #tpu.memory_space<vmem>>
      %dma_wait3A_769 = arith.constant 0 : i32
      %dma_wait3A_770 = tpu.memref_slice %arg19[%dma_wait3A_769] : memref<10240xf32, #tpu.memory_space<vmem_shared>> -> memref<10240xf32, #tpu.memory_space<vmem_shared>>
      tpu.wait_indirect_dma semaphore(%arg22 : memref<!tpu.dma_semaphore, #tpu.memory_space<semaphore_mem>>) src(%arg17 : memref<128xf32, #tpu.memory_space<vmem>>) dst(%dma_wait3A_770 : memref<10240xf32, #tpu.memory_space<vmem_shared>>)
      %add3A_771 = arith.constant 1 : i32
      %add3A_772 = arith.addi %add3A_726, %add3A_771 : i32
      %lt3A_773 = arith.constant 80 : i32
      %lt3A_774 = arith.cmpi slt, %add3A_772, %lt3A_773 : i32
      %convert_element_type3A_775 = arith.extui %lt3A_774 : i1 to i32
      %cond3A_776 = arith.constant 0 : i32
      %cond3A_777 = arith.cmpi ne, %convert_element_type3A_775, %cond3A_776 : i32
      scf.if %cond3A_777 {
        %add3A_806 = arith.constant 1 : i32
        %add3A_807 = arith.addi %add3A_726, %add3A_806 : i32
        %mul3A_808 = arith.constant 80 : i32
        %mul3A_809 = arith.muli %add3A, %mul3A_808 : i32
        %add3A_810 = arith.addi %mul3A_809, %add3A_807 : i32
        %dma_wait3A_811 = arith.constant 0 : i32
        %dma_wait3A_812 = arith.constant 0 : i32
        %dma_wait3A_813 = tpu.memref_slice %arg9[%dma_wait3A_811, %dma_wait3A_812] : memref<4x128xi32, #tpu.memory_space<vmem>> -> memref<1x128xi32, #tpu.memory_space<vmem>>
        %dma_wait3A_814 = tpu.memref_squeeze %dma_wait3A_813 : memref<1x128xi32, #tpu.memory_space<vmem>> -> memref<128xi32, #tpu.memory_space<vmem>>
        %dma_wait3A_815 = arith.constant 0 : i32
        %dma_wait3A_816 = tpu.memref_slice %arg3[%add3A_810, %dma_wait3A_815] : memref<2560x128xi32, #tpu.memory_space<hbm>> -> memref<1x128xi32, #tpu.memory_space<hbm>>
        %dma_wait3A_817 = tpu.memref_squeeze %dma_wait3A_816 : memref<1x128xi32, #tpu.memory_space<hbm>> -> memref<128xi32, #tpu.memory_space<hbm>>
        %dma_wait3A_818 = arith.constant 0 : i32
        %dma_wait3A_819 = tpu.memref_slice %arg9[%dma_wait3A_811, %dma_wait3A_818] : memref<4x128xi32, #tpu.memory_space<vmem>> -> memref<1x128xi32, #tpu.memory_space<vmem>>
        %dma_wait3A_820 = tpu.memref_squeeze %dma_wait3A_819 : memref<1x128xi32, #tpu.memory_space<vmem>> -> memref<128xi32, #tpu.memory_space<vmem>>
        %dma_wait3A_821 = arith.constant 0 : i32
        %dma_wait3A_822 = tpu.memref_slice %arg3[%add3A_810, %dma_wait3A_821] : memref<2560x128xi32, #tpu.memory_space<hbm>> -> memref<1x128xi32, #tpu.memory_space<hbm>>
        %dma_wait3A_823 = tpu.memref_squeeze %dma_wait3A_822 : memref<1x128xi32, #tpu.memory_space<hbm>> -> memref<128xi32, #tpu.memory_space<hbm>>
        tpu.wait_dma2 semaphore(%arg24 : memref<!tpu.dma_semaphore, #tpu.memory_space<semaphore_mem>>) src(%dma_wait3A_823 : memref<128xi32, #tpu.memory_space<hbm>>) dst(%dma_wait3A_820 : memref<128xi32, #tpu.memory_space<vmem>>)
        %add3A_824 = arith.constant 1 : i32
        %add3A_825 = arith.addi %add3A_726, %add3A_824 : i32
        %mul3A_826 = arith.constant 80 : i32
        %mul3A_827 = arith.muli %add3A, %mul3A_826 : i32
        %add3A_828 = arith.addi %mul3A_827, %add3A_825 : i32
        %dma_wait3A_829 = arith.constant 0 : i32
        %dma_wait3A_830 = arith.constant 0 : i32
        %dma_wait3A_831 = tpu.memref_slice %arg10[%dma_wait3A_829, %dma_wait3A_830] : memref<4x128xi32, #tpu.memory_space<vmem>> -> memref<1x128xi32, #tpu.memory_space<vmem>>
        %dma_wait3A_832 = tpu.memref_squeeze %dma_wait3A_831 : memref<1x128xi32, #tpu.memory_space<vmem>> -> memref<128xi32, #tpu.memory_space<vmem>>
        %dma_wait3A_833 = arith.constant 0 : i32
        %dma_wait3A_834 = tpu.memref_slice %arg4[%add3A_828, %dma_wait3A_833] : memref<2560x128xi32, #tpu.memory_space<hbm>> -> memref<1x128xi32, #tpu.memory_space<hbm>>
        %dma_wait3A_835 = tpu.memref_squeeze %dma_wait3A_834 : memref<1x128xi32, #tpu.memory_space<hbm>> -> memref<128xi32, #tpu.memory_space<hbm>>
        %dma_wait3A_836 = arith.constant 0 : i32
        %dma_wait3A_837 = tpu.memref_slice %arg10[%dma_wait3A_829, %dma_wait3A_836] : memref<4x128xi32, #tpu.memory_space<vmem>> -> memref<1x128xi32, #tpu.memory_space<vmem>>
        %dma_wait3A_838 = tpu.memref_squeeze %dma_wait3A_837 : memref<1x128xi32, #tpu.memory_space<vmem>> -> memref<128xi32, #tpu.memory_space<vmem>>
        %dma_wait3A_839 = arith.constant 0 : i32
        %dma_wait3A_840 = tpu.memref_slice %arg4[%add3A_828, %dma_wait3A_839] : memref<2560x128xi32, #tpu.memory_space<hbm>> -> memref<1x128xi32, #tpu.memory_space<hbm>>
        %dma_wait3A_841 = tpu.memref_squeeze %dma_wait3A_840 : memref<1x128xi32, #tpu.memory_space<hbm>> -> memref<128xi32, #tpu.memory_space<hbm>>
        tpu.wait_dma2 semaphore(%arg24 : memref<!tpu.dma_semaphore, #tpu.memory_space<semaphore_mem>>) src(%dma_wait3A_841 : memref<128xi32, #tpu.memory_space<hbm>>) dst(%dma_wait3A_838 : memref<128xi32, #tpu.memory_space<vmem>>)
        %add3A_842 = arith.constant 1 : i32
        %add3A_843 = arith.addi %add3A_726, %add3A_842 : i32
        %mul3A_844 = arith.constant 10240 : i32
        %mul3A_845 = arith.muli %add3A, %mul3A_844 : i32
        %mul3A_846 = arith.constant 128 : i32
        %mul3A_847 = arith.muli %add3A_843, %mul3A_846 : i32
        %add3A_848 = arith.addi %mul3A_845, %mul3A_847 : i32
        %mul3A_849 = arith.constant 3 : i32
        %mul3A_850 = arith.muli %add3A_848, %mul3A_849 : i32
        %dma_start3A_851 = arith.constant 0 : i32
        %dma_start3A_852 = tpu.memref_slice %arg13[%dma_start3A_851] : memref<400xf32, #tpu.memory_space<vmem>> -> memref<384xf32, #tpu.memory_space<vmem>>
        %dma_start3A_853 = tpu.memref_slice %arg5[%mul3A_850] : memref<983040xf32, #tpu.memory_space<hbm>> -> memref<384xf32, #tpu.memory_space<hbm>>
        %dma_start3A_854 = arith.constant 0 : i32
        %dma_start3A_855 = tpu.memref_slice %arg13[%dma_start3A_854] : memref<400xf32, #tpu.memory_space<vmem>> -> memref<384xf32, #tpu.memory_space<vmem>>
        %dma_start3A_856 = tpu.memref_slice %arg5[%mul3A_850] : memref<983040xf32, #tpu.memory_space<hbm>> -> memref<384xf32, #tpu.memory_space<hbm>>
        tpu.enqueue_dma source(%dma_start3A_856 : memref<384xf32, #tpu.memory_space<hbm>>) target(%dma_start3A_855 : memref<384xf32, #tpu.memory_space<vmem>>) target_semaphore(%arg20 : memref<!tpu.dma_semaphore, #tpu.memory_space<semaphore_mem>>)
        %add3A_857 = arith.constant 1 : i32
        %add3A_858 = arith.addi %add3A_726, %add3A_857 : i32
        %dma_start3A_859 = arith.constant 0 : i32
        %dma_start3A_860 = arith.constant 0 : i32
        %dma_start3A_861 = tpu.memref_slice %arg9[%dma_start3A_859, %dma_start3A_860] : memref<4x128xi32, #tpu.memory_space<vmem>> -> memref<1x128xi32, #tpu.memory_space<vmem>>
        %dma_start3A_862 = tpu.memref_squeeze %dma_start3A_861 : memref<1x128xi32, #tpu.memory_space<vmem>> -> memref<128xi32, #tpu.memory_space<vmem>>
        %dma_start3A_863 = arith.constant 0 : i32
        %dma_start3A_864 = arith.constant 0 : i32
        %dma_start3A_865 = tpu.memref_slice %arg2[%dma_start3A_863, %dma_start3A_864] : memref<10240x128xf32, #tpu.memory_space<hbm>> -> memref<10240x128xf32, #tpu.memory_space<hbm>>
        tpu.enqueue_indirect_dma source(%dma_start3A_865 : memref<10240x128xf32, #tpu.memory_space<hbm>>) target(%arg11 : memref<128x128xf32, #tpu.memory_space<vmem>>) offsets(%dma_start3A_862 : memref<128xi32, #tpu.memory_space<vmem>>) semaphore(%arg20 : memref<!tpu.dma_semaphore, #tpu.memory_space<semaphore_mem>>)
      } else {
      }
      %add3A_778 = arith.constant 2 : i32
      %add3A_779 = arith.addi %add3A_726, %add3A_778 : i32
      %lt3A_780 = arith.constant 80 : i32
      %lt3A_781 = arith.cmpi slt, %add3A_779, %lt3A_780 : i32
      %convert_element_type3A_782 = arith.extui %lt3A_781 : i1 to i32
      %cond3A_783 = arith.constant 0 : i32
      %cond3A_784 = arith.cmpi ne, %convert_element_type3A_782, %cond3A_783 : i32
      scf.if %cond3A_784 {
        %add3A_806 = arith.constant 2 : i32
        %add3A_807 = arith.addi %add3A_726, %add3A_806 : i32
        %mul3A_808 = arith.constant 80 : i32
        %mul3A_809 = arith.muli %add3A, %mul3A_808 : i32
        %add3A_810 = arith.addi %mul3A_809, %add3A_807 : i32
        %dma_start3A_811 = arith.constant 1 : i32
        %dma_start3A_812 = arith.constant 0 : i32
        %dma_start3A_813 = tpu.memref_slice %arg9[%dma_start3A_811, %dma_start3A_812] : memref<4x128xi32, #tpu.memory_space<vmem>> -> memref<1x128xi32, #tpu.memory_space<vmem>>
        %dma_start3A_814 = tpu.memref_squeeze %dma_start3A_813 : memref<1x128xi32, #tpu.memory_space<vmem>> -> memref<128xi32, #tpu.memory_space<vmem>>
        %dma_start3A_815 = arith.constant 0 : i32
        %dma_start3A_816 = tpu.memref_slice %arg3[%add3A_810, %dma_start3A_815] : memref<2560x128xi32, #tpu.memory_space<hbm>> -> memref<1x128xi32, #tpu.memory_space<hbm>>
        %dma_start3A_817 = tpu.memref_squeeze %dma_start3A_816 : memref<1x128xi32, #tpu.memory_space<hbm>> -> memref<128xi32, #tpu.memory_space<hbm>>
        %dma_start3A_818 = arith.constant 0 : i32
        %dma_start3A_819 = tpu.memref_slice %arg9[%dma_start3A_811, %dma_start3A_818] : memref<4x128xi32, #tpu.memory_space<vmem>> -> memref<1x128xi32, #tpu.memory_space<vmem>>
        %dma_start3A_820 = tpu.memref_squeeze %dma_start3A_819 : memref<1x128xi32, #tpu.memory_space<vmem>> -> memref<128xi32, #tpu.memory_space<vmem>>
        %dma_start3A_821 = arith.constant 0 : i32
        %dma_start3A_822 = tpu.memref_slice %arg3[%add3A_810, %dma_start3A_821] : memref<2560x128xi32, #tpu.memory_space<hbm>> -> memref<1x128xi32, #tpu.memory_space<hbm>>
        %dma_start3A_823 = tpu.memref_squeeze %dma_start3A_822 : memref<1x128xi32, #tpu.memory_space<hbm>> -> memref<128xi32, #tpu.memory_space<hbm>>
        tpu.enqueue_dma source(%dma_start3A_823 : memref<128xi32, #tpu.memory_space<hbm>>) target(%dma_start3A_820 : memref<128xi32, #tpu.memory_space<vmem>>) target_semaphore(%arg25 : memref<!tpu.dma_semaphore, #tpu.memory_space<semaphore_mem>>)
        %add3A_824 = arith.constant 2 : i32
        %add3A_825 = arith.addi %add3A_726, %add3A_824 : i32
        %mul3A_826 = arith.constant 80 : i32
        %mul3A_827 = arith.muli %add3A, %mul3A_826 : i32
        %add3A_828 = arith.addi %mul3A_827, %add3A_825 : i32
        %dma_start3A_829 = arith.constant 1 : i32
        %dma_start3A_830 = arith.constant 0 : i32
        %dma_start3A_831 = tpu.memref_slice %arg10[%dma_start3A_829, %dma_start3A_830] : memref<4x128xi32, #tpu.memory_space<vmem>> -> memref<1x128xi32, #tpu.memory_space<vmem>>
        %dma_start3A_832 = tpu.memref_squeeze %dma_start3A_831 : memref<1x128xi32, #tpu.memory_space<vmem>> -> memref<128xi32, #tpu.memory_space<vmem>>
        %dma_start3A_833 = arith.constant 0 : i32
        %dma_start3A_834 = tpu.memref_slice %arg4[%add3A_828, %dma_start3A_833] : memref<2560x128xi32, #tpu.memory_space<hbm>> -> memref<1x128xi32, #tpu.memory_space<hbm>>
        %dma_start3A_835 = tpu.memref_squeeze %dma_start3A_834 : memref<1x128xi32, #tpu.memory_space<hbm>> -> memref<128xi32, #tpu.memory_space<hbm>>
        %dma_start3A_836 = arith.constant 0 : i32
        %dma_start3A_837 = tpu.memref_slice %arg10[%dma_start3A_829, %dma_start3A_836] : memref<4x128xi32, #tpu.memory_space<vmem>> -> memref<1x128xi32, #tpu.memory_space<vmem>>
        %dma_start3A_838 = tpu.memref_squeeze %dma_start3A_837 : memref<1x128xi32, #tpu.memory_space<vmem>> -> memref<128xi32, #tpu.memory_space<vmem>>
        %dma_start3A_839 = arith.constant 0 : i32
        %dma_start3A_840 = tpu.memref_slice %arg4[%add3A_828, %dma_start3A_839] : memref<2560x128xi32, #tpu.memory_space<hbm>> -> memref<1x128xi32, #tpu.memory_space<hbm>>
        %dma_start3A_841 = tpu.memref_squeeze %dma_start3A_840 : memref<1x128xi32, #tpu.memory_space<hbm>> -> memref<128xi32, #tpu.memory_space<hbm>>
        tpu.enqueue_dma source(%dma_start3A_841 : memref<128xi32, #tpu.memory_space<hbm>>) target(%dma_start3A_838 : memref<128xi32, #tpu.memory_space<vmem>>) target_semaphore(%arg25 : memref<!tpu.dma_semaphore, #tpu.memory_space<semaphore_mem>>)
      } else {
      }
      %scan3A_785 = arith.constant 0 : i32
      %scan3A_786 = arith.constant 64 : i32
      %scan3A_787 = arith.constant 64 : i32
      %scan3A_788 = arith.addi %scan3A_786, %scan3A_787 : i32
      %scan3A_789 = arith.constant 1 : i32
      %scan3A_790 = scf.for %scan3A_806 = %scan3A_786 to %scan3A_788 step %scan3A_789 iter_args(%scan3A_807 = %scan3A_785) -> (i32)  : i32 {
        %mul3A_808 = arith.constant 3 : i32
        %mul3A_809 = arith.muli %mul3A_808, %scan3A_806 : i32
        %get3A_810 = arith.index_cast %mul3A_809 : i32 to index
        %get3A_811 = tpu.vector_load %arg14[%get3A_810] {strides = array<i32>} : memref<400xf32, #tpu.memory_space<vmem>>, vector<16xf32>,
        %get3A_812 = vector.shape_cast %get3A_811 : vector<16xf32> to vector<16xf32>
        %slice3A = vector.extract_strided_slice %get3A_812 {offsets = [0], sizes = [1], strides = [1]} : vector<16xf32> to vector<1xf32>
        %squeeze3A = vector.extract %slice3A[0] : f32 from vector<1xf32>
        %slice3A_813 = vector.extract_strided_slice %get3A_812 {offsets = [1], sizes = [1], strides = [1]} : vector<16xf32> to vector<1xf32>
        %squeeze3A_814 = vector.extract %slice3A_813[0] : f32 from vector<1xf32>
        %slice3A_815 = vector.extract_strided_slice %get3A_812 {offsets = [2], sizes = [1], strides = [1]} : vector<16xf32> to vector<1xf32>
        %squeeze3A_816 = vector.extract %slice3A_815[0] : f32 from vector<1xf32>
        %get3A_817 = arith.index_cast %scan3A_806 : i32 to index
        %get3A_818 = arith.constant 0 : index
        %get3A_819 = tpu.vector_load %arg12[%get3A_817, %get3A_818] {strides = array<i32>} : memref<128x128xf32, #tpu.memory_space<vmem>>, vector<1x16xf32>,
        %get3A_820 = vector.shape_cast %get3A_819 : vector<1x16xf32> to vector<16xf32>
        %mul3A_821 = vector.broadcast %squeeze3A : f32 to vector<16xf32>
        %mul3A_822 = arith.mulf %mul3A_821, %get3A_177 : vector<16xf32>
        %add3A_823 = arith.addf %get3A_820, %mul3A_822 : vector<16xf32>
        %mul3A_824 = vector.broadcast %squeeze3A_814 : f32 to vector<16xf32>
        %mul3A_825 = arith.mulf %mul3A_824, %get3A_201 : vector<16xf32>
        %add3A_826 = arith.addf %add3A_823, %mul3A_825 : vector<16xf32>
        %mul3A_827 = vector.broadcast %squeeze3A_816 : f32 to vector<16xf32>
        %mul3A_828 = arith.mulf %mul3A_827, %get3A_225 : vector<16xf32>
        %add3A_829 = arith.addf %add3A_826, %mul3A_828 : vector<16xf32>
        %mul3A_830 = arith.constant 0.00999999977 : f32
        %mul3A_831 = vector.broadcast %mul3A_830 : f32 to vector<16xf32>
        %mul3A_832 = arith.mulf %mul3A_831, %add3A_829 : vector<16xf32>
        %max3A = arith.maximumf %add3A_829, %mul3A_832 : vector<16xf32>
        %swap3A_833 = arith.index_cast %scan3A_806 : i32 to index
        %swap3A_834 = arith.constant 0 : index
        %swap3A_835 = tpu.vector_load %arg12[%swap3A_833, %swap3A_834] {strides = array<i32>} : memref<128x128xf32, #tpu.memory_space<vmem>>, vector<1x16xf32>,
        %swap3A_836 = vector.shape_cast %swap3A_835 : vector<1x16xf32> to vector<16xf32>
        %swap3A_837 = vector.shape_cast %max3A : vector<16xf32> to vector<1x16xf32>
        tpu.vector_store %arg12[%swap3A_833, %swap3A_834], %swap3A_837 {strides = array<i32>} : memref<128x128xf32, #tpu.memory_space<vmem>>, vector<1x16xf32>,
        %get3A_838 = arith.index_cast %scan3A_806 : i32 to index
        %get3A_839 = arith.constant 16 : index
        %get3A_840 = tpu.vector_load %arg12[%get3A_838, %get3A_839] {strides = array<i32>} : memref<128x128xf32, #tpu.memory_space<vmem>>, vector<1x16xf32>,
        %get3A_841 = vector.shape_cast %get3A_840 : vector<1x16xf32> to vector<16xf32>
        %mul3A_842 = vector.broadcast %squeeze3A : f32 to vector<16xf32>
        %mul3A_843 = arith.mulf %mul3A_842, %get3A_180 : vector<16xf32>
        %add3A_844 = arith.addf %get3A_841, %mul3A_843 : vector<16xf32>
        %mul3A_845 = vector.broadcast %squeeze3A_814 : f32 to vector<16xf32>
        %mul3A_846 = arith.mulf %mul3A_845, %get3A_204 : vector<16xf32>
        %add3A_847 = arith.addf %add3A_844, %mul3A_846 : vector<16xf32>
        %mul3A_848 = vector.broadcast %squeeze3A_816 : f32 to vector<16xf32>
        %mul3A_849 = arith.mulf %mul3A_848, %get3A_228 : vector<16xf32>
        %add3A_850 = arith.addf %add3A_847, %mul3A_849 : vector<16xf32>
        %mul3A_851 = arith.constant 0.00999999977 : f32
        %mul3A_852 = vector.broadcast %mul3A_851 : f32 to vector<16xf32>
        %mul3A_853 = arith.mulf %mul3A_852, %add3A_850 : vector<16xf32>
        %max3A_854 = arith.maximumf %add3A_850, %mul3A_853 : vector<16xf32>
        %swap3A_855 = arith.index_cast %scan3A_806 : i32 to index
        %swap3A_856 = arith.constant 16 : index
        %swap3A_857 = tpu.vector_load %arg12[%swap3A_855, %swap3A_856] {strides = array<i32>} : memref<128x128xf32, #tpu.memory_space<vmem>>, vector<1x16xf32>,
        %swap3A_858 = vector.shape_cast %swap3A_857 : vector<1x16xf32> to vector<16xf32>
        %swap3A_859 = vector.shape_cast %max3A_854 : vector<16xf32> to vector<1x16xf32>
        tpu.vector_store %arg12[%swap3A_855, %swap3A_856], %swap3A_859 {strides = array<i32>} : memref<128x128xf32, #tpu.memory_space<vmem>>, vector<1x16xf32>,
        %get3A_860 = arith.index_cast %scan3A_806 : i32 to index
        %get3A_861 = arith.constant 32 : index
        %get3A_862 = tpu.vector_load %arg12[%get3A_860, %get3A_861] {strides = array<i32>} : memref<128x128xf32, #tpu.memory_space<vmem>>, vector<1x16xf32>,
        %get3A_863 = vector.shape_cast %get3A_862 : vector<1x16xf32> to vector<16xf32>
        %mul3A_864 = vector.broadcast %squeeze3A : f32 to vector<16xf32>
        %mul3A_865 = arith.mulf %mul3A_864, %get3A_183 : vector<16xf32>
        %add3A_866 = arith.addf %get3A_863, %mul3A_865 : vector<16xf32>
        %mul3A_867 = vector.broadcast %squeeze3A_814 : f32 to vector<16xf32>
        %mul3A_868 = arith.mulf %mul3A_867, %get3A_207 : vector<16xf32>
        %add3A_869 = arith.addf %add3A_866, %mul3A_868 : vector<16xf32>
        %mul3A_870 = vector.broadcast %squeeze3A_816 : f32 to vector<16xf32>
        %mul3A_871 = arith.mulf %mul3A_870, %get3A_231 : vector<16xf32>
        %add3A_872 = arith.addf %add3A_869, %mul3A_871 : vector<16xf32>
        %mul3A_873 = arith.constant 0.00999999977 : f32
        %mul3A_874 = vector.broadcast %mul3A_873 : f32 to vector<16xf32>
        %mul3A_875 = arith.mulf %mul3A_874, %add3A_872 : vector<16xf32>
        %max3A_876 = arith.maximumf %add3A_872, %mul3A_875 : vector<16xf32>
        %swap3A_877 = arith.index_cast %scan3A_806 : i32 to index
        %swap3A_878 = arith.constant 32 : index
        %swap3A_879 = tpu.vector_load %arg12[%swap3A_877, %swap3A_878] {strides = array<i32>} : memref<128x128xf32, #tpu.memory_space<vmem>>, vector<1x16xf32>,
        %swap3A_880 = vector.shape_cast %swap3A_879 : vector<1x16xf32> to vector<16xf32>
        %swap3A_881 = vector.shape_cast %max3A_876 : vector<16xf32> to vector<1x16xf32>
        tpu.vector_store %arg12[%swap3A_877, %swap3A_878], %swap3A_881 {strides = array<i32>} : memref<128x128xf32, #tpu.memory_space<vmem>>, vector<1x16xf32>,
        %get3A_882 = arith.index_cast %scan3A_806 : i32 to index
        %get3A_883 = arith.constant 48 : index
        %get3A_884 = tpu.vector_load %arg12[%get3A_882, %get3A_883] {strides = array<i32>} : memref<128x128xf32, #tpu.memory_space<vmem>>, vector<1x16xf32>,
        %get3A_885 = vector.shape_cast %get3A_884 : vector<1x16xf32> to vector<16xf32>
        %mul3A_886 = vector.broadcast %squeeze3A : f32 to vector<16xf32>
        %mul3A_887 = arith.mulf %mul3A_886, %get3A_186 : vector<16xf32>
        %add3A_888 = arith.addf %get3A_885, %mul3A_887 : vector<16xf32>
        %mul3A_889 = vector.broadcast %squeeze3A_814 : f32 to vector<16xf32>
        %mul3A_890 = arith.mulf %mul3A_889, %get3A_210 : vector<16xf32>
        %add3A_891 = arith.addf %add3A_888, %mul3A_890 : vector<16xf32>
        %mul3A_892 = vector.broadcast %squeeze3A_816 : f32 to vector<16xf32>
        %mul3A_893 = arith.mulf %mul3A_892, %get3A_234 : vector<16xf32>
        %add3A_894 = arith.addf %add3A_891, %mul3A_893 : vector<16xf32>
        %mul3A_895 = arith.constant 0.00999999977 : f32
        %mul3A_896 = vector.broadcast %mul3A_895 : f32 to vector<16xf32>
        %mul3A_897 = arith.mulf %mul3A_896, %add3A_894 : vector<16xf32>
        %max3A_898 = arith.maximumf %add3A_894, %mul3A_897 : vector<16xf32>
        %swap3A_899 = arith.index_cast %scan3A_806 : i32 to index
        %swap3A_900 = arith.constant 48 : index
        %swap3A_901 = tpu.vector_load %arg12[%swap3A_899, %swap3A_900] {strides = array<i32>} : memref<128x128xf32, #tpu.memory_space<vmem>>, vector<1x16xf32>,
        %swap3A_902 = vector.shape_cast %swap3A_901 : vector<1x16xf32> to vector<16xf32>
        %swap3A_903 = vector.shape_cast %max3A_898 : vector<16xf32> to vector<1x16xf32>
        tpu.vector_store %arg12[%swap3A_899, %swap3A_900], %swap3A_903 {strides = array<i32>} : memref<128x128xf32, #tpu.memory_space<vmem>>, vector<1x16xf32>,
        %get3A_904 = arith.index_cast %scan3A_806 : i32 to index
        %get3A_905 = arith.constant 64 : index
        %get3A_906 = tpu.vector_load %arg12[%get3A_904, %get3A_905] {strides = array<i32>} : memref<128x128xf32, #tpu.memory_space<vmem>>, vector<1x16xf32>,
        %get3A_907 = vector.shape_cast %get3A_906 : vector<1x16xf32> to vector<16xf32>
        %mul3A_908 = vector.broadcast %squeeze3A : f32 to vector<16xf32>
        %mul3A_909 = arith.mulf %mul3A_908, %get3A_189 : vector<16xf32>
        %add3A_910 = arith.addf %get3A_907, %mul3A_909 : vector<16xf32>
        %mul3A_911 = vector.broadcast %squeeze3A_814 : f32 to vector<16xf32>
        %mul3A_912 = arith.mulf %mul3A_911, %get3A_213 : vector<16xf32>
        %add3A_913 = arith.addf %add3A_910, %mul3A_912 : vector<16xf32>
        %mul3A_914 = vector.broadcast %squeeze3A_816 : f32 to vector<16xf32>
        %mul3A_915 = arith.mulf %mul3A_914, %get3A_237 : vector<16xf32>
        %add3A_916 = arith.addf %add3A_913, %mul3A_915 : vector<16xf32>
        %mul3A_917 = arith.constant 0.00999999977 : f32
        %mul3A_918 = vector.broadcast %mul3A_917 : f32 to vector<16xf32>
        %mul3A_919 = arith.mulf %mul3A_918, %add3A_916 : vector<16xf32>
        %max3A_920 = arith.maximumf %add3A_916, %mul3A_919 : vector<16xf32>
        %swap3A_921 = arith.index_cast %scan3A_806 : i32 to index
        %swap3A_922 = arith.constant 64 : index
        %swap3A_923 = tpu.vector_load %arg12[%swap3A_921, %swap3A_922] {strides = array<i32>} : memref<128x128xf32, #tpu.memory_space<vmem>>, vector<1x16xf32>,
        %swap3A_924 = vector.shape_cast %swap3A_923 : vector<1x16xf32> to vector<16xf32>
        %swap3A_925 = vector.shape_cast %max3A_920 : vector<16xf32> to vector<1x16xf32>
        tpu.vector_store %arg12[%swap3A_921, %swap3A_922], %swap3A_925 {strides = array<i32>} : memref<128x128xf32, #tpu.memory_space<vmem>>, vector<1x16xf32>,
        %get3A_926 = arith.index_cast %scan3A_806 : i32 to index
        %get3A_927 = arith.constant 80 : index
        %get3A_928 = tpu.vector_load %arg12[%get3A_926, %get3A_927] {strides = array<i32>} : memref<128x128xf32, #tpu.memory_space<vmem>>, vector<1x16xf32>,
        %get3A_929 = vector.shape_cast %get3A_928 : vector<1x16xf32> to vector<16xf32>
        %mul3A_930 = vector.broadcast %squeeze3A : f32 to vector<16xf32>
        %mul3A_931 = arith.mulf %mul3A_930, %get3A_192 : vector<16xf32>
        %add3A_932 = arith.addf %get3A_929, %mul3A_931 : vector<16xf32>
        %mul3A_933 = vector.broadcast %squeeze3A_814 : f32 to vector<16xf32>
        %mul3A_934 = arith.mulf %mul3A_933, %get3A_216 : vector<16xf32>
        %add3A_935 = arith.addf %add3A_932, %mul3A_934 : vector<16xf32>
        %mul3A_936 = vector.broadcast %squeeze3A_816 : f32 to vector<16xf32>
        %mul3A_937 = arith.mulf %mul3A_936, %get3A_240 : vector<16xf32>
        %add3A_938 = arith.addf %add3A_935, %mul3A_937 : vector<16xf32>
        %mul3A_939 = arith.constant 0.00999999977 : f32
        %mul3A_940 = vector.broadcast %mul3A_939 : f32 to vector<16xf32>
        %mul3A_941 = arith.mulf %mul3A_940, %add3A_938 : vector<16xf32>
        %max3A_942 = arith.maximumf %add3A_938, %mul3A_941 : vector<16xf32>
        %swap3A_943 = arith.index_cast %scan3A_806 : i32 to index
        %swap3A_944 = arith.constant 80 : index
        %swap3A_945 = tpu.vector_load %arg12[%swap3A_943, %swap3A_944] {strides = array<i32>} : memref<128x128xf32, #tpu.memory_space<vmem>>, vector<1x16xf32>,
        %swap3A_946 = vector.shape_cast %swap3A_945 : vector<1x16xf32> to vector<16xf32>
        %swap3A_947 = vector.shape_cast %max3A_942 : vector<16xf32> to vector<1x16xf32>
        tpu.vector_store %arg12[%swap3A_943, %swap3A_944], %swap3A_947 {strides = array<i32>} : memref<128x128xf32, #tpu.memory_space<vmem>>, vector<1x16xf32>,
        %get3A_948 = arith.index_cast %scan3A_806 : i32 to index
        %get3A_949 = arith.constant 96 : index
        %get3A_950 = tpu.vector_load %arg12[%get3A_948, %get3A_949] {strides = array<i32>} : memref<128x128xf32, #tpu.memory_space<vmem>>, vector<1x16xf32>,
        %get3A_951 = vector.shape_cast %get3A_950 : vector<1x16xf32> to vector<16xf32>
        %mul3A_952 = vector.broadcast %squeeze3A : f32 to vector<16xf32>
        %mul3A_953 = arith.mulf %mul3A_952, %get3A_195 : vector<16xf32>
        %add3A_954 = arith.addf %get3A_951, %mul3A_953 : vector<16xf32>
        %mul3A_955 = vector.broadcast %squeeze3A_814 : f32 to vector<16xf32>
        %mul3A_956 = arith.mulf %mul3A_955, %get3A_219 : vector<16xf32>
        %add3A_957 = arith.addf %add3A_954, %mul3A_956 : vector<16xf32>
        %mul3A_958 = vector.broadcast %squeeze3A_816 : f32 to vector<16xf32>
        %mul3A_959 = arith.mulf %mul3A_958, %get3A_243 : vector<16xf32>
        %add3A_960 = arith.addf %add3A_957, %mul3A_959 : vector<16xf32>
        %mul3A_961 = arith.constant 0.00999999977 : f32
        %mul3A_962 = vector.broadcast %mul3A_961 : f32 to vector<16xf32>
        %mul3A_963 = arith.mulf %mul3A_962, %add3A_960 : vector<16xf32>
        %max3A_964 = arith.maximumf %add3A_960, %mul3A_963 : vector<16xf32>
        %swap3A_965 = arith.index_cast %scan3A_806 : i32 to index
        %swap3A_966 = arith.constant 96 : index
        %swap3A_967 = tpu.vector_load %arg12[%swap3A_965, %swap3A_966] {strides = array<i32>} : memref<128x128xf32, #tpu.memory_space<vmem>>, vector<1x16xf32>,
        %swap3A_968 = vector.shape_cast %swap3A_967 : vector<1x16xf32> to vector<16xf32>
        %swap3A_969 = vector.shape_cast %max3A_964 : vector<16xf32> to vector<1x16xf32>
        tpu.vector_store %arg12[%swap3A_965, %swap3A_966], %swap3A_969 {strides = array<i32>} : memref<128x128xf32, #tpu.memory_space<vmem>>, vector<1x16xf32>,
        %get3A_970 = arith.index_cast %scan3A_806 : i32 to index
        %get3A_971 = arith.constant 112 : index
        %get3A_972 = tpu.vector_load %arg12[%get3A_970, %get3A_971] {strides = array<i32>} : memref<128x128xf32, #tpu.memory_space<vmem>>, vector<1x16xf32>,
        %get3A_973 = vector.shape_cast %get3A_972 : vector<1x16xf32> to vector<16xf32>
        %mul3A_974 = vector.broadcast %squeeze3A : f32 to vector<16xf32>
        %mul3A_975 = arith.mulf %mul3A_974, %get3A_198 : vector<16xf32>
        %add3A_976 = arith.addf %get3A_973, %mul3A_975 : vector<16xf32>
        %mul3A_977 = vector.broadcast %squeeze3A_814 : f32 to vector<16xf32>
        %mul3A_978 = arith.mulf %mul3A_977, %get3A_222 : vector<16xf32>
        %add3A_979 = arith.addf %add3A_976, %mul3A_978 : vector<16xf32>
        %mul3A_980 = vector.broadcast %squeeze3A_816 : f32 to vector<16xf32>
        %mul3A_981 = arith.mulf %mul3A_980, %get3A_246 : vector<16xf32>
        %add3A_982 = arith.addf %add3A_979, %mul3A_981 : vector<16xf32>
        %mul3A_983 = arith.constant 0.00999999977 : f32
        %mul3A_984 = vector.broadcast %mul3A_983 : f32 to vector<16xf32>
        %mul3A_985 = arith.mulf %mul3A_984, %add3A_982 : vector<16xf32>
        %max3A_986 = arith.maximumf %add3A_982, %mul3A_985 : vector<16xf32>
        %swap3A_987 = arith.index_cast %scan3A_806 : i32 to index
        %swap3A_988 = arith.constant 112 : index
        %swap3A_989 = tpu.vector_load %arg12[%swap3A_987, %swap3A_988] {strides = array<i32>} : memref<128x128xf32, #tpu.memory_space<vmem>>, vector<1x16xf32>,
        %swap3A_990 = vector.shape_cast %swap3A_989 : vector<1x16xf32> to vector<16xf32>
        %swap3A_991 = vector.shape_cast %max3A_986 : vector<16xf32> to vector<1x16xf32>
        tpu.vector_store %arg12[%swap3A_987, %swap3A_988], %swap3A_991 {strides = array<i32>} : memref<128x128xf32, #tpu.memory_space<vmem>>, vector<1x16xf32>,
        %scan3A_992 = arith.constant 0 : i32
        scf.yield %scan3A_992 : i32
      }
      %scan3A_791 = arith.constant 64 : i32
      %dma_start3A_792 = arith.constant 3 : i32
      %dma_start3A_793 = arith.constant 0 : i32
      %dma_start3A_794 = tpu.memref_slice %arg10[%dma_start3A_792, %dma_start3A_793] : memref<4x128xi32, #tpu.memory_space<vmem>> -> memref<1x128xi32, #tpu.memory_space<vmem>>
      %dma_start3A_795 = tpu.memref_squeeze %dma_start3A_794 : memref<1x128xi32, #tpu.memory_space<vmem>> -> memref<128xi32, #tpu.memory_space<vmem>>
      %dma_start3A_796 = arith.constant 0 : i32
      %dma_start3A_797 = arith.constant 0 : i32
      %dma_start3A_798 = tpu.memref_slice %arg18[%dma_start3A_796, %dma_start3A_797] : memref<10240x128xf32, #tpu.memory_space<vmem_shared>> -> memref<10240x128xf32, #tpu.memory_space<vmem_shared>>
      tpu.enqueue_indirect_dma source(%arg12 : memref<128x128xf32, #tpu.memory_space<vmem>>) target(%dma_start3A_798 : memref<10240x128xf32, #tpu.memory_space<vmem_shared>>) offsets(%dma_start3A_795 : memref<128xi32, #tpu.memory_space<vmem>>) semaphore(%arg23 : memref<!tpu.dma_semaphore, #tpu.memory_space<semaphore_mem>>) {add = true}
      %dma_start3A_799 = arith.constant 3 : i32
      %dma_start3A_800 = arith.constant 0 : i32
      %dma_start3A_801 = tpu.memref_slice %arg10[%dma_start3A_799, %dma_start3A_800] : memref<4x128xi32, #tpu.memory_space<vmem>> -> memref<1x128xi32, #tpu.memory_space<vmem>>
      %dma_start3A_802 = tpu.memref_squeeze %dma_start3A_801 : memref<1x128xi32, #tpu.memory_space<vmem>> -> memref<128xi32, #tpu.memory_space<vmem>>
      %dma_start3A_803 = arith.constant 0 : i32
      %dma_start3A_804 = tpu.memref_slice %arg19[%dma_start3A_803] : memref<10240xf32, #tpu.memory_space<vmem_shared>> -> memref<10240xf32, #tpu.memory_space<vmem_shared>>
      tpu.enqueue_indirect_dma source(%arg17 : memref<128xf32, #tpu.memory_space<vmem>>) target(%dma_start3A_804 : memref<10240xf32, #tpu.memory_space<vmem_shared>>) offsets(%dma_start3A_802 : memref<128xi32, #tpu.memory_space<vmem>>) semaphore(%arg23 : memref<!tpu.dma_semaphore, #tpu.memory_space<semaphore_mem>>) {add = true}
      %scan3A_805 = arith.constant 0 : i32
      scf.yield %scan3A_805 : i32
    }
    %scan3A_253 = arith.constant 20 : i32
    %dma_wait3A_254 = arith.constant 3 : i32
    %dma_wait3A_255 = arith.constant 0 : i32
    %dma_wait3A_256 = tpu.memref_slice %arg10[%dma_wait3A_254, %dma_wait3A_255] : memref<4x128xi32, #tpu.memory_space<vmem>> -> memref<1x128xi32, #tpu.memory_space<vmem>>
    %dma_wait3A_257 = tpu.memref_squeeze %dma_wait3A_256 : memref<1x128xi32, #tpu.memory_space<vmem>> -> memref<128xi32, #tpu.memory_space<vmem>>
    %dma_wait3A_258 = arith.constant 0 : i32
    %dma_wait3A_259 = arith.constant 0 : i32
    %dma_wait3A_260 = tpu.memref_slice %arg18[%dma_wait3A_258, %dma_wait3A_259] : memref<10240x128xf32, #tpu.memory_space<vmem_shared>> -> memref<10240x128xf32, #tpu.memory_space<vmem_shared>>
    tpu.wait_indirect_dma semaphore(%arg23 : memref<!tpu.dma_semaphore, #tpu.memory_space<semaphore_mem>>) src(%arg12 : memref<128x128xf32, #tpu.memory_space<vmem>>) dst(%dma_wait3A_260 : memref<10240x128xf32, #tpu.memory_space<vmem_shared>>)
    %dma_wait3A_261 = arith.constant 3 : i32
    %dma_wait3A_262 = arith.constant 0 : i32
    %dma_wait3A_263 = tpu.memref_slice %arg10[%dma_wait3A_261, %dma_wait3A_262] : memref<4x128xi32, #tpu.memory_space<vmem>> -> memref<1x128xi32, #tpu.memory_space<vmem>>
    %dma_wait3A_264 = tpu.memref_squeeze %dma_wait3A_263 : memref<1x128xi32, #tpu.memory_space<vmem>> -> memref<128xi32, #tpu.memory_space<vmem>>
    %dma_wait3A_265 = arith.constant 0 : i32
    %dma_wait3A_266 = tpu.memref_slice %arg19[%dma_wait3A_265] : memref<10240xf32, #tpu.memory_space<vmem_shared>> -> memref<10240xf32, #tpu.memory_space<vmem_shared>>
    tpu.wait_indirect_dma semaphore(%arg23 : memref<!tpu.dma_semaphore, #tpu.memory_space<semaphore_mem>>) src(%arg17 : memref<128xf32, #tpu.memory_space<vmem>>) dst(%dma_wait3A_266 : memref<10240xf32, #tpu.memory_space<vmem_shared>>)
    %barrier3A_267 = arith.constant 0 : index
    tpu.barrier barrier_id(%barrier3A_267)
    %scan3A_268 = arith.constant 0 : i32
    %scan3A_269 = arith.constant 0 : i32
    %scan3A_270 = arith.constant 5 : i32
    %scan3A_271 = arith.addi %scan3A_269, %scan3A_270 : i32
    %scan3A_272 = arith.constant 1 : i32
    %scan3A_273 = scf.for %scan3A_275 = %scan3A_269 to %scan3A_271 step %scan3A_272 iter_args(%scan3A_276 = %scan3A_268) -> (i32)  : i32 {
      %mul3A_277 = arith.constant 128 : i32
      %mul3A_278 = arith.muli %mul3A_277, %scan3A_275 : i32
      %add3A_279 = arith.addi %mul3A_2, %mul3A_278 : i32
      "tpu.region"() ({
        %run_scoped3A = tpu.sem_alloc : memref<!tpu.dma_semaphore, #tpu.memory_space<semaphore_mem>>
        %dma_start3A_281 = arith.constant 0 : i32
        %dma_start3A_282 = tpu.memref_slice %arg18[%add3A_279, %dma_start3A_281] : memref<10240x128xf32, #tpu.memory_space<vmem_shared>> -> memref<128x128xf32, #tpu.memory_space<vmem_shared>>
        %dma_start3A_283 = arith.constant 0 : i32
        %dma_start3A_284 = tpu.memref_slice %arg18[%add3A_279, %dma_start3A_283] : memref<10240x128xf32, #tpu.memory_space<vmem_shared>> -> memref<128x128xf32, #tpu.memory_space<vmem_shared>>
        tpu.enqueue_dma source(%dma_start3A_284 : memref<128x128xf32, #tpu.memory_space<vmem_shared>>) target(%arg11 : memref<128x128xf32, #tpu.memory_space<vmem>>) target_semaphore(%run_scoped3A : memref<!tpu.dma_semaphore, #tpu.memory_space<semaphore_mem>>)
        %dma_wait3A_285 = arith.constant 0 : i32
        %dma_wait3A_286 = tpu.memref_slice %arg18[%add3A_279, %dma_wait3A_285] : memref<10240x128xf32, #tpu.memory_space<vmem_shared>> -> memref<128x128xf32, #tpu.memory_space<vmem_shared>>
        %dma_wait3A_287 = arith.constant 0 : i32
        %dma_wait3A_288 = tpu.memref_slice %arg18[%add3A_279, %dma_wait3A_287] : memref<10240x128xf32, #tpu.memory_space<vmem_shared>> -> memref<128x128xf32, #tpu.memory_space<vmem_shared>>
        tpu.wait_dma2 semaphore(%run_scoped3A : memref<!tpu.dma_semaphore, #tpu.memory_space<semaphore_mem>>) src(%dma_wait3A_288 : memref<128x128xf32, #tpu.memory_space<vmem_shared>>) dst(%arg11 : memref<128x128xf32, #tpu.memory_space<vmem>>)
        tpu.yield
      }) : () -> ()
      "tpu.region"() ({
        %run_scoped3A = tpu.sem_alloc : memref<!tpu.dma_semaphore, #tpu.memory_space<semaphore_mem>>
        %dma_start3A_281 = arith.constant 0 : i32
        %dma_start3A_282 = tpu.memref_slice %arg7[%arg0, %add3A_279, %dma_start3A_281] : memref<2x10240x128xf32, #tpu.memory_space<hbm>> -> memref<1x128x128xf32, #tpu.memory_space<hbm>>
        %dma_start3A_283 = tpu.memref_squeeze %dma_start3A_282 : memref<1x128x128xf32, #tpu.memory_space<hbm>> -> memref<128x128xf32, #tpu.memory_space<hbm>>
        %dma_start3A_284 = arith.constant 0 : i32
        %dma_start3A_285 = tpu.memref_slice %arg7[%arg0, %add3A_279, %dma_start3A_284] : memref<2x10240x128xf32, #tpu.memory_space<hbm>> -> memref<1x128x128xf32, #tpu.memory_space<hbm>>
        %dma_start3A_286 = tpu.memref_squeeze %dma_start3A_285 : memref<1x128x128xf32, #tpu.memory_space<hbm>> -> memref<128x128xf32, #tpu.memory_space<hbm>>
        tpu.enqueue_dma source(%arg11 : memref<128x128xf32, #tpu.memory_space<vmem>>) target(%dma_start3A_286 : memref<128x128xf32, #tpu.memory_space<hbm>>) target_semaphore(%run_scoped3A : memref<!tpu.dma_semaphore, #tpu.memory_space<semaphore_mem>>)
        %dma_wait3A_287 = arith.constant 0 : i32
        %dma_wait3A_288 = tpu.memref_slice %arg7[%arg0, %add3A_279, %dma_wait3A_287] : memref<2x10240x128xf32, #tpu.memory_space<hbm>> -> memref<1x128x128xf32, #tpu.memory_space<hbm>>
        %dma_wait3A_289 = tpu.memref_squeeze %dma_wait3A_288 : memref<1x128x128xf32, #tpu.memory_space<hbm>> -> memref<128x128xf32, #tpu.memory_space<hbm>>
        %dma_wait3A_290 = arith.constant 0 : i32
        %dma_wait3A_291 = tpu.memref_slice %arg7[%arg0, %add3A_279, %dma_wait3A_290] : memref<2x10240x128xf32, #tpu.memory_space<hbm>> -> memref<1x128x128xf32, #tpu.memory_space<hbm>>
        %dma_wait3A_292 = tpu.memref_squeeze %dma_wait3A_291 : memref<1x128x128xf32, #tpu.memory_space<hbm>> -> memref<128x128xf32, #tpu.memory_space<hbm>>
        tpu.wait_dma2 semaphore(%run_scoped3A : memref<!tpu.dma_semaphore, #tpu.memory_space<semaphore_mem>>) src(%arg11 : memref<128x128xf32, #tpu.memory_space<vmem>>) dst(%dma_wait3A_292 : memref<128x128xf32, #tpu.memory_space<hbm>>)
        tpu.yield
      }) : () -> ()
      "tpu.region"() ({
        %run_scoped3A = tpu.sem_alloc : memref<!tpu.dma_semaphore, #tpu.memory_space<semaphore_mem>>
        %dma_start3A_281 = tpu.memref_slice %arg19[%add3A_279] : memref<10240xf32, #tpu.memory_space<vmem_shared>> -> memref<128xf32, #tpu.memory_space<vmem_shared>>
        %dma_start3A_282 = tpu.memref_slice %arg19[%add3A_279] : memref<10240xf32, #tpu.memory_space<vmem_shared>> -> memref<128xf32, #tpu.memory_space<vmem_shared>>
        tpu.enqueue_dma source(%dma_start3A_282 : memref<128xf32, #tpu.memory_space<vmem_shared>>) target(%arg16 : memref<128xf32, #tpu.memory_space<vmem>>) target_semaphore(%run_scoped3A : memref<!tpu.dma_semaphore, #tpu.memory_space<semaphore_mem>>)
        %dma_wait3A_283 = tpu.memref_slice %arg19[%add3A_279] : memref<10240xf32, #tpu.memory_space<vmem_shared>> -> memref<128xf32, #tpu.memory_space<vmem_shared>>
        %dma_wait3A_284 = tpu.memref_slice %arg19[%add3A_279] : memref<10240xf32, #tpu.memory_space<vmem_shared>> -> memref<128xf32, #tpu.memory_space<vmem_shared>>
        tpu.wait_dma2 semaphore(%run_scoped3A : memref<!tpu.dma_semaphore, #tpu.memory_space<semaphore_mem>>) src(%dma_wait3A_284 : memref<128xf32, #tpu.memory_space<vmem_shared>>) dst(%arg16 : memref<128xf32, #tpu.memory_space<vmem>>)
        tpu.yield
      }) : () -> ()
      "tpu.region"() ({
        %run_scoped3A = tpu.sem_alloc : memref<!tpu.dma_semaphore, #tpu.memory_space<semaphore_mem>>
        %dma_start3A_281 = tpu.memref_slice %arg8[%arg0, %add3A_279] : memref<2x10240xf32, #tpu.memory_space<hbm>> -> memref<1x128xf32, #tpu.memory_space<hbm>>
        %dma_start3A_282 = tpu.memref_squeeze %dma_start3A_281 : memref<1x128xf32, #tpu.memory_space<hbm>> -> memref<128xf32, #tpu.memory_space<hbm>>
        %dma_start3A_283 = tpu.memref_slice %arg8[%arg0, %add3A_279] : memref<2x10240xf32, #tpu.memory_space<hbm>> -> memref<1x128xf32, #tpu.memory_space<hbm>>
        %dma_start3A_284 = tpu.memref_squeeze %dma_start3A_283 : memref<1x128xf32, #tpu.memory_space<hbm>> -> memref<128xf32, #tpu.memory_space<hbm>>
        tpu.enqueue_dma source(%arg16 : memref<128xf32, #tpu.memory_space<vmem>>) target(%dma_start3A_284 : memref<128xf32, #tpu.memory_space<hbm>>) target_semaphore(%run_scoped3A : memref<!tpu.dma_semaphore, #tpu.memory_space<semaphore_mem>>)
        %dma_wait3A_285 = tpu.memref_slice %arg8[%arg0, %add3A_279] : memref<2x10240xf32, #tpu.memory_space<hbm>> -> memref<1x128xf32, #tpu.memory_space<hbm>>
        %dma_wait3A_286 = tpu.memref_squeeze %dma_wait3A_285 : memref<1x128xf32, #tpu.memory_space<hbm>> -> memref<128xf32, #tpu.memory_space<hbm>>
        %dma_wait3A_287 = tpu.memref_slice %arg8[%arg0, %add3A_279] : memref<2x10240xf32, #tpu.memory_space<hbm>> -> memref<1x128xf32, #tpu.memory_space<hbm>>
        %dma_wait3A_288 = tpu.memref_squeeze %dma_wait3A_287 : memref<1x128xf32, #tpu.memory_space<hbm>> -> memref<128xf32, #tpu.memory_space<hbm>>
        tpu.wait_dma2 semaphore(%run_scoped3A : memref<!tpu.dma_semaphore, #tpu.memory_space<semaphore_mem>>) src(%arg16 : memref<128xf32, #tpu.memory_space<vmem>>) dst(%dma_wait3A_288 : memref<128xf32, #tpu.memory_space<hbm>>)
        tpu.yield
      }) : () -> ()
      %scan3A_280 = arith.constant 0 : i32
      scf.yield %scan3A_280 : i32
    }
    %scan3A_274 = arith.constant 5 : i32
    return
  }
}

module attributes {stable_mosaic.version = 14 : i64} {
  func.func @_tc1_body(%arg0: i32, %arg1: memref<512x128xf32, #tpu.memory_space<vmem>>, %arg2: memref<128x128xf32, #tpu.memory_space<vmem>>, %arg3: memref<128x128xf32, #tpu.memory_space<vmem>>, %arg4: memref<1x128xf32, #tpu.memory_space<vmem>>, %arg5: memref<512x128xf32, #tpu.memory_space<vmem>>, %arg6: memref<512x128xf32, #tpu.memory_space<vmem>>) attributes {dimension_semantics = [#tpu.dimension_semantics<arbitrary>], iteration_bounds = array<i64: 20>, scalar_prefetch = 0 : i64, scratch_operands = 0 : i64, tpu.core_type = #tpu.core_type<tc>, window_params = [{transform_indices = @transform_0, window_bounds = array<i64: 512, 128>}, {pipeline_mode = #tpu.pipeline_mode<synchronous>, transform_indices = @transform_1, window_bounds = array<i64: 128, 128>}, {pipeline_mode = #tpu.pipeline_mode<synchronous>, transform_indices = @transform_2, window_bounds = array<i64: 128, 128>}, {pipeline_mode = #tpu.pipeline_mode<synchronous>, transform_indices = @transform_3, window_bounds = array<i64: 1, 128>}, {transform_indices = @transform_4, window_bounds = array<i64: 512, 128>}, {transform_indices = @transform_5, window_bounds = array<i64: 512, 128>}]} {
    %get3A = arith.constant 0 : index
    %get3A_0 = arith.constant 0 : index
    %get3A_1 = vector.load %arg1[%get3A, %get3A_0] : memref<512x128xf32, #tpu.memory_space<vmem>>, vector<512x128xf32>
    %get3A_2 = arith.constant 0 : index
    %get3A_3 = arith.constant 0 : index
    %get3A_4 = vector.load %arg2[%get3A_2, %get3A_3] : memref<128x128xf32, #tpu.memory_space<vmem>>, vector<128x128xf32>
    %dot_general3A = arith.constant dense<0.000000e+00> : vector<512x128xf32>
    %dot_general3A_5 = tpu.matmul %get3A_1, %get3A_4, %dot_general3A {dimension_numbers = #tpu.dot_dimension_numbers<[1], [1], [0], [0], [0, 0, 1, 0], [], []>, transpose_lhs_hint = false} : vector<512x128xf32>, vector<128x128xf32>, vector<512x128xf32> -> vector<512x128xf32>
    %swap3A = arith.constant 0 : index
    %swap3A_6 = arith.constant 0 : index
    %swap3A_7 = vector.load %arg5[%swap3A, %swap3A_6] : memref<512x128xf32, #tpu.memory_space<vmem>>, vector<512x128xf32>
    tpu.vector_store %arg5[%swap3A, %swap3A_6], %dot_general3A_5 {strides = array<i32>} : memref<512x128xf32, #tpu.memory_space<vmem>>, vector<512x128xf32>,
    %get3A_8 = arith.constant 0 : index
    %get3A_9 = arith.constant 0 : index
    %get3A_10 = vector.load %arg3[%get3A_8, %get3A_9] : memref<128x128xf32, #tpu.memory_space<vmem>>, vector<128x128xf32>
    %dot_general3A_11 = arith.constant dense<0.000000e+00> : vector<512x128xf32>
    %dot_general3A_12 = tpu.matmul %get3A_1, %get3A_10, %dot_general3A_11 {dimension_numbers = #tpu.dot_dimension_numbers<[1], [1], [0], [0], [0, 0, 1, 0], [], []>, transpose_lhs_hint = false} : vector<512x128xf32>, vector<128x128xf32>, vector<512x128xf32> -> vector<512x128xf32>
    %get3A_13 = arith.constant 0 : index
    %get3A_14 = arith.constant 0 : index
    %get3A_15 = vector.load %arg4[%get3A_13, %get3A_14] : memref<1x128xf32, #tpu.memory_space<vmem>>, vector<1x128xf32>
    %add3A = vector.broadcast %get3A_15 : vector<1x128xf32> to vector<512x128xf32>
    %add3A_16 = arith.addf %dot_general3A_12, %add3A : vector<512x128xf32>
    %swap3A_17 = arith.constant 0 : index
    %swap3A_18 = arith.constant 0 : index
    %swap3A_19 = vector.load %arg6[%swap3A_17, %swap3A_18] : memref<512x128xf32, #tpu.memory_space<vmem>>, vector<512x128xf32>
    tpu.vector_store %arg6[%swap3A_17, %swap3A_18], %add3A_16 {strides = array<i32>} : memref<512x128xf32, #tpu.memory_space<vmem>>, vector<512x128xf32>,
    return
  }
  func.func @transform_0(%arg0: i32) -> (i32, i32) {
    %c0_i32 = arith.constant 0 : i32
    %c0_i32_0 = arith.constant 0 : i32
    return %arg0, %c0_i32 : i32, i32
  }
  func.func @transform_1(%arg0: i32) -> (i32, i32) {
    %c0_i32 = arith.constant 0 : i32
    %c0_i32_0 = arith.constant 0 : i32
    %c0_i32_1 = arith.constant 0 : i32
    return %c0_i32, %c0_i32_0 : i32, i32
  }
  func.func @transform_2(%arg0: i32) -> (i32, i32) {
    %c0_i32 = arith.constant 0 : i32
    %c0_i32_0 = arith.constant 0 : i32
    %c0_i32_1 = arith.constant 0 : i32
    return %c0_i32, %c0_i32_0 : i32, i32
  }
  func.func @transform_3(%arg0: i32) -> (i32, i32) {
    %c0_i32 = arith.constant 0 : i32
    %c0_i32_0 = arith.constant 0 : i32
    %c0_i32_1 = arith.constant 0 : i32
    return %c0_i32, %c0_i32_0 : i32, i32
  }
  func.func @transform_4(%arg0: i32) -> (i32, i32) {
    %c0_i32 = arith.constant 0 : i32
    %c0_i32_0 = arith.constant 0 : i32
    return %arg0, %c0_i32 : i32, i32
  }
  func.func @transform_5(%arg0: i32) -> (i32, i32) {
    %c0_i32 = arith.constant 0 : i32
    %c0_i32_0 = arith.constant 0 : i32
    return %arg0, %c0_i32 : i32, i32
  }
}

module attributes {stable_mosaic.version = 14 : i64} {
  func.func @_tc2_body(%arg0: i32, %arg1: memref<512x128xf32, #tpu.memory_space<vmem>>, %arg2: memref<2x512x128xf32, #tpu.memory_space<vmem>>, %arg3: memref<2x512xf32, #tpu.memory_space<vmem>>, %arg4: memref<128x128xf32, #tpu.memory_space<vmem>>, %arg5: memref<512x128xf32, #tpu.memory_space<vmem>>) attributes {dimension_semantics = [#tpu.dimension_semantics<arbitrary>], iteration_bounds = array<i64: 20>, scalar_prefetch = 0 : i64, scratch_operands = 0 : i64, tpu.core_type = #tpu.core_type<tc>, window_params = [{transform_indices = @transform_0, window_bounds = array<i64: 512, 128>}, {transform_indices = @transform_1, window_bounds = array<i64: 2, 512, 128>}, {transform_indices = @transform_2, window_bounds = array<i64: 2, 512>}, {pipeline_mode = #tpu.pipeline_mode<synchronous>, transform_indices = @transform_3, window_bounds = array<i64: 128, 128>}, {transform_indices = @transform_4, window_bounds = array<i64: 512, 128>}]} {
    %get3A = arith.constant 0 : index
    %get3A_0 = arith.constant 0 : index
    %get3A_1 = vector.load %arg3[%get3A, %get3A_0] : memref<2x512xf32, #tpu.memory_space<vmem>>, vector<1x512xf32>
    %get3A_2 = vector.shape_cast %get3A_1 : vector<1x512xf32> to vector<512xf32>
    %get3A_3 = arith.constant 1 : index
    %get3A_4 = arith.constant 0 : index
    %get3A_5 = vector.load %arg3[%get3A_3, %get3A_4] : memref<2x512xf32, #tpu.memory_space<vmem>>, vector<1x512xf32>
    %get3A_6 = vector.shape_cast %get3A_5 : vector<1x512xf32> to vector<512xf32>
    %add3A = arith.addf %get3A_2, %get3A_6 : vector<512xf32>
    %max3A = arith.constant 1.000000e+00 : f32
    %max3A_7 = vector.broadcast %max3A : f32 to vector<512xf32>
    %max3A_8 = arith.maximumf %add3A, %max3A_7 : vector<512xf32>
    %div3A = arith.constant 1.000000e+00 : f32
    %div3A_9 = vector.broadcast %div3A : f32 to vector<512xf32>
    %div3A_10 = arith.divf %div3A_9, %max3A_8 : vector<512xf32>
    %iota3A = tpu.iota {dimensions = array<i32: 0>} : vector<512x512xi32>
    %iota3A_11 = tpu.iota {dimensions = array<i32: 1>} : vector<512x512xi32>
    %eq3A = arith.cmpi eq, %iota3A, %iota3A_11 : vector<512x512xi32>
    %broadcast_in_dim3A = vector.shape_cast %div3A_10 : vector<512xf32> to vector<1x512xf32>
    %jit3A = arith.constant 0.000000e+00 : f32
    %broadcast_in_dim3A_12 = vector.shape_cast %broadcast_in_dim3A : vector<1x512xf32> to vector<1x512xf32>
    %broadcast_in_dim3A_13 = vector.broadcast %broadcast_in_dim3A_12 : vector<1x512xf32> to vector<512x512xf32>
    %broadcast_in_dim3A_14 = vector.broadcast %jit3A : f32 to vector<512x512xf32>
    %select_n3A = arith.select %eq3A, %broadcast_in_dim3A_13, %broadcast_in_dim3A_14 : vector<512x512xi1>, vector<512x512xf32>
    %get3A_15 = arith.constant 0 : index
    %get3A_16 = arith.constant 0 : index
    %get3A_17 = arith.constant 0 : index
    %get3A_18 = vector.load %arg2[%get3A_15, %get3A_16, %get3A_17] : memref<2x512x128xf32, #tpu.memory_space<vmem>>, vector<1x512x128xf32>
    %get3A_19 = vector.shape_cast %get3A_18 : vector<1x512x128xf32> to vector<512x128xf32>
    %get3A_20 = arith.constant 1 : index
    %get3A_21 = arith.constant 0 : index
    %get3A_22 = arith.constant 0 : index
    %get3A_23 = vector.load %arg2[%get3A_20, %get3A_21, %get3A_22] : memref<2x512x128xf32, #tpu.memory_space<vmem>>, vector<1x512x128xf32>
    %get3A_24 = vector.shape_cast %get3A_23 : vector<1x512x128xf32> to vector<512x128xf32>
    %add3A_25 = arith.addf %get3A_19, %get3A_24 : vector<512x128xf32>
    %get3A_26 = arith.constant 0 : index
    %get3A_27 = arith.constant 0 : index
    %get3A_28 = vector.load %arg4[%get3A_26, %get3A_27] : memref<128x128xf32, #tpu.memory_space<vmem>>, vector<128x128xf32>
    %dot_general3A = arith.constant dense<0.000000e+00> : vector<512x128xf32>
    %dot_general3A_29 = tpu.matmul %add3A_25, %get3A_28, %dot_general3A {dimension_numbers = #tpu.dot_dimension_numbers<[1], [1], [0], [0], [0, 0, 1, 0], [], []>, transpose_lhs_hint = false} : vector<512x128xf32>, vector<128x128xf32>, vector<512x128xf32> -> vector<512x128xf32>
    %dot_general3A_30 = arith.constant dense<0.000000e+00> : vector<512x128xf32>
    %dot_general3A_31 = tpu.matmul %select_n3A, %dot_general3A_29, %dot_general3A_30 {dimension_numbers = #tpu.dot_dimension_numbers<[1], [0], [0], [1], [0, 0, 1, 1], [], []>, transpose_lhs_hint = false} : vector<512x512xf32>, vector<512x128xf32>, vector<512x128xf32> -> vector<512x128xf32>
    %get3A_32 = arith.constant 0 : index
    %get3A_33 = arith.constant 0 : index
    %get3A_34 = vector.load %arg1[%get3A_32, %get3A_33] : memref<512x128xf32, #tpu.memory_space<vmem>>, vector<512x128xf32>
    %add3A_35 = arith.addf %get3A_34, %dot_general3A_31 : vector<512x128xf32>
    %max3A_36 = arith.constant 0.000000e+00 : f32
    %max3A_37 = vector.broadcast %max3A_36 : f32 to vector<512x128xf32>
    %max3A_38 = arith.maximumf %add3A_35, %max3A_37 : vector<512x128xf32>
    %swap3A = arith.constant 0 : index
    %swap3A_39 = arith.constant 0 : index
    %swap3A_40 = vector.load %arg5[%swap3A, %swap3A_39] : memref<512x128xf32, #tpu.memory_space<vmem>>, vector<512x128xf32>
    tpu.vector_store %arg5[%swap3A, %swap3A_39], %max3A_38 {strides = array<i32>} : memref<512x128xf32, #tpu.memory_space<vmem>>, vector<512x128xf32>,
    return
  }
  func.func @transform_0(%arg0: i32) -> (i32, i32) {
    %c0_i32 = arith.constant 0 : i32
    %c0_i32_0 = arith.constant 0 : i32
    return %arg0, %c0_i32 : i32, i32
  }
  func.func @transform_1(%arg0: i32) -> (i32, i32, i32) {
    %c0_i32 = arith.constant 0 : i32
    %c0_i32_0 = arith.constant 0 : i32
    %c0_i32_1 = arith.constant 0 : i32
    return %c0_i32, %arg0, %c0_i32_0 : i32, i32, i32
  }
  func.func @transform_2(%arg0: i32) -> (i32, i32) {
    %c0_i32 = arith.constant 0 : i32
    %c0_i32_0 = arith.constant 0 : i32
    return %c0_i32, %arg0 : i32, i32
  }
  func.func @transform_3(%arg0: i32) -> (i32, i32) {
    %c0_i32 = arith.constant 0 : i32
    %c0_i32_0 = arith.constant 0 : i32
    %c0_i32_1 = arith.constant 0 : i32
    return %c0_i32, %c0_i32_0 : i32, i32
  }
  func.func @transform_4(%arg0: i32) -> (i32, i32) {
    %c0_i32 = arith.constant 0 : i32
    %c0_i32_0 = arith.constant 0 : i32
    return %arg0, %c0_i32 : i32, i32
  }
}

</mosaic_0001>

<sc_bundles>
// kernel: kernel.5.cloned.1.call-start
scs
__scs_entry_jumppad:
0x0: {  	(pc) =	sbr.rel $0x88, $3  }
0x1: {  	(tag) =	ssettag $0x0;
	lr =	simm.s32 $0x1  }
0x2: {  	[smem:$0x3F9B] =	sst lr;
	_ =	strace $0xD0000000  }
0x3: {  	_ = 	snop  }
0x4: {  	_ = 	snop  }
0x5: {  	_ = 	snop  }
0x6: {  	_ = 	snop  }
0x7: {  	_ = 	snop  }
__scs_overlays_trampoline_lowered:
0x8: {  	[smem:$0x3FAA] =	sst s0  }
0x9: {  	[smem:$0x3FAB] =	sst s1  }
0xa: {  	[smem:$0x3FAC] =	sst s2  }
0xb: {  	[smem:$0x3FAD] =	sst s3  }
0xc: {  	[smem:$0x3FAE] =	sst s4  }
0xd: {  	[smem:$0x3FAF] =	sst s5  }
0xe: {  	[smem:$0x3FB0] =	sst s6  }
0xf: {  	[smem:$0x3FB1] =	sst s7  }
0x10: {  	[smem:$0x3FB2] =	sst s8  }
0x11: {  	[smem:$0x3FB3] =	sst s9;
	s0 =	simm.s32 @!p0 $0x0  }
0x12: {  	s1 =	sld [smem:$0x3F99];
	s0 =	simm.s32 @p0 $0x1  }
0x13: {  	[smem:$0x3FB4] =	sst s0;
	s0 =	simm.s32 @!p1 $0x0  }
0x14: {  	s2 =	sld [smem:$0x3F98];
	s0 =	simm.s32 @p1 $0x1  }
0x15: {  	[smem:$0x3FB5] =	sst s0;
	s0 =	simm.s32 @!p2 $0x0  }
0x16: {  	s3 =	sld [smem:$0x3FDB];
	s0 =	simm.s32 @p2 $0x1  }
0x17: {  	s4 =	simm.s32 $0x1BF5;
	[smem:$0x3FB7] =	sst s0  }
0x18: {  	s0 =	sld [smem:$0x3F9A];
	_ =	swait.ge [sflag:s4], $0x0  }
0x19: {  	s7 =	sld [smem:$0x3F9B]  }
0x1a: {  	s8 =	sadd.s32 $0xFFFFE003, lr  }
0x1b: {  	s9 =	sadd.s32 $0xFFFFFEF7, lr;
	s5 =	simm.s32 $0xFFFFFFFF;
	p2 =	slt.u32 s8, $0xFFFFF086  }
0x1c: {  	p1 =	slt.u32 s9, $0xF7A;
	s5 =	simm.s32 @!p2 $0x0  }
0x1d: {  	s5 =	simm.s32 @p1 $0x1;
	p0 =	seq.s32 s7, s2  }
0x1e: {  	s7 =	smul.u32 @!p0 $0xF7A, s2;
	p2 =	seq.s32 @!p0 s5, $0x0  }
0x1f: {  	s9 =	smul.u32 $0xF7A, s1;
	s8 =	simm.s32 @!p0 $0x1BF5;
	p2 =	por !p2, p0  }
0x20: {  	[sflag:s8] =	ssyncset.s32 @!p0 $0xFFFFF086;
	s6 =	sadd.s32 @!p0 s3, s7;
	s7 =	simm.s32 @!p0 $0x108  }
0x21: {  	s3 =	sadd.s32 s3, s9;
	s6 =	sadd.s32 @!p0 $0x88, s6;
	s7 =	simm.s32 @p2 $0x1082  }
0x22: {  	[simem:s7], [sflag:s8] =	dma.local @!p0 [hbm:s6], $0xF7A  }
0x23: {  	s9 =	sor.u32 $0xD0000000, s2;
	s6 =	simm.s32 $0x108;
	_ =	swait.ge @!p0 [sflag:s8], $0x0  }
0x24: {  	s3 =	sadd.s32 $0x88, s3;
	s6 =	simm.s32 @!p1 $0x1082;
	[sflag:s4] =	ssyncset.s32 $0xFFFFF086  }
0x25: {  	[simem:s6], [sflag:s4] =	dma.local [hbm:s3], $0xF7A  }
0x26: {  	[smem:$0x3F9B] =	sst s1;
	(tag) =	ssettag s2;
	_ =	strace s9  }
0x27: {  	s1 =	sld [smem:$0x3FAB]  }
0x28: {  	s2 =	sld [smem:$0x3FAC]  }
0x29: {  	s4 =	sld [smem:$0x3FAE]  }
0x2a: {  	p0 =	seq.s32 s5, $0x0;
	s5 =	sld [smem:$0x3FAF]  }
0x2b: {  	s6 =	sld [smem:$0x3FB0]  }
0x2c: {  	s7 =	sld [smem:$0x3FB1]  }
0x2d: {  	s3 =	simm.s32 $0x108;
	s8 =	sld [smem:$0x3FB2]  }
0x2e: {  	s3 =	simm.s32 @!p0 $0x1082;
	s9 =	sld [smem:$0x3FB3]  }
0x2f: {  	lr =	sadd.s32 s0, s3;
	s0 =	sld [smem:$0x3FAA]  }
0x30: {  	s3 =	sld [smem:$0x3FAD]  }
0x31: {  	[smem:$0x3FB6] =	sst s10  }
0x32: {  	s10 =	sld [smem:$0x3FB4];
	_ =	sdelay $0x3  }
0x33: {  	p0 =	seq.s32 s10, $0x1;
	s10 =	sld [smem:$0x3FB6];
	_ =	sdelay $0x3  }
0x34: {  	[smem:$0x3FB6] =	sst s10  }
0x35: {  	s10 =	sld [smem:$0x3FB5];
	_ =	sdelay $0x3  }
0x36: {  	p1 =	seq.s32 s10, $0x1;
	s10 =	sld [smem:$0x3FB6];
	_ =	sdelay $0x3  }
0x37: {  	[smem:$0x3FB6] =	sst s10  }
0x38: {  	s10 =	sld [smem:$0x3FB7]  }
0x39: {  	_ = 	snop;
	(pc) =	sbr.ind lr, $3  }
0x3a: {  	_ = 	snop  }
0x3b: {  	_ = 	snop  }
0x3c: {  	p2 =	seq.s32 s10, $0x1;
	s10 =	sld [smem:$0x3FB6]  }
0x3d: {  	_ =	shalt  }
0x3e: {  	_ =	shalt  }
0x3f: {  	_ =	shalt  }
0x40: {  	_ =	shalt  }
0x41: {  	_ =	shalt  }
0x42: {  	_ =	shalt  }
0x43: {  	_ =	shalt  }
0x44: {  	_ =	shalt  }
0x45: {  	_ =	shalt  }
0x46: {  	_ =	shalt  }
0x47: {  	_ =	shalt  }
0x48: {  	_ =	shalt  }
0x49: {  	_ =	shalt  }
0x4a: {  	_ =	shalt  }
0x4b: {  	_ =	shalt  }
0x4c: {  	_ =	shalt  }
0x4d: {  	_ =	shalt  }
0x4e: {  	_ =	shalt  }
0x4f: {  	_ =	shalt  }
0x50: {  	_ =	shalt  }
0x51: {  	_ =	shalt  }
0x52: {  	_ =	shalt  }
0x53: {  	_ =	shalt  }
0x54: {  	_ =	shalt  }
0x55: {  	_ =	shalt  }
0x56: {  	_ =	shalt  }
0x57: {  	_ =	shalt  }
0x58: {  	_ =	shalt  }
0x59: {  	_ =	shalt  }
0x5a: {  	_ =	shalt  }
0x5b: {  	_ =	shalt  }
0x5c: {  	_ =	shalt  }
0x5d: {  	_ =	shalt  }
0x5e: {  	_ =	shalt  }
0x5f: {  	_ =	shalt  }
0x60: {  	_ =	shalt  }
0x61: {  	_ =	shalt  }
0x62: {  	_ =	shalt  }
0x63: {  	_ =	shalt  }
0x64: {  	_ =	shalt  }
0x65: {  	_ =	shalt  }
0x66: {  	_ =	shalt  }
0x67: {  	_ =	shalt  }
0x68: {  	_ =	shalt  }
0x69: {  	_ =	shalt  }
0x6a: {  	_ =	shalt  }
0x6b: {  	_ =	shalt  }
0x6c: {  	_ =	shalt  }
0x6d: {  	_ =	shalt  }
0x6e: {  	_ =	shalt  }
0x6f: {  	_ =	shalt  }
0x70: {  	_ =	shalt  }
0x71: {  	_ =	shalt  }
0x72: {  	_ =	shalt  }
0x73: {  	_ =	shalt  }
0x74: {  	_ =	shalt  }
0x75: {  	_ =	shalt  }
0x76: {  	_ =	shalt  }
0x77: {  	_ =	shalt  }
0x78: {  	_ =	shalt  }
0x79: {  	_ =	shalt  }
0x7a: {  	_ =	shalt  }
0x7b: {  	_ =	shalt  }
0x7c: {  	_ =	shalt  }
0x7d: {  	_ =	shalt  }
0x7e: {  	_ =	shalt  }
0x7f: {  	_ =	shalt  }
0x80: {  	_ =	shalt  }
0x81: {  	_ =	shalt  }
0x82: {  	_ =	shalt  }
0x83: {  	_ =	shalt  }
0x84: {  	_ =	shalt  }
0x85: {  	_ =	shalt  }
0x86: {  	_ =	shalt  }
0x87: {  	_ =	shalt  }
.Lfunc_end0:
.L_simem_size_0:
called_computation_lowered:
.L_overlay_start_0:
0x88: {  	s2 =	sld [smem:$0x3FD9]  }
0x89: {  	s3 =	sld [smem:$0x3FFE];
	_ =	sdelay $0x1  }
0x8a: {  	s1 =	srdreg.scid  }
0x8b: {  	s0 =	sand.u32 $0x1, s1  }
0x8c: {  	s17 =	sshll.u32 s0, $0xA;
	s2 =	sadd.s32 s3, s2  }
0x8d: {  	s2 =	sadd.s32 s2, s17  }
0x8e: {  	[smem:$0x3FC2] =	sst s2  }
0x8f: {  	_ = 	snop  }
0x90: {  	s2 =	sld [smem:$0x3FD0];
	(tm) =	ssettm $0x1  }
0x91: {  	s18 =	sld [smem:$0x3FFB];
	_ =	sdelay $0x3  }
0x92: {  	_ =	strace s18  }
0x93: {  	s3 =	sld [smem:$0x3FFC];
	_ =	sdelay $0x3  }
0x94: {  	_ =	strace s3  }
0x95: {  	s3 =	sld [smem:$0x3FFD];
	_ =	sdelay $0x3  }
0x96: {  	_ =	strace s3  }
0x97: {  	_ =	strace $0x8FFFFFFF  }
0x98: {  	s19 =	sld [smem:$0x3FDB];
	_ =	sdelay $0x1  }
0x99: {  	s4 =	simm.s32 $_scs_section_size  }
0x9a: {  	s5 =	simm.s32 $_size__tile_overlayer_lowered;
	s6 =	simm.s32 $_tile_overlayer_lowered  }
0x9b: {  	s22 =	simm.s32 $0x1BFF;
	s21 =	sshll.u32 s6, $0x1;
	s3 =	sadd.s32 s4, s19  }
0x9c: {  	s7 =	simm.s32 $0x0;
	s20 =	sshll.u32 s5, $0x1;
	s5 =	sadd.s32 s21, s3  }
0x9d: {  	[timem:s7], [sflag:s22] =	dma.local [hbm:s5], s20  }
0x9e: {  	_ =	swait.ge [sflag:s22], s20  }
0x9f: {  	s4 =	ssub.s32 $0x0, s20;
	[sflag:s22] =	ssyncset.done $0x0  }
0xa0: {  	[sflag:s22] =	ssyncadd.s32 s4;
	_ =	sdelay $0x1  }
0xa1: {  	s23 =	simm.s32 $0x1B8B  }
0xa2: {  	_ =	swait.ge [sflag:s23], $0x1  }
0xa3: {  	[sflag:s23] =	ssyncset.done $0x0  }
0xa4: {  	s25 =	simm.s32 $0x1B8E;
	s24 =	sld [smem:$0x3FFE];
	[sflag:s23] =	ssyncadd.s32 $0xFFFFFFFF  }
0xa5: {  	s26 =	simm.s32 $execute0_lowered;
	[smem:$0x3FD2] =	sst s25  }
0xa6: {  	s5 =	sshll.u32 s26, $0x1;
	_ =	strace $0x80000046;
	[dreg:$0x1] =	wrdreg $0xFFFFFFFF  }
0xa7: {  	s28 =	simm.s32 $_size_execute0_lowered;
	s3 =	sadd.s32 s3, s5;
	[dreg:$0x0] =	wrdreg $0x0  }
0xa8: {  	s5 =	sshll.u32 s28, $0x1;
	[dreg:$0x2] =	wrdreg s3  }
0xa9: {  	[dreg:$0x3] =	wrdreg s5  }
0xaa: {  	[dreg:$0x4] =	wrdreg $0xC0  }
0xab: {  	_ =	task [dreg:s7], $0x5FFFF  }
0xac: {  	[dreg:$0x1] =	wrdreg $0xFFFFFFFF  }
0xad: {  	[dreg:$0x0] =	wrdreg $0x60  }
0xae: {  	[dreg:$0x2] =	wrdreg s24  }
0xaf: {  	[dreg:$0x3] =	wrdreg s2  }
0xb0: {  	[dreg:$0x4] =	wrdreg $0x8A800  }
0xb1: {  	[dreg:$0x5] =	wrdreg $0x1CA800  }
0xb2: {  	[dreg:$0x6] =	wrdreg $0x9  }
0xb3: {  	_ =	task.clear_ibuf [dreg:s7], $0x7FFFF;
	_ =	strace $0x90000046  }
0xb4: {  	s29 =	simm.s32 $0x9;
	_ =	strace $0x80000048  }
0xb5: {  	_ =	swait.ge [sflag:s29], $0x1  }
0xb6: {  	[sflag:s29] =	ssyncadd.s32 $0xFFFFFFFF  }
0xb7: {  	_ =	strace $0x90000048  }
0xb8: {  	_ =	sfence  }
0xb9: {  	s30 =	sld [smem:$0x0];
	_ =	sdelay $0x2  }
0xba: {  	s31 =	sshll.u32 s1, $0xD;
	s1 =	sshrl.u32 s1, $0x2  }
0xbb: {  	s3 =	sand.u32 $0x4000, s31;
	s1 =	sadd.s32 s1, s30  }
0xbc: {  	s0 =	sor.u32 s3, s0;
	s1 =	sshll.u32 s1, $0x11  }
0xbd: {  	s0 =	sor.u32 s1, s0  }
0xbe: {  	s0 =	sadd.s32 $0x8F2B, s0  }
0xbf: {  	[sflag:s0] =	ssyncadd.remote.s32 $0x1  }
0xc0: {  	_ =	sfence.sel $0xFFFF  }
0xc1: {  	[dreg:$0x0] =	wrdreg $0xFFFFFFFF;
	(pc) =	sbr.abs _section_cstart, $3  }
0xc2: {  	[dreg:$0x1] =	wrdreg $0xFFFFFFFF  }
0xc3: {  	_ =	task.clear_ibuf [dreg:s7], $0x2FFFF;
	_ =	strace $0x9FFFFFFF  }
0xc4: {  	(tm) =	ssettm $0x7FFFFFFF  }
0xc5: {  	_ =	shalt  }
tec
execute0_lowered:
.L_overlay_start_1:
0x0: {  	(tag) =	ssettag $0x1  }
0x1: {  	s0 =	srdreg.scid;
	s7 =	rddreg [dreg:$0x0]  }
0x2: {  	s1 =	rddreg [dreg:$0x1];
	s21 =	stileid.u32  }
0x3: {  	s30 =	simm.s32 $0x0;
	s11 =	sand.u32 $0x1, s0;
	s0 =	smul.u32 $0x280, s21  }
0x4: {  	s28 =	simm.s32 $0x4400;
	s31 =	simm.s32 $0x300;
	s12 =	smul.u32 $0x14000, s21  }
0x5: {  	[smem:$0x7FF] =	sst s30;
	s13 =	sadd.s32 $0x3FC00, s7;
	s17 =	smul.u32 $0x500, s21  }
0x6: {  	s2 =	ssub.s32 $0x2, s11;
	s14 =	smul.u32 $0x140000, s11;
	s15 =	sshll.u32 s11, $0x7  }
0x7: {  	s11 =	sshll.u32 s11, $0x4;
	s3 =	sshrl.u32 s2, $0x1;
	s5 =	sadd.s32 $0x80, s0  }
0x8: {  	s6 =	sadd.s32 $0x200, s0;
	s4 =	ssub.s32 s2, s3;
	s3 =	sadd.s32 $0x100, s0  }
0x9: {  	s2 =	sadd.s32 $0x180, s0;
	s10 =	sshll.u32 s5, $0x7;
	s16 =	sadd.s32 s14, s12  }
0xa: {  	s12 =	sshll.u32 s6, $0x7;
	s26 =	sshll.u32 s5, $0x1;
	s23 =	sshll.u32 s6, $0x1  }
0xb: {  	s9 =	sshll.u32 s3, $0x7;
	s8 =	sshll.u32 s2, $0x7;
	s16 =	sshrl.u32 s16, $0x3  }
0xc: {  	s18 =	sadd.s32 s14, s10;
	s20 =	sshll.u32 s3, $0x1;
	s22 =	sshll.u32 s2, $0x1  }
0xd: {  	s4 =	smax.u32 s4, $0x1;
	s16 =	sadd.s32 s13, s16;
	s25 =	sshrl.u32 s18, $0x3  }
0xe: {  	s29 =	sadd.s32 s14, s9;
	s19 =	sadd.s32 s14, s8;
	s14 =	sadd.s32 s14, s12  }
0xf: {  	s24 =	sor.u32 s15, s20;
	s20 =	sor.u32 s21, s11;
	[dreg:$0x5] =	wrdreg s16  }
0x10: {  	s16 =	sor.u32 s15, s17;
	s17 =	sadd.s32 s13, s25;
	s18 =	sshrl.u32 s29, $0x3  }
0x11: {  	s19 =	sshrl.u32 s19, $0x3;
	s14 =	sshrl.u32 s14, $0x3;
	s25 =	sadd.s32 $0x2400, s7  }
0x12: {  	[dreg:$0x6] =	wrdreg s17;
	s17 =	sor.u32 s15, s26;
	s18 =	sadd.s32 s13, s18  }
0x13: {  	s26 =	sshrl.u32 s16, $0x3;
	[dreg:$0x7] =	wrdreg s18;
	s18 =	sadd.s32 s13, s19  }
0x14: {  	s16 =	sshrl.u32 s24, $0x3;
	s13 =	sadd.s32 s13, s14;
	[dreg:$0x8] =	wrdreg s18  }
0x15: {  	s29 =	sadd.s32 s25, s26;
	[dreg:$0x9] =	wrdreg s13;
	s13 =	sshrl.u32 s17, $0x3  }
0x16: {  	s19 =	smul.u32 $0x500, s20;
	[dreg:$0xa] =	wrdreg s29;
	s11 =	sadd.s32 s25, s13  }
0x17: {  	s18 =	sor.u32 s15, s22;
	s15 =	sor.u32 s15, s23;
	[dreg:$0xb] =	wrdreg s11  }
0x18: {  	s23 =	smul.u32 $0xF00, s20;
	s13 =	sadd.s32 s25, s16;
	s11 =	rddreg [dreg:$0x2]  }
0x19: {  	s17 =	sshrl.u32 s18, $0x3;
	s18 =	sshrl.u32 s15, $0x3;
	[dreg:$0xc] =	wrdreg s13  }
0x1a: {  	s16 =	sadd.s32 $0x17C00, s7;
	s13 =	rddreg [dreg:$0x3];
	s14 =	sadd.s32 s25, s17  }
0x1b: {  	s17 =	sadd.s32 $0xDC00, s7;
	[dreg:$0xd] =	wrdreg s14;
	s14 =	sadd.s32 s25, s18  }
0x1c: {  	s18 =	sadd.s32 $0x3C00, s7;
	s7 =	sadd.s32 $0x2200, s7;
	[dreg:$0xe] =	wrdreg s14  }
0x1d: {  	s22 =	sadd.s32 s17, s19;
	_ =	strace $0x80000047;
	[dreg:$0xf] =	wrdreg s7  }
0x1e: {  	s25 =	smul.u32 $0x50000, s21;
	s24 =	sadd.s32 s18, s19;
	[dreg:$0x10] =	wrdreg s22  }
0x1f: {  	s15 =	sadd.s32 s0, s13;
	s8 =	sadd.s32 s8, s11;
	[dreg:$0x11] =	wrdreg s24  }
0x20: {  	s14 =	sor.u32 $0x10, s19;
	s19 =	sadd.s32 s9, s11;
	[dreg:$0x16] =	wrdreg s4  }
0x21: {  	s21 =	sadd.s32 s2, s13;
	s0 =	simm.s32 $0x2;
	[dreg:$0x1a] =	wrdreg s19  }
0x22: {  	s9 =	simm.s32 $0x9;
	s26 =	sadd.s32 s17, s14;
	[dreg:$0x1d] =	wrdreg s21  }
0x23: {  	s14 =	sadd.s32 s18, s14;
	s24 =	smul.u32 $0x50, s20;
	[dreg:$0x17] =	wrdreg s15  }
0x24: {  	s7 =	sadd.s32 s1, s23;
	s29 =	sshrl.u32 s25, $0x2;
	[dreg:$0x1c] =	wrdreg s8  }
0x25: {  	s22 =	sadd.s32 s10, s11;
	s10 =	sadd.s32 s5, s13;
	[dreg:$0x12] =	wrdreg s26  }
0x26: {  	s23 =	sadd.s32 s12, s11;
	s25 =	sadd.s32 s6, s13;
	[dreg:$0x13] =	wrdreg s14  }
0x27: {  	s12 =	simm.s32 $0x400;
	s19 =	simm.s32 $0x80;
	[dreg:$0x14] =	wrdreg s7  }
0x28: {  	s4 =	simm.s32 $0x7;
	s6 =	simm.s32 $0x380;
	[dreg:$0x19] =	wrdreg s10  }
0x29: {  	s21 =	simm.s32 $0x8;
	s5 =	simm.s32 $0x0;
	[dreg:$0x1e] =	wrdreg s23  }
0x2a: {  	s26 =	smul.u32 $0x2800, s20;
	s14 =	sadd.s32 s29, s11;
	[dreg:$0x1f] =	wrdreg s25  }
0x2b: {  	s20 =	sadd.s32 s3, s13;
	s23 =	simm.s32 $0x1;
	[dreg:$0x18] =	wrdreg s22  }
0x2c: {  	s25 =	simm.s32 $0x6;
	s10 =	simm.s32 $0x8A00;
	[dreg:$0x1b] =	wrdreg s20  }
0x2d: {  	s3 =	simm.s32 $0x3;
	[dreg:$0x15] =	wrdreg s14;
	s29 =	sor.u32 $0x80, s26  }
0x2e: {  	v0 =	vimm.f32 $1.000000000e+00;
	v1 =	vimm.f32 $0.0e+00;
	s7 =	simm.s32 $0x4;
	s20 =	simm.s32 $0x280;
	[smem:$0x7FD] =	sst s29  }
.LBB2_1:
0x2f: {  	[smem:$0x7FC] =	sst s5  }
0x30: {  	s2 =	rddreg [dreg:$0xf];
	s29 =	simm.s32 $0x8800  }
0x31: {  	[tilespmem:s29], [sflag:$0x9] =	stream.linear.gather [hbm4b:s2+s30], $0x180, $0x38;
	[tilespmem:$0x1CD00] =	vst v63  }
0x32: {  	_ =	swait.ge [sflag:s9], $0x180  }
0x33: {  	[sflag:s9] =	ssyncset.done $0x0  }
0x34: {  	[sflag:s9] =	ssyncadd.s32 $0xFFFFFE80  }
0x35: {  	[tilespmem:$0x8A00] =	vst v0  }
0x36: {  	[tilespmem:$0x8A10] =	vst v0  }
0x37: {  	[tilespmem:$0x8A20] =	vst v0  }
0x38: {  	[tilespmem:$0x8A30] =	vst v0  }
0x39: {  	[tilespmem:$0x8A40] =	vst v0  }
0x3a: {  	[tilespmem:$0x8A50] =	vst v0  }
0x3b: {  	[tilespmem:$0x8A60] =	vst v0  }
0x3c: {  	s5 =	simm.s32 $0x200;
	s2 =	simm.s32 $0x0;
	[tilespmem:$0x8A70] =	vst v0  }
.LBB2_2:
0x3d: {  	p0 =	sne.s32 s5, $0xFE00;
	[tilespmem:s2+$0x470] =	vst v1  }
0x3e: {  	[tilespmem:s2+$0x400] =	vst v1  }
0x3f: {  	[tilespmem:s2+$0x410] =	vst v1  }
.Ltmp0:
0x40: {  	[tilespmem:s2+$0x420] =	vst v1;
	(pc) =	sbr.rel @p0 .LBB2_2-.Ltmp0, $4  }
0x41: {  	[tilespmem:s2+$0x430] =	vst v1  }
0x42: {  	[tilespmem:s2+$0x440] =	vst v1  }
0x43: {  	[tilespmem:s2+$0x450] =	vst v1  }
0x44: {  	[tilespmem:s2+$0x460] =	vst v1;
	s2 =	sshra.s32 s5, $0x2;
	s5 =	sadd.s32 $0x200, s5  }
0x45: {  	[tilespmem:s2+$0x470] =	vst v1  }
0x46: {  	[tilespmem:s2+$0x400] =	vst v1  }
0x47: {  	[tilespmem:s2+$0x410] =	vst v1  }
0x48: {  	[tilespmem:s2+$0x420] =	vst v1  }
0x49: {  	[tilespmem:s2+$0x430] =	vst v1  }
0x4a: {  	[tilespmem:s2+$0x440] =	vst v1  }
0x4b: {  	[tilespmem:s2+$0x450] =	vst v1  }
0x4c: {  	[tilespmem:s2+$0x460] =	vst v1  }
0x4d: {  	[tilespmem:$0x8980] =	vst v1  }
0x4e: {  	[tilespmem:$0x8990] =	vst v1  }
0x4f: {  	[tilespmem:$0x89A0] =	vst v1  }
0x50: {  	[tilespmem:$0x89B0] =	vst v1  }
0x51: {  	[tilespmem:$0x89C0] =	vst v1  }
0x52: {  	[tilespmem:$0x89D0] =	vst v1  }
0x53: {  	[tilespmem:$0x89E0] =	vst v1  }
0x54: {  	[tilespmem:$0x89F0] =	vst v1  }
0x55: {  	[spmem:s14] =	stream.linear.scatter [tilespmem:s12], [sflag:$0x9], $0x4000, $0x38;
	[tilespmem:$0x1CD00] =	vst v63  }
0x56: {  	_ =	swait.ge [sflag:s9], $0x4000  }
0x57: {  	[sflag:s9] =	ssyncset.done $0x0  }
0x58: {  	s5 =	simm.s32 $0x8980;
	[sflag:s9] =	ssyncadd.s32 $0xFFFFC000  }
0x59: {  	[spmem:s15] =	stream.linear.scatter [tilespmem:s5], [sflag:$0x9], $0x80, $0x38;
	[tilespmem:$0x1CD00] =	vst v63  }
0x5a: {  	_ =	swait.ge [sflag:s9], $0x80  }
0x5b: {  	[sflag:s9] =	ssyncset.done $0x0  }
0x5c: {  	[sflag:s9] =	ssyncadd.s32 $0xFFFFFF80  }
0x5d: {  	[spmem:s22] =	stream.linear.scatter [tilespmem:s12], [sflag:$0x9], $0x4000, $0x38;
	[tilespmem:$0x1CD00] =	vst v63  }
0x5e: {  	_ =	swait.ge [sflag:s9], $0x4000  }
0x5f: {  	[sflag:s9] =	ssyncset.done $0x0  }
0x60: {  	s22 =	rddreg [dreg:$0x19];
	[sflag:s9] =	ssyncadd.s32 $0xFFFFC000  }
0x61: {  	[spmem:s22] =	stream.linear.scatter [tilespmem:s5], [sflag:$0x9], $0x80, $0x38;
	[tilespmem:$0x1CD00] =	vst v63  }
0x62: {  	_ =	swait.ge [sflag:s9], $0x80  }
0x63: {  	[sflag:s9] =	ssyncset.done $0x0  }
0x64: {  	s29 =	rddreg [dreg:$0x1a];
	[sflag:s9] =	ssyncadd.s32 $0xFFFFFF80  }
0x65: {  	[spmem:s29] =	stream.linear.scatter [tilespmem:s12], [sflag:$0x9], $0x4000, $0x38;
	[tilespmem:$0x1CD00] =	vst v63  }
0x66: {  	_ =	swait.ge [sflag:s9], $0x4000  }
0x67: {  	[sflag:s9] =	ssyncset.done $0x0  }
0x68: {  	s30 =	rddreg [dreg:$0x1b];
	[sflag:s9] =	ssyncadd.s32 $0xFFFFC000  }
0x69: {  	[spmem:s30] =	stream.linear.scatter [tilespmem:s5], [sflag:$0x9], $0x80, $0x38;
	[tilespmem:$0x1CD00] =	vst v63  }
0x6a: {  	_ =	swait.ge [sflag:s9], $0x80  }
0x6b: {  	[sflag:s9] =	ssyncset.done $0x0  }
0x6c: {  	[sflag:s9] =	ssyncadd.s32 $0xFFFFFF80  }
0x6d: {  	[spmem:s8] =	stream.linear.scatter [tilespmem:s12], [sflag:$0x9], $0x4000, $0x38;
	[tilespmem:$0x1CD00] =	vst v63  }
0x6e: {  	_ =	swait.ge [sflag:s9], $0x4000  }
0x6f: {  	[sflag:s9] =	ssyncset.done $0x0  }
0x70: {  	s8 =	rddreg [dreg:$0x1d];
	[sflag:s9] =	ssyncadd.s32 $0xFFFFC000  }
0x71: {  	[spmem:s8] =	stream.linear.scatter [tilespmem:s5], [sflag:$0x9], $0x80, $0x38;
	[tilespmem:$0x1CD00] =	vst v63  }
0x72: {  	_ =	swait.ge [sflag:s9], $0x80  }
0x73: {  	[sflag:s9] =	ssyncset.done $0x0  }
0x74: {  	s14 =	rddreg [dreg:$0x1e];
	[sflag:s9] =	ssyncadd.s32 $0xFFFFFF80  }
0x75: {  	[spmem:s14] =	stream.linear.scatter [tilespmem:s12], [sflag:$0x9], $0x4000, $0x38;
	[tilespmem:$0x1CD00] =	vst v63  }
0x76: {  	_ =	swait.ge [sflag:s9], $0x4000  }
0x77: {  	[sflag:s9] =	ssyncset.done $0x0  }
0x78: {  	s15 =	rddreg [dreg:$0x1f];
	[sflag:s9] =	ssyncadd.s32 $0xFFFFC000  }
0x79: {  	[spmem:s15] =	stream.linear.scatter [tilespmem:s5], [sflag:$0x9], $0x80, $0x38;
	[tilespmem:$0x1CD00] =	vst v63  }
0x7a: {  	_ =	swait.ge [sflag:s9], $0x80  }
0x7b: {  	[sflag:s9] =	ssyncset.done $0x0  }
0x7c: {  	[sflag:s9] =	ssyncadd.s32 $0xFFFFFF80  }
0x7d: {  	[bflag:$0x0] =	sbarrier.arrive $0xFFFF  }
0x7e: {  	s14 =	simm.s32 $0x0;
	s22 =	rddreg [dreg:$0x10]  }
0x7f: {  	[tilespmem:s14], [sflag:$0x5] =	stream.linear.gather [hbm4b:s22+s14], $0x80, $0x38;
	[tilespmem:$0x1CD00] =	vst v63  }
0x80: {  	s30 =	simm.s32 $0x200;
	s29 =	rddreg [dreg:$0x11]  }
0x81: {  	[tilespmem:s30], [sflag:$0x5] =	stream.linear.gather [hbm4b:s29+s14], $0x80, $0x38;
	[tilespmem:$0x1CD00] =	vst v63  }
0x82: {  	s8 =	rddreg [dreg:$0x12]  }
0x83: {  	[tilespmem:s19], [sflag:$0x6] =	stream.linear.gather [hbm4b:s8+s14], $0x80, $0x38;
	[tilespmem:$0x1CD00] =	vst v63  }
0x84: {  	s15 =	rddreg [dreg:$0x13];
	s22 =	simm.s32 $0x5  }
0x85: {  	[tilespmem:s20], [sflag:$0x6] =	stream.linear.gather [hbm4b:s15+s14], $0x80, $0x38;
	[tilespmem:$0x1CD00] =	vst v63  }
0x86: {  	_ =	swait.ge [sflag:s22], $0x80  }
0x87: {  	[sflag:s22] =	ssyncset.done $0x0  }
0x88: {  	[sflag:s22] =	ssyncadd.s32 $0xFFFFFF80  }
0x89: {  	_ =	swait.ge [sflag:s22], $0x80  }
0x8a: {  	[sflag:s22] =	ssyncset.done $0x0  }
0x8b: {  	s30 =	simm.s32 $0x8400;
	s29 =	rddreg [dreg:$0x14];
	[sflag:s22] =	ssyncadd.s32 $0xFFFFFF80  }
0x8c: {  	[tilespmem:s30], [sflag:$0x1] =	stream.linear.gather [hbm4b:s29+s14], $0x180, $0x38;
	[tilespmem:$0x1CD00] =	vst v63  }
0x8d: {  	_ = 	snop  }
0x8e: {  	[tilespmem:s12], [sflag:$0x1] =	stream.indirect.gather [hbm4b:s16+s19], $0x80, s14, s19, $0xb8;
	[tilespmem:$0x1CD00] =	vst v63  }
0x8f: {  	v2 =	vld [tilespmem:$0x8800]  }
0x90: {  	v3 =	vld [tilespmem:$0x8810]  }
0x91: {  	v4 =	vld [tilespmem:$0x8820]  }
0x92: {  	v5 =	vld [tilespmem:$0x8830]  }
0x93: {  	v6 =	vld [tilespmem:$0x8840]  }
0x94: {  	v7 =	vld [tilespmem:$0x8850]  }
0x95: {  	v8 =	vld [tilespmem:$0x8860]  }
0x96: {  	v9 =	vld [tilespmem:$0x8870]  }
0x97: {  	v10 =	vld [tilespmem:$0x8880]  }
0x98: {  	v11 =	vld [tilespmem:$0x8890]  }
0x99: {  	v12 =	vld [tilespmem:$0x88A0]  }
0x9a: {  	v13 =	vld [tilespmem:$0x88B0]  }
0x9b: {  	v14 =	vld [tilespmem:$0x88C0]  }
0x9c: {  	v15 =	vld [tilespmem:$0x88D0]  }
0x9d: {  	v16 =	vld [tilespmem:$0x88E0]  }
0x9e: {  	v17 =	vld [tilespmem:$0x88F0]  }
0x9f: {  	v18 =	vld [tilespmem:$0x8900]  }
0xa0: {  	v19 =	vld [tilespmem:$0x8910]  }
0xa1: {  	v20 =	vld [tilespmem:$0x8920]  }
0xa2: {  	v21 =	vld [tilespmem:$0x8930]  }
0xa3: {  	v22 =	vld [tilespmem:$0x8940]  }
0xa4: {  	v23 =	vld [tilespmem:$0x8950]  }
0xa5: {  	v24 =	vld [tilespmem:$0x8960]  }
0xa6: {  	v25 =	vld [tilespmem:$0x8970]  }
.LBB2_4:
0xa7: {  	_ =	swait.ge [sflag:s23], $0x180  }
0xa8: {  	[sflag:s23] =	ssyncset.done $0x0  }
0xa9: {  	[sflag:s23] =	ssyncadd.s32 $0xFFFFFE80  }
0xaa: {  	_ =	swait.ge [sflag:s23], $0x4000  }
0xab: {  	[sflag:s23] =	ssyncset.done $0x0  }
0xac: {  	s2 =	simm.s32 $0x0;
	[sflag:s23] =	ssyncadd.s32 $0xFFFFC000  }
0xad: {  	v26 =	vld [tilespmem:s2+$0x8400];
	_ =	sdelay $0x3  }
0xae: {  	s8 =	simm.s32 $0x440  }
0xaf: {  	v28 =	vld [tilespmem:s8+$0xFFFFFFE0];
	v42 =	vbroadcast v26, $0x0  }
0xb0: {  	v30 =	vld [tilespmem:s8+$0x20];
	v27 =	vbroadcast v26, $0x1;
	v29 =	vbroadcast v26, $0x2  }
0xb1: {  	v31 =	vld [tilespmem:s8+$0xFFFFFFC0];
	v33 =	vmul.f32 v42, v4;
	v34 =	vmul.f32 v42, v8  }
0xb2: {  	v41 =	vld [tilespmem:s8+$0x30];
	v37 =	vmul.f32 v42, v5;
	v35 =	vmul.f32 v29, v24  }
0xb3: {  	v36 =	vld [tilespmem:s8+$0xFFFFFFD0];
	v38 =	vmul.f32 v42, v2;
	v26 =	vmul.f32 v29, v18  }
0xb4: {  	v32 =	vld [tilespmem:s8+$0xFFFFFFF0];
	v39 =	vmul.f32 v42, v7;
	v63 =	vmul.f32 v42, v3  }
0xb5: {  	v44 =	vmul.f32 v42, v9;
	v46 =	vmul.f32 v27, v11  }
0xb6: {  	v45 =	vmul.f32 v27, v16;
	v43 =	vmul.f32 v29, v19;
	v28 =	vadd.f32 v28, v33  }
0xb7: {  	v42 =	vmul.f32 v42, v6;
	v40 =	vadd.f32 v30, v34;
	v41 =	vadd.f32 v41, v44;
	v44 =	vld [tilespmem:s8+$0x10]  }
0xb8: {  	v34 =	vmul.f32 v29, v25;
	v30 =	vadd.f32 v38, v31;
	v36 =	vadd.f32 v36, v63  }
0xb9: {  	v38 =	vmul.f32 v27, v15;
	v31 =	vadd.f32 v32, v37;
	v32 =	vmul.f32 v29, v22  }
0xba: {  	s22 =	simm.s32 $0xC;
	s2 =	simm.s32 $0x440;
	v37 =	vld [tilespmem:s8+$0x0];
	v33 =	vmul.f32 v29, v20;
	v46 =	vadd.f32 v36, v46;
	v36 =	vmul.f32 v29, v21  }
.LBB2_5:
0xbb: {  	p0 =	sne.s32 s22, $0x2F4  }
0xbc: {  	v47 =	vmul.f32 v27, v12;
	v39 =	vadd.f32 v44, v39;
	v40 =	vadd.f32 v40, v45;
	s8 =	sadd.s32 $0x80, s8;
	s5 =	smov.u32 s22;
	s22 =	sadd.s32 $0xC, s22  }
0xbd: {  	v44 =	vmul.f32 v27, v13;
	v45 =	vmul.f32 v27, v17;
	v43 =	vadd.f32 v46, v43  }
0xbe: {  	v29 =	vmul.f32 v29, v23;
	v38 =	vadd.f32 v39, v38;
	v35 =	vadd.f32 v40, v35  }
0xbf: {  	v40 =	vmul.f32 v27, v14;
	v41 =	vadd.f32 v41, v45;
	v39 =	vmul.f32 $9.999999770e-03, v43  }
0xc0: {  	v37 =	vadd.f32 v37, v42;
	v29 =	vadd.f32 v38, v29;
	v38 =	vmul.f32 $9.999999770e-03, v35  }
0xc1: {  	v27 =	vmul.f32 v27, v10;
	v34 =	vadd.f32 v41, v34;
	v39 =	vmax.f32 v43, v39  }
0xc2: {  	v37 =	vadd.f32 v37, v40;
	[tilespmem:s2+$0xFFFFFFD0] =	vst v39;
	v39 =	vmul.f32 $9.999999770e-03, v29;
	v35 =	vmax.f32 v35, v38  }
0xc3: {  	v28 =	vadd.f32 v28, v47;
	v27 =	vadd.f32 v30, v27;
	v30 =	vmul.f32 $9.999999770e-03, v34;
	[tilespmem:s2+$0x20] =	vst v35  }
0xc4: {  	v31 =	vadd.f32 v31, v44;
	v32 =	vadd.f32 v37, v32;
	v29 =	vmax.f32 v29, v39  }
0xc5: {  	v26 =	vadd.f32 v27, v26;
	v27 =	vadd.f32 v28, v33;
	v28 =	vmax.f32 v34, v30  }
0xc6: {  	v30 =	vadd.f32 v31, v36;
	v31 =	vmul.f32 $9.999999770e-03, v32;
	[tilespmem:s2+$0x30] =	vst v28  }
0xc7: {  	v33 =	vmul.f32 $9.999999770e-03, v27;
	v28 =	vmul.f32 $9.999999770e-03, v26;
	[tilespmem:s2+$0x10] =	vst v29  }
0xc8: {  	v31 =	vmax.f32 v32, v31;
	v29 =	vmul.f32 $9.999999770e-03, v30  }
0xc9: {  	v27 =	vmax.f32 v27, v33;
	v26 =	vmax.f32 v26, v28;
	[tilespmem:s2+$0x0] =	vst v31  }
0xca: {  	s5 =	sshra.s32 s5, $0x2;
	[tilespmem:s2+$0xFFFFFFC0] =	vst v26;
	v26 =	vmax.f32 v30, v29  }
0xcb: {  	[tilespmem:s2+$0xFFFFFFF0] =	vst v26  }
0xcc: {  	[tilespmem:s2+$0xFFFFFFE0] =	vst v27;
	s2 =	smov.u32 s8  }
0xcd: {  	v26 =	vld [tilespmem:s5+$0x8400];
	_ =	sdelay $0x1  }
0xce: {  	v30 =	vld [tilespmem:s8+$0xFFFFFFC0]  }
0xcf: {  	v28 =	vld [tilespmem:s8+$0xFFFFFFE0];
	_ =	sdelay $0x1  }
0xd0: {  	v42 =	vbroadcast v26, $0x0;
	v27 =	vbroadcast v26, $0x1;
	v31 =	vld [tilespmem:s8+$0x20]  }
0xd1: {  	v29 =	vbroadcast v26, $0x2;
	v32 =	vld [tilespmem:s8+$0xFFFFFFF0]  }
0xd2: {  	v33 =	vld [tilespmem:s8+$0xFFFFFFD0];
	v34 =	vmul.f32 v42, v4;
	v36 =	vmul.f32 v42, v8  }
0xd3: {  	v41 =	vmul.f32 v42, v5;
	v35 =	vmul.f32 v29, v24;
	v46 =	vld [tilespmem:s8+$0x30]  }
0xd4: {  	v38 =	vmul.f32 v42, v2;
	v26 =	vmul.f32 v29, v18;
	v28 =	vadd.f32 v28, v34;
	v37 =	vld [tilespmem:s8+$0x0]  }
0xd5: {  	v39 =	vmul.f32 v42, v7;
	v34 =	vmul.f32 v29, v25;
	v40 =	vadd.f32 v31, v36  }
.Ltmp1:
0xd6: {  	v30 =	vadd.f32 v38, v30;
	v38 =	vmul.f32 v27, v15;
	v36 =	vmul.f32 v42, v3;
	v44 =	vld [tilespmem:s8+$0x10];
	(pc) =	sbr.rel @p0 .LBB2_5-.Ltmp1, $4  }
0xd7: {  	v31 =	vadd.f32 v32, v41;
	v32 =	vmul.f32 v29, v22;
	v41 =	vmul.f32 v42, v9  }
0xd8: {  	v47 =	vmul.f32 v27, v11;
	v45 =	vmul.f32 v27, v16;
	v36 =	vadd.f32 v33, v36  }
0xd9: {  	v43 =	vmul.f32 v29, v19;
	v33 =	vmul.f32 v29, v20;
	v41 =	vadd.f32 v46, v41  }
0xda: {  	v42 =	vmul.f32 v42, v6;
	v46 =	vadd.f32 v36, v47;
	v36 =	vmul.f32 v29, v21  }
0xdb: {  	v47 =	vmul.f32 v27, v12;
	v39 =	vadd.f32 v44, v39;
	v61 =	vmul.f32 v27, v13  }
0xdc: {  	v40 =	vadd.f32 v40, v45;
	v62 =	vmul.f32 v27, v17;
	v63 =	vmul.f32 v27, v14  }
0xdd: {  	v27 =	vmul.f32 v27, v10;
	v43 =	vadd.f32 v46, v43;
	v37 =	vadd.f32 v37, v42  }
0xde: {  	v38 =	vadd.f32 v39, v38;
	v35 =	vadd.f32 v40, v35  }
0xdf: {  	v46 =	vadd.f32 v41, v62;
	v27 =	vadd.f32 v30, v27  }
0xe0: {  	v29 =	vmul.f32 v29, v23;
	v31 =	vadd.f32 v31, v61;
	v28 =	vadd.f32 v28, v47  }
0xe1: {  	v48 =	vmul.f32 $9.999999770e-03, v43;
	v37 =	vadd.f32 v37, v63;
	v34 =	vadd.f32 v46, v34  }
0xe2: {  	v29 =	vadd.f32 v38, v29;
	v49 =	vmul.f32 $9.999999770e-03, v35;
	v26 =	vadd.f32 v27, v26  }
0xe3: {  	v50 =	vmax.f32 v43, v48;
	v32 =	vadd.f32 v37, v32;
	v30 =	vmul.f32 $9.999999770e-03, v34  }
0xe4: {  	v28 =	vadd.f32 v28, v33;
	v51 =	vmul.f32 $9.999999770e-03, v29;
	[tilespmem:s2+$0xFFFFFFD0] =	vst v50;
	v35 =	vmax.f32 v35, v49  }
0xe5: {  	[tilespmem:s2+$0x20] =	vst v35;
	v27 =	vmax.f32 v34, v30;
	v30 =	vadd.f32 v31, v36;
	v31 =	vmul.f32 $9.999999770e-03, v32  }
0xe6: {  	v29 =	vmax.f32 v29, v51;
	[tilespmem:s2+$0x30] =	vst v27;
	v27 =	vmul.f32 $9.999999770e-03, v26  }
0xe7: {  	v52 =	vmul.f32 $9.999999770e-03, v28;
	[tilespmem:s2+$0x10] =	vst v29;
	v31 =	vmax.f32 v32, v31  }
0xe8: {  	v29 =	vmul.f32 $9.999999770e-03, v30;
	v26 =	vmax.f32 v26, v27;
	[tilespmem:s2+$0x0] =	vst v31  }
0xe9: {  	v27 =	vmax.f32 v28, v52;
	[tilespmem:s2+$0xFFFFFFC0] =	vst v26  }
0xea: {  	p0 =	seq.s32 s14, $0x0;
	v26 =	vmax.f32 v30, v29;
	[tilespmem:s2+$0xFFFFFFE0] =	vst v27  }
0xeb: {  	[tilespmem:s2+$0xFFFFFFF0] =	vst v26;
	s2 =	simm.s32 @!p0 $0x4  }
0xec: {  	_ =	swait.ge @!p0 [sflag:s2], $0x4000  }
0xed: {  	[sflag:s2] =	ssyncset.done @!p0 $0x0  }
0xee: {  	[sflag:s2] =	ssyncadd.s32 @!p0 $0xFFFFC000  }
0xef: {  	_ =	swait.ge @!p0 [sflag:s2], $0x80  }
0xf0: {  	[sflag:s2] =	ssyncset.done @!p0 $0x0  }
0xf1: {  	[sflag:s2] =	ssyncadd.s32 @!p0 $0xFFFFFF80  }
0xf2: {  	_ =	swait.ge [sflag:s25], $0x80  }
0xf3: {  	s5 =	sld [smem:$0x7FD];
	_ =	sdelay $0x1  }
0xf4: {  	s15 =	sshll.u32 s14, $0x9  }
0xf5: {  	[sflag:s25] =	ssyncset.done $0x0;
	s2 =	sadd.s32 s15, s5  }
0xf6: {  	[sflag:s25] =	ssyncadd.s32 $0xFFFFFF80;
	s2 =	smul.u32 $0x3, s2  }
0xf7: {  	s20 =	simm.s32 $0x0;
	_ =	swait.ge [sflag:s25], $0x80  }
0xf8: {  	s8 =	simm.s32 $0x8600;
	[sflag:s25] =	ssyncset.done $0x0;
	s2 =	sshrl.u32 s2, $0x3  }
0xf9: {  	s22 =	sshll.u32 s14, $0x2;
	[sflag:s25] =	ssyncadd.s32 $0xFFFFFF80;
	s2 =	sadd.s32 s1, s2  }
0xfa: {  	[tilespmem:s8], [sflag:$0x2] =	stream.linear.gather [hbm4b:s2+s20], $0x180, $0x38;
	[tilespmem:$0x1CD00] =	vst v63  }
0xfb: {  	s15 =	sadd.s32 s24, s22;
	s8 =	sor.u32 $0x2, s22  }
0xfc: {  	s2 =	sshll.u32 s15, $0x4;
	s29 =	sshll.u32 s8, $0x4  }
0xfd: {  	[tilespmem:s28], [sflag:$0x2] =	stream.indirect.gather [hbm4b:s16+s19], $0x80, s19, s19, $0xb8;
	[tilespmem:$0x1CD00] =	vst v63  }
0xfe: {  	s2 =	sand.u32 $0xFFFFF80, s2;
	s29 =	sand.u32 $0x60, s29  }
0xff: {  	s29 =	sor.u32 s29, s2  }
0x100: {  	s15 =	simm.s32 $0x100;
	s30 =	sadd.s32 s17, s29  }
0x101: {  	[tilespmem:s15], [sflag:$0x7] =	stream.linear.gather [hbm4b:s30+s20], $0x80, $0x38;
	[tilespmem:$0x1CD00] =	vst v63  }
0x102: {  	s29 =	sadd.s32 s18, s29  }
0x103: {  	[tilespmem:s31], [sflag:$0x7] =	stream.linear.gather [hbm4b:s29+s20], $0x80, $0x38;
	[tilespmem:$0x1CD00] =	vst v63  }
0x104: {  	s20 =	simm.s32 $0x0  }
0x105: {  	v26 =	vld [tilespmem:s20+$0x84C0];
	_ =	sdelay $0x4  }
0x106: {  	v53 =	vbroadcast v26, $0x0  }
0x107: {  	s30 =	simm.s32 $0x2470;
	v27 =	vbroadcast v26, $0x1  }
0x108: {  	v28 =	vld [tilespmem:s30+$0xFFFFFFB0];
	v29 =	vbroadcast v26, $0x2;
	v54 =	vmul.f32 v53, v4  }
0x109: {  	v30 =	vld [tilespmem:s30+$0xFFFFFFF0];
	v56 =	vmul.f32 v53, v8;
	v58 =	vmul.f32 v53, v5  }
0x10a: {  	v31 =	vld [tilespmem:s30+$0xFFFFFF90];
	v35 =	vmul.f32 v29, v24;
	v60 =	vmul.f32 v53, v2  }
0x10b: {  	v57 =	vld [tilespmem:s30+$0xFFFFFFA0];
	v26 =	vmul.f32 v29, v18;
	v39 =	vmul.f32 v53, v7  }
0x10c: {  	v55 =	vld [tilespmem:s30+$0xFFFFFFC0];
	v34 =	vmul.f32 v29, v25;
	v61 =	vmul.f32 v53, v3  }
0x10d: {  	v59 =	vld [tilespmem:s30+$0x0];
	v38 =	vmul.f32 v27, v15;
	v32 =	vmul.f32 v29, v22  }
0x10e: {  	v62 =	vmul.f32 v53, v9;
	v63 =	vmul.f32 v27, v11  }
0x10f: {  	v44 =	vld [tilespmem:s30+$0xFFFFFFE0];
	v45 =	vmul.f32 v27, v16;
	v43 =	vmul.f32 v29, v19;
	v28 =	vadd.f32 v28, v54  }
0x110: {  	v33 =	vmul.f32 v29, v20;
	v40 =	vadd.f32 v30, v56;
	v36 =	vadd.f32 v57, v61  }
0x111: {  	v42 =	vmul.f32 v53, v6;
	v30 =	vadd.f32 v60, v31;
	v31 =	vadd.f32 v55, v58  }
0x112: {  	s5 =	simm.s32 $0xC;
	s29 =	simm.s32 $0x2470;
	v37 =	vld [tilespmem:s30+$0xFFFFFFD0];
	v41 =	vadd.f32 v59, v62;
	v46 =	vadd.f32 v36, v63;
	v36 =	vmul.f32 v29, v21  }
.LBB2_7:
0x113: {  	p0 =	sne.s32 s5, $0x2F4  }
0x114: {  	v47 =	vmul.f32 v27, v12;
	v39 =	vadd.f32 v44, v39;
	v40 =	vadd.f32 v40, v45;
	s30 =	sadd.s32 $0x80, s30;
	s15 =	smov.u32 s5;
	s5 =	sadd.s32 $0xC, s5  }
0x115: {  	v44 =	vmul.f32 v27, v13;
	v45 =	vmul.f32 v27, v17;
	v43 =	vadd.f32 v46, v43  }
0x116: {  	v29 =	vmul.f32 v29, v23;
	v38 =	vadd.f32 v39, v38;
	v35 =	vadd.f32 v40, v35  }
0x117: {  	v40 =	vmul.f32 v27, v14;
	v41 =	vadd.f32 v41, v45;
	v39 =	vmul.f32 $9.999999770e-03, v43  }
0x118: {  	v37 =	vadd.f32 v37, v42;
	v29 =	vadd.f32 v38, v29;
	v38 =	vmul.f32 $9.999999770e-03, v35  }
0x119: {  	v27 =	vmul.f32 v27, v10;
	v34 =	vadd.f32 v41, v34;
	v39 =	vmax.f32 v43, v39  }
0x11a: {  	v37 =	vadd.f32 v37, v40;
	[tilespmem:s29+$0xFFFFFFA0] =	vst v39;
	v39 =	vmul.f32 $9.999999770e-03, v29;
	v35 =	vmax.f32 v35, v38  }
0x11b: {  	v28 =	vadd.f32 v28, v47;
	v27 =	vadd.f32 v30, v27;
	v30 =	vmul.f32 $9.999999770e-03, v34;
	[tilespmem:s29+$0xFFFFFFF0] =	vst v35  }
0x11c: {  	v31 =	vadd.f32 v31, v44;
	v32 =	vadd.f32 v37, v32;
	v29 =	vmax.f32 v29, v39  }
0x11d: {  	v26 =	vadd.f32 v27, v26;
	v27 =	vadd.f32 v28, v33;
	v28 =	vmax.f32 v34, v30  }
0x11e: {  	v30 =	vadd.f32 v31, v36;
	v31 =	vmul.f32 $9.999999770e-03, v32;
	[tilespmem:s29+$0x0] =	vst v28  }
0x11f: {  	v33 =	vmul.f32 $9.999999770e-03, v27;
	v28 =	vmul.f32 $9.999999770e-03, v26;
	[tilespmem:s29+$0xFFFFFFE0] =	vst v29  }
0x120: {  	v31 =	vmax.f32 v32, v31;
	v29 =	vmul.f32 $9.999999770e-03, v30  }
0x121: {  	v27 =	vmax.f32 v27, v33;
	v26 =	vmax.f32 v26, v28;
	[tilespmem:s29+$0xFFFFFFD0] =	vst v31  }
0x122: {  	s15 =	sshra.s32 s15, $0x2;
	[tilespmem:s29+$0xFFFFFF90] =	vst v26;
	v26 =	vmax.f32 v30, v29  }
0x123: {  	[tilespmem:s29+$0xFFFFFFC0] =	vst v26  }
0x124: {  	[tilespmem:s29+$0xFFFFFFB0] =	vst v27;
	s29 =	smov.u32 s30  }
0x125: {  	v26 =	vld [tilespmem:s15+$0x84C0];
	_ =	sdelay $0x1  }
0x126: {  	v30 =	vld [tilespmem:s30+$0xFFFFFF90]  }
0x127: {  	v28 =	vld [tilespmem:s30+$0xFFFFFFB0];
	_ =	sdelay $0x1  }
0x128: {  	v42 =	vbroadcast v26, $0x0;
	v27 =	vbroadcast v26, $0x1;
	v31 =	vld [tilespmem:s30+$0xFFFFFFF0]  }
0x129: {  	v29 =	vbroadcast v26, $0x2;
	v33 =	vld [tilespmem:s30+$0xFFFFFFA0]  }
0x12a: {  	v32 =	vmul.f32 v42, v4;
	v36 =	vld [tilespmem:s30+$0xFFFFFFC0];
	v34 =	vmul.f32 v42, v8  }
0x12b: {  	v41 =	vmul.f32 v42, v5;
	v35 =	vmul.f32 v29, v24;
	v46 =	vld [tilespmem:s30+$0x0]  }
0x12c: {  	v38 =	vmul.f32 v42, v2;
	v26 =	vmul.f32 v29, v18;
	v28 =	vadd.f32 v28, v32;
	v37 =	vld [tilespmem:s30+$0xFFFFFFD0]  }
0x12d: {  	v39 =	vmul.f32 v42, v7;
	v40 =	vadd.f32 v31, v34;
	v34 =	vmul.f32 v29, v25  }
.Ltmp2:
0x12e: {  	v43 =	vmul.f32 v42, v3;
	v30 =	vadd.f32 v38, v30;
	v38 =	vmul.f32 v27, v15;
	v44 =	vld [tilespmem:s30+$0xFFFFFFE0];
	(pc) =	sbr.rel @p0 .LBB2_7-.Ltmp2, $4  }
0x12f: {  	v32 =	vmul.f32 v29, v22;
	v31 =	vadd.f32 v36, v41;
	v36 =	vmul.f32 v42, v9  }
0x130: {  	v48 =	vmul.f32 v27, v11;
	v45 =	vmul.f32 v27, v16;
	v47 =	vadd.f32 v33, v43  }
0x131: {  	v43 =	vmul.f32 v29, v19;
	v33 =	vmul.f32 v29, v20;
	v41 =	vadd.f32 v46, v36  }
0x132: {  	v42 =	vmul.f32 v42, v6;
	v46 =	vadd.f32 v47, v48;
	v36 =	vmul.f32 v29, v21  }
0x133: {  	v47 =	vmul.f32 v27, v12;
	v39 =	vadd.f32 v44, v39;
	v61 =	vmul.f32 v27, v13  }
0x134: {  	v40 =	vadd.f32 v40, v45;
	v62 =	vmul.f32 v27, v17;
	v63 =	vmul.f32 v27, v14  }
0x135: {  	v27 =	vmul.f32 v27, v10;
	v43 =	vadd.f32 v46, v43;
	v37 =	vadd.f32 v37, v42  }
0x136: {  	v38 =	vadd.f32 v39, v38;
	v35 =	vadd.f32 v40, v35  }
0x137: {  	v46 =	vadd.f32 v41, v62;
	v27 =	vadd.f32 v30, v27  }
0x138: {  	v29 =	vmul.f32 v29, v23;
	v31 =	vadd.f32 v31, v61;
	v28 =	vadd.f32 v28, v47  }
0x139: {  	v48 =	vmul.f32 $9.999999770e-03, v43;
	v37 =	vadd.f32 v37, v63;
	v34 =	vadd.f32 v46, v34  }
0x13a: {  	v29 =	vadd.f32 v38, v29;
	v49 =	vmul.f32 $9.999999770e-03, v35;
	v26 =	vadd.f32 v27, v26  }
0x13b: {  	v50 =	vmax.f32 v43, v48;
	v32 =	vadd.f32 v37, v32;
	v30 =	vmul.f32 $9.999999770e-03, v34  }
0x13c: {  	v28 =	vadd.f32 v28, v33;
	v51 =	vmul.f32 $9.999999770e-03, v29;
	[tilespmem:s29+$0xFFFFFFA0] =	vst v50;
	v35 =	vmax.f32 v35, v49  }
0x13d: {  	[tilespmem:s29+$0xFFFFFFF0] =	vst v35;
	v27 =	vmax.f32 v34, v30;
	v30 =	vadd.f32 v31, v36;
	v31 =	vmul.f32 $9.999999770e-03, v32  }
0x13e: {  	v29 =	vmax.f32 v29, v51;
	[tilespmem:s29+$0x0] =	vst v27;
	v27 =	vmul.f32 $9.999999770e-03, v26  }
0x13f: {  	v52 =	vmul.f32 $9.999999770e-03, v28;
	[tilespmem:s29+$0xFFFFFFE0] =	vst v29;
	v31 =	vmax.f32 v32, v31  }
0x140: {  	v29 =	vmul.f32 $9.999999770e-03, v30;
	v26 =	vmax.f32 v26, v27;
	[tilespmem:s29+$0xFFFFFFD0] =	vst v31  }
0x141: {  	v27 =	vmax.f32 v28, v52;
	[tilespmem:s29+$0xFFFFFF90] =	vst v26  }
0x142: {  	v26 =	vmax.f32 v30, v29;
	[tilespmem:s29+$0xFFFFFFB0] =	vst v27  }
0x143: {  	s5 =	simm.s32 $0x200;
	[tilespmem:s29+$0xFFFFFFC0] =	vst v26  }
0x144: {  	[spmem:s11] =	stream.indirect.scatter.add.f32 [tilespmem:s12], [sflag:$0x3], $0x80, s5, s19, $0xb8;
	[tilespmem:$0x1CD00] =	vst v63  }
0x145: {  	_ = 	snop  }
0x146: {  	[spmem:s13] =	stream.indirect.scatter.add.f32 [tilespmem:s10], [sflag:$0x3], $0x1, s5, s19, $0xb8;
	[tilespmem:$0x1CD00] =	vst v63  }
0x147: {  	_ =	swait.ge [sflag:s0], $0x180  }
0x148: {  	[sflag:s0] =	ssyncset.done $0x0  }
0x149: {  	[sflag:s0] =	ssyncadd.s32 $0xFFFFFE80  }
0x14a: {  	_ =	swait.ge [sflag:s0], $0x4000  }
0x14b: {  	[sflag:s0] =	ssyncset.done $0x0  }
0x14c: {  	s20 =	simm.s32 $0x0;
	[sflag:s0] =	ssyncadd.s32 $0xFFFFC000  }
0x14d: {  	v26 =	vld [tilespmem:s20+$0x8600];
	_ =	sdelay $0x4  }
0x14e: {  	v53 =	vbroadcast v26, $0x0  }
0x14f: {  	s30 =	simm.s32 $0x4440;
	v27 =	vbroadcast v26, $0x1  }
0x150: {  	v28 =	vld [tilespmem:s30+$0xFFFFFFE0];
	v29 =	vbroadcast v26, $0x2;
	v55 =	vmul.f32 v53, v4  }
0x151: {  	v30 =	vld [tilespmem:s30+$0x20];
	v56 =	vmul.f32 v53, v8;
	v58 =	vmul.f32 v53, v5  }
0x152: {  	v31 =	vld [tilespmem:s30+$0xFFFFFFC0];
	v35 =	vmul.f32 v29, v24;
	v60 =	vmul.f32 v53, v2  }
0x153: {  	v57 =	vld [tilespmem:s30+$0xFFFFFFD0];
	v26 =	vmul.f32 v29, v18;
	v39 =	vmul.f32 v53, v7  }
0x154: {  	v54 =	vld [tilespmem:s30+$0xFFFFFFF0];
	v34 =	vmul.f32 v29, v25;
	v61 =	vmul.f32 v53, v3  }
0x155: {  	v59 =	vld [tilespmem:s30+$0x30];
	v38 =	vmul.f32 v27, v15;
	v32 =	vmul.f32 v29, v22  }
0x156: {  	v62 =	vmul.f32 v53, v9;
	v63 =	vmul.f32 v27, v11  }
0x157: {  	v44 =	vld [tilespmem:s30+$0x10];
	v45 =	vmul.f32 v27, v16;
	v43 =	vmul.f32 v29, v19;
	v28 =	vadd.f32 v28, v55  }
0x158: {  	v33 =	vmul.f32 v29, v20;
	v40 =	vadd.f32 v30, v56;
	v36 =	vadd.f32 v57, v61  }
0x159: {  	v42 =	vmul.f32 v53, v6;
	v30 =	vadd.f32 v60, v31;
	v31 =	vadd.f32 v54, v58  }
0x15a: {  	s29 =	simm.s32 $0x4440;
	s5 =	simm.s32 $0xC;
	v37 =	vld [tilespmem:s30+$0x0];
	v41 =	vadd.f32 v59, v62;
	v46 =	vadd.f32 v36, v63;
	v36 =	vmul.f32 v29, v21  }
.LBB2_9:
0x15b: {  	p0 =	sne.s32 s5, $0x2F4  }
0x15c: {  	v47 =	vmul.f32 v27, v12;
	v39 =	vadd.f32 v44, v39;
	v40 =	vadd.f32 v40, v45;
	s30 =	sadd.s32 $0x80, s30;
	s15 =	smov.u32 s5;
	s5 =	sadd.s32 $0xC, s5  }
0x15d: {  	v44 =	vmul.f32 v27, v13;
	v45 =	vmul.f32 v27, v17;
	v43 =	vadd.f32 v46, v43  }
0x15e: {  	v29 =	vmul.f32 v29, v23;
	v38 =	vadd.f32 v39, v38;
	v35 =	vadd.f32 v40, v35  }
0x15f: {  	v40 =	vmul.f32 v27, v14;
	v41 =	vadd.f32 v41, v45;
	v39 =	vmul.f32 $9.999999770e-03, v43  }
0x160: {  	v37 =	vadd.f32 v37, v42;
	v29 =	vadd.f32 v38, v29;
	v38 =	vmul.f32 $9.999999770e-03, v35  }
0x161: {  	v27 =	vmul.f32 v27, v10;
	v34 =	vadd.f32 v41, v34;
	v39 =	vmax.f32 v43, v39  }
0x162: {  	v37 =	vadd.f32 v37, v40;
	[tilespmem:s29+$0xFFFFFFD0] =	vst v39;
	v39 =	vmul.f32 $9.999999770e-03, v29;
	v35 =	vmax.f32 v35, v38  }
0x163: {  	v28 =	vadd.f32 v28, v47;
	v27 =	vadd.f32 v30, v27;
	v30 =	vmul.f32 $9.999999770e-03, v34;
	[tilespmem:s29+$0x20] =	vst v35  }
0x164: {  	v31 =	vadd.f32 v31, v44;
	v32 =	vadd.f32 v37, v32;
	v29 =	vmax.f32 v29, v39  }
0x165: {  	v26 =	vadd.f32 v27, v26;
	v27 =	vadd.f32 v28, v33;
	v28 =	vmax.f32 v34, v30  }
0x166: {  	v30 =	vadd.f32 v31, v36;
	v31 =	vmul.f32 $9.999999770e-03, v32;
	[tilespmem:s29+$0x30] =	vst v28  }
0x167: {  	v33 =	vmul.f32 $9.999999770e-03, v27;
	v28 =	vmul.f32 $9.999999770e-03, v26;
	[tilespmem:s29+$0x10] =	vst v29  }
0x168: {  	v31 =	vmax.f32 v32, v31;
	v29 =	vmul.f32 $9.999999770e-03, v30  }
0x169: {  	v27 =	vmax.f32 v27, v33;
	v26 =	vmax.f32 v26, v28;
	[tilespmem:s29+$0x0] =	vst v31  }
0x16a: {  	s15 =	sshra.s32 s15, $0x2;
	[tilespmem:s29+$0xFFFFFFC0] =	vst v26;
	v26 =	vmax.f32 v30, v29  }
0x16b: {  	[tilespmem:s29+$0xFFFFFFF0] =	vst v26  }
0x16c: {  	[tilespmem:s29+$0xFFFFFFE0] =	vst v27;
	s29 =	smov.u32 s30  }
0x16d: {  	v26 =	vld [tilespmem:s15+$0x8600];
	_ =	sdelay $0x1  }
0x16e: {  	v30 =	vld [tilespmem:s30+$0xFFFFFFC0]  }
0x16f: {  	v28 =	vld [tilespmem:s30+$0xFFFFFFE0];
	_ =	sdelay $0x1  }
0x170: {  	v42 =	vbroadcast v26, $0x0;
	v27 =	vbroadcast v26, $0x1;
	v31 =	vld [tilespmem:s30+$0x20]  }
0x171: {  	v29 =	vbroadcast v26, $0x2;
	v32 =	vld [tilespmem:s30+$0xFFFFFFF0]  }
0x172: {  	v33 =	vld [tilespmem:s30+$0xFFFFFFD0];
	v34 =	vmul.f32 v42, v4;
	v36 =	vmul.f32 v42, v8  }
0x173: {  	v41 =	vmul.f32 v42, v5;
	v35 =	vmul.f32 v29, v24;
	v46 =	vld [tilespmem:s30+$0x30]  }
0x174: {  	v38 =	vmul.f32 v42, v2;
	v26 =	vmul.f32 v29, v18;
	v28 =	vadd.f32 v28, v34;
	v37 =	vld [tilespmem:s30+$0x0]  }
0x175: {  	v39 =	vmul.f32 v42, v7;
	v34 =	vmul.f32 v29, v25;
	v40 =	vadd.f32 v31, v36  }
.Ltmp3:
0x176: {  	v30 =	vadd.f32 v38, v30;
	v38 =	vmul.f32 v27, v15;
	v36 =	vmul.f32 v42, v3;
	v44 =	vld [tilespmem:s30+$0x10];
	(pc) =	sbr.rel @p0 .LBB2_9-.Ltmp3, $4  }
0x177: {  	v31 =	vadd.f32 v32, v41;
	v32 =	vmul.f32 v29, v22;
	v41 =	vmul.f32 v42, v9  }
0x178: {  	v47 =	vmul.f32 v27, v11;
	v45 =	vmul.f32 v27, v16;
	v36 =	vadd.f32 v33, v36  }
0x179: {  	v43 =	vmul.f32 v29, v19;
	v33 =	vmul.f32 v29, v20;
	v41 =	vadd.f32 v46, v41  }
0x17a: {  	v42 =	vmul.f32 v42, v6;
	v46 =	vadd.f32 v36, v47;
	v36 =	vmul.f32 v29, v21  }
0x17b: {  	v47 =	vmul.f32 v27, v12;
	v39 =	vadd.f32 v44, v39;
	v61 =	vmul.f32 v27, v13  }
0x17c: {  	v40 =	vadd.f32 v40, v45;
	v62 =	vmul.f32 v27, v17;
	v63 =	vmul.f32 v27, v14  }
0x17d: {  	v27 =	vmul.f32 v27, v10;
	v43 =	vadd.f32 v46, v43;
	v37 =	vadd.f32 v37, v42  }
0x17e: {  	v38 =	vadd.f32 v39, v38;
	v35 =	vadd.f32 v40, v35  }
0x17f: {  	v46 =	vadd.f32 v41, v62;
	v27 =	vadd.f32 v30, v27  }
0x180: {  	v29 =	vmul.f32 v29, v23;
	v31 =	vadd.f32 v31, v61;
	v28 =	vadd.f32 v28, v47  }
0x181: {  	v48 =	vmul.f32 $9.999999770e-03, v43;
	v37 =	vadd.f32 v37, v63;
	v34 =	vadd.f32 v46, v34  }
0x182: {  	v29 =	vadd.f32 v38, v29;
	v49 =	vmul.f32 $9.999999770e-03, v35;
	v26 =	vadd.f32 v27, v26  }
0x183: {  	v50 =	vmax.f32 v43, v48;
	v32 =	vadd.f32 v37, v32;
	v30 =	vmul.f32 $9.999999770e-03, v34  }
0x184: {  	v28 =	vadd.f32 v28, v33;
	v51 =	vmul.f32 $9.999999770e-03, v29;
	[tilespmem:s29+$0xFFFFFFD0] =	vst v50;
	v35 =	vmax.f32 v35, v49  }
0x185: {  	[tilespmem:s29+$0x20] =	vst v35;
	v27 =	vmax.f32 v34, v30;
	v30 =	vadd.f32 v31, v36;
	v31 =	vmul.f32 $9.999999770e-03, v32  }
0x186: {  	v29 =	vmax.f32 v29, v51;
	[tilespmem:s29+$0x30] =	vst v27;
	v27 =	vmul.f32 $9.999999770e-03, v26  }
0x187: {  	v52 =	vmul.f32 $9.999999770e-03, v28;
	[tilespmem:s29+$0x10] =	vst v29;
	v31 =	vmax.f32 v32, v31  }
0x188: {  	v29 =	vmul.f32 $9.999999770e-03, v30;
	v26 =	vmax.f32 v26, v27;
	[tilespmem:s29+$0x0] =	vst v31  }
0x189: {  	v27 =	vmax.f32 v28, v52;
	[tilespmem:s29+$0xFFFFFFC0] =	vst v26  }
0x18a: {  	v26 =	vmax.f32 v30, v29;
	[tilespmem:s29+$0xFFFFFFE0] =	vst v27  }
0x18b: {  	[tilespmem:s29+$0xFFFFFFF0] =	vst v26  }
0x18c: {  	_ =	swait.ge [sflag:s3], $0x4000  }
0x18d: {  	[sflag:s3] =	ssyncset.done $0x0  }
0x18e: {  	[sflag:s3] =	ssyncadd.s32 $0xFFFFC000  }
0x18f: {  	_ =	swait.ge [sflag:s3], $0x80  }
0x190: {  	[sflag:s3] =	ssyncset.done $0x0  }
0x191: {  	[sflag:s3] =	ssyncadd.s32 $0xFFFFFF80  }
0x192: {  	s5 =	sshll.u32 s8, $0x7;
	_ =	swait.ge [sflag:s4], $0x80  }
0x193: {  	s5 =	sadd.s32 s26, s5;
	[sflag:s4] =	ssyncset.done $0x0  }
0x194: {  	s5 =	smul.u32 $0x3, s5;
	[sflag:s4] =	ssyncadd.s32 $0xFFFFFF80  }
0x195: {  	_ =	swait.ge [sflag:s4], $0x80  }
0x196: {  	s15 =	simm.s32 $0x0;
	s5 =	sshrl.u32 s5, $0x3;
	[sflag:s4] =	ssyncset.done $0x0  }
0x197: {  	s30 =	simm.s32 $0x8400;
	s5 =	sadd.s32 s1, s5;
	[sflag:s4] =	ssyncadd.s32 $0xFFFFFF80  }
0x198: {  	[tilespmem:s30], [sflag:$0x1] =	stream.linear.gather [hbm4b:s5+s15], $0x180, $0x38;
	[tilespmem:$0x1CD00] =	vst v63  }
0x199: {  	s8 =	simm.s32 $0x100  }
0x19a: {  	[tilespmem:s12], [sflag:$0x1] =	stream.indirect.gather [hbm4b:s16+s19], $0x80, s8, s19, $0xb8;
	[tilespmem:$0x1CD00] =	vst v63  }
0x19b: {  	s8 =	sor.u32 $0x3, s22  }
0x19c: {  	s20 =	sshll.u32 s8, $0x4  }
0x19d: {  	s5 =	sand.u32 $0x70, s20  }
0x19e: {  	s2 =	sor.u32 s5, s2  }
0x19f: {  	s20 =	simm.s32 $0x180;
	s5 =	sadd.s32 s17, s2  }
0x1a0: {  	[tilespmem:s20], [sflag:$0x8] =	stream.linear.gather [hbm4b:s5+s15], $0x80, $0x38;
	[tilespmem:$0x1CD00] =	vst v63  }
0x1a1: {  	s30 =	simm.s32 $0x0;
	s2 =	sadd.s32 s18, s2  }
0x1a2: {  	[tilespmem:s6], [sflag:$0x8] =	stream.linear.gather [hbm4b:s2+s15], $0x80, $0x38;
	[tilespmem:$0x1CD00] =	vst v63  }
0x1a3: {  	v26 =	vld [tilespmem:s30+$0x86C0];
	_ =	sdelay $0x4  }
0x1a4: {  	v53 =	vbroadcast v26, $0x0  }
0x1a5: {  	s29 =	simm.s32 $0x6470;
	v27 =	vbroadcast v26, $0x1  }
0x1a6: {  	v28 =	vld [tilespmem:s29+$0xFFFFFFB0];
	v29 =	vbroadcast v26, $0x2;
	v54 =	vmul.f32 v53, v4  }
0x1a7: {  	v30 =	vld [tilespmem:s29+$0xFFFFFFF0];
	v56 =	vmul.f32 v53, v8;
	v58 =	vmul.f32 v53, v5  }
0x1a8: {  	v31 =	vld [tilespmem:s29+$0xFFFFFF90];
	v35 =	vmul.f32 v29, v24;
	v60 =	vmul.f32 v53, v2  }
0x1a9: {  	v57 =	vld [tilespmem:s29+$0xFFFFFFA0];
	v26 =	vmul.f32 v29, v18;
	v39 =	vmul.f32 v53, v7  }
0x1aa: {  	v55 =	vld [tilespmem:s29+$0xFFFFFFC0];
	v34 =	vmul.f32 v29, v25;
	v61 =	vmul.f32 v53, v3  }
0x1ab: {  	v59 =	vld [tilespmem:s29+$0x0];
	v38 =	vmul.f32 v27, v15;
	v32 =	vmul.f32 v29, v22  }
0x1ac: {  	v62 =	vmul.f32 v53, v9;
	v63 =	vmul.f32 v27, v11  }
0x1ad: {  	v44 =	vld [tilespmem:s29+$0xFFFFFFE0];
	v45 =	vmul.f32 v27, v16;
	v43 =	vmul.f32 v29, v19;
	v28 =	vadd.f32 v28, v54  }
0x1ae: {  	v33 =	vmul.f32 v29, v20;
	v40 =	vadd.f32 v30, v56;
	v36 =	vadd.f32 v57, v61  }
0x1af: {  	v42 =	vmul.f32 v53, v6;
	v30 =	vadd.f32 v60, v31;
	v31 =	vadd.f32 v55, v58  }
0x1b0: {  	s5 =	simm.s32 $0xC;
	s2 =	simm.s32 $0x6470;
	v37 =	vld [tilespmem:s29+$0xFFFFFFD0];
	v41 =	vadd.f32 v59, v62;
	v46 =	vadd.f32 v36, v63;
	v36 =	vmul.f32 v29, v21  }
.LBB2_11:
0x1b1: {  	p0 =	sne.s32 s5, $0x2F4  }
0x1b2: {  	v47 =	vmul.f32 v27, v12;
	v39 =	vadd.f32 v44, v39;
	v40 =	vadd.f32 v40, v45;
	s29 =	sadd.s32 $0x80, s29;
	s15 =	smov.u32 s5;
	s5 =	sadd.s32 $0xC, s5  }
0x1b3: {  	v44 =	vmul.f32 v27, v13;
	v45 =	vmul.f32 v27, v17;
	v43 =	vadd.f32 v46, v43  }
0x1b4: {  	v29 =	vmul.f32 v29, v23;
	v38 =	vadd.f32 v39, v38;
	v35 =	vadd.f32 v40, v35  }
0x1b5: {  	v40 =	vmul.f32 v27, v14;
	v41 =	vadd.f32 v41, v45;
	v39 =	vmul.f32 $9.999999770e-03, v43  }
0x1b6: {  	v37 =	vadd.f32 v37, v42;
	v29 =	vadd.f32 v38, v29;
	v38 =	vmul.f32 $9.999999770e-03, v35  }
0x1b7: {  	v27 =	vmul.f32 v27, v10;
	v34 =	vadd.f32 v41, v34;
	v39 =	vmax.f32 v43, v39  }
0x1b8: {  	v37 =	vadd.f32 v37, v40;
	[tilespmem:s2+$0xFFFFFFA0] =	vst v39;
	v39 =	vmul.f32 $9.999999770e-03, v29;
	v35 =	vmax.f32 v35, v38  }
0x1b9: {  	v28 =	vadd.f32 v28, v47;
	v27 =	vadd.f32 v30, v27;
	v30 =	vmul.f32 $9.999999770e-03, v34;
	[tilespmem:s2+$0xFFFFFFF0] =	vst v35  }
0x1ba: {  	v31 =	vadd.f32 v31, v44;
	v32 =	vadd.f32 v37, v32;
	v29 =	vmax.f32 v29, v39  }
0x1bb: {  	v26 =	vadd.f32 v27, v26;
	v27 =	vadd.f32 v28, v33;
	v28 =	vmax.f32 v34, v30  }
0x1bc: {  	v30 =	vadd.f32 v31, v36;
	v31 =	vmul.f32 $9.999999770e-03, v32;
	[tilespmem:s2+$0x0] =	vst v28  }
0x1bd: {  	v33 =	vmul.f32 $9.999999770e-03, v27;
	v28 =	vmul.f32 $9.999999770e-03, v26;
	[tilespmem:s2+$0xFFFFFFE0] =	vst v29  }
0x1be: {  	v31 =	vmax.f32 v32, v31;
	v29 =	vmul.f32 $9.999999770e-03, v30  }
0x1bf: {  	v27 =	vmax.f32 v27, v33;
	v26 =	vmax.f32 v26, v28;
	[tilespmem:s2+$0xFFFFFFD0] =	vst v31  }
0x1c0: {  	s15 =	sshra.s32 s15, $0x2;
	[tilespmem:s2+$0xFFFFFF90] =	vst v26;
	v26 =	vmax.f32 v30, v29  }
0x1c1: {  	[tilespmem:s2+$0xFFFFFFC0] =	vst v26  }
0x1c2: {  	[tilespmem:s2+$0xFFFFFFB0] =	vst v27;
	s2 =	smov.u32 s29  }
0x1c3: {  	v26 =	vld [tilespmem:s15+$0x86C0];
	_ =	sdelay $0x1  }
0x1c4: {  	v30 =	vld [tilespmem:s29+$0xFFFFFF90]  }
0x1c5: {  	v28 =	vld [tilespmem:s29+$0xFFFFFFB0];
	_ =	sdelay $0x1  }
0x1c6: {  	v42 =	vbroadcast v26, $0x0;
	v27 =	vbroadcast v26, $0x1;
	v31 =	vld [tilespmem:s29+$0xFFFFFFF0]  }
0x1c7: {  	v29 =	vbroadcast v26, $0x2;
	v33 =	vld [tilespmem:s29+$0xFFFFFFA0]  }
0x1c8: {  	v32 =	vmul.f32 v42, v4;
	v36 =	vld [tilespmem:s29+$0xFFFFFFC0];
	v34 =	vmul.f32 v42, v8  }
0x1c9: {  	v41 =	vmul.f32 v42, v5;
	v35 =	vmul.f32 v29, v24;
	v46 =	vld [tilespmem:s29+$0x0]  }
0x1ca: {  	v38 =	vmul.f32 v42, v2;
	v26 =	vmul.f32 v29, v18;
	v28 =	vadd.f32 v28, v32;
	v37 =	vld [tilespmem:s29+$0xFFFFFFD0]  }
0x1cb: {  	v39 =	vmul.f32 v42, v7;
	v40 =	vadd.f32 v31, v34;
	v34 =	vmul.f32 v29, v25  }
.Ltmp4:
0x1cc: {  	v43 =	vmul.f32 v42, v3;
	v30 =	vadd.f32 v38, v30;
	v38 =	vmul.f32 v27, v15;
	v44 =	vld [tilespmem:s29+$0xFFFFFFE0];
	(pc) =	sbr.rel @p0 .LBB2_11-.Ltmp4, $4  }
0x1cd: {  	v32 =	vmul.f32 v29, v22;
	v31 =	vadd.f32 v36, v41;
	v36 =	vmul.f32 v42, v9  }
0x1ce: {  	v48 =	vmul.f32 v27, v11;
	v45 =	vmul.f32 v27, v16;
	v47 =	vadd.f32 v33, v43  }
0x1cf: {  	v43 =	vmul.f32 v29, v19;
	v33 =	vmul.f32 v29, v20;
	v41 =	vadd.f32 v46, v36  }
0x1d0: {  	v42 =	vmul.f32 v42, v6;
	v46 =	vadd.f32 v47, v48;
	v36 =	vmul.f32 v29, v21  }
0x1d1: {  	v47 =	vmul.f32 v27, v12;
	v39 =	vadd.f32 v44, v39;
	v61 =	vmul.f32 v27, v13  }
0x1d2: {  	v40 =	vadd.f32 v40, v45;
	v62 =	vmul.f32 v27, v17;
	v63 =	vmul.f32 v27, v14  }
0x1d3: {  	v27 =	vmul.f32 v27, v10;
	v43 =	vadd.f32 v46, v43;
	v37 =	vadd.f32 v37, v42  }
0x1d4: {  	v38 =	vadd.f32 v39, v38;
	v35 =	vadd.f32 v40, v35  }
0x1d5: {  	v46 =	vadd.f32 v41, v62;
	v27 =	vadd.f32 v30, v27  }
0x1d6: {  	v29 =	vmul.f32 v29, v23;
	v31 =	vadd.f32 v31, v61;
	v28 =	vadd.f32 v28, v47  }
0x1d7: {  	v48 =	vmul.f32 $9.999999770e-03, v43;
	v37 =	vadd.f32 v37, v63;
	v34 =	vadd.f32 v46, v34  }
0x1d8: {  	v29 =	vadd.f32 v38, v29;
	v49 =	vmul.f32 $9.999999770e-03, v35;
	v26 =	vadd.f32 v27, v26  }
0x1d9: {  	v50 =	vmax.f32 v43, v48;
	v32 =	vadd.f32 v37, v32;
	v30 =	vmul.f32 $9.999999770e-03, v34  }
0x1da: {  	v28 =	vadd.f32 v28, v33;
	v51 =	vmul.f32 $9.999999770e-03, v29;
	[tilespmem:s2+$0xFFFFFFA0] =	vst v50;
	v35 =	vmax.f32 v35, v49  }
0x1db: {  	[tilespmem:s2+$0xFFFFFFF0] =	vst v35;
	v27 =	vmax.f32 v34, v30;
	v30 =	vadd.f32 v31, v36;
	v31 =	vmul.f32 $9.999999770e-03, v32  }
0x1dc: {  	v29 =	vmax.f32 v29, v51;
	[tilespmem:s2+$0x0] =	vst v27;
	v27 =	vmul.f32 $9.999999770e-03, v26  }
0x1dd: {  	v52 =	vmul.f32 $9.999999770e-03, v28;
	[tilespmem:s2+$0xFFFFFFE0] =	vst v29;
	v31 =	vmax.f32 v32, v31  }
0x1de: {  	v29 =	vmul.f32 $9.999999770e-03, v30;
	v26 =	vmax.f32 v26, v27;
	[tilespmem:s2+$0xFFFFFFD0] =	vst v31  }
0x1df: {  	v27 =	vmax.f32 v28, v52;
	[tilespmem:s2+$0xFFFFFF90] =	vst v26  }
0x1e0: {  	v26 =	vmax.f32 v30, v29;
	[tilespmem:s2+$0xFFFFFFB0] =	vst v27  }
0x1e1: {  	s5 =	simm.s32 $0x280;
	[tilespmem:s2+$0xFFFFFFC0] =	vst v26  }
0x1e2: {  	[spmem:s11] =	stream.indirect.scatter.add.f32 [tilespmem:s28], [sflag:$0x4], $0x80, s5, s19, $0xb8;
	[tilespmem:$0x1CD00] =	vst v63  }
0x1e3: {  	_ = 	snop  }
0x1e4: {  	[spmem:s13] =	stream.indirect.scatter.add.f32 [tilespmem:s10], [sflag:$0x4], $0x1, s5, s19, $0xb8;
	[tilespmem:$0x1CD00] =	vst v63  }
0x1e5: {  	_ =	swait.ge [sflag:s23], $0x180  }
0x1e6: {  	[sflag:s23] =	ssyncset.done $0x0  }
0x1e7: {  	[sflag:s23] =	ssyncadd.s32 $0xFFFFFE80  }
0x1e8: {  	_ =	swait.ge [sflag:s23], $0x4000  }
0x1e9: {  	[sflag:s23] =	ssyncset.done $0x0  }
0x1ea: {  	s15 =	simm.s32 $0x0;
	[sflag:s23] =	ssyncadd.s32 $0xFFFFC000  }
0x1eb: {  	v26 =	vld [tilespmem:s15+$0x8400];
	_ =	sdelay $0x4  }
0x1ec: {  	v53 =	vbroadcast v26, $0x0  }
0x1ed: {  	s29 =	simm.s32 $0x440;
	v27 =	vbroadcast v26, $0x1  }
0x1ee: {  	v28 =	vld [tilespmem:s29+$0xFFFFFFE0];
	v29 =	vbroadcast v26, $0x2;
	v55 =	vmul.f32 v53, v4  }
0x1ef: {  	v30 =	vld [tilespmem:s29+$0x20];
	v56 =	vmul.f32 v53, v8;
	v58 =	vmul.f32 v53, v5  }
0x1f0: {  	v31 =	vld [tilespmem:s29+$0xFFFFFFC0];
	v35 =	vmul.f32 v29, v24;
	v60 =	vmul.f32 v53, v2  }
0x1f1: {  	v57 =	vld [tilespmem:s29+$0xFFFFFFD0];
	v26 =	vmul.f32 v29, v18;
	v39 =	vmul.f32 v53, v7  }
0x1f2: {  	v54 =	vld [tilespmem:s29+$0xFFFFFFF0];
	v34 =	vmul.f32 v29, v25;
	v61 =	vmul.f32 v53, v3  }
0x1f3: {  	v59 =	vld [tilespmem:s29+$0x30];
	v38 =	vmul.f32 v27, v15;
	v32 =	vmul.f32 v29, v22  }
0x1f4: {  	v62 =	vmul.f32 v53, v9;
	v63 =	vmul.f32 v27, v11  }
0x1f5: {  	v44 =	vld [tilespmem:s29+$0x10];
	v45 =	vmul.f32 v27, v16;
	v43 =	vmul.f32 v29, v19;
	v28 =	vadd.f32 v28, v55  }
0x1f6: {  	v33 =	vmul.f32 v29, v20;
	v40 =	vadd.f32 v30, v56;
	v36 =	vadd.f32 v57, v61  }
0x1f7: {  	s20 =	simm.s32 $0x280;
	v42 =	vmul.f32 v53, v6;
	v30 =	vadd.f32 v60, v31;
	v31 =	vadd.f32 v54, v58  }
0x1f8: {  	s30 =	simm.s32 $0x0;
	s2 =	simm.s32 $0x440;
	s5 =	simm.s32 $0xC;
	v37 =	vld [tilespmem:s29+$0x0];
	v41 =	vadd.f32 v59, v62;
	v46 =	vadd.f32 v36, v63;
	v36 =	vmul.f32 v29, v21  }
.LBB2_13:
0x1f9: {  	p0 =	sne.s32 s5, $0x2F4  }
0x1fa: {  	v47 =	vmul.f32 v27, v12;
	v39 =	vadd.f32 v44, v39;
	v40 =	vadd.f32 v40, v45;
	s29 =	sadd.s32 $0x80, s29;
	s15 =	smov.u32 s5;
	s5 =	sadd.s32 $0xC, s5  }
0x1fb: {  	v44 =	vmul.f32 v27, v13;
	v45 =	vmul.f32 v27, v17;
	v43 =	vadd.f32 v46, v43  }
0x1fc: {  	v29 =	vmul.f32 v29, v23;
	v38 =	vadd.f32 v39, v38;
	v35 =	vadd.f32 v40, v35  }
0x1fd: {  	v40 =	vmul.f32 v27, v14;
	v41 =	vadd.f32 v41, v45;
	v39 =	vmul.f32 $9.999999770e-03, v43  }
0x1fe: {  	v37 =	vadd.f32 v37, v42;
	v29 =	vadd.f32 v38, v29;
	v38 =	vmul.f32 $9.999999770e-03, v35  }
0x1ff: {  	v27 =	vmul.f32 v27, v10;
	v34 =	vadd.f32 v41, v34;
	v39 =	vmax.f32 v43, v39  }
0x200: {  	v37 =	vadd.f32 v37, v40;
	[tilespmem:s2+$0xFFFFFFD0] =	vst v39;
	v39 =	vmul.f32 $9.999999770e-03, v29;
	v35 =	vmax.f32 v35, v38  }
0x201: {  	v28 =	vadd.f32 v28, v47;
	v27 =	vadd.f32 v30, v27;
	v30 =	vmul.f32 $9.999999770e-03, v34;
	[tilespmem:s2+$0x20] =	vst v35  }
0x202: {  	v31 =	vadd.f32 v31, v44;
	v32 =	vadd.f32 v37, v32;
	v29 =	vmax.f32 v29, v39  }
0x203: {  	v26 =	vadd.f32 v27, v26;
	v27 =	vadd.f32 v28, v33;
	v28 =	vmax.f32 v34, v30  }
0x204: {  	v30 =	vadd.f32 v31, v36;
	v31 =	vmul.f32 $9.999999770e-03, v32;
	[tilespmem:s2+$0x30] =	vst v28  }
0x205: {  	v33 =	vmul.f32 $9.999999770e-03, v27;
	v28 =	vmul.f32 $9.999999770e-03, v26;
	[tilespmem:s2+$0x10] =	vst v29  }
0x206: {  	v31 =	vmax.f32 v32, v31;
	v29 =	vmul.f32 $9.999999770e-03, v30  }
0x207: {  	v27 =	vmax.f32 v27, v33;
	v26 =	vmax.f32 v26, v28;
	[tilespmem:s2+$0x0] =	vst v31  }
0x208: {  	s15 =	sshra.s32 s15, $0x2;
	[tilespmem:s2+$0xFFFFFFC0] =	vst v26;
	v26 =	vmax.f32 v30, v29  }
0x209: {  	[tilespmem:s2+$0xFFFFFFF0] =	vst v26  }
0x20a: {  	[tilespmem:s2+$0xFFFFFFE0] =	vst v27;
	s2 =	smov.u32 s29  }
0x20b: {  	v26 =	vld [tilespmem:s15+$0x8400];
	_ =	sdelay $0x1  }
0x20c: {  	v30 =	vld [tilespmem:s29+$0xFFFFFFC0]  }
0x20d: {  	v28 =	vld [tilespmem:s29+$0xFFFFFFE0];
	_ =	sdelay $0x1  }
0x20e: {  	v42 =	vbroadcast v26, $0x0;
	v27 =	vbroadcast v26, $0x1;
	v31 =	vld [tilespmem:s29+$0x20]  }
0x20f: {  	v29 =	vbroadcast v26, $0x2;
	v32 =	vld [tilespmem:s29+$0xFFFFFFF0]  }
0x210: {  	v33 =	vld [tilespmem:s29+$0xFFFFFFD0];
	v34 =	vmul.f32 v42, v4;
	v36 =	vmul.f32 v42, v8  }
0x211: {  	v41 =	vmul.f32 v42, v5;
	v35 =	vmul.f32 v29, v24;
	v46 =	vld [tilespmem:s29+$0x30]  }
0x212: {  	v38 =	vmul.f32 v42, v2;
	v26 =	vmul.f32 v29, v18;
	v28 =	vadd.f32 v28, v34;
	v37 =	vld [tilespmem:s29+$0x0]  }
0x213: {  	v39 =	vmul.f32 v42, v7;
	v34 =	vmul.f32 v29, v25;
	v40 =	vadd.f32 v31, v36  }
.Ltmp5:
0x214: {  	v30 =	vadd.f32 v38, v30;
	v38 =	vmul.f32 v27, v15;
	v36 =	vmul.f32 v42, v3;
	v44 =	vld [tilespmem:s29+$0x10];
	(pc) =	sbr.rel @p0 .LBB2_13-.Ltmp5, $4  }
0x215: {  	v31 =	vadd.f32 v32, v41;
	v32 =	vmul.f32 v29, v22;
	v41 =	vmul.f32 v42, v9  }
0x216: {  	v47 =	vmul.f32 v27, v11;
	v45 =	vmul.f32 v27, v16;
	v36 =	vadd.f32 v33, v36  }
0x217: {  	v43 =	vmul.f32 v29, v19;
	v33 =	vmul.f32 v29, v20;
	v41 =	vadd.f32 v46, v41  }
0x218: {  	v42 =	vmul.f32 v42, v6;
	v46 =	vadd.f32 v36, v47;
	v36 =	vmul.f32 v29, v21  }
0x219: {  	v47 =	vmul.f32 v27, v12;
	v39 =	vadd.f32 v44, v39;
	v61 =	vmul.f32 v27, v13  }
0x21a: {  	v40 =	vadd.f32 v40, v45;
	v62 =	vmul.f32 v27, v17;
	v63 =	vmul.f32 v27, v14  }
0x21b: {  	v27 =	vmul.f32 v27, v10;
	v43 =	vadd.f32 v46, v43;
	v37 =	vadd.f32 v37, v42  }
0x21c: {  	v38 =	vadd.f32 v39, v38;
	v35 =	vadd.f32 v40, v35  }
0x21d: {  	v46 =	vadd.f32 v41, v62;
	v27 =	vadd.f32 v30, v27  }
0x21e: {  	v29 =	vmul.f32 v29, v23;
	v31 =	vadd.f32 v31, v61;
	v28 =	vadd.f32 v28, v47  }
0x21f: {  	v48 =	vmul.f32 $9.999999770e-03, v43;
	v37 =	vadd.f32 v37, v63;
	v34 =	vadd.f32 v46, v34  }
0x220: {  	v29 =	vadd.f32 v38, v29;
	v49 =	vmul.f32 $9.999999770e-03, v35;
	v26 =	vadd.f32 v27, v26  }
0x221: {  	v50 =	vmax.f32 v43, v48;
	v32 =	vadd.f32 v37, v32;
	v30 =	vmul.f32 $9.999999770e-03, v34  }
0x222: {  	v28 =	vadd.f32 v28, v33;
	v51 =	vmul.f32 $9.999999770e-03, v29;
	[tilespmem:s2+$0xFFFFFFD0] =	vst v50;
	v35 =	vmax.f32 v35, v49  }
0x223: {  	[tilespmem:s2+$0x20] =	vst v35;
	v27 =	vmax.f32 v34, v30;
	v30 =	vadd.f32 v31, v36;
	v31 =	vmul.f32 $9.999999770e-03, v32  }
0x224: {  	v29 =	vmax.f32 v29, v51;
	[tilespmem:s2+$0x30] =	vst v27;
	v27 =	vmul.f32 $9.999999770e-03, v26  }
0x225: {  	v52 =	vmul.f32 $9.999999770e-03, v28;
	[tilespmem:s2+$0x10] =	vst v29;
	v31 =	vmax.f32 v32, v31  }
0x226: {  	v29 =	vmul.f32 $9.999999770e-03, v30;
	v26 =	vmax.f32 v26, v27;
	[tilespmem:s2+$0x0] =	vst v31  }
0x227: {  	v27 =	vmax.f32 v28, v52;
	[tilespmem:s2+$0xFFFFFFC0] =	vst v26  }
0x228: {  	v26 =	vmax.f32 v30, v29;
	[tilespmem:s2+$0xFFFFFFE0] =	vst v27  }
0x229: {  	[tilespmem:s2+$0xFFFFFFF0] =	vst v26  }
0x22a: {  	_ =	swait.ge [sflag:s7], $0x4000  }
0x22b: {  	[sflag:s7] =	ssyncset.done $0x0  }
0x22c: {  	[sflag:s7] =	ssyncadd.s32 $0xFFFFC000  }
0x22d: {  	_ =	swait.ge [sflag:s7], $0x80  }
0x22e: {  	[sflag:s7] =	ssyncset.done $0x0  }
0x22f: {  	[sflag:s7] =	ssyncadd.s32 $0xFFFFFF80  }
0x230: {  	s5 =	sshll.u32 s8, $0x7;
	_ =	swait.ge [sflag:s21], $0x80  }
0x231: {  	s2 =	sadd.s32 s26, s5;
	[sflag:s21] =	ssyncset.done $0x0  }
0x232: {  	s2 =	smul.u32 $0x3, s2;
	[sflag:s21] =	ssyncadd.s32 $0xFFFFFF80  }
0x233: {  	_ =	swait.ge [sflag:s21], $0x80  }
0x234: {  	s2 =	sshrl.u32 s2, $0x3;
	[sflag:s21] =	ssyncset.done $0x0  }
0x235: {  	s5 =	simm.s32 $0x8600;
	s2 =	sadd.s32 s1, s2;
	[sflag:s21] =	ssyncadd.s32 $0xFFFFFF80  }
0x236: {  	[tilespmem:s5], [sflag:$0x2] =	stream.linear.gather [hbm4b:s2+s30], $0x180, $0x38;
	[tilespmem:$0x1CD00] =	vst v63  }
0x237: {  	p0 =	seq.s32 s14, $0x13;
	s2 =	sadd.s32 $0x4, s22  }
0x238: {  	s8 =	simm.s32 $0x180;
	s5 =	sadd.s32 @!p0 s24, s2  }
0x239: {  	[tilespmem:s28], [sflag:$0x2] =	stream.indirect.gather [hbm4b:s16+s19], $0x80, s8, s19, $0xb8;
	[tilespmem:$0x1CD00] =	vst v63  }
0x23a: {  	s5 =	sshll.u32 @!p0 s5, $0x4;
	s8 =	sshll.u32 @!p0 s2, $0x4  }
0x23b: {  	s5 =	sand.u32 @!p0 $0xFFFFF80, s5;
	s8 =	sand.u32 @!p0 $0x40, s8  }
0x23c: {  	s5 =	sor.u32 @!p0 s8, s5  }
0x23d: {  	s15 =	simm.s32 @!p0 $0x0;
	s8 =	sadd.s32 @!p0 s17, s5  }
0x23e: {  	[tilespmem:s15], [sflag:$0x5] =	stream.linear.gather @!p0 [hbm4b:s8+s15], $0x80, $0x38;
	[tilespmem:$0x1CD00] =	vst v63  }
0x23f: {  	s5 =	sadd.s32 @!p0 s18, s5;
	s8 =	simm.s32 @!p0 $0x200  }
0x240: {  	[tilespmem:s8], [sflag:$0x5] =	stream.linear.gather @!p0 [hbm4b:s5+s15], $0x80, $0x38;
	[tilespmem:$0x1CD00] =	vst v63  }
0x241: {  	s15 =	simm.s32 $0x0  }
0x242: {  	v26 =	vld [tilespmem:s15+$0x84C0];
	_ =	sdelay $0x4  }
0x243: {  	v53 =	vbroadcast v26, $0x0  }
0x244: {  	s29 =	simm.s32 $0x2470;
	v27 =	vbroadcast v26, $0x1  }
0x245: {  	v28 =	vld [tilespmem:s29+$0xFFFFFFB0];
	v29 =	vbroadcast v26, $0x2;
	v54 =	vmul.f32 v53, v4  }
0x246: {  	v30 =	vld [tilespmem:s29+$0xFFFFFFF0];
	v56 =	vmul.f32 v53, v8;
	v58 =	vmul.f32 v53, v5  }
0x247: {  	v31 =	vld [tilespmem:s29+$0xFFFFFF90];
	v35 =	vmul.f32 v29, v24;
	v60 =	vmul.f32 v53, v2  }
0x248: {  	v57 =	vld [tilespmem:s29+$0xFFFFFFA0];
	v26 =	vmul.f32 v29, v18;
	v39 =	vmul.f32 v53, v7  }
0x249: {  	v55 =	vld [tilespmem:s29+$0xFFFFFFC0];
	v34 =	vmul.f32 v29, v25;
	v61 =	vmul.f32 v53, v3  }
0x24a: {  	v59 =	vld [tilespmem:s29+$0x0];
	v38 =	vmul.f32 v27, v15;
	v32 =	vmul.f32 v29, v22  }
0x24b: {  	v62 =	vmul.f32 v53, v9;
	v63 =	vmul.f32 v27, v11  }
0x24c: {  	v44 =	vld [tilespmem:s29+$0xFFFFFFE0];
	v45 =	vmul.f32 v27, v16;
	v43 =	vmul.f32 v29, v19;
	v28 =	vadd.f32 v28, v54  }
0x24d: {  	v33 =	vmul.f32 v29, v20;
	v40 =	vadd.f32 v30, v56;
	v36 =	vadd.f32 v57, v61  }
0x24e: {  	v42 =	vmul.f32 v53, v6;
	v30 =	vadd.f32 v60, v31;
	v31 =	vadd.f32 v55, v58  }
0x24f: {  	s5 =	simm.s32 $0xC;
	s8 =	simm.s32 $0x2470;
	v37 =	vld [tilespmem:s29+$0xFFFFFFD0];
	v41 =	vadd.f32 v59, v62;
	v46 =	vadd.f32 v36, v63;
	v36 =	vmul.f32 v29, v21  }
.LBB2_15:
0x250: {  	p1 =	sne.s32 s5, $0x2F4  }
0x251: {  	v47 =	vmul.f32 v27, v12;
	v39 =	vadd.f32 v44, v39;
	v40 =	vadd.f32 v40, v45;
	s29 =	sadd.s32 $0x80, s29;
	s15 =	smov.u32 s5;
	s5 =	sadd.s32 $0xC, s5  }
0x252: {  	v44 =	vmul.f32 v27, v13;
	v45 =	vmul.f32 v27, v17;
	v43 =	vadd.f32 v46, v43  }
0x253: {  	v29 =	vmul.f32 v29, v23;
	v38 =	vadd.f32 v39, v38;
	v35 =	vadd.f32 v40, v35  }
0x254: {  	v40 =	vmul.f32 v27, v14;
	v41 =	vadd.f32 v41, v45;
	v39 =	vmul.f32 $9.999999770e-03, v43  }
0x255: {  	v37 =	vadd.f32 v37, v42;
	v29 =	vadd.f32 v38, v29;
	v38 =	vmul.f32 $9.999999770e-03, v35  }
0x256: {  	v27 =	vmul.f32 v27, v10;
	v34 =	vadd.f32 v41, v34;
	v39 =	vmax.f32 v43, v39  }
0x257: {  	v37 =	vadd.f32 v37, v40;
	[tilespmem:s8+$0xFFFFFFA0] =	vst v39;
	v39 =	vmul.f32 $9.999999770e-03, v29;
	v35 =	vmax.f32 v35, v38  }
0x258: {  	v28 =	vadd.f32 v28, v47;
	v27 =	vadd.f32 v30, v27;
	v30 =	vmul.f32 $9.999999770e-03, v34;
	[tilespmem:s8+$0xFFFFFFF0] =	vst v35  }
0x259: {  	v31 =	vadd.f32 v31, v44;
	v32 =	vadd.f32 v37, v32;
	v29 =	vmax.f32 v29, v39  }
0x25a: {  	v26 =	vadd.f32 v27, v26;
	v27 =	vadd.f32 v28, v33;
	v28 =	vmax.f32 v34, v30  }
0x25b: {  	v30 =	vadd.f32 v31, v36;
	v31 =	vmul.f32 $9.999999770e-03, v32;
	[tilespmem:s8+$0x0] =	vst v28  }
0x25c: {  	v33 =	vmul.f32 $9.999999770e-03, v27;
	v28 =	vmul.f32 $9.999999770e-03, v26;
	[tilespmem:s8+$0xFFFFFFE0] =	vst v29  }
0x25d: {  	v31 =	vmax.f32 v32, v31;
	v29 =	vmul.f32 $9.999999770e-03, v30  }
0x25e: {  	v27 =	vmax.f32 v27, v33;
	v26 =	vmax.f32 v26, v28;
	[tilespmem:s8+$0xFFFFFFD0] =	vst v31  }
0x25f: {  	s15 =	sshra.s32 s15, $0x2;
	[tilespmem:s8+$0xFFFFFF90] =	vst v26;
	v26 =	vmax.f32 v30, v29  }
0x260: {  	[tilespmem:s8+$0xFFFFFFC0] =	vst v26  }
0x261: {  	[tilespmem:s8+$0xFFFFFFB0] =	vst v27;
	s8 =	smov.u32 s29  }
0x262: {  	v26 =	vld [tilespmem:s15+$0x84C0];
	_ =	sdelay $0x1  }
0x263: {  	v30 =	vld [tilespmem:s29+$0xFFFFFF90]  }
0x264: {  	v28 =	vld [tilespmem:s29+$0xFFFFFFB0];
	_ =	sdelay $0x1  }
0x265: {  	v42 =	vbroadcast v26, $0x0;
	v27 =	vbroadcast v26, $0x1;
	v31 =	vld [tilespmem:s29+$0xFFFFFFF0]  }
0x266: {  	v29 =	vbroadcast v26, $0x2;
	v33 =	vld [tilespmem:s29+$0xFFFFFFA0]  }
0x267: {  	v32 =	vmul.f32 v42, v4;
	v36 =	vld [tilespmem:s29+$0xFFFFFFC0];
	v34 =	vmul.f32 v42, v8  }
0x268: {  	v41 =	vmul.f32 v42, v5;
	v35 =	vmul.f32 v29, v24;
	v46 =	vld [tilespmem:s29+$0x0]  }
0x269: {  	v38 =	vmul.f32 v42, v2;
	v26 =	vmul.f32 v29, v18;
	v28 =	vadd.f32 v28, v32;
	v37 =	vld [tilespmem:s29+$0xFFFFFFD0]  }
0x26a: {  	v39 =	vmul.f32 v42, v7;
	v40 =	vadd.f32 v31, v34;
	v34 =	vmul.f32 v29, v25  }
.Ltmp6:
0x26b: {  	v43 =	vmul.f32 v42, v3;
	v30 =	vadd.f32 v38, v30;
	v38 =	vmul.f32 v27, v15;
	v44 =	vld [tilespmem:s29+$0xFFFFFFE0];
	(pc) =	sbr.rel @p1 .LBB2_15-.Ltmp6, $4  }
0x26c: {  	v32 =	vmul.f32 v29, v22;
	v31 =	vadd.f32 v36, v41;
	v36 =	vmul.f32 v42, v9  }
0x26d: {  	v48 =	vmul.f32 v27, v11;
	v45 =	vmul.f32 v27, v16;
	v47 =	vadd.f32 v33, v43  }
0x26e: {  	v43 =	vmul.f32 v29, v19;
	v33 =	vmul.f32 v29, v20;
	v41 =	vadd.f32 v46, v36  }
0x26f: {  	v42 =	vmul.f32 v42, v6;
	v46 =	vadd.f32 v47, v48;
	v36 =	vmul.f32 v29, v21  }
0x270: {  	v47 =	vmul.f32 v27, v12;
	v39 =	vadd.f32 v44, v39;
	v61 =	vmul.f32 v27, v13  }
0x271: {  	v40 =	vadd.f32 v40, v45;
	v62 =	vmul.f32 v27, v17;
	v63 =	vmul.f32 v27, v14  }
0x272: {  	v27 =	vmul.f32 v27, v10;
	v43 =	vadd.f32 v46, v43;
	v37 =	vadd.f32 v37, v42  }
0x273: {  	v38 =	vadd.f32 v39, v38;
	v35 =	vadd.f32 v40, v35  }
0x274: {  	v46 =	vadd.f32 v41, v62;
	v27 =	vadd.f32 v30, v27  }
0x275: {  	v29 =	vmul.f32 v29, v23;
	v31 =	vadd.f32 v31, v61;
	v28 =	vadd.f32 v28, v47  }
0x276: {  	v48 =	vmul.f32 $9.999999770e-03, v43;
	v37 =	vadd.f32 v37, v63;
	v34 =	vadd.f32 v46, v34  }
0x277: {  	v29 =	vadd.f32 v38, v29;
	v49 =	vmul.f32 $9.999999770e-03, v35;
	v26 =	vadd.f32 v27, v26  }
0x278: {  	v50 =	vmax.f32 v43, v48;
	v32 =	vadd.f32 v37, v32;
	v30 =	vmul.f32 $9.999999770e-03, v34  }
0x279: {  	v28 =	vadd.f32 v28, v33;
	v51 =	vmul.f32 $9.999999770e-03, v29;
	[tilespmem:s8+$0xFFFFFFA0] =	vst v50;
	v35 =	vmax.f32 v35, v49  }
0x27a: {  	[tilespmem:s8+$0xFFFFFFF0] =	vst v35;
	v27 =	vmax.f32 v34, v30;
	v30 =	vadd.f32 v31, v36;
	v31 =	vmul.f32 $9.999999770e-03, v32  }
0x27b: {  	v29 =	vmax.f32 v29, v51;
	[tilespmem:s8+$0x0] =	vst v27;
	v27 =	vmul.f32 $9.999999770e-03, v26  }
0x27c: {  	v52 =	vmul.f32 $9.999999770e-03, v28;
	[tilespmem:s8+$0xFFFFFFE0] =	vst v29;
	v31 =	vmax.f32 v32, v31  }
0x27d: {  	v29 =	vmul.f32 $9.999999770e-03, v30;
	v26 =	vmax.f32 v26, v27;
	[tilespmem:s8+$0xFFFFFFD0] =	vst v31  }
0x27e: {  	v27 =	vmax.f32 v28, v52;
	[tilespmem:s8+$0xFFFFFF90] =	vst v26  }
0x27f: {  	v26 =	vmax.f32 v30, v29;
	[tilespmem:s8+$0xFFFFFFB0] =	vst v27  }
0x280: {  	[tilespmem:s8+$0xFFFFFFC0] =	vst v26  }
0x281: {  	[spmem:s11] =	stream.indirect.scatter.add.f32 [tilespmem:s12], [sflag:$0x3], $0x80, s31, s19, $0xb8;
	[tilespmem:$0x1CD00] =	vst v63  }
0x282: {  	_ = 	snop  }
0x283: {  	[spmem:s13] =	stream.indirect.scatter.add.f32 [tilespmem:s10], [sflag:$0x3], $0x1, s31, s19, $0xb8;
	[tilespmem:$0x1CD00] =	vst v63  }
0x284: {  	_ =	swait.ge [sflag:s0], $0x180  }
0x285: {  	[sflag:s0] =	ssyncset.done $0x0  }
0x286: {  	[sflag:s0] =	ssyncadd.s32 $0xFFFFFE80  }
0x287: {  	_ =	swait.ge [sflag:s0], $0x4000  }
0x288: {  	[sflag:s0] =	ssyncset.done $0x0  }
0x289: {  	s5 =	simm.s32 $0x0;
	[sflag:s0] =	ssyncadd.s32 $0xFFFFC000  }
0x28a: {  	v26 =	vld [tilespmem:s5+$0x8600];
	_ =	sdelay $0x4  }
0x28b: {  	v53 =	vbroadcast v26, $0x0  }
0x28c: {  	s29 =	simm.s32 $0x4440;
	v27 =	vbroadcast v26, $0x1  }
0x28d: {  	v28 =	vld [tilespmem:s29+$0xFFFFFFE0];
	v29 =	vbroadcast v26, $0x2;
	v55 =	vmul.f32 v53, v4  }
0x28e: {  	v30 =	vld [tilespmem:s29+$0x20];
	v56 =	vmul.f32 v53, v8;
	v58 =	vmul.f32 v53, v5  }
0x28f: {  	v31 =	vld [tilespmem:s29+$0xFFFFFFC0];
	v35 =	vmul.f32 v29, v24;
	v60 =	vmul.f32 v53, v2  }
0x290: {  	v57 =	vld [tilespmem:s29+$0xFFFFFFD0];
	v26 =	vmul.f32 v29, v18;
	v39 =	vmul.f32 v53, v7  }
0x291: {  	v54 =	vld [tilespmem:s29+$0xFFFFFFF0];
	v34 =	vmul.f32 v29, v25;
	v61 =	vmul.f32 v53, v3  }
0x292: {  	v59 =	vld [tilespmem:s29+$0x30];
	v38 =	vmul.f32 v27, v15;
	v32 =	vmul.f32 v29, v22  }
0x293: {  	v62 =	vmul.f32 v53, v9;
	v63 =	vmul.f32 v27, v11  }
0x294: {  	v44 =	vld [tilespmem:s29+$0x10];
	v45 =	vmul.f32 v27, v16;
	v43 =	vmul.f32 v29, v19;
	v28 =	vadd.f32 v28, v55  }
0x295: {  	v33 =	vmul.f32 v29, v20;
	v40 =	vadd.f32 v30, v56;
	v36 =	vadd.f32 v57, v61  }
0x296: {  	v42 =	vmul.f32 v53, v6;
	v30 =	vadd.f32 v60, v31;
	v31 =	vadd.f32 v54, v58  }
0x297: {  	s8 =	simm.s32 $0x4440;
	v37 =	vld [tilespmem:s29+$0x0];
	s5 =	simm.s32 $0xC;
	v41 =	vadd.f32 v59, v62;
	v46 =	vadd.f32 v36, v63;
	v36 =	vmul.f32 v29, v21  }
.LBB2_17:
0x298: {  	p1 =	sne.s32 s5, $0x2F4  }
0x299: {  	v47 =	vmul.f32 v27, v12;
	v39 =	vadd.f32 v44, v39;
	v40 =	vadd.f32 v40, v45;
	s29 =	sadd.s32 $0x80, s29;
	s15 =	smov.u32 s5;
	s5 =	sadd.s32 $0xC, s5  }
0x29a: {  	v44 =	vmul.f32 v27, v13;
	v45 =	vmul.f32 v27, v17;
	v43 =	vadd.f32 v46, v43  }
0x29b: {  	v29 =	vmul.f32 v29, v23;
	v38 =	vadd.f32 v39, v38;
	v35 =	vadd.f32 v40, v35  }
0x29c: {  	v40 =	vmul.f32 v27, v14;
	v41 =	vadd.f32 v41, v45;
	v39 =	vmul.f32 $9.999999770e-03, v43  }
0x29d: {  	v37 =	vadd.f32 v37, v42;
	v29 =	vadd.f32 v38, v29;
	v38 =	vmul.f32 $9.999999770e-03, v35  }
0x29e: {  	v27 =	vmul.f32 v27, v10;
	v34 =	vadd.f32 v41, v34;
	v39 =	vmax.f32 v43, v39  }
0x29f: {  	v37 =	vadd.f32 v37, v40;
	[tilespmem:s8+$0xFFFFFFD0] =	vst v39;
	v39 =	vmul.f32 $9.999999770e-03, v29;
	v35 =	vmax.f32 v35, v38  }
0x2a0: {  	v28 =	vadd.f32 v28, v47;
	v27 =	vadd.f32 v30, v27;
	v30 =	vmul.f32 $9.999999770e-03, v34;
	[tilespmem:s8+$0x20] =	vst v35  }
0x2a1: {  	v31 =	vadd.f32 v31, v44;
	v32 =	vadd.f32 v37, v32;
	v29 =	vmax.f32 v29, v39  }
0x2a2: {  	v26 =	vadd.f32 v27, v26;
	v27 =	vadd.f32 v28, v33;
	v28 =	vmax.f32 v34, v30  }
0x2a3: {  	v30 =	vadd.f32 v31, v36;
	v31 =	vmul.f32 $9.999999770e-03, v32;
	[tilespmem:s8+$0x30] =	vst v28  }
0x2a4: {  	v33 =	vmul.f32 $9.999999770e-03, v27;
	v28 =	vmul.f32 $9.999999770e-03, v26;
	[tilespmem:s8+$0x10] =	vst v29  }
0x2a5: {  	v31 =	vmax.f32 v32, v31;
	v29 =	vmul.f32 $9.999999770e-03, v30  }
0x2a6: {  	v27 =	vmax.f32 v27, v33;
	v26 =	vmax.f32 v26, v28;
	[tilespmem:s8+$0x0] =	vst v31  }
0x2a7: {  	s15 =	sshra.s32 s15, $0x2;
	[tilespmem:s8+$0xFFFFFFC0] =	vst v26;
	v26 =	vmax.f32 v30, v29  }
0x2a8: {  	[tilespmem:s8+$0xFFFFFFF0] =	vst v26  }
0x2a9: {  	[tilespmem:s8+$0xFFFFFFE0] =	vst v27;
	s8 =	smov.u32 s29  }
0x2aa: {  	v26 =	vld [tilespmem:s15+$0x8600];
	_ =	sdelay $0x1  }
0x2ab: {  	v30 =	vld [tilespmem:s29+$0xFFFFFFC0]  }
0x2ac: {  	v28 =	vld [tilespmem:s29+$0xFFFFFFE0];
	_ =	sdelay $0x1  }
0x2ad: {  	v42 =	vbroadcast v26, $0x0;
	v27 =	vbroadcast v26, $0x1;
	v31 =	vld [tilespmem:s29+$0x20]  }
0x2ae: {  	v29 =	vbroadcast v26, $0x2;
	v32 =	vld [tilespmem:s29+$0xFFFFFFF0]  }
0x2af: {  	v33 =	vld [tilespmem:s29+$0xFFFFFFD0];
	v34 =	vmul.f32 v42, v4;
	v36 =	vmul.f32 v42, v8  }
0x2b0: {  	v41 =	vmul.f32 v42, v5;
	v35 =	vmul.f32 v29, v24;
	v46 =	vld [tilespmem:s29+$0x30]  }
0x2b1: {  	v38 =	vmul.f32 v42, v2;
	v26 =	vmul.f32 v29, v18;
	v28 =	vadd.f32 v28, v34;
	v37 =	vld [tilespmem:s29+$0x0]  }
0x2b2: {  	v39 =	vmul.f32 v42, v7;
	v34 =	vmul.f32 v29, v25;
	v40 =	vadd.f32 v31, v36  }
.Ltmp7:
0x2b3: {  	v30 =	vadd.f32 v38, v30;
	v38 =	vmul.f32 v27, v15;
	v36 =	vmul.f32 v42, v3;
	v44 =	vld [tilespmem:s29+$0x10];
	(pc) =	sbr.rel @p1 .LBB2_17-.Ltmp7, $4  }
0x2b4: {  	v31 =	vadd.f32 v32, v41;
	v32 =	vmul.f32 v29, v22;
	v41 =	vmul.f32 v42, v9  }
0x2b5: {  	v47 =	vmul.f32 v27, v11;
	v45 =	vmul.f32 v27, v16;
	v36 =	vadd.f32 v33, v36  }
0x2b6: {  	v43 =	vmul.f32 v29, v19;
	v33 =	vmul.f32 v29, v20;
	v41 =	vadd.f32 v46, v41  }
0x2b7: {  	v42 =	vmul.f32 v42, v6;
	v46 =	vadd.f32 v36, v47;
	v36 =	vmul.f32 v29, v21  }
0x2b8: {  	v47 =	vmul.f32 v27, v12;
	v39 =	vadd.f32 v44, v39;
	v61 =	vmul.f32 v27, v13  }
0x2b9: {  	v40 =	vadd.f32 v40, v45;
	v62 =	vmul.f32 v27, v17;
	v63 =	vmul.f32 v27, v14  }
0x2ba: {  	v27 =	vmul.f32 v27, v10;
	v43 =	vadd.f32 v46, v43;
	v37 =	vadd.f32 v37, v42  }
0x2bb: {  	v38 =	vadd.f32 v39, v38;
	v35 =	vadd.f32 v40, v35  }
0x2bc: {  	v46 =	vadd.f32 v41, v62;
	v27 =	vadd.f32 v30, v27  }
0x2bd: {  	v29 =	vmul.f32 v29, v23;
	v31 =	vadd.f32 v31, v61;
	v28 =	vadd.f32 v28, v47  }
0x2be: {  	v48 =	vmul.f32 $9.999999770e-03, v43;
	v37 =	vadd.f32 v37, v63;
	v34 =	vadd.f32 v46, v34  }
0x2bf: {  	v29 =	vadd.f32 v38, v29;
	v49 =	vmul.f32 $9.999999770e-03, v35;
	v26 =	vadd.f32 v27, v26  }
0x2c0: {  	v50 =	vmax.f32 v43, v48;
	v32 =	vadd.f32 v37, v32;
	v30 =	vmul.f32 $9.999999770e-03, v34  }
0x2c1: {  	v28 =	vadd.f32 v28, v33;
	v51 =	vmul.f32 $9.999999770e-03, v29;
	[tilespmem:s8+$0xFFFFFFD0] =	vst v50;
	v35 =	vmax.f32 v35, v49  }
0x2c2: {  	[tilespmem:s8+$0x20] =	vst v35;
	v27 =	vmax.f32 v34, v30;
	v30 =	vadd.f32 v31, v36;
	v31 =	vmul.f32 $9.999999770e-03, v32  }
0x2c3: {  	v29 =	vmax.f32 v29, v51;
	[tilespmem:s8+$0x30] =	vst v27;
	v27 =	vmul.f32 $9.999999770e-03, v26  }
0x2c4: {  	v52 =	vmul.f32 $9.999999770e-03, v28;
	[tilespmem:s8+$0x10] =	vst v29;
	v31 =	vmax.f32 v32, v31  }
0x2c5: {  	v29 =	vmul.f32 $9.999999770e-03, v30;
	v26 =	vmax.f32 v26, v27;
	[tilespmem:s8+$0x0] =	vst v31  }
0x2c6: {  	v27 =	vmax.f32 v28, v52;
	[tilespmem:s8+$0xFFFFFFC0] =	vst v26  }
0x2c7: {  	v26 =	vmax.f32 v30, v29;
	[tilespmem:s8+$0xFFFFFFE0] =	vst v27  }
0x2c8: {  	[tilespmem:s8+$0xFFFFFFF0] =	vst v26  }
0x2c9: {  	_ =	swait.ge [sflag:s3], $0x4000  }
0x2ca: {  	[sflag:s3] =	ssyncset.done $0x0  }
0x2cb: {  	[sflag:s3] =	ssyncadd.s32 $0xFFFFC000  }
0x2cc: {  	_ =	swait.ge [sflag:s3], $0x80  }
0x2cd: {  	[sflag:s3] =	ssyncset.done $0x0  }
0x2ce: {  	s5 =	simm.s32 @!p0 $0x5;
	s2 =	sshll.u32 @!p0 s2, $0x7;
	[sflag:s3] =	ssyncadd.s32 $0xFFFFFF80  }
0x2cf: {  	s2 =	sadd.s32 @!p0 s26, s2;
	_ =	swait.ge @!p0 [sflag:s5], $0x80  }
0x2d0: {  	s2 =	smul.u32 @!p0 $0x3, s2;
	[sflag:s5] =	ssyncset.done @!p0 $0x0  }
0x2d1: {  	[sflag:s5] =	ssyncadd.s32 @!p0 $0xFFFFFF80  }
0x2d2: {  	s2 =	sshrl.u32 @!p0 s2, $0x3;
	_ =	swait.ge @!p0 [sflag:s5], $0x80  }
0x2d3: {  	s2 =	sadd.s32 @!p0 s1, s2;
	[sflag:s5] =	ssyncset.done @!p0 $0x0  }
0x2d4: {  	s8 =	simm.s32 @!p0 $0x8400;
	[sflag:s5] =	ssyncadd.s32 @!p0 $0xFFFFFF80;
	s5 =	simm.s32 @!p0 $0x0  }
0x2d5: {  	[tilespmem:s8], [sflag:$0x1] =	stream.linear.gather @!p0 [hbm4b:s2+s5], $0x180, $0x38;
	[tilespmem:$0x1CD00] =	vst v63  }
0x2d6: {  	s2 =	simm.s32 @!p0 $0x80;
	s8 =	simm.s32 @!p0 $0x400  }
0x2d7: {  	[tilespmem:s8], [sflag:$0x1] =	stream.indirect.gather @!p0 [hbm4b:s16+s2], $0x80, s5, s2, $0xb8;
	[tilespmem:$0x1CD00] =	vst v63  }
0x2d8: {  	s8 =	sadd.s32 @!p0 $0x5, s22  }
0x2d9: {  	s15 =	sadd.s32 @!p0 s24, s8  }
0x2da: {  	s8 =	sshll.u32 @!p0 s8, $0x4;
	s15 =	sshll.u32 @!p0 s15, $0x4  }
0x2db: {  	s8 =	sand.u32 @!p0 $0x50, s8;
	s15 =	sand.u32 @!p0 $0xFFFFF80, s15  }
0x2dc: {  	s8 =	sor.u32 @!p0 s8, s15  }
0x2dd: {  	s15 =	sadd.s32 @!p0 s17, s8  }
0x2de: {  	[tilespmem:s2], [sflag:$0x6] =	stream.linear.gather @!p0 [hbm4b:s15+s5], $0x80, $0x38;
	[tilespmem:$0x1CD00] =	vst v63  }
0x2df: {  	s29 =	simm.s32 $0x0;
	s2 =	sadd.s32 @!p0 s18, s8;
	s8 =	simm.s32 @!p0 $0x280  }
0x2e0: {  	[tilespmem:s8], [sflag:$0x6] =	stream.linear.gather @!p0 [hbm4b:s2+s5], $0x80, $0x38;
	[tilespmem:$0x1CD00] =	vst v63  }
0x2e1: {  	v26 =	vld [tilespmem:s29+$0x86C0];
	_ =	sdelay $0x4  }
0x2e2: {  	v53 =	vbroadcast v26, $0x0  }
0x2e3: {  	s8 =	simm.s32 $0x6470;
	v27 =	vbroadcast v26, $0x1  }
0x2e4: {  	v28 =	vld [tilespmem:s8+$0xFFFFFFB0];
	v29 =	vbroadcast v26, $0x2;
	v54 =	vmul.f32 v53, v4  }
0x2e5: {  	v30 =	vld [tilespmem:s8+$0xFFFFFFF0];
	v56 =	vmul.f32 v53, v8;
	v58 =	vmul.f32 v53, v5  }
0x2e6: {  	v31 =	vld [tilespmem:s8+$0xFFFFFF90];
	v35 =	vmul.f32 v29, v24;
	v60 =	vmul.f32 v53, v2  }
0x2e7: {  	v57 =	vld [tilespmem:s8+$0xFFFFFFA0];
	v26 =	vmul.f32 v29, v18;
	v39 =	vmul.f32 v53, v7  }
0x2e8: {  	v55 =	vld [tilespmem:s8+$0xFFFFFFC0];
	v34 =	vmul.f32 v29, v25;
	v61 =	vmul.f32 v53, v3  }
0x2e9: {  	v59 =	vld [tilespmem:s8+$0x0];
	v38 =	vmul.f32 v27, v15;
	v32 =	vmul.f32 v29, v22  }
0x2ea: {  	v62 =	vmul.f32 v53, v9;
	v63 =	vmul.f32 v27, v11  }
0x2eb: {  	v44 =	vld [tilespmem:s8+$0xFFFFFFE0];
	v45 =	vmul.f32 v27, v16;
	v43 =	vmul.f32 v29, v19;
	v28 =	vadd.f32 v28, v54  }
0x2ec: {  	v33 =	vmul.f32 v29, v20;
	v40 =	vadd.f32 v30, v56;
	v36 =	vadd.f32 v57, v61  }
0x2ed: {  	v42 =	vmul.f32 v53, v6;
	v30 =	vadd.f32 v60, v31;
	v31 =	vadd.f32 v55, v58  }
0x2ee: {  	s5 =	simm.s32 $0xC;
	s2 =	simm.s32 $0x6470;
	v37 =	vld [tilespmem:s8+$0xFFFFFFD0];
	v41 =	vadd.f32 v59, v62;
	v46 =	vadd.f32 v36, v63;
	v36 =	vmul.f32 v29, v21  }
.LBB2_19:
0x2ef: {  	p0 =	sne.s32 s5, $0x2F4  }
0x2f0: {  	v47 =	vmul.f32 v27, v12;
	v39 =	vadd.f32 v44, v39;
	v40 =	vadd.f32 v40, v45;
	s8 =	sadd.s32 $0x80, s8;
	s15 =	smov.u32 s5;
	s5 =	sadd.s32 $0xC, s5  }
0x2f1: {  	v44 =	vmul.f32 v27, v13;
	v45 =	vmul.f32 v27, v17;
	v43 =	vadd.f32 v46, v43  }
0x2f2: {  	v29 =	vmul.f32 v29, v23;
	v38 =	vadd.f32 v39, v38;
	v35 =	vadd.f32 v40, v35  }
0x2f3: {  	v40 =	vmul.f32 v27, v14;
	v41 =	vadd.f32 v41, v45;
	v39 =	vmul.f32 $9.999999770e-03, v43  }
0x2f4: {  	v37 =	vadd.f32 v37, v42;
	v29 =	vadd.f32 v38, v29;
	v38 =	vmul.f32 $9.999999770e-03, v35  }
0x2f5: {  	v27 =	vmul.f32 v27, v10;
	v34 =	vadd.f32 v41, v34;
	v39 =	vmax.f32 v43, v39  }
0x2f6: {  	v37 =	vadd.f32 v37, v40;
	[tilespmem:s2+$0xFFFFFFA0] =	vst v39;
	v39 =	vmul.f32 $9.999999770e-03, v29;
	v35 =	vmax.f32 v35, v38  }
0x2f7: {  	v28 =	vadd.f32 v28, v47;
	v27 =	vadd.f32 v30, v27;
	v30 =	vmul.f32 $9.999999770e-03, v34;
	[tilespmem:s2+$0xFFFFFFF0] =	vst v35  }
0x2f8: {  	v31 =	vadd.f32 v31, v44;
	v32 =	vadd.f32 v37, v32;
	v29 =	vmax.f32 v29, v39  }
0x2f9: {  	v26 =	vadd.f32 v27, v26;
	v27 =	vadd.f32 v28, v33;
	v28 =	vmax.f32 v34, v30  }
0x2fa: {  	v30 =	vadd.f32 v31, v36;
	v31 =	vmul.f32 $9.999999770e-03, v32;
	[tilespmem:s2+$0x0] =	vst v28  }
0x2fb: {  	v33 =	vmul.f32 $9.999999770e-03, v27;
	v28 =	vmul.f32 $9.999999770e-03, v26;
	[tilespmem:s2+$0xFFFFFFE0] =	vst v29  }
0x2fc: {  	v31 =	vmax.f32 v32, v31;
	v29 =	vmul.f32 $9.999999770e-03, v30  }
0x2fd: {  	v27 =	vmax.f32 v27, v33;
	v26 =	vmax.f32 v26, v28;
	[tilespmem:s2+$0xFFFFFFD0] =	vst v31  }
0x2fe: {  	s15 =	sshra.s32 s15, $0x2;
	[tilespmem:s2+$0xFFFFFF90] =	vst v26;
	v26 =	vmax.f32 v30, v29  }
0x2ff: {  	[tilespmem:s2+$0xFFFFFFC0] =	vst v26  }
0x300: {  	[tilespmem:s2+$0xFFFFFFB0] =	vst v27;
	s2 =	smov.u32 s8  }
0x301: {  	v26 =	vld [tilespmem:s15+$0x86C0];
	_ =	sdelay $0x1  }
0x302: {  	v30 =	vld [tilespmem:s8+$0xFFFFFF90]  }
0x303: {  	v28 =	vld [tilespmem:s8+$0xFFFFFFB0];
	_ =	sdelay $0x1  }
0x304: {  	v42 =	vbroadcast v26, $0x0;
	v27 =	vbroadcast v26, $0x1;
	v31 =	vld [tilespmem:s8+$0xFFFFFFF0]  }
0x305: {  	v29 =	vbroadcast v26, $0x2;
	v33 =	vld [tilespmem:s8+$0xFFFFFFA0]  }
0x306: {  	v32 =	vmul.f32 v42, v4;
	v36 =	vld [tilespmem:s8+$0xFFFFFFC0];
	v34 =	vmul.f32 v42, v8  }
0x307: {  	v41 =	vmul.f32 v42, v5;
	v35 =	vmul.f32 v29, v24;
	v46 =	vld [tilespmem:s8+$0x0]  }
0x308: {  	v38 =	vmul.f32 v42, v2;
	v26 =	vmul.f32 v29, v18;
	v28 =	vadd.f32 v28, v32;
	v37 =	vld [tilespmem:s8+$0xFFFFFFD0]  }
0x309: {  	v39 =	vmul.f32 v42, v7;
	v40 =	vadd.f32 v31, v34;
	v34 =	vmul.f32 v29, v25  }
.Ltmp8:
0x30a: {  	v43 =	vmul.f32 v42, v3;
	v30 =	vadd.f32 v38, v30;
	v38 =	vmul.f32 v27, v15;
	v44 =	vld [tilespmem:s8+$0xFFFFFFE0];
	(pc) =	sbr.rel @p0 .LBB2_19-.Ltmp8, $4  }
0x30b: {  	v32 =	vmul.f32 v29, v22;
	v31 =	vadd.f32 v36, v41;
	v36 =	vmul.f32 v42, v9  }
0x30c: {  	v48 =	vmul.f32 v27, v11;
	v45 =	vmul.f32 v27, v16;
	v47 =	vadd.f32 v33, v43  }
0x30d: {  	v43 =	vmul.f32 v29, v19;
	v33 =	vmul.f32 v29, v20;
	v41 =	vadd.f32 v46, v36  }
0x30e: {  	v42 =	vmul.f32 v42, v6;
	v46 =	vadd.f32 v47, v48;
	v36 =	vmul.f32 v29, v21  }
0x30f: {  	v47 =	vmul.f32 v27, v12  }
0x310: {  	v39 =	vadd.f32 v44, v39;
	v40 =	vadd.f32 v40, v45;
	v51 =	vmul.f32 v27, v13  }
0x311: {  	v52 =	vmul.f32 v27, v17;
	v53 =	vmul.f32 v27, v14;
	v43 =	vadd.f32 v46, v43  }
0x312: {  	v27 =	vmul.f32 v27, v10;
	v37 =	vadd.f32 v37, v42;
	v38 =	vadd.f32 v39, v38  }
0x313: {  	v35 =	vadd.f32 v40, v35;
	v54 =	vadd.f32 v41, v52  }
0x314: {  	v29 =	vmul.f32 v29, v23;
	v27 =	vadd.f32 v30, v27;
	v31 =	vadd.f32 v31, v51  }
0x315: {  	v55 =	vmul.f32 $9.999999770e-03, v43;
	v37 =	vadd.f32 v37, v53;
	v34 =	vadd.f32 v54, v34  }
0x316: {  	v28 =	vadd.f32 v28, v47;
	v29 =	vadd.f32 v38, v29;
	v56 =	vmul.f32 $9.999999770e-03, v35  }
0x317: {  	v57 =	vmax.f32 v43, v55;
	v32 =	vadd.f32 v37, v32;
	v59 =	vmul.f32 $9.999999770e-03, v34  }
0x318: {  	v26 =	vadd.f32 v27, v26;
	v58 =	vmul.f32 $9.999999770e-03, v29;
	[tilespmem:s2+$0xFFFFFFA0] =	vst v57;
	v35 =	vmax.f32 v35, v56  }
0x319: {  	v28 =	vadd.f32 v28, v33;
	[tilespmem:s2+$0xFFFFFFF0] =	vst v35;
	v61 =	vmul.f32 $9.999999770e-03, v32;
	v27 =	vmax.f32 v34, v59  }
0x31a: {  	v60 =	vadd.f32 v31, v36;
	v29 =	vmax.f32 v29, v58;
	[tilespmem:s2+$0x0] =	vst v27;
	v27 =	vmul.f32 $9.999999770e-03, v26  }
0x31b: {  	v63 =	vmul.f32 $9.999999770e-03, v28;
	[tilespmem:s2+$0xFFFFFFE0] =	vst v29;
	v31 =	vmax.f32 v32, v61  }
0x31c: {  	s14 =	sadd.s32 $0x1, s14;
	v62 =	vmul.f32 $9.999999770e-03, v60;
	[tilespmem:s2+$0xFFFFFFD0] =	vst v31;
	v26 =	vmax.f32 v26, v27  }
0x31d: {  	p0 =	sne.s32 s14, $0x14;
	v27 =	vmax.f32 v28, v63;
	[tilespmem:s2+$0xFFFFFF90] =	vst v26  }
.Ltmp9:
0x31e: {  	v26 =	vmax.f32 v60, v62;
	[tilespmem:s2+$0xFFFFFFB0] =	vst v27;
	(pc) =	sbr.rel @p0 .LBB2_4-.Ltmp9, $4  }
0x31f: {  	[tilespmem:s2+$0xFFFFFFC0] =	vst v26  }
0x320: {  	[spmem:s11] =	stream.indirect.scatter.add.f32 [tilespmem:s28], [sflag:$0x4], $0x80, s6, s19, $0xb8;
	[tilespmem:$0x1CD00] =	vst v63  }
0x321: {  	_ = 	snop  }
0x322: {  	[spmem:s13] =	stream.indirect.scatter.add.f32 [tilespmem:s10], [sflag:$0x4], $0x1, s6, s19, $0xb8;
	[tilespmem:$0x1CD00] =	vst v63  }
0x323: {  	_ =	swait.ge [sflag:s7], $0x4000  }
0x324: {  	[sflag:s7] =	ssyncset.done $0x0  }
0x325: {  	[sflag:s7] =	ssyncadd.s32 $0xFFFFC000  }
0x326: {  	_ =	swait.ge [sflag:s7], $0x80  }
0x327: {  	[sflag:s7] =	ssyncset.done $0x0  }
0x328: {  	[sflag:s7] =	ssyncadd.s32 $0xFFFFFF80  }
0x329: {  	[bflag:$0x0] =	sbarrier.arrive $0xFFFF  }
0x32a: {  	s14 =	rddreg [dreg:$0x15]  }
0x32b: {  	[tilespmem:s12], [sflag:$0x9] =	stream.linear.gather [spmem:s14], $0x4000, $0x38;
	[tilespmem:$0x1CD00] =	vst v63  }
0x32c: {  	_ =	swait.ge [sflag:s9], $0x4000  }
0x32d: {  	[sflag:s9] =	ssyncset.done $0x0  }
0x32e: {  	s2 =	rddreg [dreg:$0x5];
	[sflag:s9] =	ssyncadd.s32 $0xFFFFC000  }
0x32f: {  	[hbm4b:s2+s30] =	stream.linear.scatter [tilespmem:s12], [sflag:$0x9], $0x4000, $0x38;
	[tilespmem:$0x1CD00] =	vst v63  }
0x330: {  	_ =	swait.ge [sflag:s9], $0x4000  }
0x331: {  	[sflag:s9] =	ssyncset.done $0x0  }
0x332: {  	s5 =	simm.s32 $0x8980;
	s15 =	rddreg [dreg:$0x17];
	[sflag:s9] =	ssyncadd.s32 $0xFFFFC000  }
0x333: {  	[tilespmem:s5], [sflag:$0x9] =	stream.linear.gather [spmem:s15], $0x80, $0x38;
	[tilespmem:$0x1CD00] =	vst v63  }
0x334: {  	_ =	swait.ge [sflag:s9], $0x80  }
0x335: {  	[sflag:s9] =	ssyncset.done $0x0  }
0x336: {  	s29 =	rddreg [dreg:$0xa];
	[sflag:s9] =	ssyncadd.s32 $0xFFFFFF80  }
0x337: {  	[hbm4b:s29+s30] =	stream.linear.scatter [tilespmem:s5], [sflag:$0x9], $0x80, $0x38;
	[tilespmem:$0x1CD00] =	vst v63  }
0x338: {  	_ =	swait.ge [sflag:s9], $0x80  }
0x339: {  	[sflag:s9] =	ssyncset.done $0x0  }
0x33a: {  	s22 =	rddreg [dreg:$0x18];
	[sflag:s9] =	ssyncadd.s32 $0xFFFFFF80  }
0x33b: {  	[tilespmem:s12], [sflag:$0x9] =	stream.linear.gather [spmem:s22], $0x4000, $0x38;
	[tilespmem:$0x1CD00] =	vst v63  }
0x33c: {  	_ =	swait.ge [sflag:s9], $0x4000  }
0x33d: {  	[sflag:s9] =	ssyncset.done $0x0  }
0x33e: {  	s8 =	rddreg [dreg:$0x6];
	[sflag:s9] =	ssyncadd.s32 $0xFFFFC000  }
0x33f: {  	[hbm4b:s8+s30] =	stream.linear.scatter [tilespmem:s12], [sflag:$0x9], $0x4000, $0x38;
	[tilespmem:$0x1CD00] =	vst v63  }
0x340: {  	_ =	swait.ge [sflag:s9], $0x4000  }
0x341: {  	[sflag:s9] =	ssyncset.done $0x0  }
0x342: {  	s29 =	rddreg [dreg:$0x19];
	[sflag:s9] =	ssyncadd.s32 $0xFFFFC000  }
0x343: {  	[tilespmem:s5], [sflag:$0x9] =	stream.linear.gather [spmem:s29], $0x80, $0x38;
	[tilespmem:$0x1CD00] =	vst v63  }
0x344: {  	_ =	swait.ge [sflag:s9], $0x80  }
0x345: {  	[sflag:s9] =	ssyncset.done $0x0  }
0x346: {  	s8 =	rddreg [dreg:$0xb];
	[sflag:s9] =	ssyncadd.s32 $0xFFFFFF80  }
0x347: {  	[hbm4b:s8+s30] =	stream.linear.scatter [tilespmem:s5], [sflag:$0x9], $0x80, $0x38;
	[tilespmem:$0x1CD00] =	vst v63  }
0x348: {  	_ =	swait.ge [sflag:s9], $0x80  }
0x349: {  	[sflag:s9] =	ssyncset.done $0x0  }
0x34a: {  	s29 =	rddreg [dreg:$0x1a];
	[sflag:s9] =	ssyncadd.s32 $0xFFFFFF80  }
0x34b: {  	[tilespmem:s12], [sflag:$0x9] =	stream.linear.gather [spmem:s29], $0x4000, $0x38;
	[tilespmem:$0x1CD00] =	vst v63  }
0x34c: {  	_ =	swait.ge [sflag:s9], $0x4000  }
0x34d: {  	[sflag:s9] =	ssyncset.done $0x0  }
0x34e: {  	s8 =	rddreg [dreg:$0x7];
	[sflag:s9] =	ssyncadd.s32 $0xFFFFC000  }
0x34f: {  	[hbm4b:s8+s30] =	stream.linear.scatter [tilespmem:s12], [sflag:$0x9], $0x4000, $0x38;
	[tilespmem:$0x1CD00] =	vst v63  }
0x350: {  	_ =	swait.ge [sflag:s9], $0x4000  }
0x351: {  	[sflag:s9] =	ssyncset.done $0x0  }
0x352: {  	s29 =	rddreg [dreg:$0x1b];
	[sflag:s9] =	ssyncadd.s32 $0xFFFFC000  }
0x353: {  	[tilespmem:s5], [sflag:$0x9] =	stream.linear.gather [spmem:s29], $0x80, $0x38;
	[tilespmem:$0x1CD00] =	vst v63  }
0x354: {  	_ =	swait.ge [sflag:s9], $0x80  }
0x355: {  	[sflag:s9] =	ssyncset.done $0x0  }
0x356: {  	s8 =	rddreg [dreg:$0xc];
	[sflag:s9] =	ssyncadd.s32 $0xFFFFFF80  }
0x357: {  	[hbm4b:s8+s30] =	stream.linear.scatter [tilespmem:s5], [sflag:$0x9], $0x80, $0x38;
	[tilespmem:$0x1CD00] =	vst v63  }
0x358: {  	_ =	swait.ge [sflag:s9], $0x80  }
0x359: {  	[sflag:s9] =	ssyncset.done $0x0  }
0x35a: {  	s8 =	rddreg [dreg:$0x1c];
	[sflag:s9] =	ssyncadd.s32 $0xFFFFFF80  }
0x35b: {  	[tilespmem:s12], [sflag:$0x9] =	stream.linear.gather [spmem:s8], $0x4000, $0x38;
	[tilespmem:$0x1CD00] =	vst v63  }
0x35c: {  	_ =	swait.ge [sflag:s9], $0x4000  }
0x35d: {  	[sflag:s9] =	ssyncset.done $0x0  }
0x35e: {  	s29 =	rddreg [dreg:$0x8];
	[sflag:s9] =	ssyncadd.s32 $0xFFFFC000  }
0x35f: {  	[hbm4b:s29+s30] =	stream.linear.scatter [tilespmem:s12], [sflag:$0x9], $0x4000, $0x38;
	[tilespmem:$0x1CD00] =	vst v63  }
0x360: {  	_ =	swait.ge [sflag:s9], $0x4000  }
0x361: {  	[sflag:s9] =	ssyncset.done $0x0  }
0x362: {  	s29 =	rddreg [dreg:$0x1d];
	[sflag:s9] =	ssyncadd.s32 $0xFFFFC000  }
0x363: {  	[tilespmem:s5], [sflag:$0x9] =	stream.linear.gather [spmem:s29], $0x80, $0x38;
	[tilespmem:$0x1CD00] =	vst v63  }
0x364: {  	_ =	swait.ge [sflag:s9], $0x80  }
0x365: {  	[sflag:s9] =	ssyncset.done $0x0  }
0x366: {  	s29 =	rddreg [dreg:$0xd];
	[sflag:s9] =	ssyncadd.s32 $0xFFFFFF80  }
0x367: {  	[hbm4b:s29+s30] =	stream.linear.scatter [tilespmem:s5], [sflag:$0x9], $0x80, $0x38;
	[tilespmem:$0x1CD00] =	vst v63  }
0x368: {  	_ =	swait.ge [sflag:s9], $0x80  }
0x369: {  	[sflag:s9] =	ssyncset.done $0x0  }
0x36a: {  	s29 =	rddreg [dreg:$0x1e];
	[sflag:s9] =	ssyncadd.s32 $0xFFFFFF80  }
0x36b: {  	[tilespmem:s12], [sflag:$0x9] =	stream.linear.gather [spmem:s29], $0x4000, $0x38;
	[tilespmem:$0x1CD00] =	vst v63  }
0x36c: {  	_ =	swait.ge [sflag:s9], $0x4000  }
0x36d: {  	[sflag:s9] =	ssyncset.done $0x0  }
0x36e: {  	s29 =	rddreg [dreg:$0x9];
	[sflag:s9] =	ssyncadd.s32 $0xFFFFC000  }
0x36f: {  	[hbm4b:s29+s30] =	stream.linear.scatter [tilespmem:s12], [sflag:$0x9], $0x4000, $0x38;
	[tilespmem:$0x1CD00] =	vst v63  }
0x370: {  	_ =	swait.ge [sflag:s9], $0x4000  }
0x371: {  	[sflag:s9] =	ssyncset.done $0x0  }
0x372: {  	s29 =	rddreg [dreg:$0x1f];
	[sflag:s9] =	ssyncadd.s32 $0xFFFFC000  }
0x373: {  	[tilespmem:s5], [sflag:$0x9] =	stream.linear.gather [spmem:s29], $0x80, $0x38;
	[tilespmem:$0x1CD00] =	vst v63  }
0x374: {  	_ =	swait.ge [sflag:s9], $0x80  }
0x375: {  	[sflag:s9] =	ssyncset.done $0x0  }
0x376: {  	s29 =	rddreg [dreg:$0xe];
	[sflag:s9] =	ssyncadd.s32 $0xFFFFFF80  }
0x377: {  	[hbm4b:s29+s30] =	stream.linear.scatter [tilespmem:s5], [sflag:$0x9], $0x80, $0x38;
	[tilespmem:$0x1CD00] =	vst v63  }
0x378: {  	_ =	swait.ge [sflag:s9], $0x80  }
0x379: {  	s2 =	sld [smem:$0x7FC];
	_ =	sdelay $0x2  }
0x37a: {  	s29 =	rddreg [dreg:$0x16];
	s5 =	sadd.s32 $0x1, s2  }
0x37b: {  	p0 =	sne.s32 s5, s29  }
.Ltmp10:
0x37c: {  	_ = 	snop;
	(pc) =	sbr.rel @p0 .LBB2_1-.Ltmp10, $3  }
0x37d: {  	_ =	sdelay $0x1  }
0x37e: {  	[sflag:s9] =	ssyncset.done $0x0  }
0x37f: {  	[sflag:s9] =	ssyncadd.s32 $0xFFFFFF80  }
0x380: {  	_ =	sfence.sel $0x180000  }
0x381: {  	[bflag:$0x0] =	sbarrier.arrive $0xFFFF  }
0x382: {  	_ =	strace $0x90000047  }
0x383: {  	s0 =	stileid.u32;
	[bflag:$0x2] =	sbarrier.arrive $0xFFFF  }
0x384: {  	p0 =	sne.s32 s0, $0x0;
	s0 =	rddreg [dreg:$0x4]  }
0x385: {  	s0 =	sadd.s32 @!p0 $0x100000, s0  }
0x386: {  	[sflag:s0] =	ssyncadd.tile.s32 @!p0 $0x1;
	_ =	shalt  }
.Lfunc_end2:
_tile_overlayer_lowered:
.L_overlay_start_2:
0x387: {  	(tag) =	ssettag $0x2  }
0x388: {  	s0 =	rddreg [dreg:$0x0];
	s2 =	stileid.u32  }
0x389: {  	s1 =	rddreg [dreg:$0x1];
	p0 =	sne.s32 s2, $0x0  }
0x38a: {  	s3 =	rddreg [dreg:$0x2];
	[bflag:$0x3] =	sbarrier.arrive $0xFFFF;
	s2 =	simm.s32 @!p0 $0x1C09  }
0x38b: {  	[timem:s3], [sflag:s2] =	dma.local @!p0 [hbm:s0], s1  }
0x38c: {  	s0 =	simm.s32 @!p0 $0x9  }
0x38d: {  	_ =	swait.ge @!p0 [sflag:s0], s1  }
0x38e: {  	s1 =	ssub.s32 @!p0 $0x0, s1;
	[sflag:s0] =	ssyncset.done @!p0 $0x0  }
0x38f: {  	[sflag:s0] =	ssyncadd.s32 @!p0 s1  }
0x390: {  	[bflag:$0x3] =	sbarrier.arrive $0xFFFF  }
0x391: {  	_ =	shalt  }

</sc_bundles>
